<compile_context>
chip_gen: v7x
topology: tpu7x:2x2x1
jax: 0.10.2.dev20260603
libtpu: 0.0.44.dev20260713+nightly
codegen_flags: <defaults>
</compile_context>

<pallas_src>
import functools

import jax
import jax.numpy as jnp
from jax import lax
from jax.experimental import pallas as pl
from jax.experimental.pallas import tpu as pltpu
from jax.experimental.pallas import tpu_sc as plsc

N = 4096
D = 512
H = 512
TOPK = 6
KPAD = 8
SCALE = 512 ** (-0.5)
NEG = -1e30

BLK_A = 512
BLK_C = 256
BLK_E = 256


def _lrelu(v):
    return jnp.where(v > 0, v, 0.01 * v)



def _proj1_body(x_ref, w_ref, b_ref, x1_ref, sum_ref):
    i = pl.program_id(0)
    x1 = _lrelu(jnp.dot(x_ref[...], w_ref[...],
                        preferred_element_type=jnp.float32) + b_ref[...])
    x1_ref[...] = x1

    @pl.when(i == 0)
    def _():
        sum_ref[...] = jnp.zeros_like(sum_ref)

    sum_ref[...] += jnp.sum(x1, axis=0, keepdims=True)


def _stage1(x2d, W1, b1r):
    grid = N // BLK_A
    return pl.pallas_call(
        _proj1_body,
        grid=(grid,),
        in_specs=[
            pl.BlockSpec((BLK_A, D), lambda i: (i, 0)),
            pl.BlockSpec((D, H), lambda i: (0, 0)),
            pl.BlockSpec((1, H), lambda i: (0, 0)),
        ],
        out_specs=[
            pl.BlockSpec((BLK_A, H), lambda i: (i, 0)),
            pl.BlockSpec((1, H), lambda i: (0, 0)),
        ],
        out_shape=[
            jax.ShapeDtypeStruct((N, H), jnp.float32),
            jax.ShapeDtypeStruct((1, H), jnp.float32),
        ],
    )(x2d, W1, b1r)



def _proj2_body(x1_ref, mean_ref, wh_ref, bh_ref, wt_ref, bt_ref,
                eh_ref, et_ref):
    x2 = (x1_ref[...] + mean_ref[...]) * 0.5
    eh_ref[...] = jnp.dot(x2, wh_ref[...],
                          preferred_element_type=jnp.float32) + bh_ref[...]
    et = jnp.dot(x2, wt_ref[...],
                 preferred_element_type=jnp.float32) + bt_ref[...]
    et_ref[...] = et


def _stage2(x1, mean, Wh, bhr, Wt, btr):
    grid = N // BLK_A
    return pl.pallas_call(
        _proj2_body,
        grid=(grid,),
        in_specs=[
            pl.BlockSpec((BLK_A, H), lambda i: (i, 0)),
            pl.BlockSpec((1, H), lambda i: (0, 0)),
            pl.BlockSpec((H, H), lambda i: (0, 0)),
            pl.BlockSpec((1, H), lambda i: (0, 0)),
            pl.BlockSpec((H, H), lambda i: (0, 0)),
            pl.BlockSpec((1, H), lambda i: (0, 0)),
        ],
        out_specs=[
            pl.BlockSpec((BLK_A, H), lambda i: (i, 0)),
            pl.BlockSpec((BLK_A, H), lambda i: (i, 0)),
        ],
        out_shape=[
            jax.ShapeDtypeStruct((N, H), jnp.float32),
            jax.ShapeDtypeStruct((N, H), jnp.float32),
        ],
    )(x1, mean, Wh, bhr, Wt, btr)



def _topk_body(eh_ref, et_ref, tw_ref, ti_ref):
    logits = lax.dot_general(
        eh_ref[...] * SCALE, et_ref[...],
        dimension_numbers=(((1,), (1,)), ((), ())),
        preferred_element_type=jnp.float32)
    cols = lax.broadcasted_iota(jnp.int32, (BLK_C, N), 1)
    vals = []
    idxs = []
    for _ in range(TOPK):
        m = jnp.max(logits, axis=1, keepdims=True)
        eq = logits == m
        idx = jnp.min(jnp.where(eq, cols, jnp.int32(2**30)),
                      axis=1, keepdims=True)
        logits = jnp.where(eq, NEG, logits)
        vals.append(m)
        idxs.append(idx)
    vals += [jnp.full((BLK_C, 1), NEG, jnp.float32)] * (KPAD - TOPK)
    idxs += [jnp.zeros((BLK_C, 1), jnp.int32)] * (KPAD - TOPK)
    tw_ref[...] = jnp.concatenate(vals, axis=1)
    ti_ref[...] = jnp.concatenate(idxs, axis=1)


PART_ROWS = (512, 1024, 1536, 1024)
NPARTS = len(PART_ROWS)
PART_OFFS = tuple(sum(PART_ROWS[:i]) for i in range(NPARTS))


def _stage3(e_h, e_t, part):
    rows = PART_ROWS[part]
    grid = rows // BLK_C
    off = PART_OFFS[part] // BLK_C
    return pl.pallas_call(
        _topk_body,
        grid=(grid,),
        in_specs=[
            pl.BlockSpec((BLK_C, H), lambda i: (i + off, 0)),
            pl.BlockSpec((N, H), lambda i: (0, 0)),
        ],
        out_specs=[
            pl.BlockSpec((BLK_C, KPAD), lambda i: (i, 0)),
            pl.BlockSpec((BLK_C, KPAD), lambda i: (i, 0)),
        ],
        out_shape=[
            jax.ShapeDtypeStruct((rows, KPAD), jnp.float32),
            jax.ShapeDtypeStruct((rows, KPAD), jnp.int32),
        ],
    )(e_h, e_t)



_SC_WORKERS = 32
_SC_CHUNK = 64
_SC_NBUF = 3


def _sc_gather_body(nchunk, per_w, chunk, et_hbm, idx_hbm, out_hbm, idx_all,
                    r0, r1, r2, g0, g1, g2, s0, s1, s2):
    wid = lax.axis_index("s") * 2 + lax.axis_index("c")
    base = wid * per_w
    pltpu.sync_copy(idx_hbm.at[pl.ds(base, per_w)], idx_all)
    bufs = (r0, r1, r2)
    gsems = (g0, g1, g2)
    ssems = (s0, s1, s2)
    gh = [None] * nchunk
    sh = [None] * nchunk

    def start_gather(c):
        b = c % _SC_NBUF
        return pltpu.async_copy(
            et_hbm.at[idx_all.at[pl.ds(c * chunk, chunk)]],
            bufs[b], gsems[b])

    def start_scatter(c):
        b = c % _SC_NBUF
        return pltpu.async_copy(
            bufs[b], out_hbm.at[pl.ds(base + c * chunk, chunk)],
            ssems[b])

    for c in range(nchunk):
        if c >= _SC_NBUF:
            sh[c - _SC_NBUF].wait()
        gh[c] = start_gather(c)
        if c >= 1:
            gh[c - 1].wait()
            sh[c - 1] = start_scatter(c - 1)
    last = nchunk - 1
    gh[last].wait()
    sh[last] = start_scatter(last)
    for c in range(max(0, nchunk - _SC_NBUF), nchunk):
        if sh[c] is not None:
            sh[c].wait()


def _sc_gather(table, idx_flat):
    rows = idx_flat.shape[0]
    width = table.shape[1]
    per_w = rows // _SC_WORKERS
    chunk = per_w if per_w <= 64 else next(
        c for c in (64, 48, 32, 16, 8) if per_w % c == 0)
    nchunk = per_w // chunk
    mesh = plsc.VectorSubcoreMesh(core_axis_name="c", subcore_axis_name="s")
    return pl.kernel(
        functools.partial(_sc_gather_body, nchunk, per_w, chunk),
        out_type=jax.ShapeDtypeStruct((rows, width), table.dtype),
        mesh=mesh,
        scratch_types=[
            pltpu.VMEM((per_w,), jnp.int32),
            pltpu.VMEM((chunk, width), table.dtype),
            pltpu.VMEM((chunk, width), table.dtype),
            pltpu.VMEM((chunk, width), table.dtype),
            pltpu.SemaphoreType.DMA,
            pltpu.SemaphoreType.DMA,
            pltpu.SemaphoreType.DMA,
            pltpu.SemaphoreType.DMA,
            pltpu.SemaphoreType.DMA,
            pltpu.SemaphoreType.DMA,
        ],
    )(table, idx_flat)



def _agg_body(final, eh_ref, nb0_ref, nb1_ref, nb2_ref, nb3_ref, nb4_ref,
              nb5_ref, tw_ref, wl1_ref, bl1_ref, wl2_ref,
              bl2_ref, wa1_ref, ba1_ref, wa2_ref, min_ref, sin_ref, accin_ref,
              lng_ref, lnb_ref, wfc_ref, bfc_ref,
              out0_ref, out1_ref, out2_ref, m_ref, s_ref, acc_ref):
    nb_refs = (nb0_ref, nb1_ref, nb2_ref, nb3_ref, nb4_ref, nb5_ref)
    i = pl.program_id(0)
    nblk = pl.num_programs(0)
    e_h = eh_ref[...]

    tw = tw_ref[...]
    tmax = jnp.max(tw, axis=1, keepdims=True)
    te = jnp.exp(tw - tmax)
    p = te / jnp.sum(te, axis=1, keepdims=True)

    nbs = []
    kws = []
    for k in range(TOPK):
        nbk = nb_refs[k][...]
        pk = p[:, k:k + 1]
        gate = jnp.tanh((2.0 - pk) * e_h + pk * nbk)
        kws.append(jnp.sum(nbk, axis=1, keepdims=True)
                   * jnp.sum(gate, axis=1, keepdims=True))
        nbs.append(nbk)
    kw = jnp.concatenate(kws, axis=1)
    kmax = jnp.max(kw, axis=1, keepdims=True)
    ke = jnp.exp(kw - kmax)
    kp = ke / jnp.sum(ke, axis=1, keepdims=True)

    e_nh = kp[:, 0:1] * nbs[0]
    for k in range(1, TOPK):
        e_nh = e_nh + kp[:, k:k + 1] * nbs[k]

    sum_emb = _lrelu(jnp.dot(e_h + e_nh, wl1_ref[...],
                             preferred_element_type=jnp.float32) + bl1_ref[...])
    bi_emb = _lrelu(jnp.dot(e_h * e_nh, wl2_ref[...],
                            preferred_element_type=jnp.float32) + bl2_ref[...])
    h = sum_emb + bi_emb

    a1 = _lrelu(jnp.dot(h, wa1_ref[...],
                        preferred_element_type=jnp.float32) + ba1_ref[...])
    gl = jnp.sum(a1 * wa2_ref[...], axis=1, keepdims=True)

    @pl.when(i == 0)
    def _():
        m_ref[...] = min_ref[...]
        s_ref[...] = sin_ref[...]
        acc_ref[...] = accin_ref[...]

    m_old = m_ref[...]
    bm = jnp.max(gl, keepdims=True).reshape(1, 1)
    m_new = jnp.maximum(m_old, bm)
    corr = jnp.exp(m_old - m_new)
    w = jnp.exp(gl - m_new)
    s_ref[...] = s_ref[...] * corr + jnp.sum(w, keepdims=True).reshape(1, 1)
    acc_ref[...] = acc_ref[...] * corr + jnp.sum(w * h, axis=0, keepdims=True)
    m_ref[...] = m_new

    @pl.when(i == nblk - 1)
    def _():
        if final:
            pooled = acc_ref[...] / s_ref[...]
            mu = jnp.mean(pooled, axis=1, keepdims=True)
            var = jnp.mean((pooled - mu) ** 2, axis=1, keepdims=True)
            hn = ((pooled - mu) * lax.rsqrt(var + 1e-5) * lng_ref[...]
                  + lnb_ref[...])
            out0_ref[...] = jnp.dot(hn, wfc_ref[...],
                                    preferred_element_type=jnp.float32) \
                + bfc_ref[...]
        else:
            out0_ref[...] = m_ref[...]
            out1_ref[...] = s_ref[...]
            out2_ref[...] = acc_ref[...]


def _stage5(e_h, nb, tw, state, Wl1, bl1r, Wl2, bl2r, Wa1, ba1r, wa2r,
            lngr, lnbr, Wfc_p, bfc_p, part, final):
    grid = PART_ROWS[part] // BLK_E
    off = PART_OFFS[part] // BLK_E
    if final:
        out_specs = [pl.BlockSpec((1, 128), lambda i: (0, 0))] * 3
        out_shape = [jax.ShapeDtypeStruct((1, 128), jnp.float32)] * 3
    else:
        out_specs = [
            pl.BlockSpec((1, 1), lambda i: (0, 0)),
            pl.BlockSpec((1, 1), lambda i: (0, 0)),
            pl.BlockSpec((1, H), lambda i: (0, 0)),
        ]
        out_shape = [
            jax.ShapeDtypeStruct((1, 1), jnp.float32),
            jax.ShapeDtypeStruct((1, 1), jnp.float32),
            jax.ShapeDtypeStruct((1, H), jnp.float32),
        ]
    return pl.pallas_call(
        functools.partial(_agg_body, final),
        grid=(grid,),
        in_specs=[
            pl.BlockSpec((BLK_E, H), lambda i: (i + off, 0)),
        ] + [
            pl.BlockSpec((BLK_E, H),
                         functools.partial(lambda k, i: (k * grid + i, 0), k))
            for k in range(TOPK)
        ] + [
            pl.BlockSpec((BLK_E, KPAD), lambda i: (i, 0)),
            pl.BlockSpec((H, H), lambda i: (0, 0)),
            pl.BlockSpec((1, H), lambda i: (0, 0)),
            pl.BlockSpec((H, H), lambda i: (0, 0)),
            pl.BlockSpec((1, H), lambda i: (0, 0)),
            pl.BlockSpec((H, H // 2), lambda i: (0, 0)),
            pl.BlockSpec((1, H // 2), lambda i: (0, 0)),
            pl.BlockSpec((1, H // 2), lambda i: (0, 0)),
            pl.BlockSpec((1, 1), lambda i: (0, 0)),
            pl.BlockSpec((1, 1), lambda i: (0, 0)),
            pl.BlockSpec((1, H), lambda i: (0, 0)),
            pl.BlockSpec((1, H), lambda i: (0, 0)),
            pl.BlockSpec((1, H), lambda i: (0, 0)),
            pl.BlockSpec((H, 128), lambda i: (0, 0)),
            pl.BlockSpec((1, 128), lambda i: (0, 0)),
        ],
        out_specs=out_specs,
        out_shape=out_shape,
        scratch_shapes=[
            pltpu.VMEM((1, 1), jnp.float32),
            pltpu.VMEM((1, 1), jnp.float32),
            pltpu.VMEM((1, H), jnp.float32),
        ],
    )(e_h, nb, nb, nb, nb, nb, nb, tw, Wl1, bl1r, Wl2, bl2r, Wa1, ba1r, wa2r,
      state[0], state[1], state[2], lngr, lnbr, Wfc_p, bfc_p)



@jax.jit
def kernel(x, W1, b1, Wh, bh, Wt, bt, Wl1, bl1, Wl2, bl2,
           Wa1, ba1, Wa2, ba2, ln_g, ln_b, Wfc, bfc):
    x2d = x[0]
    hn = N // 2
    x1, colsum = _stage1(x2d, W1, b1.reshape(1, H))
    mean = colsum * (1.0 / N)
    e_h, e_t = _stage2(x1, mean, Wh, bh.reshape(1, H),
                       Wt, bt.reshape(1, H))
    Wfc_p = jnp.pad(Wfc, ((0, 0), (0, 128 - Wfc.shape[1])))
    bfc_p = jnp.pad(bfc, (0, 128 - bfc.shape[0])).reshape(1, 128)
    common = (Wl1, bl1.reshape(1, H), Wl2,
              bl2.reshape(1, H), Wa1, ba1.reshape(1, H // 2),
              Wa2.reshape(1, H // 2),
              ln_g.reshape(1, H), ln_b.reshape(1, H), Wfc_p, bfc_p)

    tws, nbs = [], []
    for q in range(NPARTS):
        tw_q, ti_q = _stage3(e_h, e_t, q)
        tws.append(tw_q)
        nbs.append(_sc_gather(e_t, ti_q[:, :TOPK].T.reshape(-1)))

    state = (jnp.full((1, 1), NEG, jnp.float32),
             jnp.zeros((1, 1), jnp.float32),
             jnp.zeros((1, H), jnp.float32))
    for q in range(NPARTS - 1):
        state = _stage5(e_h, nbs[q], tws[q], state, *common,
                        part=q, final=False)
    out_p, _, _ = _stage5(e_h, nbs[-1], tws[-1], state, *common,
                          part=NPARTS - 1, final=True)
    return out_p[:, :2]

# --- scband reference (transcript-rebuilt; emitter-appended) ---
"""Pipeline reference for scband-wikg-mil-20160576488026 (READ-ONLY COPY).

The authoritative reference and input builder live on the scoring server;
editing this copy changes nothing except your own understanding.
"""

import jax, jax.numpy as jnp
import numpy as np

def _lrelu(x):
    return jax.nn.leaky_relu(x, 0.01)

def setup_inputs(seed: int = 0):
    key = jax.random.key(seed)
    ks = jax.random.split(key, 12)
    N, D, H, C = 4096, 512, 512, 2
    def lin(k, i, o):
        return jax.random.normal(k, (i, o), jnp.float32) * (1.0 / np.sqrt(i))
    return {
        "x": jax.random.normal(ks[0], (1, N, D), jnp.float32),
        "W1": lin(ks[1], D, H), "b1": jnp.zeros((H,), jnp.float32),
        "Wh": lin(ks[2], H, H), "bh": jnp.zeros((H,), jnp.float32),
        "Wt": lin(ks[3], H, H), "bt": jnp.zeros((H,), jnp.float32),
        "Wl1": lin(ks[4], H, H), "bl1": jnp.zeros((H,), jnp.float32),
        "Wl2": lin(ks[5], H, H), "bl2": jnp.zeros((H,), jnp.float32),
        "Wa1": lin(ks[6], H, H // 2), "ba1": jnp.zeros((H // 2,), jnp.float32),
        "Wa2": lin(ks[7], H // 2, 1), "ba2": jnp.zeros((1,), jnp.float32),
        "ln_g": jnp.ones((H,), jnp.float32), "ln_b": jnp.zeros((H,), jnp.float32),
        "Wfc": lin(ks[8], H, C), "bfc": jnp.zeros((C,), jnp.float32),
    }

def reference(x, W1, b1, Wh, bh, Wt, bt, Wl1, bl1, Wl2, bl2, Wa1, ba1, Wa2, ba2, ln_g, ln_b, Wfc, bfc):
    topk = 6
    scale = 512 ** (-0.5)
    x = _lrelu(x @ W1 + b1)
    x = (x + x.mean(axis=1, keepdims=True)) * 0.5
    e_h = x @ Wh + bh
    e_t = x @ Wt + bt
    attn_logit = (e_h * scale) @ jnp.swapaxes(e_t, -2, -1)
    topk_weight, topk_index = jax.lax.top_k(attn_logit, topk)
    Nb_h = jnp.take(e_t[0], topk_index[0], axis=0)[None]
    topk_prob = jax.nn.softmax(topk_weight, axis=2)
    eh_r = topk_prob[..., None] * Nb_h + jnp.matmul((1.0 - topk_prob)[..., None], e_h[:, :, None, :])
    e_h_expand = jnp.broadcast_to(e_h[:, :, None, :], Nb_h.shape)
    gate = jnp.tanh(e_h_expand + eh_r)
    ka_weight = jnp.einsum('ijkl,ijkm->ijk', Nb_h, gate)
    ka_prob = jax.nn.softmax(ka_weight, axis=2)[:, :, None, :]
    e_Nh = jnp.matmul(ka_prob, Nb_h).squeeze(2)
    sum_emb = _lrelu((e_h + e_Nh) @ Wl1 + bl1)
    bi_emb = _lrelu((e_h * e_Nh) @ Wl2 + bl2)
    h = sum_emb + bi_emb  # dropout = identity in eval mode
    h2 = h[0]  # squeeze(0)
    g = _lrelu(h2 @ Wa1 + ba1) @ Wa2 + ba2
    g = jax.nn.softmax(g, axis=0)
    pooled = jnp.sum(g * h2, axis=0, keepdims=True)
    mu = pooled.mean(axis=-1, keepdims=True)
    var = ((pooled - mu) ** 2).mean(axis=-1, keepdims=True)
    hn = (pooled - mu) / jnp.sqrt(var + 1e-5) * ln_g + ln_b
    logits = hn @ Wfc + bfc
    return logits

if __name__ == "__main__":
    import jax
    _d = setup_inputs()
    print(jax.jit(kernel)(*tuple(_d.values())))

</pallas_src>

<mosaic_0001>
#map = affine_map<(d0, d1) -> (0, 0)>
#map1 = affine_map<(d0, d1) -> (0)>
module attributes {stable_mosaic.version = 14 : i64} {
  func.func @_sc_gather_body(%arg0: i32, %arg1: i32, %arg2: memref<4096x512xf32, #tpu.memory_space<hbm>>, %arg3: memref<6144xi32, #tpu.memory_space<hbm>>, %arg4: memref<6144x512xf32, #tpu.memory_space<hbm>>, %arg5: memref<192xi32, #tpu.memory_space<vmem>>, %arg6: memref<64x512xf32, #tpu.memory_space<vmem>>, %arg7: memref<64x512xf32, #tpu.memory_space<vmem>>, %arg8: memref<64x512xf32, #tpu.memory_space<vmem>>, %arg9: memref<!tpu.dma_semaphore, #tpu.memory_space<semaphore_mem>>, %arg10: memref<!tpu.dma_semaphore, #tpu.memory_space<semaphore_mem>>, %arg11: memref<!tpu.dma_semaphore, #tpu.memory_space<semaphore_mem>>, %arg12: memref<!tpu.dma_semaphore, #tpu.memory_space<semaphore_mem>>, %arg13: memref<!tpu.dma_semaphore, #tpu.memory_space<semaphore_mem>>, %arg14: memref<!tpu.dma_semaphore, #tpu.memory_space<semaphore_mem>>) attributes {dimension_semantics = [#tpu.dimension_semantics<core_parallel>, #tpu.dimension_semantics<subcore_parallel>], iteration_bounds = array<i64: 2, 16>, scalar_prefetch = 0 : i64, scratch_operands = 10 : i64, tpu.core_type = #tpu.core_type<sc_vector_subcore>, window_params = [{transform_indices = #map}, {transform_indices = #map1}, {transform_indices = #map}]} {
    %mul3A = arith.constant 2 : i32
    %mul3A_0 = arith.muli %arg1, %mul3A : i32
    %add3A = arith.addi %mul3A_0, %arg0 : i32
    %mul3A_1 = arith.constant 192 : i32
    %mul3A_2 = arith.muli %add3A, %mul3A_1 : i32
    "tpu.region"() ({
      %run_scoped3A = tpu.sem_alloc : memref<!tpu.dma_semaphore, #tpu.memory_space<semaphore_mem>>
      %dma_start3A_61 = tpu.memref_slice %arg3[%mul3A_2] : memref<6144xi32, #tpu.memory_space<hbm>> -> memref<192xi32, #tpu.memory_space<hbm>>
      %dma_start3A_62 = tpu.memref_slice %arg3[%mul3A_2] : memref<6144xi32, #tpu.memory_space<hbm>> -> memref<192xi32, #tpu.memory_space<hbm>>
      tpu.enqueue_dma source(%dma_start3A_62 : memref<192xi32, #tpu.memory_space<hbm>>) target(%arg5 : memref<192xi32, #tpu.memory_space<vmem>>) target_semaphore(%run_scoped3A : memref<!tpu.dma_semaphore, #tpu.memory_space<semaphore_mem>>)
      %dma_wait3A_63 = tpu.memref_slice %arg3[%mul3A_2] : memref<6144xi32, #tpu.memory_space<hbm>> -> memref<192xi32, #tpu.memory_space<hbm>>
      %dma_wait3A_64 = tpu.memref_slice %arg3[%mul3A_2] : memref<6144xi32, #tpu.memory_space<hbm>> -> memref<192xi32, #tpu.memory_space<hbm>>
      tpu.wait_dma2 semaphore(%run_scoped3A : memref<!tpu.dma_semaphore, #tpu.memory_space<semaphore_mem>>) src(%dma_wait3A_64 : memref<192xi32, #tpu.memory_space<hbm>>) dst(%arg5 : memref<192xi32, #tpu.memory_space<vmem>>)
      tpu.yield
    }) : () -> ()
    %dma_start3A = arith.constant 0 : i32
    %dma_start3A_3 = tpu.memref_slice %arg5[%dma_start3A] : memref<192xi32, #tpu.memory_space<vmem>> -> memref<64xi32, #tpu.memory_space<vmem>>
    %dma_start3A_4 = arith.constant 0 : i32
    %dma_start3A_5 = arith.constant 0 : i32
    %dma_start3A_6 = tpu.memref_slice %arg2[%dma_start3A_4, %dma_start3A_5] : memref<4096x512xf32, #tpu.memory_space<hbm>> -> memref<4096x512xf32, #tpu.memory_space<hbm>>
    tpu.enqueue_indirect_dma source(%dma_start3A_6 : memref<4096x512xf32, #tpu.memory_space<hbm>>) target(%arg6 : memref<64x512xf32, #tpu.memory_space<vmem>>) offsets(%dma_start3A_3 : memref<64xi32, #tpu.memory_space<vmem>>) semaphore(%arg9 : memref<!tpu.dma_semaphore, #tpu.memory_space<semaphore_mem>>)
    %dma_start3A_7 = arith.constant 64 : i32
    %dma_start3A_8 = tpu.memref_slice %arg5[%dma_start3A_7] : memref<192xi32, #tpu.memory_space<vmem>> -> memref<64xi32, #tpu.memory_space<vmem>>
    %dma_start3A_9 = arith.constant 0 : i32
    %dma_start3A_10 = arith.constant 0 : i32
    %dma_start3A_11 = tpu.memref_slice %arg2[%dma_start3A_9, %dma_start3A_10] : memref<4096x512xf32, #tpu.memory_space<hbm>> -> memref<4096x512xf32, #tpu.memory_space<hbm>>
    tpu.enqueue_indirect_dma source(%dma_start3A_11 : memref<4096x512xf32, #tpu.memory_space<hbm>>) target(%arg7 : memref<64x512xf32, #tpu.memory_space<vmem>>) offsets(%dma_start3A_8 : memref<64xi32, #tpu.memory_space<vmem>>) semaphore(%arg10 : memref<!tpu.dma_semaphore, #tpu.memory_space<semaphore_mem>>)
    %dma_wait3A = arith.constant 0 : i32
    %dma_wait3A_12 = tpu.memref_slice %arg5[%dma_wait3A] : memref<192xi32, #tpu.memory_space<vmem>> -> memref<64xi32, #tpu.memory_space<vmem>>
    %dma_wait3A_13 = arith.constant 0 : i32
    %dma_wait3A_14 = arith.constant 0 : i32
    %dma_wait3A_15 = tpu.memref_slice %arg2[%dma_wait3A_13, %dma_wait3A_14] : memref<4096x512xf32, #tpu.memory_space<hbm>> -> memref<4096x512xf32, #tpu.memory_space<hbm>>
    tpu.wait_indirect_dma semaphore(%arg9 : memref<!tpu.dma_semaphore, #tpu.memory_space<semaphore_mem>>) src(%dma_wait3A_15 : memref<4096x512xf32, #tpu.memory_space<hbm>>) dst(%arg6 : memref<64x512xf32, #tpu.memory_space<vmem>>)
    %add3A_16 = arith.constant 0 : i32
    %add3A_17 = arith.addi %mul3A_2, %add3A_16 : i32
    %dma_start3A_18 = arith.constant 0 : i32
    %dma_start3A_19 = tpu.memref_slice %arg4[%add3A_17, %dma_start3A_18] : memref<6144x512xf32, #tpu.memory_space<hbm>> -> memref<64x512xf32, #tpu.memory_space<hbm>>
    %dma_start3A_20 = arith.constant 0 : i32
    %dma_start3A_21 = tpu.memref_slice %arg4[%add3A_17, %dma_start3A_20] : memref<6144x512xf32, #tpu.memory_space<hbm>> -> memref<64x512xf32, #tpu.memory_space<hbm>>
    tpu.enqueue_dma source(%arg6 : memref<64x512xf32, #tpu.memory_space<vmem>>) target(%dma_start3A_21 : memref<64x512xf32, #tpu.memory_space<hbm>>) target_semaphore(%arg12 : memref<!tpu.dma_semaphore, #tpu.memory_space<semaphore_mem>>)
    %dma_start3A_22 = arith.constant 128 : i32
    %dma_start3A_23 = tpu.memref_slice %arg5[%dma_start3A_22] : memref<192xi32, #tpu.memory_space<vmem>> -> memref<64xi32, #tpu.memory_space<vmem>>
    %dma_start3A_24 = arith.constant 0 : i32
    %dma_start3A_25 = arith.constant 0 : i32
    %dma_start3A_26 = tpu.memref_slice %arg2[%dma_start3A_24, %dma_start3A_25] : memref<4096x512xf32, #tpu.memory_space<hbm>> -> memref<4096x512xf32, #tpu.memory_space<hbm>>
    tpu.enqueue_indirect_dma source(%dma_start3A_26 : memref<4096x512xf32, #tpu.memory_space<hbm>>) target(%arg8 : memref<64x512xf32, #tpu.memory_space<vmem>>) offsets(%dma_start3A_23 : memref<64xi32, #tpu.memory_space<vmem>>) semaphore(%arg11 : memref<!tpu.dma_semaphore, #tpu.memory_space<semaphore_mem>>)
    %dma_wait3A_27 = arith.constant 64 : i32
    %dma_wait3A_28 = tpu.memref_slice %arg5[%dma_wait3A_27] : memref<192xi32, #tpu.memory_space<vmem>> -> memref<64xi32, #tpu.memory_space<vmem>>
    %dma_wait3A_29 = arith.constant 0 : i32
    %dma_wait3A_30 = arith.constant 0 : i32
    %dma_wait3A_31 = tpu.memref_slice %arg2[%dma_wait3A_29, %dma_wait3A_30] : memref<4096x512xf32, #tpu.memory_space<hbm>> -> memref<4096x512xf32, #tpu.memory_space<hbm>>
    tpu.wait_indirect_dma semaphore(%arg10 : memref<!tpu.dma_semaphore, #tpu.memory_space<semaphore_mem>>) src(%dma_wait3A_31 : memref<4096x512xf32, #tpu.memory_space<hbm>>) dst(%arg7 : memref<64x512xf32, #tpu.memory_space<vmem>>)
    %add3A_32 = arith.constant 64 : i32
    %add3A_33 = arith.addi %mul3A_2, %add3A_32 : i32
    %dma_start3A_34 = arith.constant 0 : i32
    %dma_start3A_35 = tpu.memref_slice %arg4[%add3A_33, %dma_start3A_34] : memref<6144x512xf32, #tpu.memory_space<hbm>> -> memref<64x512xf32, #tpu.memory_space<hbm>>
    %dma_start3A_36 = arith.constant 0 : i32
    %dma_start3A_37 = tpu.memref_slice %arg4[%add3A_33, %dma_start3A_36] : memref<6144x512xf32, #tpu.memory_space<hbm>> -> memref<64x512xf32, #tpu.memory_space<hbm>>
    tpu.enqueue_dma source(%arg7 : memref<64x512xf32, #tpu.memory_space<vmem>>) target(%dma_start3A_37 : memref<64x512xf32, #tpu.memory_space<hbm>>) target_semaphore(%arg13 : memref<!tpu.dma_semaphore, #tpu.memory_space<semaphore_mem>>)
    %dma_wait3A_38 = arith.constant 128 : i32
    %dma_wait3A_39 = tpu.memref_slice %arg5[%dma_wait3A_38] : memref<192xi32, #tpu.memory_space<vmem>> -> memref<64xi32, #tpu.memory_space<vmem>>
    %dma_wait3A_40 = arith.constant 0 : i32
    %dma_wait3A_41 = arith.constant 0 : i32
    %dma_wait3A_42 = tpu.memref_slice %arg2[%dma_wait3A_40, %dma_wait3A_41] : memref<4096x512xf32, #tpu.memory_space<hbm>> -> memref<4096x512xf32, #tpu.memory_space<hbm>>
    tpu.wait_indirect_dma semaphore(%arg11 : memref<!tpu.dma_semaphore, #tpu.memory_space<semaphore_mem>>) src(%dma_wait3A_42 : memref<4096x512xf32, #tpu.memory_space<hbm>>) dst(%arg8 : memref<64x512xf32, #tpu.memory_space<vmem>>)
    %add3A_43 = arith.constant 128 : i32
    %add3A_44 = arith.addi %mul3A_2, %add3A_43 : i32
    %dma_start3A_45 = arith.constant 0 : i32
    %dma_start3A_46 = tpu.memref_slice %arg4[%add3A_44, %dma_start3A_45] : memref<6144x512xf32, #tpu.memory_space<hbm>> -> memref<64x512xf32, #tpu.memory_space<hbm>>
    %dma_start3A_47 = arith.constant 0 : i32
    %dma_start3A_48 = tpu.memref_slice %arg4[%add3A_44, %dma_start3A_47] : memref<6144x512xf32, #tpu.memory_space<hbm>> -> memref<64x512xf32, #tpu.memory_space<hbm>>
    tpu.enqueue_dma source(%arg8 : memref<64x512xf32, #tpu.memory_space<vmem>>) target(%dma_start3A_48 : memref<64x512xf32, #tpu.memory_space<hbm>>) target_semaphore(%arg14 : memref<!tpu.dma_semaphore, #tpu.memory_space<semaphore_mem>>)
    %dma_wait3A_49 = arith.constant 0 : i32
    %dma_wait3A_50 = tpu.memref_slice %arg4[%add3A_17, %dma_wait3A_49] : memref<6144x512xf32, #tpu.memory_space<hbm>> -> memref<64x512xf32, #tpu.memory_space<hbm>>
    %dma_wait3A_51 = arith.constant 0 : i32
    %dma_wait3A_52 = tpu.memref_slice %arg4[%add3A_17, %dma_wait3A_51] : memref<6144x512xf32, #tpu.memory_space<hbm>> -> memref<64x512xf32, #tpu.memory_space<hbm>>
    tpu.wait_dma2 semaphore(%arg12 : memref<!tpu.dma_semaphore, #tpu.memory_space<semaphore_mem>>) src(%arg6 : memref<64x512xf32, #tpu.memory_space<vmem>>) dst(%dma_wait3A_52 : memref<64x512xf32, #tpu.memory_space<hbm>>)
    %dma_wait3A_53 = arith.constant 0 : i32
    %dma_wait3A_54 = tpu.memref_slice %arg4[%add3A_33, %dma_wait3A_53] : memref<6144x512xf32, #tpu.memory_space<hbm>> -> memref<64x512xf32, #tpu.memory_space<hbm>>
    %dma_wait3A_55 = arith.constant 0 : i32
    %dma_wait3A_56 = tpu.memref_slice %arg4[%add3A_33, %dma_wait3A_55] : memref<6144x512xf32, #tpu.memory_space<hbm>> -> memref<64x512xf32, #tpu.memory_space<hbm>>
    tpu.wait_dma2 semaphore(%arg13 : memref<!tpu.dma_semaphore, #tpu.memory_space<semaphore_mem>>) src(%arg7 : memref<64x512xf32, #tpu.memory_space<vmem>>) dst(%dma_wait3A_56 : memref<64x512xf32, #tpu.memory_space<hbm>>)
    %dma_wait3A_57 = arith.constant 0 : i32
    %dma_wait3A_58 = tpu.memref_slice %arg4[%add3A_44, %dma_wait3A_57] : memref<6144x512xf32, #tpu.memory_space<hbm>> -> memref<64x512xf32, #tpu.memory_space<hbm>>
    %dma_wait3A_59 = arith.constant 0 : i32
    %dma_wait3A_60 = tpu.memref_slice %arg4[%add3A_44, %dma_wait3A_59] : memref<6144x512xf32, #tpu.memory_space<hbm>> -> memref<64x512xf32, #tpu.memory_space<hbm>>
    tpu.wait_dma2 semaphore(%arg14 : memref<!tpu.dma_semaphore, #tpu.memory_space<semaphore_mem>>) src(%arg8 : memref<64x512xf32, #tpu.memory_space<vmem>>) dst(%dma_wait3A_60 : memref<64x512xf32, #tpu.memory_space<hbm>>)
    return
  }
}

#map = affine_map<(d0, d1) -> (0, 0)>
#map1 = affine_map<(d0, d1) -> (0)>
module attributes {stable_mosaic.version = 14 : i64} {
  func.func @_sc_gather_body(%arg0: i32, %arg1: i32, %arg2: memref<4096x512xf32, #tpu.memory_space<hbm>>, %arg3: memref<3072xi32, #tpu.memory_space<hbm>>, %arg4: memref<3072x512xf32, #tpu.memory_space<hbm>>, %arg5: memref<96xi32, #tpu.memory_space<vmem>>, %arg6: memref<48x512xf32, #tpu.memory_space<vmem>>, %arg7: memref<48x512xf32, #tpu.memory_space<vmem>>, %arg8: memref<48x512xf32, #tpu.memory_space<vmem>>, %arg9: memref<!tpu.dma_semaphore, #tpu.memory_space<semaphore_mem>>, %arg10: memref<!tpu.dma_semaphore, #tpu.memory_space<semaphore_mem>>, %arg11: memref<!tpu.dma_semaphore, #tpu.memory_space<semaphore_mem>>, %arg12: memref<!tpu.dma_semaphore, #tpu.memory_space<semaphore_mem>>, %arg13: memref<!tpu.dma_semaphore, #tpu.memory_space<semaphore_mem>>, %arg14: memref<!tpu.dma_semaphore, #tpu.memory_space<semaphore_mem>>) attributes {dimension_semantics = [#tpu.dimension_semantics<core_parallel>, #tpu.dimension_semantics<subcore_parallel>], iteration_bounds = array<i64: 2, 16>, scalar_prefetch = 0 : i64, scratch_operands = 10 : i64, tpu.core_type = #tpu.core_type<sc_vector_subcore>, window_params = [{transform_indices = #map}, {transform_indices = #map1}, {transform_indices = #map}]} {
    %mul3A = arith.constant 2 : i32
    %mul3A_0 = arith.muli %arg1, %mul3A : i32
    %add3A = arith.addi %mul3A_0, %arg0 : i32
    %mul3A_1 = arith.constant 96 : i32
    %mul3A_2 = arith.muli %add3A, %mul3A_1 : i32
    "tpu.region"() ({
      %run_scoped3A = tpu.sem_alloc : memref<!tpu.dma_semaphore, #tpu.memory_space<semaphore_mem>>
      %dma_start3A_41 = tpu.memref_slice %arg3[%mul3A_2] : memref<3072xi32, #tpu.memory_space<hbm>> -> memref<96xi32, #tpu.memory_space<hbm>>
      %dma_start3A_42 = tpu.memref_slice %arg3[%mul3A_2] : memref<3072xi32, #tpu.memory_space<hbm>> -> memref<96xi32, #tpu.memory_space<hbm>>
      tpu.enqueue_dma source(%dma_start3A_42 : memref<96xi32, #tpu.memory_space<hbm>>) target(%arg5 : memref<96xi32, #tpu.memory_space<vmem>>) target_semaphore(%run_scoped3A : memref<!tpu.dma_semaphore, #tpu.memory_space<semaphore_mem>>)
      %dma_wait3A_43 = tpu.memref_slice %arg3[%mul3A_2] : memref<3072xi32, #tpu.memory_space<hbm>> -> memref<96xi32, #tpu.memory_space<hbm>>
      %dma_wait3A_44 = tpu.memref_slice %arg3[%mul3A_2] : memref<3072xi32, #tpu.memory_space<hbm>> -> memref<96xi32, #tpu.memory_space<hbm>>
      tpu.wait_dma2 semaphore(%run_scoped3A : memref<!tpu.dma_semaphore, #tpu.memory_space<semaphore_mem>>) src(%dma_wait3A_44 : memref<96xi32, #tpu.memory_space<hbm>>) dst(%arg5 : memref<96xi32, #tpu.memory_space<vmem>>)
      tpu.yield
    }) : () -> ()
    %dma_start3A = arith.constant 0 : i32
    %dma_start3A_3 = tpu.memref_slice %arg5[%dma_start3A] : memref<96xi32, #tpu.memory_space<vmem>> -> memref<48xi32, #tpu.memory_space<vmem>>
    %dma_start3A_4 = arith.constant 0 : i32
    %dma_start3A_5 = arith.constant 0 : i32
    %dma_start3A_6 = tpu.memref_slice %arg2[%dma_start3A_4, %dma_start3A_5] : memref<4096x512xf32, #tpu.memory_space<hbm>> -> memref<4096x512xf32, #tpu.memory_space<hbm>>
    tpu.enqueue_indirect_dma source(%dma_start3A_6 : memref<4096x512xf32, #tpu.memory_space<hbm>>) target(%arg6 : memref<48x512xf32, #tpu.memory_space<vmem>>) offsets(%dma_start3A_3 : memref<48xi32, #tpu.memory_space<vmem>>) semaphore(%arg9 : memref<!tpu.dma_semaphore, #tpu.memory_space<semaphore_mem>>)
    %dma_start3A_7 = arith.constant 48 : i32
    %dma_start3A_8 = tpu.memref_slice %arg5[%dma_start3A_7] : memref<96xi32, #tpu.memory_space<vmem>> -> memref<48xi32, #tpu.memory_space<vmem>>
    %dma_start3A_9 = arith.constant 0 : i32
    %dma_start3A_10 = arith.constant 0 : i32
    %dma_start3A_11 = tpu.memref_slice %arg2[%dma_start3A_9, %dma_start3A_10] : memref<4096x512xf32, #tpu.memory_space<hbm>> -> memref<4096x512xf32, #tpu.memory_space<hbm>>
    tpu.enqueue_indirect_dma source(%dma_start3A_11 : memref<4096x512xf32, #tpu.memory_space<hbm>>) target(%arg7 : memref<48x512xf32, #tpu.memory_space<vmem>>) offsets(%dma_start3A_8 : memref<48xi32, #tpu.memory_space<vmem>>) semaphore(%arg10 : memref<!tpu.dma_semaphore, #tpu.memory_space<semaphore_mem>>)
    %dma_wait3A = arith.constant 0 : i32
    %dma_wait3A_12 = tpu.memref_slice %arg5[%dma_wait3A] : memref<96xi32, #tpu.memory_space<vmem>> -> memref<48xi32, #tpu.memory_space<vmem>>
    %dma_wait3A_13 = arith.constant 0 : i32
    %dma_wait3A_14 = arith.constant 0 : i32
    %dma_wait3A_15 = tpu.memref_slice %arg2[%dma_wait3A_13, %dma_wait3A_14] : memref<4096x512xf32, #tpu.memory_space<hbm>> -> memref<4096x512xf32, #tpu.memory_space<hbm>>
    tpu.wait_indirect_dma semaphore(%arg9 : memref<!tpu.dma_semaphore, #tpu.memory_space<semaphore_mem>>) src(%dma_wait3A_15 : memref<4096x512xf32, #tpu.memory_space<hbm>>) dst(%arg6 : memref<48x512xf32, #tpu.memory_space<vmem>>)
    %add3A_16 = arith.constant 0 : i32
    %add3A_17 = arith.addi %mul3A_2, %add3A_16 : i32
    %dma_start3A_18 = arith.constant 0 : i32
    %dma_start3A_19 = tpu.memref_slice %arg4[%add3A_17, %dma_start3A_18] : memref<3072x512xf32, #tpu.memory_space<hbm>> -> memref<48x512xf32, #tpu.memory_space<hbm>>
    %dma_start3A_20 = arith.constant 0 : i32
    %dma_start3A_21 = tpu.memref_slice %arg4[%add3A_17, %dma_start3A_20] : memref<3072x512xf32, #tpu.memory_space<hbm>> -> memref<48x512xf32, #tpu.memory_space<hbm>>
    tpu.enqueue_dma source(%arg6 : memref<48x512xf32, #tpu.memory_space<vmem>>) target(%dma_start3A_21 : memref<48x512xf32, #tpu.memory_space<hbm>>) target_semaphore(%arg12 : memref<!tpu.dma_semaphore, #tpu.memory_space<semaphore_mem>>)
    %dma_wait3A_22 = arith.constant 48 : i32
    %dma_wait3A_23 = tpu.memref_slice %arg5[%dma_wait3A_22] : memref<96xi32, #tpu.memory_space<vmem>> -> memref<48xi32, #tpu.memory_space<vmem>>
    %dma_wait3A_24 = arith.constant 0 : i32
    %dma_wait3A_25 = arith.constant 0 : i32
    %dma_wait3A_26 = tpu.memref_slice %arg2[%dma_wait3A_24, %dma_wait3A_25] : memref<4096x512xf32, #tpu.memory_space<hbm>> -> memref<4096x512xf32, #tpu.memory_space<hbm>>
    tpu.wait_indirect_dma semaphore(%arg10 : memref<!tpu.dma_semaphore, #tpu.memory_space<semaphore_mem>>) src(%dma_wait3A_26 : memref<4096x512xf32, #tpu.memory_space<hbm>>) dst(%arg7 : memref<48x512xf32, #tpu.memory_space<vmem>>)
    %add3A_27 = arith.constant 48 : i32
    %add3A_28 = arith.addi %mul3A_2, %add3A_27 : i32
    %dma_start3A_29 = arith.constant 0 : i32
    %dma_start3A_30 = tpu.memref_slice %arg4[%add3A_28, %dma_start3A_29] : memref<3072x512xf32, #tpu.memory_space<hbm>> -> memref<48x512xf32, #tpu.memory_space<hbm>>
    %dma_start3A_31 = arith.constant 0 : i32
    %dma_start3A_32 = tpu.memref_slice %arg4[%add3A_28, %dma_start3A_31] : memref<3072x512xf32, #tpu.memory_space<hbm>> -> memref<48x512xf32, #tpu.memory_space<hbm>>
    tpu.enqueue_dma source(%arg7 : memref<48x512xf32, #tpu.memory_space<vmem>>) target(%dma_start3A_32 : memref<48x512xf32, #tpu.memory_space<hbm>>) target_semaphore(%arg13 : memref<!tpu.dma_semaphore, #tpu.memory_space<semaphore_mem>>)
    %dma_wait3A_33 = arith.constant 0 : i32
    %dma_wait3A_34 = tpu.memref_slice %arg4[%add3A_17, %dma_wait3A_33] : memref<3072x512xf32, #tpu.memory_space<hbm>> -> memref<48x512xf32, #tpu.memory_space<hbm>>
    %dma_wait3A_35 = arith.constant 0 : i32
    %dma_wait3A_36 = tpu.memref_slice %arg4[%add3A_17, %dma_wait3A_35] : memref<3072x512xf32, #tpu.memory_space<hbm>> -> memref<48x512xf32, #tpu.memory_space<hbm>>
    tpu.wait_dma2 semaphore(%arg12 : memref<!tpu.dma_semaphore, #tpu.memory_space<semaphore_mem>>) src(%arg6 : memref<48x512xf32, #tpu.memory_space<vmem>>) dst(%dma_wait3A_36 : memref<48x512xf32, #tpu.memory_space<hbm>>)
    %dma_wait3A_37 = arith.constant 0 : i32
    %dma_wait3A_38 = tpu.memref_slice %arg4[%add3A_28, %dma_wait3A_37] : memref<3072x512xf32, #tpu.memory_space<hbm>> -> memref<48x512xf32, #tpu.memory_space<hbm>>
    %dma_wait3A_39 = arith.constant 0 : i32
    %dma_wait3A_40 = tpu.memref_slice %arg4[%add3A_28, %dma_wait3A_39] : memref<3072x512xf32, #tpu.memory_space<hbm>> -> memref<48x512xf32, #tpu.memory_space<hbm>>
    tpu.wait_dma2 semaphore(%arg13 : memref<!tpu.dma_semaphore, #tpu.memory_space<semaphore_mem>>) src(%arg7 : memref<48x512xf32, #tpu.memory_space<vmem>>) dst(%dma_wait3A_40 : memref<48x512xf32, #tpu.memory_space<hbm>>)
    return
  }
}

#map = affine_map<(d0, d1) -> (0, 0)>
#map1 = affine_map<(d0, d1) -> (0)>
module attributes {stable_mosaic.version = 14 : i64} {
  func.func @_sc_gather_body(%arg0: i32, %arg1: i32, %arg2: memref<4096x512xf32, #tpu.memory_space<hbm>>, %arg3: memref<9216xi32, #tpu.memory_space<hbm>>, %arg4: memref<9216x512xf32, #tpu.memory_space<hbm>>, %arg5: memref<288xi32, #tpu.memory_space<vmem>>, %arg6: memref<48x512xf32, #tpu.memory_space<vmem>>, %arg7: memref<48x512xf32, #tpu.memory_space<vmem>>, %arg8: memref<48x512xf32, #tpu.memory_space<vmem>>, %arg9: memref<!tpu.dma_semaphore, #tpu.memory_space<semaphore_mem>>, %arg10: memref<!tpu.dma_semaphore, #tpu.memory_space<semaphore_mem>>, %arg11: memref<!tpu.dma_semaphore, #tpu.memory_space<semaphore_mem>>, %arg12: memref<!tpu.dma_semaphore, #tpu.memory_space<semaphore_mem>>, %arg13: memref<!tpu.dma_semaphore, #tpu.memory_space<semaphore_mem>>, %arg14: memref<!tpu.dma_semaphore, #tpu.memory_space<semaphore_mem>>) attributes {dimension_semantics = [#tpu.dimension_semantics<core_parallel>, #tpu.dimension_semantics<subcore_parallel>], iteration_bounds = array<i64: 2, 16>, scalar_prefetch = 0 : i64, scratch_operands = 10 : i64, tpu.core_type = #tpu.core_type<sc_vector_subcore>, window_params = [{transform_indices = #map}, {transform_indices = #map1}, {transform_indices = #map}]} {
    %mul3A = arith.constant 2 : i32
    %mul3A_0 = arith.muli %arg1, %mul3A : i32
    %add3A = arith.addi %mul3A_0, %arg0 : i32
    %mul3A_1 = arith.constant 288 : i32
    %mul3A_2 = arith.muli %add3A, %mul3A_1 : i32
    "tpu.region"() ({
      %run_scoped3A = tpu.sem_alloc : memref<!tpu.dma_semaphore, #tpu.memory_space<semaphore_mem>>
      %dma_start3A_121 = tpu.memref_slice %arg3[%mul3A_2] : memref<9216xi32, #tpu.memory_space<hbm>> -> memref<288xi32, #tpu.memory_space<hbm>>
      %dma_start3A_122 = tpu.memref_slice %arg3[%mul3A_2] : memref<9216xi32, #tpu.memory_space<hbm>> -> memref<288xi32, #tpu.memory_space<hbm>>
      tpu.enqueue_dma source(%dma_start3A_122 : memref<288xi32, #tpu.memory_space<hbm>>) target(%arg5 : memref<288xi32, #tpu.memory_space<vmem>>) target_semaphore(%run_scoped3A : memref<!tpu.dma_semaphore, #tpu.memory_space<semaphore_mem>>)
      %dma_wait3A_123 = tpu.memref_slice %arg3[%mul3A_2] : memref<9216xi32, #tpu.memory_space<hbm>> -> memref<288xi32, #tpu.memory_space<hbm>>
      %dma_wait3A_124 = tpu.memref_slice %arg3[%mul3A_2] : memref<9216xi32, #tpu.memory_space<hbm>> -> memref<288xi32, #tpu.memory_space<hbm>>
      tpu.wait_dma2 semaphore(%run_scoped3A : memref<!tpu.dma_semaphore, #tpu.memory_space<semaphore_mem>>) src(%dma_wait3A_124 : memref<288xi32, #tpu.memory_space<hbm>>) dst(%arg5 : memref<288xi32, #tpu.memory_space<vmem>>)
      tpu.yield
    }) : () -> ()
    %dma_start3A = arith.constant 0 : i32
    %dma_start3A_3 = tpu.memref_slice %arg5[%dma_start3A] : memref<288xi32, #tpu.memory_space<vmem>> -> memref<48xi32, #tpu.memory_space<vmem>>
    %dma_start3A_4 = arith.constant 0 : i32
    %dma_start3A_5 = arith.constant 0 : i32
    %dma_start3A_6 = tpu.memref_slice %arg2[%dma_start3A_4, %dma_start3A_5] : memref<4096x512xf32, #tpu.memory_space<hbm>> -> memref<4096x512xf32, #tpu.memory_space<hbm>>
    tpu.enqueue_indirect_dma source(%dma_start3A_6 : memref<4096x512xf32, #tpu.memory_space<hbm>>) target(%arg6 : memref<48x512xf32, #tpu.memory_space<vmem>>) offsets(%dma_start3A_3 : memref<48xi32, #tpu.memory_space<vmem>>) semaphore(%arg9 : memref<!tpu.dma_semaphore, #tpu.memory_space<semaphore_mem>>)
    %dma_start3A_7 = arith.constant 48 : i32
    %dma_start3A_8 = tpu.memref_slice %arg5[%dma_start3A_7] : memref<288xi32, #tpu.memory_space<vmem>> -> memref<48xi32, #tpu.memory_space<vmem>>
    %dma_start3A_9 = arith.constant 0 : i32
    %dma_start3A_10 = arith.constant 0 : i32
    %dma_start3A_11 = tpu.memref_slice %arg2[%dma_start3A_9, %dma_start3A_10] : memref<4096x512xf32, #tpu.memory_space<hbm>> -> memref<4096x512xf32, #tpu.memory_space<hbm>>
    tpu.enqueue_indirect_dma source(%dma_start3A_11 : memref<4096x512xf32, #tpu.memory_space<hbm>>) target(%arg7 : memref<48x512xf32, #tpu.memory_space<vmem>>) offsets(%dma_start3A_8 : memref<48xi32, #tpu.memory_space<vmem>>) semaphore(%arg10 : memref<!tpu.dma_semaphore, #tpu.memory_space<semaphore_mem>>)
    %dma_wait3A = arith.constant 0 : i32
    %dma_wait3A_12 = tpu.memref_slice %arg5[%dma_wait3A] : memref<288xi32, #tpu.memory_space<vmem>> -> memref<48xi32, #tpu.memory_space<vmem>>
    %dma_wait3A_13 = arith.constant 0 : i32
    %dma_wait3A_14 = arith.constant 0 : i32
    %dma_wait3A_15 = tpu.memref_slice %arg2[%dma_wait3A_13, %dma_wait3A_14] : memref<4096x512xf32, #tpu.memory_space<hbm>> -> memref<4096x512xf32, #tpu.memory_space<hbm>>
    tpu.wait_indirect_dma semaphore(%arg9 : memref<!tpu.dma_semaphore, #tpu.memory_space<semaphore_mem>>) src(%dma_wait3A_15 : memref<4096x512xf32, #tpu.memory_space<hbm>>) dst(%arg6 : memref<48x512xf32, #tpu.memory_space<vmem>>)
    %add3A_16 = arith.constant 0 : i32
    %add3A_17 = arith.addi %mul3A_2, %add3A_16 : i32
    %dma_start3A_18 = arith.constant 0 : i32
    %dma_start3A_19 = tpu.memref_slice %arg4[%add3A_17, %dma_start3A_18] : memref<9216x512xf32, #tpu.memory_space<hbm>> -> memref<48x512xf32, #tpu.memory_space<hbm>>
    %dma_start3A_20 = arith.constant 0 : i32
    %dma_start3A_21 = tpu.memref_slice %arg4[%add3A_17, %dma_start3A_20] : memref<9216x512xf32, #tpu.memory_space<hbm>> -> memref<48x512xf32, #tpu.memory_space<hbm>>
    tpu.enqueue_dma source(%arg6 : memref<48x512xf32, #tpu.memory_space<vmem>>) target(%dma_start3A_21 : memref<48x512xf32, #tpu.memory_space<hbm>>) target_semaphore(%arg12 : memref<!tpu.dma_semaphore, #tpu.memory_space<semaphore_mem>>)
    %dma_start3A_22 = arith.constant 96 : i32
    %dma_start3A_23 = tpu.memref_slice %arg5[%dma_start3A_22] : memref<288xi32, #tpu.memory_space<vmem>> -> memref<48xi32, #tpu.memory_space<vmem>>
    %dma_start3A_24 = arith.constant 0 : i32
    %dma_start3A_25 = arith.constant 0 : i32
    %dma_start3A_26 = tpu.memref_slice %arg2[%dma_start3A_24, %dma_start3A_25] : memref<4096x512xf32, #tpu.memory_space<hbm>> -> memref<4096x512xf32, #tpu.memory_space<hbm>>
    tpu.enqueue_indirect_dma source(%dma_start3A_26 : memref<4096x512xf32, #tpu.memory_space<hbm>>) target(%arg8 : memref<48x512xf32, #tpu.memory_space<vmem>>) offsets(%dma_start3A_23 : memref<48xi32, #tpu.memory_space<vmem>>) semaphore(%arg11 : memref<!tpu.dma_semaphore, #tpu.memory_space<semaphore_mem>>)
    %dma_wait3A_27 = arith.constant 48 : i32
    %dma_wait3A_28 = tpu.memref_slice %arg5[%dma_wait3A_27] : memref<288xi32, #tpu.memory_space<vmem>> -> memref<48xi32, #tpu.memory_space<vmem>>
    %dma_wait3A_29 = arith.constant 0 : i32
    %dma_wait3A_30 = arith.constant 0 : i32
    %dma_wait3A_31 = tpu.memref_slice %arg2[%dma_wait3A_29, %dma_wait3A_30] : memref<4096x512xf32, #tpu.memory_space<hbm>> -> memref<4096x512xf32, #tpu.memory_space<hbm>>
    tpu.wait_indirect_dma semaphore(%arg10 : memref<!tpu.dma_semaphore, #tpu.memory_space<semaphore_mem>>) src(%dma_wait3A_31 : memref<4096x512xf32, #tpu.memory_space<hbm>>) dst(%arg7 : memref<48x512xf32, #tpu.memory_space<vmem>>)
    %add3A_32 = arith.constant 48 : i32
    %add3A_33 = arith.addi %mul3A_2, %add3A_32 : i32
    %dma_start3A_34 = arith.constant 0 : i32
    %dma_start3A_35 = tpu.memref_slice %arg4[%add3A_33, %dma_start3A_34] : memref<9216x512xf32, #tpu.memory_space<hbm>> -> memref<48x512xf32, #tpu.memory_space<hbm>>
    %dma_start3A_36 = arith.constant 0 : i32
    %dma_start3A_37 = tpu.memref_slice %arg4[%add3A_33, %dma_start3A_36] : memref<9216x512xf32, #tpu.memory_space<hbm>> -> memref<48x512xf32, #tpu.memory_space<hbm>>
    tpu.enqueue_dma source(%arg7 : memref<48x512xf32, #tpu.memory_space<vmem>>) target(%dma_start3A_37 : memref<48x512xf32, #tpu.memory_space<hbm>>) target_semaphore(%arg13 : memref<!tpu.dma_semaphore, #tpu.memory_space<semaphore_mem>>)
    %dma_wait3A_38 = arith.constant 0 : i32
    %dma_wait3A_39 = tpu.memref_slice %arg4[%add3A_17, %dma_wait3A_38] : memref<9216x512xf32, #tpu.memory_space<hbm>> -> memref<48x512xf32, #tpu.memory_space<hbm>>
    %dma_wait3A_40 = arith.constant 0 : i32
    %dma_wait3A_41 = tpu.memref_slice %arg4[%add3A_17, %dma_wait3A_40] : memref<9216x512xf32, #tpu.memory_space<hbm>> -> memref<48x512xf32, #tpu.memory_space<hbm>>
    tpu.wait_dma2 semaphore(%arg12 : memref<!tpu.dma_semaphore, #tpu.memory_space<semaphore_mem>>) src(%arg6 : memref<48x512xf32, #tpu.memory_space<vmem>>) dst(%dma_wait3A_41 : memref<48x512xf32, #tpu.memory_space<hbm>>)
    %dma_start3A_42 = arith.constant 144 : i32
    %dma_start3A_43 = tpu.memref_slice %arg5[%dma_start3A_42] : memref<288xi32, #tpu.memory_space<vmem>> -> memref<48xi32, #tpu.memory_space<vmem>>
    %dma_start3A_44 = arith.constant 0 : i32
    %dma_start3A_45 = arith.constant 0 : i32
    %dma_start3A_46 = tpu.memref_slice %arg2[%dma_start3A_44, %dma_start3A_45] : memref<4096x512xf32, #tpu.memory_space<hbm>> -> memref<4096x512xf32, #tpu.memory_space<hbm>>
    tpu.enqueue_indirect_dma source(%dma_start3A_46 : memref<4096x512xf32, #tpu.memory_space<hbm>>) target(%arg6 : memref<48x512xf32, #tpu.memory_space<vmem>>) offsets(%dma_start3A_43 : memref<48xi32, #tpu.memory_space<vmem>>) semaphore(%arg9 : memref<!tpu.dma_semaphore, #tpu.memory_space<semaphore_mem>>)
    %dma_wait3A_47 = arith.constant 96 : i32
    %dma_wait3A_48 = tpu.memref_slice %arg5[%dma_wait3A_47] : memref<288xi32, #tpu.memory_space<vmem>> -> memref<48xi32, #tpu.memory_space<vmem>>
    %dma_wait3A_49 = arith.constant 0 : i32
    %dma_wait3A_50 = arith.constant 0 : i32
    %dma_wait3A_51 = tpu.memref_slice %arg2[%dma_wait3A_49, %dma_wait3A_50] : memref<4096x512xf32, #tpu.memory_space<hbm>> -> memref<4096x512xf32, #tpu.memory_space<hbm>>
    tpu.wait_indirect_dma semaphore(%arg11 : memref<!tpu.dma_semaphore, #tpu.memory_space<semaphore_mem>>) src(%dma_wait3A_51 : memref<4096x512xf32, #tpu.memory_space<hbm>>) dst(%arg8 : memref<48x512xf32, #tpu.memory_space<vmem>>)
    %add3A_52 = arith.constant 96 : i32
    %add3A_53 = arith.addi %mul3A_2, %add3A_52 : i32
    %dma_start3A_54 = arith.constant 0 : i32
    %dma_start3A_55 = tpu.memref_slice %arg4[%add3A_53, %dma_start3A_54] : memref<9216x512xf32, #tpu.memory_space<hbm>> -> memref<48x512xf32, #tpu.memory_space<hbm>>
    %dma_start3A_56 = arith.constant 0 : i32
    %dma_start3A_57 = tpu.memref_slice %arg4[%add3A_53, %dma_start3A_56] : memref<9216x512xf32, #tpu.memory_space<hbm>> -> memref<48x512xf32, #tpu.memory_space<hbm>>
    tpu.enqueue_dma source(%arg8 : memref<48x512xf32, #tpu.memory_space<vmem>>) target(%dma_start3A_57 : memref<48x512xf32, #tpu.memory_space<hbm>>) target_semaphore(%arg14 : memref<!tpu.dma_semaphore, #tpu.memory_space<semaphore_mem>>)
    %dma_wait3A_58 = arith.constant 0 : i32
    %dma_wait3A_59 = tpu.memref_slice %arg4[%add3A_33, %dma_wait3A_58] : memref<9216x512xf32, #tpu.memory_space<hbm>> -> memref<48x512xf32, #tpu.memory_space<hbm>>
    %dma_wait3A_60 = arith.constant 0 : i32
    %dma_wait3A_61 = tpu.memref_slice %arg4[%add3A_33, %dma_wait3A_60] : memref<9216x512xf32, #tpu.memory_space<hbm>> -> memref<48x512xf32, #tpu.memory_space<hbm>>
    tpu.wait_dma2 semaphore(%arg13 : memref<!tpu.dma_semaphore, #tpu.memory_space<semaphore_mem>>) src(%arg7 : memref<48x512xf32, #tpu.memory_space<vmem>>) dst(%dma_wait3A_61 : memref<48x512xf32, #tpu.memory_space<hbm>>)
    %dma_start3A_62 = arith.constant 192 : i32
    %dma_start3A_63 = tpu.memref_slice %arg5[%dma_start3A_62] : memref<288xi32, #tpu.memory_space<vmem>> -> memref<48xi32, #tpu.memory_space<vmem>>
    %dma_start3A_64 = arith.constant 0 : i32
    %dma_start3A_65 = arith.constant 0 : i32
    %dma_start3A_66 = tpu.memref_slice %arg2[%dma_start3A_64, %dma_start3A_65] : memref<4096x512xf32, #tpu.memory_space<hbm>> -> memref<4096x512xf32, #tpu.memory_space<hbm>>
    tpu.enqueue_indirect_dma source(%dma_start3A_66 : memref<4096x512xf32, #tpu.memory_space<hbm>>) target(%arg7 : memref<48x512xf32, #tpu.memory_space<vmem>>) offsets(%dma_start3A_63 : memref<48xi32, #tpu.memory_space<vmem>>) semaphore(%arg10 : memref<!tpu.dma_semaphore, #tpu.memory_space<semaphore_mem>>)
    %dma_wait3A_67 = arith.constant 144 : i32
    %dma_wait3A_68 = tpu.memref_slice %arg5[%dma_wait3A_67] : memref<288xi32, #tpu.memory_space<vmem>> -> memref<48xi32, #tpu.memory_space<vmem>>
    %dma_wait3A_69 = arith.constant 0 : i32
    %dma_wait3A_70 = arith.constant 0 : i32
    %dma_wait3A_71 = tpu.memref_slice %arg2[%dma_wait3A_69, %dma_wait3A_70] : memref<4096x512xf32, #tpu.memory_space<hbm>> -> memref<4096x512xf32, #tpu.memory_space<hbm>>
    tpu.wait_indirect_dma semaphore(%arg9 : memref<!tpu.dma_semaphore, #tpu.memory_space<semaphore_mem>>) src(%dma_wait3A_71 : memref<4096x512xf32, #tpu.memory_space<hbm>>) dst(%arg6 : memref<48x512xf32, #tpu.memory_space<vmem>>)
    %add3A_72 = arith.constant 144 : i32
    %add3A_73 = arith.addi %mul3A_2, %add3A_72 : i32
    %dma_start3A_74 = arith.constant 0 : i32
    %dma_start3A_75 = tpu.memref_slice %arg4[%add3A_73, %dma_start3A_74] : memref<9216x512xf32, #tpu.memory_space<hbm>> -> memref<48x512xf32, #tpu.memory_space<hbm>>
    %dma_start3A_76 = arith.constant 0 : i32
    %dma_start3A_77 = tpu.memref_slice %arg4[%add3A_73, %dma_start3A_76] : memref<9216x512xf32, #tpu.memory_space<hbm>> -> memref<48x512xf32, #tpu.memory_space<hbm>>
    tpu.enqueue_dma source(%arg6 : memref<48x512xf32, #tpu.memory_space<vmem>>) target(%dma_start3A_77 : memref<48x512xf32, #tpu.memory_space<hbm>>) target_semaphore(%arg12 : memref<!tpu.dma_semaphore, #tpu.memory_space<semaphore_mem>>)
    %dma_wait3A_78 = arith.constant 0 : i32
    %dma_wait3A_79 = tpu.memref_slice %arg4[%add3A_53, %dma_wait3A_78] : memref<9216x512xf32, #tpu.memory_space<hbm>> -> memref<48x512xf32, #tpu.memory_space<hbm>>
    %dma_wait3A_80 = arith.constant 0 : i32
    %dma_wait3A_81 = tpu.memref_slice %arg4[%add3A_53, %dma_wait3A_80] : memref<9216x512xf32, #tpu.memory_space<hbm>> -> memref<48x512xf32, #tpu.memory_space<hbm>>
    tpu.wait_dma2 semaphore(%arg14 : memref<!tpu.dma_semaphore, #tpu.memory_space<semaphore_mem>>) src(%arg8 : memref<48x512xf32, #tpu.memory_space<vmem>>) dst(%dma_wait3A_81 : memref<48x512xf32, #tpu.memory_space<hbm>>)
    %dma_start3A_82 = arith.constant 240 : i32
    %dma_start3A_83 = tpu.memref_slice %arg5[%dma_start3A_82] : memref<288xi32, #tpu.memory_space<vmem>> -> memref<48xi32, #tpu.memory_space<vmem>>
    %dma_start3A_84 = arith.constant 0 : i32
    %dma_start3A_85 = arith.constant 0 : i32
    %dma_start3A_86 = tpu.memref_slice %arg2[%dma_start3A_84, %dma_start3A_85] : memref<4096x512xf32, #tpu.memory_space<hbm>> -> memref<4096x512xf32, #tpu.memory_space<hbm>>
    tpu.enqueue_indirect_dma source(%dma_start3A_86 : memref<4096x512xf32, #tpu.memory_space<hbm>>) target(%arg8 : memref<48x512xf32, #tpu.memory_space<vmem>>) offsets(%dma_start3A_83 : memref<48xi32, #tpu.memory_space<vmem>>) semaphore(%arg11 : memref<!tpu.dma_semaphore, #tpu.memory_space<semaphore_mem>>)
    %dma_wait3A_87 = arith.constant 192 : i32
    %dma_wait3A_88 = tpu.memref_slice %arg5[%dma_wait3A_87] : memref<288xi32, #tpu.memory_space<vmem>> -> memref<48xi32, #tpu.memory_space<vmem>>
    %dma_wait3A_89 = arith.constant 0 : i32
    %dma_wait3A_90 = arith.constant 0 : i32
    %dma_wait3A_91 = tpu.memref_slice %arg2[%dma_wait3A_89, %dma_wait3A_90] : memref<4096x512xf32, #tpu.memory_space<hbm>> -> memref<4096x512xf32, #tpu.memory_space<hbm>>
    tpu.wait_indirect_dma semaphore(%arg10 : memref<!tpu.dma_semaphore, #tpu.memory_space<semaphore_mem>>) src(%dma_wait3A_91 : memref<4096x512xf32, #tpu.memory_space<hbm>>) dst(%arg7 : memref<48x512xf32, #tpu.memory_space<vmem>>)
    %add3A_92 = arith.constant 192 : i32
    %add3A_93 = arith.addi %mul3A_2, %add3A_92 : i32
    %dma_start3A_94 = arith.constant 0 : i32
    %dma_start3A_95 = tpu.memref_slice %arg4[%add3A_93, %dma_start3A_94] : memref<9216x512xf32, #tpu.memory_space<hbm>> -> memref<48x512xf32, #tpu.memory_space<hbm>>
    %dma_start3A_96 = arith.constant 0 : i32
    %dma_start3A_97 = tpu.memref_slice %arg4[%add3A_93, %dma_start3A_96] : memref<9216x512xf32, #tpu.memory_space<hbm>> -> memref<48x512xf32, #tpu.memory_space<hbm>>
    tpu.enqueue_dma source(%arg7 : memref<48x512xf32, #tpu.memory_space<vmem>>) target(%dma_start3A_97 : memref<48x512xf32, #tpu.memory_space<hbm>>) target_semaphore(%arg13 : memref<!tpu.dma_semaphore, #tpu.memory_space<semaphore_mem>>)
    %dma_wait3A_98 = arith.constant 240 : i32
    %dma_wait3A_99 = tpu.memref_slice %arg5[%dma_wait3A_98] : memref<288xi32, #tpu.memory_space<vmem>> -> memref<48xi32, #tpu.memory_space<vmem>>
    %dma_wait3A_100 = arith.constant 0 : i32
    %dma_wait3A_101 = arith.constant 0 : i32
    %dma_wait3A_102 = tpu.memref_slice %arg2[%dma_wait3A_100, %dma_wait3A_101] : memref<4096x512xf32, #tpu.memory_space<hbm>> -> memref<4096x512xf32, #tpu.memory_space<hbm>>
    tpu.wait_indirect_dma semaphore(%arg11 : memref<!tpu.dma_semaphore, #tpu.memory_space<semaphore_mem>>) src(%dma_wait3A_102 : memref<4096x512xf32, #tpu.memory_space<hbm>>) dst(%arg8 : memref<48x512xf32, #tpu.memory_space<vmem>>)
    %add3A_103 = arith.constant 240 : i32
    %add3A_104 = arith.addi %mul3A_2, %add3A_103 : i32
    %dma_start3A_105 = arith.constant 0 : i32
    %dma_start3A_106 = tpu.memref_slice %arg4[%add3A_104, %dma_start3A_105] : memref<9216x512xf32, #tpu.memory_space<hbm>> -> memref<48x512xf32, #tpu.memory_space<hbm>>
    %dma_start3A_107 = arith.constant 0 : i32
    %dma_start3A_108 = tpu.memref_slice %arg4[%add3A_104, %dma_start3A_107] : memref<9216x512xf32, #tpu.memory_space<hbm>> -> memref<48x512xf32, #tpu.memory_space<hbm>>
    tpu.enqueue_dma source(%arg8 : memref<48x512xf32, #tpu.memory_space<vmem>>) target(%dma_start3A_108 : memref<48x512xf32, #tpu.memory_space<hbm>>) target_semaphore(%arg14 : memref<!tpu.dma_semaphore, #tpu.memory_space<semaphore_mem>>)
    %dma_wait3A_109 = arith.constant 0 : i32
    %dma_wait3A_110 = tpu.memref_slice %arg4[%add3A_73, %dma_wait3A_109] : memref<9216x512xf32, #tpu.memory_space<hbm>> -> memref<48x512xf32, #tpu.memory_space<hbm>>
    %dma_wait3A_111 = arith.constant 0 : i32
    %dma_wait3A_112 = tpu.memref_slice %arg4[%add3A_73, %dma_wait3A_111] : memref<9216x512xf32, #tpu.memory_space<hbm>> -> memref<48x512xf32, #tpu.memory_space<hbm>>
    tpu.wait_dma2 semaphore(%arg12 : memref<!tpu.dma_semaphore, #tpu.memory_space<semaphore_mem>>) src(%arg6 : memref<48x512xf32, #tpu.memory_space<vmem>>) dst(%dma_wait3A_112 : memref<48x512xf32, #tpu.memory_space<hbm>>)
    %dma_wait3A_113 = arith.constant 0 : i32
    %dma_wait3A_114 = tpu.memref_slice %arg4[%add3A_93, %dma_wait3A_113] : memref<9216x512xf32, #tpu.memory_space<hbm>> -> memref<48x512xf32, #tpu.memory_space<hbm>>
    %dma_wait3A_115 = arith.constant 0 : i32
    %dma_wait3A_116 = tpu.memref_slice %arg4[%add3A_93, %dma_wait3A_115] : memref<9216x512xf32, #tpu.memory_space<hbm>> -> memref<48x512xf32, #tpu.memory_space<hbm>>
    tpu.wait_dma2 semaphore(%arg13 : memref<!tpu.dma_semaphore, #tpu.memory_space<semaphore_mem>>) src(%arg7 : memref<48x512xf32, #tpu.memory_space<vmem>>) dst(%dma_wait3A_116 : memref<48x512xf32, #tpu.memory_space<hbm>>)
    %dma_wait3A_117 = arith.constant 0 : i32
    %dma_wait3A_118 = tpu.memref_slice %arg4[%add3A_104, %dma_wait3A_117] : memref<9216x512xf32, #tpu.memory_space<hbm>> -> memref<48x512xf32, #tpu.memory_space<hbm>>
    %dma_wait3A_119 = arith.constant 0 : i32
    %dma_wait3A_120 = tpu.memref_slice %arg4[%add3A_104, %dma_wait3A_119] : memref<9216x512xf32, #tpu.memory_space<hbm>> -> memref<48x512xf32, #tpu.memory_space<hbm>>
    tpu.wait_dma2 semaphore(%arg14 : memref<!tpu.dma_semaphore, #tpu.memory_space<semaphore_mem>>) src(%arg8 : memref<48x512xf32, #tpu.memory_space<vmem>>) dst(%dma_wait3A_120 : memref<48x512xf32, #tpu.memory_space<hbm>>)
    return
  }
}

#map = affine_map<(d0, d1) -> (0, 0)>
#map1 = affine_map<(d0, d1) -> (0)>
module attributes {stable_mosaic.version = 14 : i64} {
  func.func @_sc_gather_body(%arg0: i32, %arg1: i32, %arg2: memref<4096x512xf32, #tpu.memory_space<hbm>>, %arg3: memref<6144xi32, #tpu.memory_space<hbm>>, %arg4: memref<6144x512xf32, #tpu.memory_space<hbm>>, %arg5: memref<192xi32, #tpu.memory_space<vmem>>, %arg6: memref<64x512xf32, #tpu.memory_space<vmem>>, %arg7: memref<64x512xf32, #tpu.memory_space<vmem>>, %arg8: memref<64x512xf32, #tpu.memory_space<vmem>>, %arg9: memref<!tpu.dma_semaphore, #tpu.memory_space<semaphore_mem>>, %arg10: memref<!tpu.dma_semaphore, #tpu.memory_space<semaphore_mem>>, %arg11: memref<!tpu.dma_semaphore, #tpu.memory_space<semaphore_mem>>, %arg12: memref<!tpu.dma_semaphore, #tpu.memory_space<semaphore_mem>>, %arg13: memref<!tpu.dma_semaphore, #tpu.memory_space<semaphore_mem>>, %arg14: memref<!tpu.dma_semaphore, #tpu.memory_space<semaphore_mem>>) attributes {dimension_semantics = [#tpu.dimension_semantics<core_parallel>, #tpu.dimension_semantics<subcore_parallel>], iteration_bounds = array<i64: 2, 16>, scalar_prefetch = 0 : i64, scratch_operands = 10 : i64, tpu.core_type = #tpu.core_type<sc_vector_subcore>, window_params = [{transform_indices = #map}, {transform_indices = #map1}, {transform_indices = #map}]} {
    %mul3A = arith.constant 2 : i32
    %mul3A_0 = arith.muli %arg1, %mul3A : i32
    %add3A = arith.addi %mul3A_0, %arg0 : i32
    %mul3A_1 = arith.constant 192 : i32
    %mul3A_2 = arith.muli %add3A, %mul3A_1 : i32
    "tpu.region"() ({
      %run_scoped3A = tpu.sem_alloc : memref<!tpu.dma_semaphore, #tpu.memory_space<semaphore_mem>>
      %dma_start3A_61 = tpu.memref_slice %arg3[%mul3A_2] : memref<6144xi32, #tpu.memory_space<hbm>> -> memref<192xi32, #tpu.memory_space<hbm>>
      %dma_start3A_62 = tpu.memref_slice %arg3[%mul3A_2] : memref<6144xi32, #tpu.memory_space<hbm>> -> memref<192xi32, #tpu.memory_space<hbm>>
      tpu.enqueue_dma source(%dma_start3A_62 : memref<192xi32, #tpu.memory_space<hbm>>) target(%arg5 : memref<192xi32, #tpu.memory_space<vmem>>) target_semaphore(%run_scoped3A : memref<!tpu.dma_semaphore, #tpu.memory_space<semaphore_mem>>)
      %dma_wait3A_63 = tpu.memref_slice %arg3[%mul3A_2] : memref<6144xi32, #tpu.memory_space<hbm>> -> memref<192xi32, #tpu.memory_space<hbm>>
      %dma_wait3A_64 = tpu.memref_slice %arg3[%mul3A_2] : memref<6144xi32, #tpu.memory_space<hbm>> -> memref<192xi32, #tpu.memory_space<hbm>>
      tpu.wait_dma2 semaphore(%run_scoped3A : memref<!tpu.dma_semaphore, #tpu.memory_space<semaphore_mem>>) src(%dma_wait3A_64 : memref<192xi32, #tpu.memory_space<hbm>>) dst(%arg5 : memref<192xi32, #tpu.memory_space<vmem>>)
      tpu.yield
    }) : () -> ()
    %dma_start3A = arith.constant 0 : i32
    %dma_start3A_3 = tpu.memref_slice %arg5[%dma_start3A] : memref<192xi32, #tpu.memory_space<vmem>> -> memref<64xi32, #tpu.memory_space<vmem>>
    %dma_start3A_4 = arith.constant 0 : i32
    %dma_start3A_5 = arith.constant 0 : i32
    %dma_start3A_6 = tpu.memref_slice %arg2[%dma_start3A_4, %dma_start3A_5] : memref<4096x512xf32, #tpu.memory_space<hbm>> -> memref<4096x512xf32, #tpu.memory_space<hbm>>
    tpu.enqueue_indirect_dma source(%dma_start3A_6 : memref<4096x512xf32, #tpu.memory_space<hbm>>) target(%arg6 : memref<64x512xf32, #tpu.memory_space<vmem>>) offsets(%dma_start3A_3 : memref<64xi32, #tpu.memory_space<vmem>>) semaphore(%arg9 : memref<!tpu.dma_semaphore, #tpu.memory_space<semaphore_mem>>)
    %dma_start3A_7 = arith.constant 64 : i32
    %dma_start3A_8 = tpu.memref_slice %arg5[%dma_start3A_7] : memref<192xi32, #tpu.memory_space<vmem>> -> memref<64xi32, #tpu.memory_space<vmem>>
    %dma_start3A_9 = arith.constant 0 : i32
    %dma_start3A_10 = arith.constant 0 : i32
    %dma_start3A_11 = tpu.memref_slice %arg2[%dma_start3A_9, %dma_start3A_10] : memref<4096x512xf32, #tpu.memory_space<hbm>> -> memref<4096x512xf32, #tpu.memory_space<hbm>>
    tpu.enqueue_indirect_dma source(%dma_start3A_11 : memref<4096x512xf32, #tpu.memory_space<hbm>>) target(%arg7 : memref<64x512xf32, #tpu.memory_space<vmem>>) offsets(%dma_start3A_8 : memref<64xi32, #tpu.memory_space<vmem>>) semaphore(%arg10 : memref<!tpu.dma_semaphore, #tpu.memory_space<semaphore_mem>>)
    %dma_wait3A = arith.constant 0 : i32
    %dma_wait3A_12 = tpu.memref_slice %arg5[%dma_wait3A] : memref<192xi32, #tpu.memory_space<vmem>> -> memref<64xi32, #tpu.memory_space<vmem>>
    %dma_wait3A_13 = arith.constant 0 : i32
    %dma_wait3A_14 = arith.constant 0 : i32
    %dma_wait3A_15 = tpu.memref_slice %arg2[%dma_wait3A_13, %dma_wait3A_14] : memref<4096x512xf32, #tpu.memory_space<hbm>> -> memref<4096x512xf32, #tpu.memory_space<hbm>>
    tpu.wait_indirect_dma semaphore(%arg9 : memref<!tpu.dma_semaphore, #tpu.memory_space<semaphore_mem>>) src(%dma_wait3A_15 : memref<4096x512xf32, #tpu.memory_space<hbm>>) dst(%arg6 : memref<64x512xf32, #tpu.memory_space<vmem>>)
    %add3A_16 = arith.constant 0 : i32
    %add3A_17 = arith.addi %mul3A_2, %add3A_16 : i32
    %dma_start3A_18 = arith.constant 0 : i32
    %dma_start3A_19 = tpu.memref_slice %arg4[%add3A_17, %dma_start3A_18] : memref<6144x512xf32, #tpu.memory_space<hbm>> -> memref<64x512xf32, #tpu.memory_space<hbm>>
    %dma_start3A_20 = arith.constant 0 : i32
    %dma_start3A_21 = tpu.memref_slice %arg4[%add3A_17, %dma_start3A_20] : memref<6144x512xf32, #tpu.memory_space<hbm>> -> memref<64x512xf32, #tpu.memory_space<hbm>>
    tpu.enqueue_dma source(%arg6 : memref<64x512xf32, #tpu.memory_space<vmem>>) target(%dma_start3A_21 : memref<64x512xf32, #tpu.memory_space<hbm>>) target_semaphore(%arg12 : memref<!tpu.dma_semaphore, #tpu.memory_space<semaphore_mem>>)
    %dma_start3A_22 = arith.constant 128 : i32
    %dma_start3A_23 = tpu.memref_slice %arg5[%dma_start3A_22] : memref<192xi32, #tpu.memory_space<vmem>> -> memref<64xi32, #tpu.memory_space<vmem>>
    %dma_start3A_24 = arith.constant 0 : i32
    %dma_start3A_25 = arith.constant 0 : i32
    %dma_start3A_26 = tpu.memref_slice %arg2[%dma_start3A_24, %dma_start3A_25] : memref<4096x512xf32, #tpu.memory_space<hbm>> -> memref<4096x512xf32, #tpu.memory_space<hbm>>
    tpu.enqueue_indirect_dma source(%dma_start3A_26 : memref<4096x512xf32, #tpu.memory_space<hbm>>) target(%arg8 : memref<64x512xf32, #tpu.memory_space<vmem>>) offsets(%dma_start3A_23 : memref<64xi32, #tpu.memory_space<vmem>>) semaphore(%arg11 : memref<!tpu.dma_semaphore, #tpu.memory_space<semaphore_mem>>)
    %dma_wait3A_27 = arith.constant 64 : i32
    %dma_wait3A_28 = tpu.memref_slice %arg5[%dma_wait3A_27] : memref<192xi32, #tpu.memory_space<vmem>> -> memref<64xi32, #tpu.memory_space<vmem>>
    %dma_wait3A_29 = arith.constant 0 : i32
    %dma_wait3A_30 = arith.constant 0 : i32
    %dma_wait3A_31 = tpu.memref_slice %arg2[%dma_wait3A_29, %dma_wait3A_30] : memref<4096x512xf32, #tpu.memory_space<hbm>> -> memref<4096x512xf32, #tpu.memory_space<hbm>>
    tpu.wait_indirect_dma semaphore(%arg10 : memref<!tpu.dma_semaphore, #tpu.memory_space<semaphore_mem>>) src(%dma_wait3A_31 : memref<4096x512xf32, #tpu.memory_space<hbm>>) dst(%arg7 : memref<64x512xf32, #tpu.memory_space<vmem>>)
    %add3A_32 = arith.constant 64 : i32
    %add3A_33 = arith.addi %mul3A_2, %add3A_32 : i32
    %dma_start3A_34 = arith.constant 0 : i32
    %dma_start3A_35 = tpu.memref_slice %arg4[%add3A_33, %dma_start3A_34] : memref<6144x512xf32, #tpu.memory_space<hbm>> -> memref<64x512xf32, #tpu.memory_space<hbm>>
    %dma_start3A_36 = arith.constant 0 : i32
    %dma_start3A_37 = tpu.memref_slice %arg4[%add3A_33, %dma_start3A_36] : memref<6144x512xf32, #tpu.memory_space<hbm>> -> memref<64x512xf32, #tpu.memory_space<hbm>>
    tpu.enqueue_dma source(%arg7 : memref<64x512xf32, #tpu.memory_space<vmem>>) target(%dma_start3A_37 : memref<64x512xf32, #tpu.memory_space<hbm>>) target_semaphore(%arg13 : memref<!tpu.dma_semaphore, #tpu.memory_space<semaphore_mem>>)
    %dma_wait3A_38 = arith.constant 128 : i32
    %dma_wait3A_39 = tpu.memref_slice %arg5[%dma_wait3A_38] : memref<192xi32, #tpu.memory_space<vmem>> -> memref<64xi32, #tpu.memory_space<vmem>>
    %dma_wait3A_40 = arith.constant 0 : i32
    %dma_wait3A_41 = arith.constant 0 : i32
    %dma_wait3A_42 = tpu.memref_slice %arg2[%dma_wait3A_40, %dma_wait3A_41] : memref<4096x512xf32, #tpu.memory_space<hbm>> -> memref<4096x512xf32, #tpu.memory_space<hbm>>
    tpu.wait_indirect_dma semaphore(%arg11 : memref<!tpu.dma_semaphore, #tpu.memory_space<semaphore_mem>>) src(%dma_wait3A_42 : memref<4096x512xf32, #tpu.memory_space<hbm>>) dst(%arg8 : memref<64x512xf32, #tpu.memory_space<vmem>>)
    %add3A_43 = arith.constant 128 : i32
    %add3A_44 = arith.addi %mul3A_2, %add3A_43 : i32
    %dma_start3A_45 = arith.constant 0 : i32
    %dma_start3A_46 = tpu.memref_slice %arg4[%add3A_44, %dma_start3A_45] : memref<6144x512xf32, #tpu.memory_space<hbm>> -> memref<64x512xf32, #tpu.memory_space<hbm>>
    %dma_start3A_47 = arith.constant 0 : i32
    %dma_start3A_48 = tpu.memref_slice %arg4[%add3A_44, %dma_start3A_47] : memref<6144x512xf32, #tpu.memory_space<hbm>> -> memref<64x512xf32, #tpu.memory_space<hbm>>
    tpu.enqueue_dma source(%arg8 : memref<64x512xf32, #tpu.memory_space<vmem>>) target(%dma_start3A_48 : memref<64x512xf32, #tpu.memory_space<hbm>>) target_semaphore(%arg14 : memref<!tpu.dma_semaphore, #tpu.memory_space<semaphore_mem>>)
    %dma_wait3A_49 = arith.constant 0 : i32
    %dma_wait3A_50 = tpu.memref_slice %arg4[%add3A_17, %dma_wait3A_49] : memref<6144x512xf32, #tpu.memory_space<hbm>> -> memref<64x512xf32, #tpu.memory_space<hbm>>
    %dma_wait3A_51 = arith.constant 0 : i32
    %dma_wait3A_52 = tpu.memref_slice %arg4[%add3A_17, %dma_wait3A_51] : memref<6144x512xf32, #tpu.memory_space<hbm>> -> memref<64x512xf32, #tpu.memory_space<hbm>>
    tpu.wait_dma2 semaphore(%arg12 : memref<!tpu.dma_semaphore, #tpu.memory_space<semaphore_mem>>) src(%arg6 : memref<64x512xf32, #tpu.memory_space<vmem>>) dst(%dma_wait3A_52 : memref<64x512xf32, #tpu.memory_space<hbm>>)
    %dma_wait3A_53 = arith.constant 0 : i32
    %dma_wait3A_54 = tpu.memref_slice %arg4[%add3A_33, %dma_wait3A_53] : memref<6144x512xf32, #tpu.memory_space<hbm>> -> memref<64x512xf32, #tpu.memory_space<hbm>>
    %dma_wait3A_55 = arith.constant 0 : i32
    %dma_wait3A_56 = tpu.memref_slice %arg4[%add3A_33, %dma_wait3A_55] : memref<6144x512xf32, #tpu.memory_space<hbm>> -> memref<64x512xf32, #tpu.memory_space<hbm>>
    tpu.wait_dma2 semaphore(%arg13 : memref<!tpu.dma_semaphore, #tpu.memory_space<semaphore_mem>>) src(%arg7 : memref<64x512xf32, #tpu.memory_space<vmem>>) dst(%dma_wait3A_56 : memref<64x512xf32, #tpu.memory_space<hbm>>)
    %dma_wait3A_57 = arith.constant 0 : i32
    %dma_wait3A_58 = tpu.memref_slice %arg4[%add3A_44, %dma_wait3A_57] : memref<6144x512xf32, #tpu.memory_space<hbm>> -> memref<64x512xf32, #tpu.memory_space<hbm>>
    %dma_wait3A_59 = arith.constant 0 : i32
    %dma_wait3A_60 = tpu.memref_slice %arg4[%add3A_44, %dma_wait3A_59] : memref<6144x512xf32, #tpu.memory_space<hbm>> -> memref<64x512xf32, #tpu.memory_space<hbm>>
    tpu.wait_dma2 semaphore(%arg14 : memref<!tpu.dma_semaphore, #tpu.memory_space<semaphore_mem>>) src(%arg8 : memref<64x512xf32, #tpu.memory_space<vmem>>) dst(%dma_wait3A_60 : memref<64x512xf32, #tpu.memory_space<hbm>>)
    return
  }
}

module attributes {stable_mosaic.version = 14 : i64} {
  func.func @_topk_body(%arg0: i32, %arg1: memref<256x512xf32, #tpu.memory_space<vmem>>, %arg2: memref<4096x512xf32, #tpu.memory_space<vmem>>, %arg3: memref<256x8xf32, #tpu.memory_space<vmem>>, %arg4: memref<256x8xi32, #tpu.memory_space<vmem>>) attributes {dimension_semantics = [#tpu.dimension_semantics<arbitrary>], iteration_bounds = array<i64: 2>, scalar_prefetch = 0 : i64, scratch_operands = 0 : i64, tpu.core_type = #tpu.core_type<tc>, window_params = [{transform_indices = @transform_0, window_bounds = array<i64: 256, 512>}, {pipeline_mode = #tpu.pipeline_mode<synchronous>, transform_indices = @transform_1, window_bounds = array<i64: 4096, 512>}, {transform_indices = @transform_2, window_bounds = array<i64: 256, 8>}, {transform_indices = @transform_3, window_bounds = array<i64: 256, 8>}]} {
    %get3A = arith.constant 0 : index
    %get3A_0 = arith.constant 0 : index
    %get3A_1 = vector.load %arg1[%get3A, %get3A_0] : memref<256x512xf32, #tpu.memory_space<vmem>>, vector<256x512xf32>
    %mul3A = arith.constant 0.0441941731 : f32
    %mul3A_2 = vector.broadcast %mul3A : f32 to vector<256x512xf32>
    %mul3A_3 = arith.mulf %get3A_1, %mul3A_2 : vector<256x512xf32>
    %get3A_4 = arith.constant 0 : index
    %get3A_5 = arith.constant 0 : index
    %get3A_6 = vector.load %arg2[%get3A_4, %get3A_5] : memref<4096x512xf32, #tpu.memory_space<vmem>>, vector<4096x512xf32>
    %dot_general3A = arith.constant dense<0.000000e+00> : vector<256x4096xf32>
    %dot_general3A_7 = tpu.matmul %mul3A_3, %get3A_6, %dot_general3A {dimension_numbers = #tpu.dot_dimension_numbers<[1], [1], [0], [0], [0, 0, 1, 0], [], []>, transpose_lhs_hint = false} : vector<256x512xf32>, vector<4096x512xf32>, vector<256x4096xf32> -> vector<256x4096xf32>
    %iota3A = tpu.iota {dimensions = array<i32: 1>} : vector<256x4096xi32>
    %reduce_max3A = arith.constant dense<0xFF800000> : vector<256xf32>
    %reduce_max3A_8 = vector.multi_reduction <maximumf>, %dot_general3A_7, %reduce_max3A [1] : vector<256x4096xf32> to vector<256xf32>
    %broadcast_in_dim3A = vector.shape_cast %reduce_max3A_8 : vector<256xf32> to vector<256x1xf32>
    %eq3A = vector.broadcast %broadcast_in_dim3A : vector<256x1xf32> to vector<256x4096xf32>
    %eq3A_9 = arith.cmpf oeq, %dot_general3A_7, %eq3A : vector<256x4096xf32>
    %jit3A = arith.constant 1073741824 : i32
    %broadcast_in_dim3A_10 = vector.broadcast %jit3A : i32 to vector<256x4096xi32>
    %select_n3A = arith.select %eq3A_9, %iota3A, %broadcast_in_dim3A_10 : vector<256x4096xi1>, vector<256x4096xi32>
    %reduce_min3A = arith.constant dense<2147483647> : vector<256xi32>
    %reduce_min3A_11 = vector.multi_reduction <minsi>, %select_n3A, %reduce_min3A [1] : vector<256x4096xi32> to vector<256xi32>
    %broadcast_in_dim3A_12 = vector.shape_cast %reduce_min3A_11 : vector<256xi32> to vector<256x1xi32>
    %jit3A_13 = arith.constant -1.000000e+30 : f32
    %broadcast_in_dim3A_14 = vector.broadcast %jit3A_13 : f32 to vector<256x4096xf32>
    %select_n3A_15 = arith.select %eq3A_9, %broadcast_in_dim3A_14, %dot_general3A_7 : vector<256x4096xi1>, vector<256x4096xf32>
    %reduce_max3A_16 = arith.constant dense<0xFF800000> : vector<256xf32>
    %reduce_max3A_17 = vector.multi_reduction <maximumf>, %select_n3A_15, %reduce_max3A_16 [1] : vector<256x4096xf32> to vector<256xf32>
    %broadcast_in_dim3A_18 = vector.shape_cast %reduce_max3A_17 : vector<256xf32> to vector<256x1xf32>
    %eq3A_19 = vector.broadcast %broadcast_in_dim3A_18 : vector<256x1xf32> to vector<256x4096xf32>
    %eq3A_20 = arith.cmpf oeq, %select_n3A_15, %eq3A_19 : vector<256x4096xf32>
    %jit3A_21 = arith.constant 1073741824 : i32
    %broadcast_in_dim3A_22 = vector.broadcast %jit3A_21 : i32 to vector<256x4096xi32>
    %select_n3A_23 = arith.select %eq3A_20, %iota3A, %broadcast_in_dim3A_22 : vector<256x4096xi1>, vector<256x4096xi32>
    %reduce_min3A_24 = arith.constant dense<2147483647> : vector<256xi32>
    %reduce_min3A_25 = vector.multi_reduction <minsi>, %select_n3A_23, %reduce_min3A_24 [1] : vector<256x4096xi32> to vector<256xi32>
    %broadcast_in_dim3A_26 = vector.shape_cast %reduce_min3A_25 : vector<256xi32> to vector<256x1xi32>
    %jit3A_27 = arith.constant -1.000000e+30 : f32
    %broadcast_in_dim3A_28 = vector.broadcast %jit3A_27 : f32 to vector<256x4096xf32>
    %select_n3A_29 = arith.select %eq3A_20, %broadcast_in_dim3A_28, %select_n3A_15 : vector<256x4096xi1>, vector<256x4096xf32>
    %reduce_max3A_30 = arith.constant dense<0xFF800000> : vector<256xf32>
    %reduce_max3A_31 = vector.multi_reduction <maximumf>, %select_n3A_29, %reduce_max3A_30 [1] : vector<256x4096xf32> to vector<256xf32>
    %broadcast_in_dim3A_32 = vector.shape_cast %reduce_max3A_31 : vector<256xf32> to vector<256x1xf32>
    %eq3A_33 = vector.broadcast %broadcast_in_dim3A_32 : vector<256x1xf32> to vector<256x4096xf32>
    %eq3A_34 = arith.cmpf oeq, %select_n3A_29, %eq3A_33 : vector<256x4096xf32>
    %jit3A_35 = arith.constant 1073741824 : i32
    %broadcast_in_dim3A_36 = vector.broadcast %jit3A_35 : i32 to vector<256x4096xi32>
    %select_n3A_37 = arith.select %eq3A_34, %iota3A, %broadcast_in_dim3A_36 : vector<256x4096xi1>, vector<256x4096xi32>
    %reduce_min3A_38 = arith.constant dense<2147483647> : vector<256xi32>
    %reduce_min3A_39 = vector.multi_reduction <minsi>, %select_n3A_37, %reduce_min3A_38 [1] : vector<256x4096xi32> to vector<256xi32>
    %broadcast_in_dim3A_40 = vector.shape_cast %reduce_min3A_39 : vector<256xi32> to vector<256x1xi32>
    %jit3A_41 = arith.constant -1.000000e+30 : f32
    %broadcast_in_dim3A_42 = vector.broadcast %jit3A_41 : f32 to vector<256x4096xf32>
    %select_n3A_43 = arith.select %eq3A_34, %broadcast_in_dim3A_42, %select_n3A_29 : vector<256x4096xi1>, vector<256x4096xf32>
    %reduce_max3A_44 = arith.constant dense<0xFF800000> : vector<256xf32>
    %reduce_max3A_45 = vector.multi_reduction <maximumf>, %select_n3A_43, %reduce_max3A_44 [1] : vector<256x4096xf32> to vector<256xf32>
    %broadcast_in_dim3A_46 = vector.shape_cast %reduce_max3A_45 : vector<256xf32> to vector<256x1xf32>
    %eq3A_47 = vector.broadcast %broadcast_in_dim3A_46 : vector<256x1xf32> to vector<256x4096xf32>
    %eq3A_48 = arith.cmpf oeq, %select_n3A_43, %eq3A_47 : vector<256x4096xf32>
    %jit3A_49 = arith.constant 1073741824 : i32
    %broadcast_in_dim3A_50 = vector.broadcast %jit3A_49 : i32 to vector<256x4096xi32>
    %select_n3A_51 = arith.select %eq3A_48, %iota3A, %broadcast_in_dim3A_50 : vector<256x4096xi1>, vector<256x4096xi32>
    %reduce_min3A_52 = arith.constant dense<2147483647> : vector<256xi32>
    %reduce_min3A_53 = vector.multi_reduction <minsi>, %select_n3A_51, %reduce_min3A_52 [1] : vector<256x4096xi32> to vector<256xi32>
    %broadcast_in_dim3A_54 = vector.shape_cast %reduce_min3A_53 : vector<256xi32> to vector<256x1xi32>
    %jit3A_55 = arith.constant -1.000000e+30 : f32
    %broadcast_in_dim3A_56 = vector.broadcast %jit3A_55 : f32 to vector<256x4096xf32>
    %select_n3A_57 = arith.select %eq3A_48, %broadcast_in_dim3A_56, %select_n3A_43 : vector<256x4096xi1>, vector<256x4096xf32>
    %reduce_max3A_58 = arith.constant dense<0xFF800000> : vector<256xf32>
    %reduce_max3A_59 = vector.multi_reduction <maximumf>, %select_n3A_57, %reduce_max3A_58 [1] : vector<256x4096xf32> to vector<256xf32>
    %broadcast_in_dim3A_60 = vector.shape_cast %reduce_max3A_59 : vector<256xf32> to vector<256x1xf32>
    %eq3A_61 = vector.broadcast %broadcast_in_dim3A_60 : vector<256x1xf32> to vector<256x4096xf32>
    %eq3A_62 = arith.cmpf oeq, %select_n3A_57, %eq3A_61 : vector<256x4096xf32>
    %jit3A_63 = arith.constant 1073741824 : i32
    %broadcast_in_dim3A_64 = vector.broadcast %jit3A_63 : i32 to vector<256x4096xi32>
    %select_n3A_65 = arith.select %eq3A_62, %iota3A, %broadcast_in_dim3A_64 : vector<256x4096xi1>, vector<256x4096xi32>
    %reduce_min3A_66 = arith.constant dense<2147483647> : vector<256xi32>
    %reduce_min3A_67 = vector.multi_reduction <minsi>, %select_n3A_65, %reduce_min3A_66 [1] : vector<256x4096xi32> to vector<256xi32>
    %broadcast_in_dim3A_68 = vector.shape_cast %reduce_min3A_67 : vector<256xi32> to vector<256x1xi32>
    %jit3A_69 = arith.constant -1.000000e+30 : f32
    %broadcast_in_dim3A_70 = vector.broadcast %jit3A_69 : f32 to vector<256x4096xf32>
    %select_n3A_71 = arith.select %eq3A_62, %broadcast_in_dim3A_70, %select_n3A_57 : vector<256x4096xi1>, vector<256x4096xf32>
    %reduce_max3A_72 = arith.constant dense<0xFF800000> : vector<256xf32>
    %reduce_max3A_73 = vector.multi_reduction <maximumf>, %select_n3A_71, %reduce_max3A_72 [1] : vector<256x4096xf32> to vector<256xf32>
    %broadcast_in_dim3A_74 = vector.shape_cast %reduce_max3A_73 : vector<256xf32> to vector<256x1xf32>
    %eq3A_75 = vector.broadcast %broadcast_in_dim3A_74 : vector<256x1xf32> to vector<256x4096xf32>
    %eq3A_76 = arith.cmpf oeq, %select_n3A_71, %eq3A_75 : vector<256x4096xf32>
    %jit3A_77 = arith.constant 1073741824 : i32
    %broadcast_in_dim3A_78 = vector.broadcast %jit3A_77 : i32 to vector<256x4096xi32>
    %select_n3A_79 = arith.select %eq3A_76, %iota3A, %broadcast_in_dim3A_78 : vector<256x4096xi1>, vector<256x4096xi32>
    %reduce_min3A_80 = arith.constant dense<2147483647> : vector<256xi32>
    %reduce_min3A_81 = vector.multi_reduction <minsi>, %select_n3A_79, %reduce_min3A_80 [1] : vector<256x4096xi32> to vector<256xi32>
    %broadcast_in_dim3A_82 = vector.shape_cast %reduce_min3A_81 : vector<256xi32> to vector<256x1xi32>
    %broadcast_in_dim3A_83 = arith.constant -1.000000e+30 : f32
    %broadcast_in_dim3A_84 = vector.broadcast %broadcast_in_dim3A_83 : f32 to vector<256x1xf32>
    %broadcast_in_dim3A_85 = arith.constant 0 : i32
    %broadcast_in_dim3A_86 = vector.broadcast %broadcast_in_dim3A_85 : i32 to vector<256x1xi32>
    %concatenate3A = tpu.concatenate %broadcast_in_dim3A, %broadcast_in_dim3A_18, %broadcast_in_dim3A_32, %broadcast_in_dim3A_46, %broadcast_in_dim3A_60, %broadcast_in_dim3A_74, %broadcast_in_dim3A_84, %broadcast_in_dim3A_84 in 1 : vector<256x1xf32>, vector<256x1xf32>, vector<256x1xf32>, vector<256x1xf32>, vector<256x1xf32>, vector<256x1xf32>, vector<256x1xf32>, vector<256x1xf32> -> vector<256x8xf32>
    %swap3A = arith.constant 0 : index
    %swap3A_87 = arith.constant 0 : index
    %swap3A_88 = vector.load %arg3[%swap3A, %swap3A_87] : memref<256x8xf32, #tpu.memory_space<vmem>>, vector<256x8xf32>
    tpu.vector_store %arg3[%swap3A, %swap3A_87], %concatenate3A {strides = array<i32>} : memref<256x8xf32, #tpu.memory_space<vmem>>, vector<256x8xf32>,
    %concatenate3A_89 = tpu.concatenate %broadcast_in_dim3A_12, %broadcast_in_dim3A_26, %broadcast_in_dim3A_40, %broadcast_in_dim3A_54, %broadcast_in_dim3A_68, %broadcast_in_dim3A_82, %broadcast_in_dim3A_86, %broadcast_in_dim3A_86 in 1 : vector<256x1xi32>, vector<256x1xi32>, vector<256x1xi32>, vector<256x1xi32>, vector<256x1xi32>, vector<256x1xi32>, vector<256x1xi32>, vector<256x1xi32> -> vector<256x8xi32>
    %swap3A_90 = arith.constant 0 : index
    %swap3A_91 = arith.constant 0 : index
    %swap3A_92 = vector.load %arg4[%swap3A_90, %swap3A_91] : memref<256x8xi32, #tpu.memory_space<vmem>>, vector<256x8xi32>
    tpu.vector_store %arg4[%swap3A_90, %swap3A_91], %concatenate3A_89 {strides = array<i32>} : memref<256x8xi32, #tpu.memory_space<vmem>>, vector<256x8xi32>,
    return
  }
  func.func @transform_0(%arg0: i32) -> (i32, i32) {
    %add3A = arith.constant 0 : i32
    %add3A_0 = arith.addi %arg0, %add3A : i32
    %c0_i32 = arith.constant 0 : i32
    %c0_i32_1 = arith.constant 0 : i32
    return %add3A_0, %c0_i32 : i32, i32
  }
  func.func @transform_1(%arg0: i32) -> (i32, i32) {
    %c0_i32 = arith.constant 0 : i32
    %c0_i32_0 = arith.constant 0 : i32
    %c0_i32_1 = arith.constant 0 : i32
    return %c0_i32, %c0_i32_0 : i32, i32
  }
  func.func @transform_2(%arg0: i32) -> (i32, i32) {
    %c0_i32 = arith.constant 0 : i32
    %c0_i32_0 = arith.constant 0 : i32
    return %arg0, %c0_i32 : i32, i32
  }
  func.func @transform_3(%arg0: i32) -> (i32, i32) {
    %c0_i32 = arith.constant 0 : i32
    %c0_i32_0 = arith.constant 0 : i32
    return %arg0, %c0_i32 : i32, i32
  }
}

module attributes {stable_mosaic.version = 14 : i64} {
  func.func @_proj2_body(%arg0: i32, %arg1: memref<512x512xf32, #tpu.memory_space<vmem>>, %arg2: memref<1x512xf32, #tpu.memory_space<vmem>>, %arg3: memref<512x512xf32, #tpu.memory_space<vmem>>, %arg4: memref<1x512xf32, #tpu.memory_space<vmem>>, %arg5: memref<512x512xf32, #tpu.memory_space<vmem>>, %arg6: memref<1x512xf32, #tpu.memory_space<vmem>>, %arg7: memref<512x512xf32, #tpu.memory_space<vmem>>, %arg8: memref<512x512xf32, #tpu.memory_space<vmem>>) attributes {dimension_semantics = [#tpu.dimension_semantics<arbitrary>], iteration_bounds = array<i64: 8>, scalar_prefetch = 0 : i64, scratch_operands = 0 : i64, tpu.core_type = #tpu.core_type<tc>, window_params = [{transform_indices = @transform_0, window_bounds = array<i64: 512, 512>}, {pipeline_mode = #tpu.pipeline_mode<synchronous>, transform_indices = @transform_1, window_bounds = array<i64: 1, 512>}, {pipeline_mode = #tpu.pipeline_mode<synchronous>, transform_indices = @transform_2, window_bounds = array<i64: 512, 512>}, {pipeline_mode = #tpu.pipeline_mode<synchronous>, transform_indices = @transform_3, window_bounds = array<i64: 1, 512>}, {pipeline_mode = #tpu.pipeline_mode<synchronous>, transform_indices = @transform_4, window_bounds = array<i64: 512, 512>}, {pipeline_mode = #tpu.pipeline_mode<synchronous>, transform_indices = @transform_5, window_bounds = array<i64: 1, 512>}, {transform_indices = @transform_6, window_bounds = array<i64: 512, 512>}, {transform_indices = @transform_7, window_bounds = array<i64: 512, 512>}]} {
    %get3A = arith.constant 0 : index
    %get3A_0 = arith.constant 0 : index
    %get3A_1 = vector.load %arg1[%get3A, %get3A_0] : memref<512x512xf32, #tpu.memory_space<vmem>>, vector<512x512xf32>
    %get3A_2 = arith.constant 0 : index
    %get3A_3 = arith.constant 0 : index
    %get3A_4 = vector.load %arg2[%get3A_2, %get3A_3] : memref<1x512xf32, #tpu.memory_space<vmem>>, vector<1x512xf32>
    %add3A = vector.broadcast %get3A_4 : vector<1x512xf32> to vector<512x512xf32>
    %add3A_5 = arith.addf %get3A_1, %add3A : vector<512x512xf32>
    %mul3A = arith.constant 5.000000e-01 : f32
    %mul3A_6 = vector.broadcast %mul3A : f32 to vector<512x512xf32>
    %mul3A_7 = arith.mulf %add3A_5, %mul3A_6 : vector<512x512xf32>
    %get3A_8 = arith.constant 0 : index
    %get3A_9 = arith.constant 0 : index
    %get3A_10 = vector.load %arg3[%get3A_8, %get3A_9] : memref<512x512xf32, #tpu.memory_space<vmem>>, vector<512x512xf32>
    %dot_general3A = arith.constant dense<0.000000e+00> : vector<512x512xf32>
    %dot_general3A_11 = tpu.matmul %mul3A_7, %get3A_10, %dot_general3A {dimension_numbers = #tpu.dot_dimension_numbers<[1], [0], [0], [1], [0, 0, 1, 1], [], []>, transpose_lhs_hint = false} : vector<512x512xf32>, vector<512x512xf32>, vector<512x512xf32> -> vector<512x512xf32>
    %get3A_12 = arith.constant 0 : index
    %get3A_13 = arith.constant 0 : index
    %get3A_14 = vector.load %arg4[%get3A_12, %get3A_13] : memref<1x512xf32, #tpu.memory_space<vmem>>, vector<1x512xf32>
    %add3A_15 = vector.broadcast %get3A_14 : vector<1x512xf32> to vector<512x512xf32>
    %add3A_16 = arith.addf %dot_general3A_11, %add3A_15 : vector<512x512xf32>
    %swap3A = arith.constant 0 : index
    %swap3A_17 = arith.constant 0 : index
    %swap3A_18 = vector.load %arg7[%swap3A, %swap3A_17] : memref<512x512xf32, #tpu.memory_space<vmem>>, vector<512x512xf32>
    tpu.vector_store %arg7[%swap3A, %swap3A_17], %add3A_16 {strides = array<i32>} : memref<512x512xf32, #tpu.memory_space<vmem>>, vector<512x512xf32>,
    %get3A_19 = arith.constant 0 : index
    %get3A_20 = arith.constant 0 : index
    %get3A_21 = vector.load %arg5[%get3A_19, %get3A_20] : memref<512x512xf32, #tpu.memory_space<vmem>>, vector<512x512xf32>
    %dot_general3A_22 = arith.constant dense<0.000000e+00> : vector<512x512xf32>
    %dot_general3A_23 = tpu.matmul %mul3A_7, %get3A_21, %dot_general3A_22 {dimension_numbers = #tpu.dot_dimension_numbers<[1], [0], [0], [1], [0, 0, 1, 1], [], []>, transpose_lhs_hint = false} : vector<512x512xf32>, vector<512x512xf32>, vector<512x512xf32> -> vector<512x512xf32>
    %get3A_24 = arith.constant 0 : index
    %get3A_25 = arith.constant 0 : index
    %get3A_26 = vector.load %arg6[%get3A_24, %get3A_25] : memref<1x512xf32, #tpu.memory_space<vmem>>, vector<1x512xf32>
    %add3A_27 = vector.broadcast %get3A_26 : vector<1x512xf32> to vector<512x512xf32>
    %add3A_28 = arith.addf %dot_general3A_23, %add3A_27 : vector<512x512xf32>
    %swap3A_29 = arith.constant 0 : index
    %swap3A_30 = arith.constant 0 : index
    %swap3A_31 = vector.load %arg8[%swap3A_29, %swap3A_30] : memref<512x512xf32, #tpu.memory_space<vmem>>, vector<512x512xf32>
    tpu.vector_store %arg8[%swap3A_29, %swap3A_30], %add3A_28 {strides = array<i32>} : memref<512x512xf32, #tpu.memory_space<vmem>>, vector<512x512xf32>,
    return
  }
  func.func @transform_0(%arg0: i32) -> (i32, i32) {
    %c0_i32 = arith.constant 0 : i32
    %c0_i32_0 = arith.constant 0 : i32
    return %arg0, %c0_i32 : i32, i32
  }
  func.func @transform_1(%arg0: i32) -> (i32, i32) {
    %c0_i32 = arith.constant 0 : i32
    %c0_i32_0 = arith.constant 0 : i32
    %c0_i32_1 = arith.constant 0 : i32
    return %c0_i32, %c0_i32_0 : i32, i32
  }
  func.func @transform_2(%arg0: i32) -> (i32, i32) {
    %c0_i32 = arith.constant 0 : i32
    %c0_i32_0 = arith.constant 0 : i32
    %c0_i32_1 = arith.constant 0 : i32
    return %c0_i32, %c0_i32_0 : i32, i32
  }
  func.func @transform_3(%arg0: i32) -> (i32, i32) {
    %c0_i32 = arith.constant 0 : i32
    %c0_i32_0 = arith.constant 0 : i32
    %c0_i32_1 = arith.constant 0 : i32
    return %c0_i32, %c0_i32_0 : i32, i32
  }
  func.func @transform_4(%arg0: i32) -> (i32, i32) {
    %c0_i32 = arith.constant 0 : i32
    %c0_i32_0 = arith.constant 0 : i32
    %c0_i32_1 = arith.constant 0 : i32
    return %c0_i32, %c0_i32_0 : i32, i32
  }
  func.func @transform_5(%arg0: i32) -> (i32, i32) {
    %c0_i32 = arith.constant 0 : i32
    %c0_i32_0 = arith.constant 0 : i32
    %c0_i32_1 = arith.constant 0 : i32
    return %c0_i32, %c0_i32_0 : i32, i32
  }
  func.func @transform_6(%arg0: i32) -> (i32, i32) {
    %c0_i32 = arith.constant 0 : i32
    %c0_i32_0 = arith.constant 0 : i32
    return %arg0, %c0_i32 : i32, i32
  }
  func.func @transform_7(%arg0: i32) -> (i32, i32) {
    %c0_i32 = arith.constant 0 : i32
    %c0_i32_0 = arith.constant 0 : i32
    return %arg0, %c0_i32 : i32, i32
  }
}

module attributes {stable_mosaic.version = 14 : i64} {
  func.func @_proj1_body(%arg0: i32, %arg1: memref<512x512xf32, #tpu.memory_space<vmem>>, %arg2: memref<512x512xf32, #tpu.memory_space<vmem>>, %arg3: memref<1x512xf32, #tpu.memory_space<vmem>>, %arg4: memref<512x512xf32, #tpu.memory_space<vmem>>, %arg5: memref<1x512xf32, #tpu.memory_space<vmem>>) attributes {dimension_semantics = [#tpu.dimension_semantics<arbitrary>], iteration_bounds = array<i64: 8>, scalar_prefetch = 0 : i64, scratch_operands = 0 : i64, tpu.core_type = #tpu.core_type<tc>, window_params = [{transform_indices = @transform_0, window_bounds = array<i64: 512, 512>}, {pipeline_mode = #tpu.pipeline_mode<synchronous>, transform_indices = @transform_1, window_bounds = array<i64: 512, 512>}, {pipeline_mode = #tpu.pipeline_mode<synchronous>, transform_indices = @transform_2, window_bounds = array<i64: 1, 512>}, {transform_indices = @transform_3, window_bounds = array<i64: 512, 512>}, {pipeline_mode = #tpu.pipeline_mode<synchronous>, transform_indices = @transform_4, window_bounds = array<i64: 1, 512>}]} {
    %get3A = arith.constant 0 : index
    %get3A_0 = arith.constant 0 : index
    %get3A_1 = vector.load %arg1[%get3A, %get3A_0] : memref<512x512xf32, #tpu.memory_space<vmem>>, vector<512x512xf32>
    %get3A_2 = arith.constant 0 : index
    %get3A_3 = arith.constant 0 : index
    %get3A_4 = vector.load %arg2[%get3A_2, %get3A_3] : memref<512x512xf32, #tpu.memory_space<vmem>>, vector<512x512xf32>
    %dot_general3A = arith.constant dense<0.000000e+00> : vector<512x512xf32>
    %dot_general3A_5 = tpu.matmul %get3A_1, %get3A_4, %dot_general3A {dimension_numbers = #tpu.dot_dimension_numbers<[1], [0], [0], [1], [0, 0, 1, 1], [], []>, transpose_lhs_hint = false} : vector<512x512xf32>, vector<512x512xf32>, vector<512x512xf32> -> vector<512x512xf32>
    %get3A_6 = arith.constant 0 : index
    %get3A_7 = arith.constant 0 : index
    %get3A_8 = vector.load %arg3[%get3A_6, %get3A_7] : memref<1x512xf32, #tpu.memory_space<vmem>>, vector<1x512xf32>
    %add3A = vector.broadcast %get3A_8 : vector<1x512xf32> to vector<512x512xf32>
    %add3A_9 = arith.addf %dot_general3A_5, %add3A : vector<512x512xf32>
    %jit3A = arith.constant 0.00999999977 : f32
    %ge3A = arith.constant 0.000000e+00 : f32
    %ge3A_10 = vector.broadcast %ge3A : f32 to vector<512x512xf32>
    %ge3A_11 = arith.cmpf oge, %add3A_9, %ge3A_10 : vector<512x512xf32>
    %mul3A = vector.broadcast %jit3A : f32 to vector<512x512xf32>
    %mul3A_12 = arith.mulf %mul3A, %add3A_9 : vector<512x512xf32>
    %select_n3A = arith.select %ge3A_11, %add3A_9, %mul3A_12 : vector<512x512xi1>, vector<512x512xf32>
    %swap3A = arith.constant 0 : index
    %swap3A_13 = arith.constant 0 : index
    %swap3A_14 = vector.load %arg4[%swap3A, %swap3A_13] : memref<512x512xf32, #tpu.memory_space<vmem>>, vector<512x512xf32>
    tpu.vector_store %arg4[%swap3A, %swap3A_13], %select_n3A {strides = array<i32>} : memref<512x512xf32, #tpu.memory_space<vmem>>, vector<512x512xf32>,
    %eq3A = arith.constant 0 : i32
    %eq3A_15 = arith.cmpi eq, %arg0, %eq3A : i32
    %convert_element_type3A = arith.extui %eq3A_15 : i1 to i32
    %cond3A = arith.constant 0 : i32
    %cond3A_16 = arith.cmpi ne, %convert_element_type3A, %cond3A : i32
    scf.if %cond3A_16 {
      %broadcast_in_dim3A_25 = arith.constant 0.000000e+00 : f32
      %broadcast_in_dim3A_26 = vector.broadcast %broadcast_in_dim3A_25 : f32 to vector<1x512xf32>
      %swap3A_27 = arith.constant 0 : index
      %swap3A_28 = arith.constant 0 : index
      %swap3A_29 = vector.load %arg5[%swap3A_27, %swap3A_28] : memref<1x512xf32, #tpu.memory_space<vmem>>, vector<1x512xf32>
      tpu.vector_store %arg5[%swap3A_27, %swap3A_28], %broadcast_in_dim3A_26 {strides = array<i32>} : memref<1x512xf32, #tpu.memory_space<vmem>>, vector<1x512xf32>,
    } else {
    }
    %get3A_17 = arith.constant 0 : index
    %get3A_18 = arith.constant 0 : index
    %get3A_19 = vector.load %arg5[%get3A_17, %get3A_18] : memref<1x512xf32, #tpu.memory_space<vmem>>, vector<1x512xf32>
    %reduce_sum3A = arith.constant dense<0.000000e+00> : vector<512xf32>
    %reduce_sum3A_20 = vector.multi_reduction <add>, %select_n3A, %reduce_sum3A [0] : vector<512x512xf32> to vector<512xf32>
    %broadcast_in_dim3A = vector.shape_cast %reduce_sum3A_20 : vector<512xf32> to vector<1x512xf32>
    %add3A_21 = arith.addf %get3A_19, %broadcast_in_dim3A : vector<1x512xf32>
    %swap3A_22 = arith.constant 0 : index
    %swap3A_23 = arith.constant 0 : index
    %swap3A_24 = vector.load %arg5[%swap3A_22, %swap3A_23] : memref<1x512xf32, #tpu.memory_space<vmem>>, vector<1x512xf32>
    tpu.vector_store %arg5[%swap3A_22, %swap3A_23], %add3A_21 {strides = array<i32>} : memref<1x512xf32, #tpu.memory_space<vmem>>, vector<1x512xf32>,
    return
  }
  func.func @transform_0(%arg0: i32) -> (i32, i32) {
    %c0_i32 = arith.constant 0 : i32
    %c0_i32_0 = arith.constant 0 : i32
    return %arg0, %c0_i32 : i32, i32
  }
  func.func @transform_1(%arg0: i32) -> (i32, i32) {
    %c0_i32 = arith.constant 0 : i32
    %c0_i32_0 = arith.constant 0 : i32
    %c0_i32_1 = arith.constant 0 : i32
    return %c0_i32, %c0_i32_0 : i32, i32
  }
  func.func @transform_2(%arg0: i32) -> (i32, i32) {
    %c0_i32 = arith.constant 0 : i32
    %c0_i32_0 = arith.constant 0 : i32
    %c0_i32_1 = arith.constant 0 : i32
    return %c0_i32, %c0_i32_0 : i32, i32
  }
  func.func @transform_3(%arg0: i32) -> (i32, i32) {
    %c0_i32 = arith.constant 0 : i32
    %c0_i32_0 = arith.constant 0 : i32
    return %arg0, %c0_i32 : i32, i32
  }
  func.func @transform_4(%arg0: i32) -> (i32, i32) {
    %c0_i32 = arith.constant 0 : i32
    %c0_i32_0 = arith.constant 0 : i32
    %c0_i32_1 = arith.constant 0 : i32
    return %c0_i32, %c0_i32_0 : i32, i32
  }
}

module attributes {stable_mosaic.version = 14 : i64} {
  func.func @_topk_body(%arg0: i32, %arg1: memref<256x512xf32, #tpu.memory_space<vmem>>, %arg2: memref<4096x512xf32, #tpu.memory_space<vmem>>, %arg3: memref<256x8xf32, #tpu.memory_space<vmem>>, %arg4: memref<256x8xi32, #tpu.memory_space<vmem>>) attributes {dimension_semantics = [#tpu.dimension_semantics<arbitrary>], iteration_bounds = array<i64: 4>, scalar_prefetch = 0 : i64, scratch_operands = 0 : i64, tpu.core_type = #tpu.core_type<tc>, window_params = [{transform_indices = @transform_0, window_bounds = array<i64: 256, 512>}, {pipeline_mode = #tpu.pipeline_mode<synchronous>, transform_indices = @transform_1, window_bounds = array<i64: 4096, 512>}, {transform_indices = @transform_2, window_bounds = array<i64: 256, 8>}, {transform_indices = @transform_3, window_bounds = array<i64: 256, 8>}]} {
    %get3A = arith.constant 0 : index
    %get3A_0 = arith.constant 0 : index
    %get3A_1 = vector.load %arg1[%get3A, %get3A_0] : memref<256x512xf32, #tpu.memory_space<vmem>>, vector<256x512xf32>
    %mul3A = arith.constant 0.0441941731 : f32
    %mul3A_2 = vector.broadcast %mul3A : f32 to vector<256x512xf32>
    %mul3A_3 = arith.mulf %get3A_1, %mul3A_2 : vector<256x512xf32>
    %get3A_4 = arith.constant 0 : index
    %get3A_5 = arith.constant 0 : index
    %get3A_6 = vector.load %arg2[%get3A_4, %get3A_5] : memref<4096x512xf32, #tpu.memory_space<vmem>>, vector<4096x512xf32>
    %dot_general3A = arith.constant dense<0.000000e+00> : vector<256x4096xf32>
    %dot_general3A_7 = tpu.matmul %mul3A_3, %get3A_6, %dot_general3A {dimension_numbers = #tpu.dot_dimension_numbers<[1], [1], [0], [0], [0, 0, 1, 0], [], []>, transpose_lhs_hint = false} : vector<256x512xf32>, vector<4096x512xf32>, vector<256x4096xf32> -> vector<256x4096xf32>
    %iota3A = tpu.iota {dimensions = array<i32: 1>} : vector<256x4096xi32>
    %reduce_max3A = arith.constant dense<0xFF800000> : vector<256xf32>
    %reduce_max3A_8 = vector.multi_reduction <maximumf>, %dot_general3A_7, %reduce_max3A [1] : vector<256x4096xf32> to vector<256xf32>
    %broadcast_in_dim3A = vector.shape_cast %reduce_max3A_8 : vector<256xf32> to vector<256x1xf32>
    %eq3A = vector.broadcast %broadcast_in_dim3A : vector<256x1xf32> to vector<256x4096xf32>
    %eq3A_9 = arith.cmpf oeq, %dot_general3A_7, %eq3A : vector<256x4096xf32>
    %jit3A = arith.constant 1073741824 : i32
    %broadcast_in_dim3A_10 = vector.broadcast %jit3A : i32 to vector<256x4096xi32>
    %select_n3A = arith.select %eq3A_9, %iota3A, %broadcast_in_dim3A_10 : vector<256x4096xi1>, vector<256x4096xi32>
    %reduce_min3A = arith.constant dense<2147483647> : vector<256xi32>
    %reduce_min3A_11 = vector.multi_reduction <minsi>, %select_n3A, %reduce_min3A [1] : vector<256x4096xi32> to vector<256xi32>
    %broadcast_in_dim3A_12 = vector.shape_cast %reduce_min3A_11 : vector<256xi32> to vector<256x1xi32>
    %jit3A_13 = arith.constant -1.000000e+30 : f32
    %broadcast_in_dim3A_14 = vector.broadcast %jit3A_13 : f32 to vector<256x4096xf32>
    %select_n3A_15 = arith.select %eq3A_9, %broadcast_in_dim3A_14, %dot_general3A_7 : vector<256x4096xi1>, vector<256x4096xf32>
    %reduce_max3A_16 = arith.constant dense<0xFF800000> : vector<256xf32>
    %reduce_max3A_17 = vector.multi_reduction <maximumf>, %select_n3A_15, %reduce_max3A_16 [1] : vector<256x4096xf32> to vector<256xf32>
    %broadcast_in_dim3A_18 = vector.shape_cast %reduce_max3A_17 : vector<256xf32> to vector<256x1xf32>
    %eq3A_19 = vector.broadcast %broadcast_in_dim3A_18 : vector<256x1xf32> to vector<256x4096xf32>
    %eq3A_20 = arith.cmpf oeq, %select_n3A_15, %eq3A_19 : vector<256x4096xf32>
    %jit3A_21 = arith.constant 1073741824 : i32
    %broadcast_in_dim3A_22 = vector.broadcast %jit3A_21 : i32 to vector<256x4096xi32>
    %select_n3A_23 = arith.select %eq3A_20, %iota3A, %broadcast_in_dim3A_22 : vector<256x4096xi1>, vector<256x4096xi32>
    %reduce_min3A_24 = arith.constant dense<2147483647> : vector<256xi32>
    %reduce_min3A_25 = vector.multi_reduction <minsi>, %select_n3A_23, %reduce_min3A_24 [1] : vector<256x4096xi32> to vector<256xi32>
    %broadcast_in_dim3A_26 = vector.shape_cast %reduce_min3A_25 : vector<256xi32> to vector<256x1xi32>
    %jit3A_27 = arith.constant -1.000000e+30 : f32
    %broadcast_in_dim3A_28 = vector.broadcast %jit3A_27 : f32 to vector<256x4096xf32>
    %select_n3A_29 = arith.select %eq3A_20, %broadcast_in_dim3A_28, %select_n3A_15 : vector<256x4096xi1>, vector<256x4096xf32>
    %reduce_max3A_30 = arith.constant dense<0xFF800000> : vector<256xf32>
    %reduce_max3A_31 = vector.multi_reduction <maximumf>, %select_n3A_29, %reduce_max3A_30 [1] : vector<256x4096xf32> to vector<256xf32>
    %broadcast_in_dim3A_32 = vector.shape_cast %reduce_max3A_31 : vector<256xf32> to vector<256x1xf32>
    %eq3A_33 = vector.broadcast %broadcast_in_dim3A_32 : vector<256x1xf32> to vector<256x4096xf32>
    %eq3A_34 = arith.cmpf oeq, %select_n3A_29, %eq3A_33 : vector<256x4096xf32>
    %jit3A_35 = arith.constant 1073741824 : i32
    %broadcast_in_dim3A_36 = vector.broadcast %jit3A_35 : i32 to vector<256x4096xi32>
    %select_n3A_37 = arith.select %eq3A_34, %iota3A, %broadcast_in_dim3A_36 : vector<256x4096xi1>, vector<256x4096xi32>
    %reduce_min3A_38 = arith.constant dense<2147483647> : vector<256xi32>
    %reduce_min3A_39 = vector.multi_reduction <minsi>, %select_n3A_37, %reduce_min3A_38 [1] : vector<256x4096xi32> to vector<256xi32>
    %broadcast_in_dim3A_40 = vector.shape_cast %reduce_min3A_39 : vector<256xi32> to vector<256x1xi32>
    %jit3A_41 = arith.constant -1.000000e+30 : f32
    %broadcast_in_dim3A_42 = vector.broadcast %jit3A_41 : f32 to vector<256x4096xf32>
    %select_n3A_43 = arith.select %eq3A_34, %broadcast_in_dim3A_42, %select_n3A_29 : vector<256x4096xi1>, vector<256x4096xf32>
    %reduce_max3A_44 = arith.constant dense<0xFF800000> : vector<256xf32>
    %reduce_max3A_45 = vector.multi_reduction <maximumf>, %select_n3A_43, %reduce_max3A_44 [1] : vector<256x4096xf32> to vector<256xf32>
    %broadcast_in_dim3A_46 = vector.shape_cast %reduce_max3A_45 : vector<256xf32> to vector<256x1xf32>
    %eq3A_47 = vector.broadcast %broadcast_in_dim3A_46 : vector<256x1xf32> to vector<256x4096xf32>
    %eq3A_48 = arith.cmpf oeq, %select_n3A_43, %eq3A_47 : vector<256x4096xf32>
    %jit3A_49 = arith.constant 1073741824 : i32
    %broadcast_in_dim3A_50 = vector.broadcast %jit3A_49 : i32 to vector<256x4096xi32>
    %select_n3A_51 = arith.select %eq3A_48, %iota3A, %broadcast_in_dim3A_50 : vector<256x4096xi1>, vector<256x4096xi32>
    %reduce_min3A_52 = arith.constant dense<2147483647> : vector<256xi32>
    %reduce_min3A_53 = vector.multi_reduction <minsi>, %select_n3A_51, %reduce_min3A_52 [1] : vector<256x4096xi32> to vector<256xi32>
    %broadcast_in_dim3A_54 = vector.shape_cast %reduce_min3A_53 : vector<256xi32> to vector<256x1xi32>
    %jit3A_55 = arith.constant -1.000000e+30 : f32
    %broadcast_in_dim3A_56 = vector.broadcast %jit3A_55 : f32 to vector<256x4096xf32>
    %select_n3A_57 = arith.select %eq3A_48, %broadcast_in_dim3A_56, %select_n3A_43 : vector<256x4096xi1>, vector<256x4096xf32>
    %reduce_max3A_58 = arith.constant dense<0xFF800000> : vector<256xf32>
    %reduce_max3A_59 = vector.multi_reduction <maximumf>, %select_n3A_57, %reduce_max3A_58 [1] : vector<256x4096xf32> to vector<256xf32>
    %broadcast_in_dim3A_60 = vector.shape_cast %reduce_max3A_59 : vector<256xf32> to vector<256x1xf32>
    %eq3A_61 = vector.broadcast %broadcast_in_dim3A_60 : vector<256x1xf32> to vector<256x4096xf32>
    %eq3A_62 = arith.cmpf oeq, %select_n3A_57, %eq3A_61 : vector<256x4096xf32>
    %jit3A_63 = arith.constant 1073741824 : i32
    %broadcast_in_dim3A_64 = vector.broadcast %jit3A_63 : i32 to vector<256x4096xi32>
    %select_n3A_65 = arith.select %eq3A_62, %iota3A, %broadcast_in_dim3A_64 : vector<256x4096xi1>, vector<256x4096xi32>
    %reduce_min3A_66 = arith.constant dense<2147483647> : vector<256xi32>
    %reduce_min3A_67 = vector.multi_reduction <minsi>, %select_n3A_65, %reduce_min3A_66 [1] : vector<256x4096xi32> to vector<256xi32>
    %broadcast_in_dim3A_68 = vector.shape_cast %reduce_min3A_67 : vector<256xi32> to vector<256x1xi32>
    %jit3A_69 = arith.constant -1.000000e+30 : f32
    %broadcast_in_dim3A_70 = vector.broadcast %jit3A_69 : f32 to vector<256x4096xf32>
    %select_n3A_71 = arith.select %eq3A_62, %broadcast_in_dim3A_70, %select_n3A_57 : vector<256x4096xi1>, vector<256x4096xf32>
    %reduce_max3A_72 = arith.constant dense<0xFF800000> : vector<256xf32>
    %reduce_max3A_73 = vector.multi_reduction <maximumf>, %select_n3A_71, %reduce_max3A_72 [1] : vector<256x4096xf32> to vector<256xf32>
    %broadcast_in_dim3A_74 = vector.shape_cast %reduce_max3A_73 : vector<256xf32> to vector<256x1xf32>
    %eq3A_75 = vector.broadcast %broadcast_in_dim3A_74 : vector<256x1xf32> to vector<256x4096xf32>
    %eq3A_76 = arith.cmpf oeq, %select_n3A_71, %eq3A_75 : vector<256x4096xf32>
    %jit3A_77 = arith.constant 1073741824 : i32
    %broadcast_in_dim3A_78 = vector.broadcast %jit3A_77 : i32 to vector<256x4096xi32>
    %select_n3A_79 = arith.select %eq3A_76, %iota3A, %broadcast_in_dim3A_78 : vector<256x4096xi1>, vector<256x4096xi32>
    %reduce_min3A_80 = arith.constant dense<2147483647> : vector<256xi32>
    %reduce_min3A_81 = vector.multi_reduction <minsi>, %select_n3A_79, %reduce_min3A_80 [1] : vector<256x4096xi32> to vector<256xi32>
    %broadcast_in_dim3A_82 = vector.shape_cast %reduce_min3A_81 : vector<256xi32> to vector<256x1xi32>
    %broadcast_in_dim3A_83 = arith.constant -1.000000e+30 : f32
    %broadcast_in_dim3A_84 = vector.broadcast %broadcast_in_dim3A_83 : f32 to vector<256x1xf32>
    %broadcast_in_dim3A_85 = arith.constant 0 : i32
    %broadcast_in_dim3A_86 = vector.broadcast %broadcast_in_dim3A_85 : i32 to vector<256x1xi32>
    %concatenate3A = tpu.concatenate %broadcast_in_dim3A, %broadcast_in_dim3A_18, %broadcast_in_dim3A_32, %broadcast_in_dim3A_46, %broadcast_in_dim3A_60, %broadcast_in_dim3A_74, %broadcast_in_dim3A_84, %broadcast_in_dim3A_84 in 1 : vector<256x1xf32>, vector<256x1xf32>, vector<256x1xf32>, vector<256x1xf32>, vector<256x1xf32>, vector<256x1xf32>, vector<256x1xf32>, vector<256x1xf32> -> vector<256x8xf32>
    %swap3A = arith.constant 0 : index
    %swap3A_87 = arith.constant 0 : index
    %swap3A_88 = vector.load %arg3[%swap3A, %swap3A_87] : memref<256x8xf32, #tpu.memory_space<vmem>>, vector<256x8xf32>
    tpu.vector_store %arg3[%swap3A, %swap3A_87], %concatenate3A {strides = array<i32>} : memref<256x8xf32, #tpu.memory_space<vmem>>, vector<256x8xf32>,
    %concatenate3A_89 = tpu.concatenate %broadcast_in_dim3A_12, %broadcast_in_dim3A_26, %broadcast_in_dim3A_40, %broadcast_in_dim3A_54, %broadcast_in_dim3A_68, %broadcast_in_dim3A_82, %broadcast_in_dim3A_86, %broadcast_in_dim3A_86 in 1 : vector<256x1xi32>, vector<256x1xi32>, vector<256x1xi32>, vector<256x1xi32>, vector<256x1xi32>, vector<256x1xi32>, vector<256x1xi32>, vector<256x1xi32> -> vector<256x8xi32>
    %swap3A_90 = arith.constant 0 : index
    %swap3A_91 = arith.constant 0 : index
    %swap3A_92 = vector.load %arg4[%swap3A_90, %swap3A_91] : memref<256x8xi32, #tpu.memory_space<vmem>>, vector<256x8xi32>
    tpu.vector_store %arg4[%swap3A_90, %swap3A_91], %concatenate3A_89 {strides = array<i32>} : memref<256x8xi32, #tpu.memory_space<vmem>>, vector<256x8xi32>,
    return
  }
  func.func @transform_0(%arg0: i32) -> (i32, i32) {
    %add3A = arith.constant 2 : i32
    %add3A_0 = arith.addi %arg0, %add3A : i32
    %c0_i32 = arith.constant 0 : i32
    %c0_i32_1 = arith.constant 0 : i32
    return %add3A_0, %c0_i32 : i32, i32
  }
  func.func @transform_1(%arg0: i32) -> (i32, i32) {
    %c0_i32 = arith.constant 0 : i32
    %c0_i32_0 = arith.constant 0 : i32
    %c0_i32_1 = arith.constant 0 : i32
    return %c0_i32, %c0_i32_0 : i32, i32
  }
  func.func @transform_2(%arg0: i32) -> (i32, i32) {
    %c0_i32 = arith.constant 0 : i32
    %c0_i32_0 = arith.constant 0 : i32
    return %arg0, %c0_i32 : i32, i32
  }
  func.func @transform_3(%arg0: i32) -> (i32, i32) {
    %c0_i32 = arith.constant 0 : i32
    %c0_i32_0 = arith.constant 0 : i32
    return %arg0, %c0_i32 : i32, i32
  }
}

module attributes {stable_mosaic.version = 14 : i64} {
  func.func @_topk_body(%arg0: i32, %arg1: memref<256x512xf32, #tpu.memory_space<vmem>>, %arg2: memref<4096x512xf32, #tpu.memory_space<vmem>>, %arg3: memref<256x8xf32, #tpu.memory_space<vmem>>, %arg4: memref<256x8xi32, #tpu.memory_space<vmem>>) attributes {dimension_semantics = [#tpu.dimension_semantics<arbitrary>], iteration_bounds = array<i64: 6>, scalar_prefetch = 0 : i64, scratch_operands = 0 : i64, tpu.core_type = #tpu.core_type<tc>, window_params = [{transform_indices = @transform_0, window_bounds = array<i64: 256, 512>}, {pipeline_mode = #tpu.pipeline_mode<synchronous>, transform_indices = @transform_1, window_bounds = array<i64: 4096, 512>}, {transform_indices = @transform_2, window_bounds = array<i64: 256, 8>}, {transform_indices = @transform_3, window_bounds = array<i64: 256, 8>}]} {
    %get3A = arith.constant 0 : index
    %get3A_0 = arith.constant 0 : index
    %get3A_1 = vector.load %arg1[%get3A, %get3A_0] : memref<256x512xf32, #tpu.memory_space<vmem>>, vector<256x512xf32>
    %mul3A = arith.constant 0.0441941731 : f32
    %mul3A_2 = vector.broadcast %mul3A : f32 to vector<256x512xf32>
    %mul3A_3 = arith.mulf %get3A_1, %mul3A_2 : vector<256x512xf32>
    %get3A_4 = arith.constant 0 : index
    %get3A_5 = arith.constant 0 : index
    %get3A_6 = vector.load %arg2[%get3A_4, %get3A_5] : memref<4096x512xf32, #tpu.memory_space<vmem>>, vector<4096x512xf32>
    %dot_general3A = arith.constant dense<0.000000e+00> : vector<256x4096xf32>
    %dot_general3A_7 = tpu.matmul %mul3A_3, %get3A_6, %dot_general3A {dimension_numbers = #tpu.dot_dimension_numbers<[1], [1], [0], [0], [0, 0, 1, 0], [], []>, transpose_lhs_hint = false} : vector<256x512xf32>, vector<4096x512xf32>, vector<256x4096xf32> -> vector<256x4096xf32>
    %iota3A = tpu.iota {dimensions = array<i32: 1>} : vector<256x4096xi32>
    %reduce_max3A = arith.constant dense<0xFF800000> : vector<256xf32>
    %reduce_max3A_8 = vector.multi_reduction <maximumf>, %dot_general3A_7, %reduce_max3A [1] : vector<256x4096xf32> to vector<256xf32>
    %broadcast_in_dim3A = vector.shape_cast %reduce_max3A_8 : vector<256xf32> to vector<256x1xf32>
    %eq3A = vector.broadcast %broadcast_in_dim3A : vector<256x1xf32> to vector<256x4096xf32>
    %eq3A_9 = arith.cmpf oeq, %dot_general3A_7, %eq3A : vector<256x4096xf32>
    %jit3A = arith.constant 1073741824 : i32
    %broadcast_in_dim3A_10 = vector.broadcast %jit3A : i32 to vector<256x4096xi32>
    %select_n3A = arith.select %eq3A_9, %iota3A, %broadcast_in_dim3A_10 : vector<256x4096xi1>, vector<256x4096xi32>
    %reduce_min3A = arith.constant dense<2147483647> : vector<256xi32>
    %reduce_min3A_11 = vector.multi_reduction <minsi>, %select_n3A, %reduce_min3A [1] : vector<256x4096xi32> to vector<256xi32>
    %broadcast_in_dim3A_12 = vector.shape_cast %reduce_min3A_11 : vector<256xi32> to vector<256x1xi32>
    %jit3A_13 = arith.constant -1.000000e+30 : f32
    %broadcast_in_dim3A_14 = vector.broadcast %jit3A_13 : f32 to vector<256x4096xf32>
    %select_n3A_15 = arith.select %eq3A_9, %broadcast_in_dim3A_14, %dot_general3A_7 : vector<256x4096xi1>, vector<256x4096xf32>
    %reduce_max3A_16 = arith.constant dense<0xFF800000> : vector<256xf32>
    %reduce_max3A_17 = vector.multi_reduction <maximumf>, %select_n3A_15, %reduce_max3A_16 [1] : vector<256x4096xf32> to vector<256xf32>
    %broadcast_in_dim3A_18 = vector.shape_cast %reduce_max3A_17 : vector<256xf32> to vector<256x1xf32>
    %eq3A_19 = vector.broadcast %broadcast_in_dim3A_18 : vector<256x1xf32> to vector<256x4096xf32>
    %eq3A_20 = arith.cmpf oeq, %select_n3A_15, %eq3A_19 : vector<256x4096xf32>
    %jit3A_21 = arith.constant 1073741824 : i32
    %broadcast_in_dim3A_22 = vector.broadcast %jit3A_21 : i32 to vector<256x4096xi32>
    %select_n3A_23 = arith.select %eq3A_20, %iota3A, %broadcast_in_dim3A_22 : vector<256x4096xi1>, vector<256x4096xi32>
    %reduce_min3A_24 = arith.constant dense<2147483647> : vector<256xi32>
    %reduce_min3A_25 = vector.multi_reduction <minsi>, %select_n3A_23, %reduce_min3A_24 [1] : vector<256x4096xi32> to vector<256xi32>
    %broadcast_in_dim3A_26 = vector.shape_cast %reduce_min3A_25 : vector<256xi32> to vector<256x1xi32>
    %jit3A_27 = arith.constant -1.000000e+30 : f32
    %broadcast_in_dim3A_28 = vector.broadcast %jit3A_27 : f32 to vector<256x4096xf32>
    %select_n3A_29 = arith.select %eq3A_20, %broadcast_in_dim3A_28, %select_n3A_15 : vector<256x4096xi1>, vector<256x4096xf32>
    %reduce_max3A_30 = arith.constant dense<0xFF800000> : vector<256xf32>
    %reduce_max3A_31 = vector.multi_reduction <maximumf>, %select_n3A_29, %reduce_max3A_30 [1] : vector<256x4096xf32> to vector<256xf32>
    %broadcast_in_dim3A_32 = vector.shape_cast %reduce_max3A_31 : vector<256xf32> to vector<256x1xf32>
    %eq3A_33 = vector.broadcast %broadcast_in_dim3A_32 : vector<256x1xf32> to vector<256x4096xf32>
    %eq3A_34 = arith.cmpf oeq, %select_n3A_29, %eq3A_33 : vector<256x4096xf32>
    %jit3A_35 = arith.constant 1073741824 : i32
    %broadcast_in_dim3A_36 = vector.broadcast %jit3A_35 : i32 to vector<256x4096xi32>
    %select_n3A_37 = arith.select %eq3A_34, %iota3A, %broadcast_in_dim3A_36 : vector<256x4096xi1>, vector<256x4096xi32>
    %reduce_min3A_38 = arith.constant dense<2147483647> : vector<256xi32>
    %reduce_min3A_39 = vector.multi_reduction <minsi>, %select_n3A_37, %reduce_min3A_38 [1] : vector<256x4096xi32> to vector<256xi32>
    %broadcast_in_dim3A_40 = vector.shape_cast %reduce_min3A_39 : vector<256xi32> to vector<256x1xi32>
    %jit3A_41 = arith.constant -1.000000e+30 : f32
    %broadcast_in_dim3A_42 = vector.broadcast %jit3A_41 : f32 to vector<256x4096xf32>
    %select_n3A_43 = arith.select %eq3A_34, %broadcast_in_dim3A_42, %select_n3A_29 : vector<256x4096xi1>, vector<256x4096xf32>
    %reduce_max3A_44 = arith.constant dense<0xFF800000> : vector<256xf32>
    %reduce_max3A_45 = vector.multi_reduction <maximumf>, %select_n3A_43, %reduce_max3A_44 [1] : vector<256x4096xf32> to vector<256xf32>
    %broadcast_in_dim3A_46 = vector.shape_cast %reduce_max3A_45 : vector<256xf32> to vector<256x1xf32>
    %eq3A_47 = vector.broadcast %broadcast_in_dim3A_46 : vector<256x1xf32> to vector<256x4096xf32>
    %eq3A_48 = arith.cmpf oeq, %select_n3A_43, %eq3A_47 : vector<256x4096xf32>
    %jit3A_49 = arith.constant 1073741824 : i32
    %broadcast_in_dim3A_50 = vector.broadcast %jit3A_49 : i32 to vector<256x4096xi32>
    %select_n3A_51 = arith.select %eq3A_48, %iota3A, %broadcast_in_dim3A_50 : vector<256x4096xi1>, vector<256x4096xi32>
    %reduce_min3A_52 = arith.constant dense<2147483647> : vector<256xi32>
    %reduce_min3A_53 = vector.multi_reduction <minsi>, %select_n3A_51, %reduce_min3A_52 [1] : vector<256x4096xi32> to vector<256xi32>
    %broadcast_in_dim3A_54 = vector.shape_cast %reduce_min3A_53 : vector<256xi32> to vector<256x1xi32>
    %jit3A_55 = arith.constant -1.000000e+30 : f32
    %broadcast_in_dim3A_56 = vector.broadcast %jit3A_55 : f32 to vector<256x4096xf32>
    %select_n3A_57 = arith.select %eq3A_48, %broadcast_in_dim3A_56, %select_n3A_43 : vector<256x4096xi1>, vector<256x4096xf32>
    %reduce_max3A_58 = arith.constant dense<0xFF800000> : vector<256xf32>
    %reduce_max3A_59 = vector.multi_reduction <maximumf>, %select_n3A_57, %reduce_max3A_58 [1] : vector<256x4096xf32> to vector<256xf32>
    %broadcast_in_dim3A_60 = vector.shape_cast %reduce_max3A_59 : vector<256xf32> to vector<256x1xf32>
    %eq3A_61 = vector.broadcast %broadcast_in_dim3A_60 : vector<256x1xf32> to vector<256x4096xf32>
    %eq3A_62 = arith.cmpf oeq, %select_n3A_57, %eq3A_61 : vector<256x4096xf32>
    %jit3A_63 = arith.constant 1073741824 : i32
    %broadcast_in_dim3A_64 = vector.broadcast %jit3A_63 : i32 to vector<256x4096xi32>
    %select_n3A_65 = arith.select %eq3A_62, %iota3A, %broadcast_in_dim3A_64 : vector<256x4096xi1>, vector<256x4096xi32>
    %reduce_min3A_66 = arith.constant dense<2147483647> : vector<256xi32>
    %reduce_min3A_67 = vector.multi_reduction <minsi>, %select_n3A_65, %reduce_min3A_66 [1] : vector<256x4096xi32> to vector<256xi32>
    %broadcast_in_dim3A_68 = vector.shape_cast %reduce_min3A_67 : vector<256xi32> to vector<256x1xi32>
    %jit3A_69 = arith.constant -1.000000e+30 : f32
    %broadcast_in_dim3A_70 = vector.broadcast %jit3A_69 : f32 to vector<256x4096xf32>
    %select_n3A_71 = arith.select %eq3A_62, %broadcast_in_dim3A_70, %select_n3A_57 : vector<256x4096xi1>, vector<256x4096xf32>
    %reduce_max3A_72 = arith.constant dense<0xFF800000> : vector<256xf32>
    %reduce_max3A_73 = vector.multi_reduction <maximumf>, %select_n3A_71, %reduce_max3A_72 [1] : vector<256x4096xf32> to vector<256xf32>
    %broadcast_in_dim3A_74 = vector.shape_cast %reduce_max3A_73 : vector<256xf32> to vector<256x1xf32>
    %eq3A_75 = vector.broadcast %broadcast_in_dim3A_74 : vector<256x1xf32> to vector<256x4096xf32>
    %eq3A_76 = arith.cmpf oeq, %select_n3A_71, %eq3A_75 : vector<256x4096xf32>
    %jit3A_77 = arith.constant 1073741824 : i32
    %broadcast_in_dim3A_78 = vector.broadcast %jit3A_77 : i32 to vector<256x4096xi32>
    %select_n3A_79 = arith.select %eq3A_76, %iota3A, %broadcast_in_dim3A_78 : vector<256x4096xi1>, vector<256x4096xi32>
    %reduce_min3A_80 = arith.constant dense<2147483647> : vector<256xi32>
    %reduce_min3A_81 = vector.multi_reduction <minsi>, %select_n3A_79, %reduce_min3A_80 [1] : vector<256x4096xi32> to vector<256xi32>
    %broadcast_in_dim3A_82 = vector.shape_cast %reduce_min3A_81 : vector<256xi32> to vector<256x1xi32>
    %broadcast_in_dim3A_83 = arith.constant -1.000000e+30 : f32
    %broadcast_in_dim3A_84 = vector.broadcast %broadcast_in_dim3A_83 : f32 to vector<256x1xf32>
    %broadcast_in_dim3A_85 = arith.constant 0 : i32
    %broadcast_in_dim3A_86 = vector.broadcast %broadcast_in_dim3A_85 : i32 to vector<256x1xi32>
    %concatenate3A = tpu.concatenate %broadcast_in_dim3A, %broadcast_in_dim3A_18, %broadcast_in_dim3A_32, %broadcast_in_dim3A_46, %broadcast_in_dim3A_60, %broadcast_in_dim3A_74, %broadcast_in_dim3A_84, %broadcast_in_dim3A_84 in 1 : vector<256x1xf32>, vector<256x1xf32>, vector<256x1xf32>, vector<256x1xf32>, vector<256x1xf32>, vector<256x1xf32>, vector<256x1xf32>, vector<256x1xf32> -> vector<256x8xf32>
    %swap3A = arith.constant 0 : index
    %swap3A_87 = arith.constant 0 : index
    %swap3A_88 = vector.load %arg3[%swap3A, %swap3A_87] : memref<256x8xf32, #tpu.memory_space<vmem>>, vector<256x8xf32>
    tpu.vector_store %arg3[%swap3A, %swap3A_87], %concatenate3A {strides = array<i32>} : memref<256x8xf32, #tpu.memory_space<vmem>>, vector<256x8xf32>,
    %concatenate3A_89 = tpu.concatenate %broadcast_in_dim3A_12, %broadcast_in_dim3A_26, %broadcast_in_dim3A_40, %broadcast_in_dim3A_54, %broadcast_in_dim3A_68, %broadcast_in_dim3A_82, %broadcast_in_dim3A_86, %broadcast_in_dim3A_86 in 1 : vector<256x1xi32>, vector<256x1xi32>, vector<256x1xi32>, vector<256x1xi32>, vector<256x1xi32>, vector<256x1xi32>, vector<256x1xi32>, vector<256x1xi32> -> vector<256x8xi32>
    %swap3A_90 = arith.constant 0 : index
    %swap3A_91 = arith.constant 0 : index
    %swap3A_92 = vector.load %arg4[%swap3A_90, %swap3A_91] : memref<256x8xi32, #tpu.memory_space<vmem>>, vector<256x8xi32>
    tpu.vector_store %arg4[%swap3A_90, %swap3A_91], %concatenate3A_89 {strides = array<i32>} : memref<256x8xi32, #tpu.memory_space<vmem>>, vector<256x8xi32>,
    return
  }
  func.func @transform_0(%arg0: i32) -> (i32, i32) {
    %add3A = arith.constant 6 : i32
    %add3A_0 = arith.addi %arg0, %add3A : i32
    %c0_i32 = arith.constant 0 : i32
    %c0_i32_1 = arith.constant 0 : i32
    return %add3A_0, %c0_i32 : i32, i32
  }
  func.func @transform_1(%arg0: i32) -> (i32, i32) {
    %c0_i32 = arith.constant 0 : i32
    %c0_i32_0 = arith.constant 0 : i32
    %c0_i32_1 = arith.constant 0 : i32
    return %c0_i32, %c0_i32_0 : i32, i32
  }
  func.func @transform_2(%arg0: i32) -> (i32, i32) {
    %c0_i32 = arith.constant 0 : i32
    %c0_i32_0 = arith.constant 0 : i32
    return %arg0, %c0_i32 : i32, i32
  }
  func.func @transform_3(%arg0: i32) -> (i32, i32) {
    %c0_i32 = arith.constant 0 : i32
    %c0_i32_0 = arith.constant 0 : i32
    return %arg0, %c0_i32 : i32, i32
  }
}

module attributes {stable_mosaic.version = 14 : i64} {
  func.func @_topk_body(%arg0: i32, %arg1: memref<256x512xf32, #tpu.memory_space<vmem>>, %arg2: memref<4096x512xf32, #tpu.memory_space<vmem>>, %arg3: memref<256x8xf32, #tpu.memory_space<vmem>>, %arg4: memref<256x8xi32, #tpu.memory_space<vmem>>) attributes {dimension_semantics = [#tpu.dimension_semantics<arbitrary>], iteration_bounds = array<i64: 4>, scalar_prefetch = 0 : i64, scratch_operands = 0 : i64, tpu.core_type = #tpu.core_type<tc>, window_params = [{transform_indices = @transform_0, window_bounds = array<i64: 256, 512>}, {pipeline_mode = #tpu.pipeline_mode<synchronous>, transform_indices = @transform_1, window_bounds = array<i64: 4096, 512>}, {transform_indices = @transform_2, window_bounds = array<i64: 256, 8>}, {transform_indices = @transform_3, window_bounds = array<i64: 256, 8>}]} {
    %get3A = arith.constant 0 : index
    %get3A_0 = arith.constant 0 : index
    %get3A_1 = vector.load %arg1[%get3A, %get3A_0] : memref<256x512xf32, #tpu.memory_space<vmem>>, vector<256x512xf32>
    %mul3A = arith.constant 0.0441941731 : f32
    %mul3A_2 = vector.broadcast %mul3A : f32 to vector<256x512xf32>
    %mul3A_3 = arith.mulf %get3A_1, %mul3A_2 : vector<256x512xf32>
    %get3A_4 = arith.constant 0 : index
    %get3A_5 = arith.constant 0 : index
    %get3A_6 = vector.load %arg2[%get3A_4, %get3A_5] : memref<4096x512xf32, #tpu.memory_space<vmem>>, vector<4096x512xf32>
    %dot_general3A = arith.constant dense<0.000000e+00> : vector<256x4096xf32>
    %dot_general3A_7 = tpu.matmul %mul3A_3, %get3A_6, %dot_general3A {dimension_numbers = #tpu.dot_dimension_numbers<[1], [1], [0], [0], [0, 0, 1, 0], [], []>, transpose_lhs_hint = false} : vector<256x512xf32>, vector<4096x512xf32>, vector<256x4096xf32> -> vector<256x4096xf32>
    %iota3A = tpu.iota {dimensions = array<i32: 1>} : vector<256x4096xi32>
    %reduce_max3A = arith.constant dense<0xFF800000> : vector<256xf32>
    %reduce_max3A_8 = vector.multi_reduction <maximumf>, %dot_general3A_7, %reduce_max3A [1] : vector<256x4096xf32> to vector<256xf32>
    %broadcast_in_dim3A = vector.shape_cast %reduce_max3A_8 : vector<256xf32> to vector<256x1xf32>
    %eq3A = vector.broadcast %broadcast_in_dim3A : vector<256x1xf32> to vector<256x4096xf32>
    %eq3A_9 = arith.cmpf oeq, %dot_general3A_7, %eq3A : vector<256x4096xf32>
    %jit3A = arith.constant 1073741824 : i32
    %broadcast_in_dim3A_10 = vector.broadcast %jit3A : i32 to vector<256x4096xi32>
    %select_n3A = arith.select %eq3A_9, %iota3A, %broadcast_in_dim3A_10 : vector<256x4096xi1>, vector<256x4096xi32>
    %reduce_min3A = arith.constant dense<2147483647> : vector<256xi32>
    %reduce_min3A_11 = vector.multi_reduction <minsi>, %select_n3A, %reduce_min3A [1] : vector<256x4096xi32> to vector<256xi32>
    %broadcast_in_dim3A_12 = vector.shape_cast %reduce_min3A_11 : vector<256xi32> to vector<256x1xi32>
    %jit3A_13 = arith.constant -1.000000e+30 : f32
    %broadcast_in_dim3A_14 = vector.broadcast %jit3A_13 : f32 to vector<256x4096xf32>
    %select_n3A_15 = arith.select %eq3A_9, %broadcast_in_dim3A_14, %dot_general3A_7 : vector<256x4096xi1>, vector<256x4096xf32>
    %reduce_max3A_16 = arith.constant dense<0xFF800000> : vector<256xf32>
    %reduce_max3A_17 = vector.multi_reduction <maximumf>, %select_n3A_15, %reduce_max3A_16 [1] : vector<256x4096xf32> to vector<256xf32>
    %broadcast_in_dim3A_18 = vector.shape_cast %reduce_max3A_17 : vector<256xf32> to vector<256x1xf32>
    %eq3A_19 = vector.broadcast %broadcast_in_dim3A_18 : vector<256x1xf32> to vector<256x4096xf32>
    %eq3A_20 = arith.cmpf oeq, %select_n3A_15, %eq3A_19 : vector<256x4096xf32>
    %jit3A_21 = arith.constant 1073741824 : i32
    %broadcast_in_dim3A_22 = vector.broadcast %jit3A_21 : i32 to vector<256x4096xi32>
    %select_n3A_23 = arith.select %eq3A_20, %iota3A, %broadcast_in_dim3A_22 : vector<256x4096xi1>, vector<256x4096xi32>
    %reduce_min3A_24 = arith.constant dense<2147483647> : vector<256xi32>
    %reduce_min3A_25 = vector.multi_reduction <minsi>, %select_n3A_23, %reduce_min3A_24 [1] : vector<256x4096xi32> to vector<256xi32>
    %broadcast_in_dim3A_26 = vector.shape_cast %reduce_min3A_25 : vector<256xi32> to vector<256x1xi32>
    %jit3A_27 = arith.constant -1.000000e+30 : f32
    %broadcast_in_dim3A_28 = vector.broadcast %jit3A_27 : f32 to vector<256x4096xf32>
    %select_n3A_29 = arith.select %eq3A_20, %broadcast_in_dim3A_28, %select_n3A_15 : vector<256x4096xi1>, vector<256x4096xf32>
    %reduce_max3A_30 = arith.constant dense<0xFF800000> : vector<256xf32>
    %reduce_max3A_31 = vector.multi_reduction <maximumf>, %select_n3A_29, %reduce_max3A_30 [1] : vector<256x4096xf32> to vector<256xf32>
    %broadcast_in_dim3A_32 = vector.shape_cast %reduce_max3A_31 : vector<256xf32> to vector<256x1xf32>
    %eq3A_33 = vector.broadcast %broadcast_in_dim3A_32 : vector<256x1xf32> to vector<256x4096xf32>
    %eq3A_34 = arith.cmpf oeq, %select_n3A_29, %eq3A_33 : vector<256x4096xf32>
    %jit3A_35 = arith.constant 1073741824 : i32
    %broadcast_in_dim3A_36 = vector.broadcast %jit3A_35 : i32 to vector<256x4096xi32>
    %select_n3A_37 = arith.select %eq3A_34, %iota3A, %broadcast_in_dim3A_36 : vector<256x4096xi1>, vector<256x4096xi32>
    %reduce_min3A_38 = arith.constant dense<2147483647> : vector<256xi32>
    %reduce_min3A_39 = vector.multi_reduction <minsi>, %select_n3A_37, %reduce_min3A_38 [1] : vector<256x4096xi32> to vector<256xi32>
    %broadcast_in_dim3A_40 = vector.shape_cast %reduce_min3A_39 : vector<256xi32> to vector<256x1xi32>
    %jit3A_41 = arith.constant -1.000000e+30 : f32
    %broadcast_in_dim3A_42 = vector.broadcast %jit3A_41 : f32 to vector<256x4096xf32>
    %select_n3A_43 = arith.select %eq3A_34, %broadcast_in_dim3A_42, %select_n3A_29 : vector<256x4096xi1>, vector<256x4096xf32>
    %reduce_max3A_44 = arith.constant dense<0xFF800000> : vector<256xf32>
    %reduce_max3A_45 = vector.multi_reduction <maximumf>, %select_n3A_43, %reduce_max3A_44 [1] : vector<256x4096xf32> to vector<256xf32>
    %broadcast_in_dim3A_46 = vector.shape_cast %reduce_max3A_45 : vector<256xf32> to vector<256x1xf32>
    %eq3A_47 = vector.broadcast %broadcast_in_dim3A_46 : vector<256x1xf32> to vector<256x4096xf32>
    %eq3A_48 = arith.cmpf oeq, %select_n3A_43, %eq3A_47 : vector<256x4096xf32>
    %jit3A_49 = arith.constant 1073741824 : i32
    %broadcast_in_dim3A_50 = vector.broadcast %jit3A_49 : i32 to vector<256x4096xi32>
    %select_n3A_51 = arith.select %eq3A_48, %iota3A, %broadcast_in_dim3A_50 : vector<256x4096xi1>, vector<256x4096xi32>
    %reduce_min3A_52 = arith.constant dense<2147483647> : vector<256xi32>
    %reduce_min3A_53 = vector.multi_reduction <minsi>, %select_n3A_51, %reduce_min3A_52 [1] : vector<256x4096xi32> to vector<256xi32>
    %broadcast_in_dim3A_54 = vector.shape_cast %reduce_min3A_53 : vector<256xi32> to vector<256x1xi32>
    %jit3A_55 = arith.constant -1.000000e+30 : f32
    %broadcast_in_dim3A_56 = vector.broadcast %jit3A_55 : f32 to vector<256x4096xf32>
    %select_n3A_57 = arith.select %eq3A_48, %broadcast_in_dim3A_56, %select_n3A_43 : vector<256x4096xi1>, vector<256x4096xf32>
    %reduce_max3A_58 = arith.constant dense<0xFF800000> : vector<256xf32>
    %reduce_max3A_59 = vector.multi_reduction <maximumf>, %select_n3A_57, %reduce_max3A_58 [1] : vector<256x4096xf32> to vector<256xf32>
    %broadcast_in_dim3A_60 = vector.shape_cast %reduce_max3A_59 : vector<256xf32> to vector<256x1xf32>
    %eq3A_61 = vector.broadcast %broadcast_in_dim3A_60 : vector<256x1xf32> to vector<256x4096xf32>
    %eq3A_62 = arith.cmpf oeq, %select_n3A_57, %eq3A_61 : vector<256x4096xf32>
    %jit3A_63 = arith.constant 1073741824 : i32
    %broadcast_in_dim3A_64 = vector.broadcast %jit3A_63 : i32 to vector<256x4096xi32>
    %select_n3A_65 = arith.select %eq3A_62, %iota3A, %broadcast_in_dim3A_64 : vector<256x4096xi1>, vector<256x4096xi32>
    %reduce_min3A_66 = arith.constant dense<2147483647> : vector<256xi32>
    %reduce_min3A_67 = vector.multi_reduction <minsi>, %select_n3A_65, %reduce_min3A_66 [1] : vector<256x4096xi32> to vector<256xi32>
    %broadcast_in_dim3A_68 = vector.shape_cast %reduce_min3A_67 : vector<256xi32> to vector<256x1xi32>
    %jit3A_69 = arith.constant -1.000000e+30 : f32
    %broadcast_in_dim3A_70 = vector.broadcast %jit3A_69 : f32 to vector<256x4096xf32>
    %select_n3A_71 = arith.select %eq3A_62, %broadcast_in_dim3A_70, %select_n3A_57 : vector<256x4096xi1>, vector<256x4096xf32>
    %reduce_max3A_72 = arith.constant dense<0xFF800000> : vector<256xf32>
    %reduce_max3A_73 = vector.multi_reduction <maximumf>, %select_n3A_71, %reduce_max3A_72 [1] : vector<256x4096xf32> to vector<256xf32>
    %broadcast_in_dim3A_74 = vector.shape_cast %reduce_max3A_73 : vector<256xf32> to vector<256x1xf32>
    %eq3A_75 = vector.broadcast %broadcast_in_dim3A_74 : vector<256x1xf32> to vector<256x4096xf32>
    %eq3A_76 = arith.cmpf oeq, %select_n3A_71, %eq3A_75 : vector<256x4096xf32>
    %jit3A_77 = arith.constant 1073741824 : i32
    %broadcast_in_dim3A_78 = vector.broadcast %jit3A_77 : i32 to vector<256x4096xi32>
    %select_n3A_79 = arith.select %eq3A_76, %iota3A, %broadcast_in_dim3A_78 : vector<256x4096xi1>, vector<256x4096xi32>
    %reduce_min3A_80 = arith.constant dense<2147483647> : vector<256xi32>
    %reduce_min3A_81 = vector.multi_reduction <minsi>, %select_n3A_79, %reduce_min3A_80 [1] : vector<256x4096xi32> to vector<256xi32>
    %broadcast_in_dim3A_82 = vector.shape_cast %reduce_min3A_81 : vector<256xi32> to vector<256x1xi32>
    %broadcast_in_dim3A_83 = arith.constant -1.000000e+30 : f32
    %broadcast_in_dim3A_84 = vector.broadcast %broadcast_in_dim3A_83 : f32 to vector<256x1xf32>
    %broadcast_in_dim3A_85 = arith.constant 0 : i32
    %broadcast_in_dim3A_86 = vector.broadcast %broadcast_in_dim3A_85 : i32 to vector<256x1xi32>
    %concatenate3A = tpu.concatenate %broadcast_in_dim3A, %broadcast_in_dim3A_18, %broadcast_in_dim3A_32, %broadcast_in_dim3A_46, %broadcast_in_dim3A_60, %broadcast_in_dim3A_74, %broadcast_in_dim3A_84, %broadcast_in_dim3A_84 in 1 : vector<256x1xf32>, vector<256x1xf32>, vector<256x1xf32>, vector<256x1xf32>, vector<256x1xf32>, vector<256x1xf32>, vector<256x1xf32>, vector<256x1xf32> -> vector<256x8xf32>
    %swap3A = arith.constant 0 : index
    %swap3A_87 = arith.constant 0 : index
    %swap3A_88 = vector.load %arg3[%swap3A, %swap3A_87] : memref<256x8xf32, #tpu.memory_space<vmem>>, vector<256x8xf32>
    tpu.vector_store %arg3[%swap3A, %swap3A_87], %concatenate3A {strides = array<i32>} : memref<256x8xf32, #tpu.memory_space<vmem>>, vector<256x8xf32>,
    %concatenate3A_89 = tpu.concatenate %broadcast_in_dim3A_12, %broadcast_in_dim3A_26, %broadcast_in_dim3A_40, %broadcast_in_dim3A_54, %broadcast_in_dim3A_68, %broadcast_in_dim3A_82, %broadcast_in_dim3A_86, %broadcast_in_dim3A_86 in 1 : vector<256x1xi32>, vector<256x1xi32>, vector<256x1xi32>, vector<256x1xi32>, vector<256x1xi32>, vector<256x1xi32>, vector<256x1xi32>, vector<256x1xi32> -> vector<256x8xi32>
    %swap3A_90 = arith.constant 0 : index
    %swap3A_91 = arith.constant 0 : index
    %swap3A_92 = vector.load %arg4[%swap3A_90, %swap3A_91] : memref<256x8xi32, #tpu.memory_space<vmem>>, vector<256x8xi32>
    tpu.vector_store %arg4[%swap3A_90, %swap3A_91], %concatenate3A_89 {strides = array<i32>} : memref<256x8xi32, #tpu.memory_space<vmem>>, vector<256x8xi32>,
    return
  }
  func.func @transform_0(%arg0: i32) -> (i32, i32) {
    %add3A = arith.constant 12 : i32
    %add3A_0 = arith.addi %arg0, %add3A : i32
    %c0_i32 = arith.constant 0 : i32
    %c0_i32_1 = arith.constant 0 : i32
    return %add3A_0, %c0_i32 : i32, i32
  }
  func.func @transform_1(%arg0: i32) -> (i32, i32) {
    %c0_i32 = arith.constant 0 : i32
    %c0_i32_0 = arith.constant 0 : i32
    %c0_i32_1 = arith.constant 0 : i32
    return %c0_i32, %c0_i32_0 : i32, i32
  }
  func.func @transform_2(%arg0: i32) -> (i32, i32) {
    %c0_i32 = arith.constant 0 : i32
    %c0_i32_0 = arith.constant 0 : i32
    return %arg0, %c0_i32 : i32, i32
  }
  func.func @transform_3(%arg0: i32) -> (i32, i32) {
    %c0_i32 = arith.constant 0 : i32
    %c0_i32_0 = arith.constant 0 : i32
    return %arg0, %c0_i32 : i32, i32
  }
}

module attributes {stable_mosaic.version = 14 : i64} {
  func.func @_agg_body(%arg0: i32, %arg1: memref<256x512xf32, #tpu.memory_space<vmem>>, %arg2: memref<256x512xf32, #tpu.memory_space<vmem>>, %arg3: memref<256x512xf32, #tpu.memory_space<vmem>>, %arg4: memref<256x512xf32, #tpu.memory_space<vmem>>, %arg5: memref<256x512xf32, #tpu.memory_space<vmem>>, %arg6: memref<256x512xf32, #tpu.memory_space<vmem>>, %arg7: memref<256x512xf32, #tpu.memory_space<vmem>>, %arg8: memref<256x8xf32, #tpu.memory_space<vmem>>, %arg9: memref<512x512xf32, #tpu.memory_space<vmem>>, %arg10: memref<1x512xf32, #tpu.memory_space<vmem>>, %arg11: memref<512x512xf32, #tpu.memory_space<vmem>>, %arg12: memref<1x512xf32, #tpu.memory_space<vmem>>, %arg13: memref<512x256xf32, #tpu.memory_space<vmem>>, %arg14: memref<1x256xf32, #tpu.memory_space<vmem>>, %arg15: memref<1x256xf32, #tpu.memory_space<vmem>>, %arg16: memref<1x1xf32, #tpu.memory_space<vmem>>, %arg17: memref<1x1xf32, #tpu.memory_space<vmem>>, %arg18: memref<1x512xf32, #tpu.memory_space<vmem>>, %arg19: memref<1x512xf32, #tpu.memory_space<vmem>>, %arg20: memref<1x512xf32, #tpu.memory_space<vmem>>, %arg21: memref<512x128xf32, #tpu.memory_space<vmem>>, %arg22: memref<1x128xf32, #tpu.memory_space<vmem>>, %arg23: memref<1x1xf32, #tpu.memory_space<vmem>>, %arg24: memref<1x1xf32, #tpu.memory_space<vmem>>, %arg25: memref<1x512xf32, #tpu.memory_space<vmem>>, %arg26: memref<1x1xf32, #tpu.memory_space<vmem>>, %arg27: memref<1x1xf32, #tpu.memory_space<vmem>>, %arg28: memref<1x512xf32, #tpu.memory_space<vmem>>) attributes {dimension_semantics = [#tpu.dimension_semantics<arbitrary>], iteration_bounds = array<i64: 2>, scalar_prefetch = 0 : i64, scratch_operands = 3 : i64, tpu.core_type = #tpu.core_type<tc>, window_params = [{transform_indices = @transform_0, window_bounds = array<i64: 256, 512>}, {transform_indices = @transform_1, window_bounds = array<i64: 256, 512>}, {transform_indices = @transform_2, window_bounds = array<i64: 256, 512>}, {transform_indices = @transform_3, window_bounds = array<i64: 256, 512>}, {transform_indices = @transform_4, window_bounds = array<i64: 256, 512>}, {transform_indices = @transform_5, window_bounds = array<i64: 256, 512>}, {transform_indices = @transform_6, window_bounds = array<i64: 256, 512>}, {transform_indices = @transform_7, window_bounds = array<i64: 256, 8>}, {pipeline_mode = #tpu.pipeline_mode<synchronous>, transform_indices = @transform_8, window_bounds = array<i64: 512, 512>}, {pipeline_mode = #tpu.pipeline_mode<synchronous>, transform_indices = @transform_9, window_bounds = array<i64: 1, 512>}, {pipeline_mode = #tpu.pipeline_mode<synchronous>, transform_indices = @transform_10, window_bounds = array<i64: 512, 512>}, {pipeline_mode = #tpu.pipeline_mode<synchronous>, transform_indices = @transform_11, window_bounds = array<i64: 1, 512>}, {pipeline_mode = #tpu.pipeline_mode<synchronous>, transform_indices = @transform_12, window_bounds = array<i64: 512, 256>}, {pipeline_mode = #tpu.pipeline_mode<synchronous>, transform_indices = @transform_13, window_bounds = array<i64: 1, 256>}, {pipeline_mode = #tpu.pipeline_mode<synchronous>, transform_indices = @transform_14, window_bounds = array<i64: 1, 256>}, {pipeline_mode = #tpu.pipeline_mode<synchronous>, transform_indices = @transform_15, window_bounds = array<i64: 1, 1>}, {pipeline_mode = #tpu.pipeline_mode<synchronous>, transform_indices = @transform_16, window_bounds = array<i64: 1, 1>}, {pipeline_mode = #tpu.pipeline_mode<synchronous>, transform_indices = @transform_17, window_bounds = array<i64: 1, 512>}, {pipeline_mode = #tpu.pipeline_mode<synchronous>, transform_indices = @transform_18, window_bounds = array<i64: 1, 512>}, {pipeline_mode = #tpu.pipeline_mode<synchronous>, transform_indices = @transform_19, window_bounds = array<i64: 1, 512>}, {pipeline_mode = #tpu.pipeline_mode<synchronous>, transform_indices = @transform_20, window_bounds = array<i64: 512, 128>}, {pipeline_mode = #tpu.pipeline_mode<synchronous>, transform_indices = @transform_21, window_bounds = array<i64: 1, 128>}, {pipeline_mode = #tpu.pipeline_mode<synchronous>, transform_indices = @transform_22, window_bounds = array<i64: 1, 1>}, {pipeline_mode = #tpu.pipeline_mode<synchronous>, transform_indices = @transform_23, window_bounds = array<i64: 1, 1>}, {pipeline_mode = #tpu.pipeline_mode<synchronous>, transform_indices = @transform_24, window_bounds = array<i64: 1, 512>}]} {
    %get3A = arith.constant 0 : index
    %get3A_0 = arith.constant 0 : index
    %get3A_1 = vector.load %arg1[%get3A, %get3A_0] : memref<256x512xf32, #tpu.memory_space<vmem>>, vector<256x512xf32>
    %get3A_2 = arith.constant 0 : index
    %get3A_3 = arith.constant 0 : index
    %get3A_4 = vector.load %arg8[%get3A_2, %get3A_3] : memref<256x8xf32, #tpu.memory_space<vmem>>, vector<256x8xf32>
    %reduce_max3A = arith.constant dense<0xFF800000> : vector<256xf32>
    %reduce_max3A_5 = vector.multi_reduction <maximumf>, %get3A_4, %reduce_max3A [1] : vector<256x8xf32> to vector<256xf32>
    %broadcast_in_dim3A = vector.shape_cast %reduce_max3A_5 : vector<256xf32> to vector<256x1xf32>
    %sub3A = vector.broadcast %broadcast_in_dim3A : vector<256x1xf32> to vector<256x8xf32>
    %sub3A_6 = arith.subf %get3A_4, %sub3A : vector<256x8xf32>
    %exp3A = math.exp %sub3A_6 : vector<256x8xf32>
    %reduce_sum3A = arith.constant dense<0.000000e+00> : vector<256xf32>
    %reduce_sum3A_7 = vector.multi_reduction <add>, %exp3A, %reduce_sum3A [1] : vector<256x8xf32> to vector<256xf32>
    %broadcast_in_dim3A_8 = vector.shape_cast %reduce_sum3A_7 : vector<256xf32> to vector<256x1xf32>
    %div3A = vector.broadcast %broadcast_in_dim3A_8 : vector<256x1xf32> to vector<256x8xf32>
    %div3A_9 = arith.divf %exp3A, %div3A : vector<256x8xf32>
    %get3A_10 = arith.constant 0 : index
    %get3A_11 = arith.constant 0 : index
    %get3A_12 = vector.load %arg2[%get3A_10, %get3A_11] : memref<256x512xf32, #tpu.memory_space<vmem>>, vector<256x512xf32>
    %slice3A = vector.extract_strided_slice %div3A_9 {offsets = [0, 0], sizes = [256, 1], strides = [1, 1]} : vector<256x8xf32> to vector<256x1xf32>
    %sub3A_13 = arith.constant 2.000000e+00 : f32
    %sub3A_14 = vector.broadcast %sub3A_13 : f32 to vector<256x1xf32>
    %sub3A_15 = arith.subf %sub3A_14, %slice3A : vector<256x1xf32>
    %mul3A = vector.broadcast %sub3A_15 : vector<256x1xf32> to vector<256x512xf32>
    %mul3A_16 = arith.mulf %mul3A, %get3A_1 : vector<256x512xf32>
    %mul3A_17 = vector.broadcast %slice3A : vector<256x1xf32> to vector<256x512xf32>
    %mul3A_18 = arith.mulf %mul3A_17, %get3A_12 : vector<256x512xf32>
    %add3A = arith.addf %mul3A_16, %mul3A_18 : vector<256x512xf32>
    %tanh3A = math.tanh %add3A : vector<256x512xf32>
    %reduce_sum3A_19 = arith.constant dense<0.000000e+00> : vector<256xf32>
    %reduce_sum3A_20 = vector.multi_reduction <add>, %get3A_12, %reduce_sum3A_19 [1] : vector<256x512xf32> to vector<256xf32>
    %broadcast_in_dim3A_21 = vector.shape_cast %reduce_sum3A_20 : vector<256xf32> to vector<256x1xf32>
    %reduce_sum3A_22 = arith.constant dense<0.000000e+00> : vector<256xf32>
    %reduce_sum3A_23 = vector.multi_reduction <add>, %tanh3A, %reduce_sum3A_22 [1] : vector<256x512xf32> to vector<256xf32>
    %broadcast_in_dim3A_24 = vector.shape_cast %reduce_sum3A_23 : vector<256xf32> to vector<256x1xf32>
    %mul3A_25 = arith.mulf %broadcast_in_dim3A_21, %broadcast_in_dim3A_24 : vector<256x1xf32>
    %get3A_26 = arith.constant 0 : index
    %get3A_27 = arith.constant 0 : index
    %get3A_28 = vector.load %arg3[%get3A_26, %get3A_27] : memref<256x512xf32, #tpu.memory_space<vmem>>, vector<256x512xf32>
    %slice3A_29 = vector.extract_strided_slice %div3A_9 {offsets = [0, 1], sizes = [256, 1], strides = [1, 1]} : vector<256x8xf32> to vector<256x1xf32>
    %sub3A_30 = arith.constant 2.000000e+00 : f32
    %sub3A_31 = vector.broadcast %sub3A_30 : f32 to vector<256x1xf32>
    %sub3A_32 = arith.subf %sub3A_31, %slice3A_29 : vector<256x1xf32>
    %mul3A_33 = vector.broadcast %sub3A_32 : vector<256x1xf32> to vector<256x512xf32>
    %mul3A_34 = arith.mulf %mul3A_33, %get3A_1 : vector<256x512xf32>
    %mul3A_35 = vector.broadcast %slice3A_29 : vector<256x1xf32> to vector<256x512xf32>
    %mul3A_36 = arith.mulf %mul3A_35, %get3A_28 : vector<256x512xf32>
    %add3A_37 = arith.addf %mul3A_34, %mul3A_36 : vector<256x512xf32>
    %tanh3A_38 = math.tanh %add3A_37 : vector<256x512xf32>
    %reduce_sum3A_39 = arith.constant dense<0.000000e+00> : vector<256xf32>
    %reduce_sum3A_40 = vector.multi_reduction <add>, %get3A_28, %reduce_sum3A_39 [1] : vector<256x512xf32> to vector<256xf32>
    %broadcast_in_dim3A_41 = vector.shape_cast %reduce_sum3A_40 : vector<256xf32> to vector<256x1xf32>
    %reduce_sum3A_42 = arith.constant dense<0.000000e+00> : vector<256xf32>
    %reduce_sum3A_43 = vector.multi_reduction <add>, %tanh3A_38, %reduce_sum3A_42 [1] : vector<256x512xf32> to vector<256xf32>
    %broadcast_in_dim3A_44 = vector.shape_cast %reduce_sum3A_43 : vector<256xf32> to vector<256x1xf32>
    %mul3A_45 = arith.mulf %broadcast_in_dim3A_41, %broadcast_in_dim3A_44 : vector<256x1xf32>
    %get3A_46 = arith.constant 0 : index
    %get3A_47 = arith.constant 0 : index
    %get3A_48 = vector.load %arg4[%get3A_46, %get3A_47] : memref<256x512xf32, #tpu.memory_space<vmem>>, vector<256x512xf32>
    %slice3A_49 = vector.extract_strided_slice %div3A_9 {offsets = [0, 2], sizes = [256, 1], strides = [1, 1]} : vector<256x8xf32> to vector<256x1xf32>
    %sub3A_50 = arith.constant 2.000000e+00 : f32
    %sub3A_51 = vector.broadcast %sub3A_50 : f32 to vector<256x1xf32>
    %sub3A_52 = arith.subf %sub3A_51, %slice3A_49 : vector<256x1xf32>
    %mul3A_53 = vector.broadcast %sub3A_52 : vector<256x1xf32> to vector<256x512xf32>
    %mul3A_54 = arith.mulf %mul3A_53, %get3A_1 : vector<256x512xf32>
    %mul3A_55 = vector.broadcast %slice3A_49 : vector<256x1xf32> to vector<256x512xf32>
    %mul3A_56 = arith.mulf %mul3A_55, %get3A_48 : vector<256x512xf32>
    %add3A_57 = arith.addf %mul3A_54, %mul3A_56 : vector<256x512xf32>
    %tanh3A_58 = math.tanh %add3A_57 : vector<256x512xf32>
    %reduce_sum3A_59 = arith.constant dense<0.000000e+00> : vector<256xf32>
    %reduce_sum3A_60 = vector.multi_reduction <add>, %get3A_48, %reduce_sum3A_59 [1] : vector<256x512xf32> to vector<256xf32>
    %broadcast_in_dim3A_61 = vector.shape_cast %reduce_sum3A_60 : vector<256xf32> to vector<256x1xf32>
    %reduce_sum3A_62 = arith.constant dense<0.000000e+00> : vector<256xf32>
    %reduce_sum3A_63 = vector.multi_reduction <add>, %tanh3A_58, %reduce_sum3A_62 [1] : vector<256x512xf32> to vector<256xf32>
    %broadcast_in_dim3A_64 = vector.shape_cast %reduce_sum3A_63 : vector<256xf32> to vector<256x1xf32>
    %mul3A_65 = arith.mulf %broadcast_in_dim3A_61, %broadcast_in_dim3A_64 : vector<256x1xf32>
    %get3A_66 = arith.constant 0 : index
    %get3A_67 = arith.constant 0 : index
    %get3A_68 = vector.load %arg5[%get3A_66, %get3A_67] : memref<256x512xf32, #tpu.memory_space<vmem>>, vector<256x512xf32>
    %slice3A_69 = vector.extract_strided_slice %div3A_9 {offsets = [0, 3], sizes = [256, 1], strides = [1, 1]} : vector<256x8xf32> to vector<256x1xf32>
    %sub3A_70 = arith.constant 2.000000e+00 : f32
    %sub3A_71 = vector.broadcast %sub3A_70 : f32 to vector<256x1xf32>
    %sub3A_72 = arith.subf %sub3A_71, %slice3A_69 : vector<256x1xf32>
    %mul3A_73 = vector.broadcast %sub3A_72 : vector<256x1xf32> to vector<256x512xf32>
    %mul3A_74 = arith.mulf %mul3A_73, %get3A_1 : vector<256x512xf32>
    %mul3A_75 = vector.broadcast %slice3A_69 : vector<256x1xf32> to vector<256x512xf32>
    %mul3A_76 = arith.mulf %mul3A_75, %get3A_68 : vector<256x512xf32>
    %add3A_77 = arith.addf %mul3A_74, %mul3A_76 : vector<256x512xf32>
    %tanh3A_78 = math.tanh %add3A_77 : vector<256x512xf32>
    %reduce_sum3A_79 = arith.constant dense<0.000000e+00> : vector<256xf32>
    %reduce_sum3A_80 = vector.multi_reduction <add>, %get3A_68, %reduce_sum3A_79 [1] : vector<256x512xf32> to vector<256xf32>
    %broadcast_in_dim3A_81 = vector.shape_cast %reduce_sum3A_80 : vector<256xf32> to vector<256x1xf32>
    %reduce_sum3A_82 = arith.constant dense<0.000000e+00> : vector<256xf32>
    %reduce_sum3A_83 = vector.multi_reduction <add>, %tanh3A_78, %reduce_sum3A_82 [1] : vector<256x512xf32> to vector<256xf32>
    %broadcast_in_dim3A_84 = vector.shape_cast %reduce_sum3A_83 : vector<256xf32> to vector<256x1xf32>
    %mul3A_85 = arith.mulf %broadcast_in_dim3A_81, %broadcast_in_dim3A_84 : vector<256x1xf32>
    %get3A_86 = arith.constant 0 : index
    %get3A_87 = arith.constant 0 : index
    %get3A_88 = vector.load %arg6[%get3A_86, %get3A_87] : memref<256x512xf32, #tpu.memory_space<vmem>>, vector<256x512xf32>
    %slice3A_89 = vector.extract_strided_slice %div3A_9 {offsets = [0, 4], sizes = [256, 1], strides = [1, 1]} : vector<256x8xf32> to vector<256x1xf32>
    %sub3A_90 = arith.constant 2.000000e+00 : f32
    %sub3A_91 = vector.broadcast %sub3A_90 : f32 to vector<256x1xf32>
    %sub3A_92 = arith.subf %sub3A_91, %slice3A_89 : vector<256x1xf32>
    %mul3A_93 = vector.broadcast %sub3A_92 : vector<256x1xf32> to vector<256x512xf32>
    %mul3A_94 = arith.mulf %mul3A_93, %get3A_1 : vector<256x512xf32>
    %mul3A_95 = vector.broadcast %slice3A_89 : vector<256x1xf32> to vector<256x512xf32>
    %mul3A_96 = arith.mulf %mul3A_95, %get3A_88 : vector<256x512xf32>
    %add3A_97 = arith.addf %mul3A_94, %mul3A_96 : vector<256x512xf32>
    %tanh3A_98 = math.tanh %add3A_97 : vector<256x512xf32>
    %reduce_sum3A_99 = arith.constant dense<0.000000e+00> : vector<256xf32>
    %reduce_sum3A_100 = vector.multi_reduction <add>, %get3A_88, %reduce_sum3A_99 [1] : vector<256x512xf32> to vector<256xf32>
    %broadcast_in_dim3A_101 = vector.shape_cast %reduce_sum3A_100 : vector<256xf32> to vector<256x1xf32>
    %reduce_sum3A_102 = arith.constant dense<0.000000e+00> : vector<256xf32>
    %reduce_sum3A_103 = vector.multi_reduction <add>, %tanh3A_98, %reduce_sum3A_102 [1] : vector<256x512xf32> to vector<256xf32>
    %broadcast_in_dim3A_104 = vector.shape_cast %reduce_sum3A_103 : vector<256xf32> to vector<256x1xf32>
    %mul3A_105 = arith.mulf %broadcast_in_dim3A_101, %broadcast_in_dim3A_104 : vector<256x1xf32>
    %get3A_106 = arith.constant 0 : index
    %get3A_107 = arith.constant 0 : index
    %get3A_108 = vector.load %arg7[%get3A_106, %get3A_107] : memref<256x512xf32, #tpu.memory_space<vmem>>, vector<256x512xf32>
    %slice3A_109 = vector.extract_strided_slice %div3A_9 {offsets = [0, 5], sizes = [256, 1], strides = [1, 1]} : vector<256x8xf32> to vector<256x1xf32>
    %sub3A_110 = arith.constant 2.000000e+00 : f32
    %sub3A_111 = vector.broadcast %sub3A_110 : f32 to vector<256x1xf32>
    %sub3A_112 = arith.subf %sub3A_111, %slice3A_109 : vector<256x1xf32>
    %mul3A_113 = vector.broadcast %sub3A_112 : vector<256x1xf32> to vector<256x512xf32>
    %mul3A_114 = arith.mulf %mul3A_113, %get3A_1 : vector<256x512xf32>
    %mul3A_115 = vector.broadcast %slice3A_109 : vector<256x1xf32> to vector<256x512xf32>
    %mul3A_116 = arith.mulf %mul3A_115, %get3A_108 : vector<256x512xf32>
    %add3A_117 = arith.addf %mul3A_114, %mul3A_116 : vector<256x512xf32>
    %tanh3A_118 = math.tanh %add3A_117 : vector<256x512xf32>
    %reduce_sum3A_119 = arith.constant dense<0.000000e+00> : vector<256xf32>
    %reduce_sum3A_120 = vector.multi_reduction <add>, %get3A_108, %reduce_sum3A_119 [1] : vector<256x512xf32> to vector<256xf32>
    %broadcast_in_dim3A_121 = vector.shape_cast %reduce_sum3A_120 : vector<256xf32> to vector<256x1xf32>
    %reduce_sum3A_122 = arith.constant dense<0.000000e+00> : vector<256xf32>
    %reduce_sum3A_123 = vector.multi_reduction <add>, %tanh3A_118, %reduce_sum3A_122 [1] : vector<256x512xf32> to vector<256xf32>
    %broadcast_in_dim3A_124 = vector.shape_cast %reduce_sum3A_123 : vector<256xf32> to vector<256x1xf32>
    %mul3A_125 = arith.mulf %broadcast_in_dim3A_121, %broadcast_in_dim3A_124 : vector<256x1xf32>
    %concatenate3A = tpu.concatenate %mul3A_25, %mul3A_45, %mul3A_65, %mul3A_85, %mul3A_105, %mul3A_125 in 1 : vector<256x1xf32>, vector<256x1xf32>, vector<256x1xf32>, vector<256x1xf32>, vector<256x1xf32>, vector<256x1xf32> -> vector<256x6xf32>
    %reduce_max3A_126 = arith.constant dense<0xFF800000> : vector<256xf32>
    %reduce_max3A_127 = vector.multi_reduction <maximumf>, %concatenate3A, %reduce_max3A_126 [1] : vector<256x6xf32> to vector<256xf32>
    %broadcast_in_dim3A_128 = vector.shape_cast %reduce_max3A_127 : vector<256xf32> to vector<256x1xf32>
    %sub3A_129 = vector.broadcast %broadcast_in_dim3A_128 : vector<256x1xf32> to vector<256x6xf32>
    %sub3A_130 = arith.subf %concatenate3A, %sub3A_129 : vector<256x6xf32>
    %exp3A_131 = math.exp %sub3A_130 : vector<256x6xf32>
    %reduce_sum3A_132 = arith.constant dense<0.000000e+00> : vector<256xf32>
    %reduce_sum3A_133 = vector.multi_reduction <add>, %exp3A_131, %reduce_sum3A_132 [1] : vector<256x6xf32> to vector<256xf32>
    %broadcast_in_dim3A_134 = vector.shape_cast %reduce_sum3A_133 : vector<256xf32> to vector<256x1xf32>
    %div3A_135 = vector.broadcast %broadcast_in_dim3A_134 : vector<256x1xf32> to vector<256x6xf32>
    %div3A_136 = arith.divf %exp3A_131, %div3A_135 : vector<256x6xf32>
    %slice3A_137 = vector.extract_strided_slice %div3A_136 {offsets = [0, 0], sizes = [256, 1], strides = [1, 1]} : vector<256x6xf32> to vector<256x1xf32>
    %mul3A_138 = vector.broadcast %slice3A_137 : vector<256x1xf32> to vector<256x512xf32>
    %mul3A_139 = arith.mulf %mul3A_138, %get3A_12 : vector<256x512xf32>
    %slice3A_140 = vector.extract_strided_slice %div3A_136 {offsets = [0, 1], sizes = [256, 1], strides = [1, 1]} : vector<256x6xf32> to vector<256x1xf32>
    %mul3A_141 = vector.broadcast %slice3A_140 : vector<256x1xf32> to vector<256x512xf32>
    %mul3A_142 = arith.mulf %mul3A_141, %get3A_28 : vector<256x512xf32>
    %add3A_143 = arith.addf %mul3A_139, %mul3A_142 : vector<256x512xf32>
    %slice3A_144 = vector.extract_strided_slice %div3A_136 {offsets = [0, 2], sizes = [256, 1], strides = [1, 1]} : vector<256x6xf32> to vector<256x1xf32>
    %mul3A_145 = vector.broadcast %slice3A_144 : vector<256x1xf32> to vector<256x512xf32>
    %mul3A_146 = arith.mulf %mul3A_145, %get3A_48 : vector<256x512xf32>
    %add3A_147 = arith.addf %add3A_143, %mul3A_146 : vector<256x512xf32>
    %slice3A_148 = vector.extract_strided_slice %div3A_136 {offsets = [0, 3], sizes = [256, 1], strides = [1, 1]} : vector<256x6xf32> to vector<256x1xf32>
    %mul3A_149 = vector.broadcast %slice3A_148 : vector<256x1xf32> to vector<256x512xf32>
    %mul3A_150 = arith.mulf %mul3A_149, %get3A_68 : vector<256x512xf32>
    %add3A_151 = arith.addf %add3A_147, %mul3A_150 : vector<256x512xf32>
    %slice3A_152 = vector.extract_strided_slice %div3A_136 {offsets = [0, 4], sizes = [256, 1], strides = [1, 1]} : vector<256x6xf32> to vector<256x1xf32>
    %mul3A_153 = vector.broadcast %slice3A_152 : vector<256x1xf32> to vector<256x512xf32>
    %mul3A_154 = arith.mulf %mul3A_153, %get3A_88 : vector<256x512xf32>
    %add3A_155 = arith.addf %add3A_151, %mul3A_154 : vector<256x512xf32>
    %slice3A_156 = vector.extract_strided_slice %div3A_136 {offsets = [0, 5], sizes = [256, 1], strides = [1, 1]} : vector<256x6xf32> to vector<256x1xf32>
    %mul3A_157 = vector.broadcast %slice3A_156 : vector<256x1xf32> to vector<256x512xf32>
    %mul3A_158 = arith.mulf %mul3A_157, %get3A_108 : vector<256x512xf32>
    %add3A_159 = arith.addf %add3A_155, %mul3A_158 : vector<256x512xf32>
    %add3A_160 = arith.addf %get3A_1, %add3A_159 : vector<256x512xf32>
    %get3A_161 = arith.constant 0 : index
    %get3A_162 = arith.constant 0 : index
    %get3A_163 = vector.load %arg9[%get3A_161, %get3A_162] : memref<512x512xf32, #tpu.memory_space<vmem>>, vector<512x512xf32>
    %dot_general3A = arith.constant dense<0.000000e+00> : vector<256x512xf32>
    %dot_general3A_164 = tpu.matmul %add3A_160, %get3A_163, %dot_general3A {dimension_numbers = #tpu.dot_dimension_numbers<[1], [0], [0], [1], [0, 0, 1, 1], [], []>, transpose_lhs_hint = false} : vector<256x512xf32>, vector<512x512xf32>, vector<256x512xf32> -> vector<256x512xf32>
    %get3A_165 = arith.constant 0 : index
    %get3A_166 = arith.constant 0 : index
    %get3A_167 = vector.load %arg10[%get3A_165, %get3A_166] : memref<1x512xf32, #tpu.memory_space<vmem>>, vector<1x512xf32>
    %add3A_168 = vector.broadcast %get3A_167 : vector<1x512xf32> to vector<256x512xf32>
    %add3A_169 = arith.addf %dot_general3A_164, %add3A_168 : vector<256x512xf32>
    %jit3A = arith.constant 0.00999999977 : f32
    %ge3A = arith.constant 0.000000e+00 : f32
    %ge3A_170 = vector.broadcast %ge3A : f32 to vector<256x512xf32>
    %ge3A_171 = arith.cmpf oge, %add3A_169, %ge3A_170 : vector<256x512xf32>
    %mul3A_172 = vector.broadcast %jit3A : f32 to vector<256x512xf32>
    %mul3A_173 = arith.mulf %mul3A_172, %add3A_169 : vector<256x512xf32>
    %select_n3A = arith.select %ge3A_171, %add3A_169, %mul3A_173 : vector<256x512xi1>, vector<256x512xf32>
    %mul3A_174 = arith.mulf %get3A_1, %add3A_159 : vector<256x512xf32>
    %get3A_175 = arith.constant 0 : index
    %get3A_176 = arith.constant 0 : index
    %get3A_177 = vector.load %arg11[%get3A_175, %get3A_176] : memref<512x512xf32, #tpu.memory_space<vmem>>, vector<512x512xf32>
    %dot_general3A_178 = arith.constant dense<0.000000e+00> : vector<256x512xf32>
    %dot_general3A_179 = tpu.matmul %mul3A_174, %get3A_177, %dot_general3A_178 {dimension_numbers = #tpu.dot_dimension_numbers<[1], [0], [0], [1], [0, 0, 1, 1], [], []>, transpose_lhs_hint = false} : vector<256x512xf32>, vector<512x512xf32>, vector<256x512xf32> -> vector<256x512xf32>
    %get3A_180 = arith.constant 0 : index
    %get3A_181 = arith.constant 0 : index
    %get3A_182 = vector.load %arg12[%get3A_180, %get3A_181] : memref<1x512xf32, #tpu.memory_space<vmem>>, vector<1x512xf32>
    %add3A_183 = vector.broadcast %get3A_182 : vector<1x512xf32> to vector<256x512xf32>
    %add3A_184 = arith.addf %dot_general3A_179, %add3A_183 : vector<256x512xf32>
    %jit3A_185 = arith.constant 0.00999999977 : f32
    %ge3A_186 = arith.constant 0.000000e+00 : f32
    %ge3A_187 = vector.broadcast %ge3A_186 : f32 to vector<256x512xf32>
    %ge3A_188 = arith.cmpf oge, %add3A_184, %ge3A_187 : vector<256x512xf32>
    %mul3A_189 = vector.broadcast %jit3A_185 : f32 to vector<256x512xf32>
    %mul3A_190 = arith.mulf %mul3A_189, %add3A_184 : vector<256x512xf32>
    %select_n3A_191 = arith.select %ge3A_188, %add3A_184, %mul3A_190 : vector<256x512xi1>, vector<256x512xf32>
    %add3A_192 = arith.addf %select_n3A, %select_n3A_191 : vector<256x512xf32>
    %get3A_193 = arith.constant 0 : index
    %get3A_194 = arith.constant 0 : index
    %get3A_195 = vector.load %arg13[%get3A_193, %get3A_194] : memref<512x256xf32, #tpu.memory_space<vmem>>, vector<512x256xf32>
    %dot_general3A_196 = arith.constant dense<0.000000e+00> : vector<256x256xf32>
    %dot_general3A_197 = tpu.matmul %add3A_192, %get3A_195, %dot_general3A_196 {dimension_numbers = #tpu.dot_dimension_numbers<[1], [0], [0], [1], [0, 0, 1, 1], [], []>, transpose_lhs_hint = false} : vector<256x512xf32>, vector<512x256xf32>, vector<256x256xf32> -> vector<256x256xf32>
    %get3A_198 = arith.constant 0 : index
    %get3A_199 = arith.constant 0 : index
    %get3A_200 = vector.load %arg14[%get3A_198, %get3A_199] : memref<1x256xf32, #tpu.memory_space<vmem>>, vector<1x256xf32>
    %add3A_201 = vector.broadcast %get3A_200 : vector<1x256xf32> to vector<256x256xf32>
    %add3A_202 = arith.addf %dot_general3A_197, %add3A_201 : vector<256x256xf32>
    %jit3A_203 = arith.constant 0.00999999977 : f32
    %ge3A_204 = arith.constant 0.000000e+00 : f32
    %ge3A_205 = vector.broadcast %ge3A_204 : f32 to vector<256x256xf32>
    %ge3A_206 = arith.cmpf oge, %add3A_202, %ge3A_205 : vector<256x256xf32>
    %mul3A_207 = vector.broadcast %jit3A_203 : f32 to vector<256x256xf32>
    %mul3A_208 = arith.mulf %mul3A_207, %add3A_202 : vector<256x256xf32>
    %select_n3A_209 = arith.select %ge3A_206, %add3A_202, %mul3A_208 : vector<256x256xi1>, vector<256x256xf32>
    %get3A_210 = arith.constant 0 : index
    %get3A_211 = arith.constant 0 : index
    %get3A_212 = vector.load %arg15[%get3A_210, %get3A_211] : memref<1x256xf32, #tpu.memory_space<vmem>>, vector<1x256xf32>
    %mul3A_213 = vector.broadcast %get3A_212 : vector<1x256xf32> to vector<256x256xf32>
    %mul3A_214 = arith.mulf %select_n3A_209, %mul3A_213 : vector<256x256xf32>
    %reduce_sum3A_215 = arith.constant dense<0.000000e+00> : vector<256xf32>
    %reduce_sum3A_216 = vector.multi_reduction <add>, %mul3A_214, %reduce_sum3A_215 [1] : vector<256x256xf32> to vector<256xf32>
    %broadcast_in_dim3A_217 = vector.shape_cast %reduce_sum3A_216 : vector<256xf32> to vector<256x1xf32>
    %eq3A = arith.constant 0 : i32
    %eq3A_218 = arith.cmpi eq, %arg0, %eq3A : i32
    %convert_element_type3A = arith.extui %eq3A_218 : i1 to i32
    %cond3A = arith.constant 0 : i32
    %cond3A_219 = arith.cmpi ne, %convert_element_type3A, %cond3A : i32
    scf.if %cond3A_219 {
      %get3A_269 = arith.constant 0 : index
      %get3A_270 = arith.constant 0 : index
      %get3A_271 = vector.load %arg16[%get3A_269, %get3A_270] : memref<1x1xf32, #tpu.memory_space<vmem>>, vector<1x1xf32>
      %swap3A_272 = arith.constant 0 : index
      %swap3A_273 = arith.constant 0 : index
      %swap3A_274 = vector.load %arg26[%swap3A_272, %swap3A_273] : memref<1x1xf32, #tpu.memory_space<vmem>>, vector<1x1xf32>
      tpu.vector_store %arg26[%swap3A_272, %swap3A_273], %get3A_271 {strides = array<i32>} : memref<1x1xf32, #tpu.memory_space<vmem>>, vector<1x1xf32>,
      %get3A_275 = arith.constant 0 : index
      %get3A_276 = arith.constant 0 : index
      %get3A_277 = vector.load %arg17[%get3A_275, %get3A_276] : memref<1x1xf32, #tpu.memory_space<vmem>>, vector<1x1xf32>
      %swap3A_278 = arith.constant 0 : index
      %swap3A_279 = arith.constant 0 : index
      %swap3A_280 = vector.load %arg27[%swap3A_278, %swap3A_279] : memref<1x1xf32, #tpu.memory_space<vmem>>, vector<1x1xf32>
      tpu.vector_store %arg27[%swap3A_278, %swap3A_279], %get3A_277 {strides = array<i32>} : memref<1x1xf32, #tpu.memory_space<vmem>>, vector<1x1xf32>,
      %get3A_281 = arith.constant 0 : index
      %get3A_282 = arith.constant 0 : index
      %get3A_283 = vector.load %arg18[%get3A_281, %get3A_282] : memref<1x512xf32, #tpu.memory_space<vmem>>, vector<1x512xf32>
      %swap3A_284 = arith.constant 0 : index
      %swap3A_285 = arith.constant 0 : index
      %swap3A_286 = vector.load %arg28[%swap3A_284, %swap3A_285] : memref<1x512xf32, #tpu.memory_space<vmem>>, vector<1x512xf32>
      tpu.vector_store %arg28[%swap3A_284, %swap3A_285], %get3A_283 {strides = array<i32>} : memref<1x512xf32, #tpu.memory_space<vmem>>, vector<1x512xf32>,
    } else {
    }
    %get3A_220 = arith.constant 0 : index
    %get3A_221 = arith.constant 0 : index
    %get3A_222 = vector.load %arg26[%get3A_220, %get3A_221] : memref<1x1xf32, #tpu.memory_space<vmem>>, vector<1x1xf32>
    %reduce_max3A_223 = vector.shape_cast %broadcast_in_dim3A_217 : vector<256x1xf32> to vector<1x256x1xf32>
    %reduce_max3A_224 = arith.constant dense<0xFF800000> : vector<1xf32>
    %reduce_max3A_225 = vector.multi_reduction <maximumf>, %reduce_max3A_223, %reduce_max3A_224 [1, 2] : vector<1x256x1xf32> to vector<1xf32>
    %reduce_max3A_226 = vector.shape_cast %reduce_max3A_225 : vector<1xf32> to vector<1x1x1xf32>
    %reduce_max3A_227 = vector.extract %reduce_max3A_226[0, 0, 0] : f32 from vector<1x1x1xf32>
    %broadcast_in_dim3A_228 = vector.broadcast %reduce_max3A_227 : f32 to vector<1x1xf32>
    %max3A = arith.maximumf %get3A_222, %broadcast_in_dim3A_228 : vector<1x1xf32>
    %sub3A_229 = arith.subf %get3A_222, %max3A : vector<1x1xf32>
    %exp3A_230 = math.exp %sub3A_229 : vector<1x1xf32>
    %sub3A_231 = vector.broadcast %max3A : vector<1x1xf32> to vector<256x1xf32>
    %sub3A_232 = arith.subf %broadcast_in_dim3A_217, %sub3A_231 : vector<256x1xf32>
    %exp3A_233 = math.exp %sub3A_232 : vector<256x1xf32>
    %get3A_234 = arith.constant 0 : index
    %get3A_235 = arith.constant 0 : index
    %get3A_236 = vector.load %arg27[%get3A_234, %get3A_235] : memref<1x1xf32, #tpu.memory_space<vmem>>, vector<1x1xf32>
    %mul3A_237 = arith.mulf %get3A_236, %exp3A_230 : vector<1x1xf32>
    %reduce_sum3A_238 = vector.shape_cast %exp3A_233 : vector<256x1xf32> to vector<1x256x1xf32>
    %reduce_sum3A_239 = arith.constant dense<0.000000e+00> : vector<1xf32>
    %reduce_sum3A_240 = vector.multi_reduction <add>, %reduce_sum3A_238, %reduce_sum3A_239 [1, 2] : vector<1x256x1xf32> to vector<1xf32>
    %reduce_sum3A_241 = vector.shape_cast %reduce_sum3A_240 : vector<1xf32> to vector<1x1x1xf32>
    %reduce_sum3A_242 = vector.extract %reduce_sum3A_241[0, 0, 0] : f32 from vector<1x1x1xf32>
    %broadcast_in_dim3A_243 = vector.broadcast %reduce_sum3A_242 : f32 to vector<1x1xf32>
    %add3A_244 = arith.addf %mul3A_237, %broadcast_in_dim3A_243 : vector<1x1xf32>
    %swap3A = arith.constant 0 : index
    %swap3A_245 = arith.constant 0 : index
    %swap3A_246 = vector.load %arg27[%swap3A, %swap3A_245] : memref<1x1xf32, #tpu.memory_space<vmem>>, vector<1x1xf32>
    tpu.vector_store %arg27[%swap3A, %swap3A_245], %add3A_244 {strides = array<i32>} : memref<1x1xf32, #tpu.memory_space<vmem>>, vector<1x1xf32>,
    %get3A_247 = arith.constant 0 : index
    %get3A_248 = arith.constant 0 : index
    %get3A_249 = vector.load %arg28[%get3A_247, %get3A_248] : memref<1x512xf32, #tpu.memory_space<vmem>>, vector<1x512xf32>
    %mul3A_250 = vector.broadcast %exp3A_230 : vector<1x1xf32> to vector<1x512xf32>
    %mul3A_251 = arith.mulf %get3A_249, %mul3A_250 : vector<1x512xf32>
    %mul3A_252 = vector.broadcast %exp3A_233 : vector<256x1xf32> to vector<256x512xf32>
    %mul3A_253 = arith.mulf %mul3A_252, %add3A_192 : vector<256x512xf32>
    %reduce_sum3A_254 = arith.constant dense<0.000000e+00> : vector<512xf32>
    %reduce_sum3A_255 = vector.multi_reduction <add>, %mul3A_253, %reduce_sum3A_254 [0] : vector<256x512xf32> to vector<512xf32>
    %broadcast_in_dim3A_256 = vector.shape_cast %reduce_sum3A_255 : vector<512xf32> to vector<1x512xf32>
    %add3A_257 = arith.addf %mul3A_251, %broadcast_in_dim3A_256 : vector<1x512xf32>
    %swap3A_258 = arith.constant 0 : index
    %swap3A_259 = arith.constant 0 : index
    %swap3A_260 = vector.load %arg28[%swap3A_258, %swap3A_259] : memref<1x512xf32, #tpu.memory_space<vmem>>, vector<1x512xf32>
    tpu.vector_store %arg28[%swap3A_258, %swap3A_259], %add3A_257 {strides = array<i32>} : memref<1x512xf32, #tpu.memory_space<vmem>>, vector<1x512xf32>,
    %swap3A_261 = arith.constant 0 : index
    %swap3A_262 = arith.constant 0 : index
    %swap3A_263 = vector.load %arg26[%swap3A_261, %swap3A_262] : memref<1x1xf32, #tpu.memory_space<vmem>>, vector<1x1xf32>
    tpu.vector_store %arg26[%swap3A_261, %swap3A_262], %max3A {strides = array<i32>} : memref<1x1xf32, #tpu.memory_space<vmem>>, vector<1x1xf32>,
    %eq3A_264 = arith.constant 1 : i32
    %eq3A_265 = arith.cmpi eq, %arg0, %eq3A_264 : i32
    %convert_element_type3A_266 = arith.extui %eq3A_265 : i1 to i32
    %cond3A_267 = arith.constant 0 : i32
    %cond3A_268 = arith.cmpi ne, %convert_element_type3A_266, %cond3A_267 : i32
    scf.if %cond3A_268 {
      %get3A_269 = arith.constant 0 : index
      %get3A_270 = arith.constant 0 : index
      %get3A_271 = vector.load %arg26[%get3A_269, %get3A_270] : memref<1x1xf32, #tpu.memory_space<vmem>>, vector<1x1xf32>
      %swap3A_272 = arith.constant 0 : index
      %swap3A_273 = arith.constant 0 : index
      %swap3A_274 = vector.load %arg23[%swap3A_272, %swap3A_273] : memref<1x1xf32, #tpu.memory_space<vmem>>, vector<1x1xf32>
      tpu.vector_store %arg23[%swap3A_272, %swap3A_273], %get3A_271 {strides = array<i32>} : memref<1x1xf32, #tpu.memory_space<vmem>>, vector<1x1xf32>,
      %get3A_275 = arith.constant 0 : index
      %get3A_276 = arith.constant 0 : index
      %get3A_277 = vector.load %arg27[%get3A_275, %get3A_276] : memref<1x1xf32, #tpu.memory_space<vmem>>, vector<1x1xf32>
      %swap3A_278 = arith.constant 0 : index
      %swap3A_279 = arith.constant 0 : index
      %swap3A_280 = vector.load %arg24[%swap3A_278, %swap3A_279] : memref<1x1xf32, #tpu.memory_space<vmem>>, vector<1x1xf32>
      tpu.vector_store %arg24[%swap3A_278, %swap3A_279], %get3A_277 {strides = array<i32>} : memref<1x1xf32, #tpu.memory_space<vmem>>, vector<1x1xf32>,
      %get3A_281 = arith.constant 0 : index
      %get3A_282 = arith.constant 0 : index
      %get3A_283 = vector.load %arg28[%get3A_281, %get3A_282] : memref<1x512xf32, #tpu.memory_space<vmem>>, vector<1x512xf32>
      %swap3A_284 = arith.constant 0 : index
      %swap3A_285 = arith.constant 0 : index
      %swap3A_286 = vector.load %arg25[%swap3A_284, %swap3A_285] : memref<1x512xf32, #tpu.memory_space<vmem>>, vector<1x512xf32>
      tpu.vector_store %arg25[%swap3A_284, %swap3A_285], %get3A_283 {strides = array<i32>} : memref<1x512xf32, #tpu.memory_space<vmem>>, vector<1x512xf32>,
    } else {
    }
    return
  }
  func.func @transform_0(%arg0: i32) -> (i32, i32) {
    %add3A = arith.constant 0 : i32
    %add3A_0 = arith.addi %arg0, %add3A : i32
    %c0_i32 = arith.constant 0 : i32
    %c0_i32_1 = arith.constant 0 : i32
    return %add3A_0, %c0_i32 : i32, i32
  }
  func.func @transform_1(%arg0: i32) -> (i32, i32) {
    %add3A = arith.constant 0 : i32
    %add3A_0 = arith.addi %add3A, %arg0 : i32
    %c0_i32 = arith.constant 0 : i32
    %c0_i32_1 = arith.constant 0 : i32
    return %add3A_0, %c0_i32 : i32, i32
  }
  func.func @transform_2(%arg0: i32) -> (i32, i32) {
    %add3A = arith.constant 2 : i32
    %add3A_0 = arith.addi %add3A, %arg0 : i32
    %c0_i32 = arith.constant 0 : i32
    %c0_i32_1 = arith.constant 0 : i32
    return %add3A_0, %c0_i32 : i32, i32
  }
  func.func @transform_3(%arg0: i32) -> (i32, i32) {
    %add3A = arith.constant 4 : i32
    %add3A_0 = arith.addi %add3A, %arg0 : i32
    %c0_i32 = arith.constant 0 : i32
    %c0_i32_1 = arith.constant 0 : i32
    return %add3A_0, %c0_i32 : i32, i32
  }
  func.func @transform_4(%arg0: i32) -> (i32, i32) {
    %add3A = arith.constant 6 : i32
    %add3A_0 = arith.addi %add3A, %arg0 : i32
    %c0_i32 = arith.constant 0 : i32
    %c0_i32_1 = arith.constant 0 : i32
    return %add3A_0, %c0_i32 : i32, i32
  }
  func.func @transform_5(%arg0: i32) -> (i32, i32) {
    %add3A = arith.constant 8 : i32
    %add3A_0 = arith.addi %add3A, %arg0 : i32
    %c0_i32 = arith.constant 0 : i32
    %c0_i32_1 = arith.constant 0 : i32
    return %add3A_0, %c0_i32 : i32, i32
  }
  func.func @transform_6(%arg0: i32) -> (i32, i32) {
    %add3A = arith.constant 10 : i32
    %add3A_0 = arith.addi %add3A, %arg0 : i32
    %c0_i32 = arith.constant 0 : i32
    %c0_i32_1 = arith.constant 0 : i32
    return %add3A_0, %c0_i32 : i32, i32
  }
  func.func @transform_7(%arg0: i32) -> (i32, i32) {
    %c0_i32 = arith.constant 0 : i32
    %c0_i32_0 = arith.constant 0 : i32
    return %arg0, %c0_i32 : i32, i32
  }
  func.func @transform_8(%arg0: i32) -> (i32, i32) {
    %c0_i32 = arith.constant 0 : i32
    %c0_i32_0 = arith.constant 0 : i32
    %c0_i32_1 = arith.constant 0 : i32
    return %c0_i32, %c0_i32_0 : i32, i32
  }
  func.func @transform_9(%arg0: i32) -> (i32, i32) {
    %c0_i32 = arith.constant 0 : i32
    %c0_i32_0 = arith.constant 0 : i32
    %c0_i32_1 = arith.constant 0 : i32
    return %c0_i32, %c0_i32_0 : i32, i32
  }
  func.func @transform_10(%arg0: i32) -> (i32, i32) {
    %c0_i32 = arith.constant 0 : i32
    %c0_i32_0 = arith.constant 0 : i32
    %c0_i32_1 = arith.constant 0 : i32
    return %c0_i32, %c0_i32_0 : i32, i32
  }
  func.func @transform_11(%arg0: i32) -> (i32, i32) {
    %c0_i32 = arith.constant 0 : i32
    %c0_i32_0 = arith.constant 0 : i32
    %c0_i32_1 = arith.constant 0 : i32
    return %c0_i32, %c0_i32_0 : i32, i32
  }
  func.func @transform_12(%arg0: i32) -> (i32, i32) {
    %c0_i32 = arith.constant 0 : i32
    %c0_i32_0 = arith.constant 0 : i32
    %c0_i32_1 = arith.constant 0 : i32
    return %c0_i32, %c0_i32_0 : i32, i32
  }
  func.func @transform_13(%arg0: i32) -> (i32, i32) {
    %c0_i32 = arith.constant 0 : i32
    %c0_i32_0 = arith.constant 0 : i32
    %c0_i32_1 = arith.constant 0 : i32
    return %c0_i32, %c0_i32_0 : i32, i32
  }
  func.func @transform_14(%arg0: i32) -> (i32, i32) {
    %c0_i32 = arith.constant 0 : i32
    %c0_i32_0 = arith.constant 0 : i32
    %c0_i32_1 = arith.constant 0 : i32
    return %c0_i32, %c0_i32_0 : i32, i32
  }
  func.func @transform_15(%arg0: i32) -> (i32, i32) {
    %c0_i32 = arith.constant 0 : i32
    %c0_i32_0 = arith.constant 0 : i32
    %c0_i32_1 = arith.constant 0 : i32
    return %c0_i32, %c0_i32_0 : i32, i32
  }
  func.func @transform_16(%arg0: i32) -> (i32, i32) {
    %c0_i32 = arith.constant 0 : i32
    %c0_i32_0 = arith.constant 0 : i32
    %c0_i32_1 = arith.constant 0 : i32
    return %c0_i32, %c0_i32_0 : i32, i32
  }
  func.func @transform_17(%arg0: i32) -> (i32, i32) {
    %c0_i32 = arith.constant 0 : i32
    %c0_i32_0 = arith.constant 0 : i32
    %c0_i32_1 = arith.constant 0 : i32
    return %c0_i32, %c0_i32_0 : i32, i32
  }
  func.func @transform_18(%arg0: i32) -> (i32, i32) {
    %c0_i32 = arith.constant 0 : i32
    %c0_i32_0 = arith.constant 0 : i32
    %c0_i32_1 = arith.constant 0 : i32
    return %c0_i32, %c0_i32_0 : i32, i32
  }
  func.func @transform_19(%arg0: i32) -> (i32, i32) {
    %c0_i32 = arith.constant 0 : i32
    %c0_i32_0 = arith.constant 0 : i32
    %c0_i32_1 = arith.constant 0 : i32
    return %c0_i32, %c0_i32_0 : i32, i32
  }
  func.func @transform_20(%arg0: i32) -> (i32, i32) {
    %c0_i32 = arith.constant 0 : i32
    %c0_i32_0 = arith.constant 0 : i32
    %c0_i32_1 = arith.constant 0 : i32
    return %c0_i32, %c0_i32_0 : i32, i32
  }
  func.func @transform_21(%arg0: i32) -> (i32, i32) {
    %c0_i32 = arith.constant 0 : i32
    %c0_i32_0 = arith.constant 0 : i32
    %c0_i32_1 = arith.constant 0 : i32
    return %c0_i32, %c0_i32_0 : i32, i32
  }
  func.func @transform_22(%arg0: i32) -> (i32, i32) {
    %c0_i32 = arith.constant 0 : i32
    %c0_i32_0 = arith.constant 0 : i32
    %c0_i32_1 = arith.constant 0 : i32
    return %c0_i32, %c0_i32_0 : i32, i32
  }
  func.func @transform_23(%arg0: i32) -> (i32, i32) {
    %c0_i32 = arith.constant 0 : i32
    %c0_i32_0 = arith.constant 0 : i32
    %c0_i32_1 = arith.constant 0 : i32
    return %c0_i32, %c0_i32_0 : i32, i32
  }
  func.func @transform_24(%arg0: i32) -> (i32, i32) {
    %c0_i32 = arith.constant 0 : i32
    %c0_i32_0 = arith.constant 0 : i32
    %c0_i32_1 = arith.constant 0 : i32
    return %c0_i32, %c0_i32_0 : i32, i32
  }
}

module attributes {stable_mosaic.version = 14 : i64} {
  func.func @_agg_body(%arg0: i32, %arg1: memref<256x512xf32, #tpu.memory_space<vmem>>, %arg2: memref<256x512xf32, #tpu.memory_space<vmem>>, %arg3: memref<256x512xf32, #tpu.memory_space<vmem>>, %arg4: memref<256x512xf32, #tpu.memory_space<vmem>>, %arg5: memref<256x512xf32, #tpu.memory_space<vmem>>, %arg6: memref<256x512xf32, #tpu.memory_space<vmem>>, %arg7: memref<256x512xf32, #tpu.memory_space<vmem>>, %arg8: memref<256x8xf32, #tpu.memory_space<vmem>>, %arg9: memref<512x512xf32, #tpu.memory_space<vmem>>, %arg10: memref<1x512xf32, #tpu.memory_space<vmem>>, %arg11: memref<512x512xf32, #tpu.memory_space<vmem>>, %arg12: memref<1x512xf32, #tpu.memory_space<vmem>>, %arg13: memref<512x256xf32, #tpu.memory_space<vmem>>, %arg14: memref<1x256xf32, #tpu.memory_space<vmem>>, %arg15: memref<1x256xf32, #tpu.memory_space<vmem>>, %arg16: memref<1x1xf32, #tpu.memory_space<vmem>>, %arg17: memref<1x1xf32, #tpu.memory_space<vmem>>, %arg18: memref<1x512xf32, #tpu.memory_space<vmem>>, %arg19: memref<1x512xf32, #tpu.memory_space<vmem>>, %arg20: memref<1x512xf32, #tpu.memory_space<vmem>>, %arg21: memref<512x128xf32, #tpu.memory_space<vmem>>, %arg22: memref<1x128xf32, #tpu.memory_space<vmem>>, %arg23: memref<1x1xf32, #tpu.memory_space<vmem>>, %arg24: memref<1x1xf32, #tpu.memory_space<vmem>>, %arg25: memref<1x512xf32, #tpu.memory_space<vmem>>, %arg26: memref<1x1xf32, #tpu.memory_space<vmem>>, %arg27: memref<1x1xf32, #tpu.memory_space<vmem>>, %arg28: memref<1x512xf32, #tpu.memory_space<vmem>>) attributes {dimension_semantics = [#tpu.dimension_semantics<arbitrary>], iteration_bounds = array<i64: 4>, scalar_prefetch = 0 : i64, scratch_operands = 3 : i64, tpu.core_type = #tpu.core_type<tc>, window_params = [{transform_indices = @transform_0, window_bounds = array<i64: 256, 512>}, {transform_indices = @transform_1, window_bounds = array<i64: 256, 512>}, {transform_indices = @transform_2, window_bounds = array<i64: 256, 512>}, {transform_indices = @transform_3, window_bounds = array<i64: 256, 512>}, {transform_indices = @transform_4, window_bounds = array<i64: 256, 512>}, {transform_indices = @transform_5, window_bounds = array<i64: 256, 512>}, {transform_indices = @transform_6, window_bounds = array<i64: 256, 512>}, {transform_indices = @transform_7, window_bounds = array<i64: 256, 8>}, {pipeline_mode = #tpu.pipeline_mode<synchronous>, transform_indices = @transform_8, window_bounds = array<i64: 512, 512>}, {pipeline_mode = #tpu.pipeline_mode<synchronous>, transform_indices = @transform_9, window_bounds = array<i64: 1, 512>}, {pipeline_mode = #tpu.pipeline_mode<synchronous>, transform_indices = @transform_10, window_bounds = array<i64: 512, 512>}, {pipeline_mode = #tpu.pipeline_mode<synchronous>, transform_indices = @transform_11, window_bounds = array<i64: 1, 512>}, {pipeline_mode = #tpu.pipeline_mode<synchronous>, transform_indices = @transform_12, window_bounds = array<i64: 512, 256>}, {pipeline_mode = #tpu.pipeline_mode<synchronous>, transform_indices = @transform_13, window_bounds = array<i64: 1, 256>}, {pipeline_mode = #tpu.pipeline_mode<synchronous>, transform_indices = @transform_14, window_bounds = array<i64: 1, 256>}, {pipeline_mode = #tpu.pipeline_mode<synchronous>, transform_indices = @transform_15, window_bounds = array<i64: 1, 1>}, {pipeline_mode = #tpu.pipeline_mode<synchronous>, transform_indices = @transform_16, window_bounds = array<i64: 1, 1>}, {pipeline_mode = #tpu.pipeline_mode<synchronous>, transform_indices = @transform_17, window_bounds = array<i64: 1, 512>}, {pipeline_mode = #tpu.pipeline_mode<synchronous>, transform_indices = @transform_18, window_bounds = array<i64: 1, 512>}, {pipeline_mode = #tpu.pipeline_mode<synchronous>, transform_indices = @transform_19, window_bounds = array<i64: 1, 512>}, {pipeline_mode = #tpu.pipeline_mode<synchronous>, transform_indices = @transform_20, window_bounds = array<i64: 512, 128>}, {pipeline_mode = #tpu.pipeline_mode<synchronous>, transform_indices = @transform_21, window_bounds = array<i64: 1, 128>}, {pipeline_mode = #tpu.pipeline_mode<synchronous>, transform_indices = @transform_22, window_bounds = array<i64: 1, 1>}, {pipeline_mode = #tpu.pipeline_mode<synchronous>, transform_indices = @transform_23, window_bounds = array<i64: 1, 1>}, {pipeline_mode = #tpu.pipeline_mode<synchronous>, transform_indices = @transform_24, window_bounds = array<i64: 1, 512>}]} {
    %get3A = arith.constant 0 : index
    %get3A_0 = arith.constant 0 : index
    %get3A_1 = vector.load %arg1[%get3A, %get3A_0] : memref<256x512xf32, #tpu.memory_space<vmem>>, vector<256x512xf32>
    %get3A_2 = arith.constant 0 : index
    %get3A_3 = arith.constant 0 : index
    %get3A_4 = vector.load %arg8[%get3A_2, %get3A_3] : memref<256x8xf32, #tpu.memory_space<vmem>>, vector<256x8xf32>
    %reduce_max3A = arith.constant dense<0xFF800000> : vector<256xf32>
    %reduce_max3A_5 = vector.multi_reduction <maximumf>, %get3A_4, %reduce_max3A [1] : vector<256x8xf32> to vector<256xf32>
    %broadcast_in_dim3A = vector.shape_cast %reduce_max3A_5 : vector<256xf32> to vector<256x1xf32>
    %sub3A = vector.broadcast %broadcast_in_dim3A : vector<256x1xf32> to vector<256x8xf32>
    %sub3A_6 = arith.subf %get3A_4, %sub3A : vector<256x8xf32>
    %exp3A = math.exp %sub3A_6 : vector<256x8xf32>
    %reduce_sum3A = arith.constant dense<0.000000e+00> : vector<256xf32>
    %reduce_sum3A_7 = vector.multi_reduction <add>, %exp3A, %reduce_sum3A [1] : vector<256x8xf32> to vector<256xf32>
    %broadcast_in_dim3A_8 = vector.shape_cast %reduce_sum3A_7 : vector<256xf32> to vector<256x1xf32>
    %div3A = vector.broadcast %broadcast_in_dim3A_8 : vector<256x1xf32> to vector<256x8xf32>
    %div3A_9 = arith.divf %exp3A, %div3A : vector<256x8xf32>
    %get3A_10 = arith.constant 0 : index
    %get3A_11 = arith.constant 0 : index
    %get3A_12 = vector.load %arg2[%get3A_10, %get3A_11] : memref<256x512xf32, #tpu.memory_space<vmem>>, vector<256x512xf32>
    %slice3A = vector.extract_strided_slice %div3A_9 {offsets = [0, 0], sizes = [256, 1], strides = [1, 1]} : vector<256x8xf32> to vector<256x1xf32>
    %sub3A_13 = arith.constant 2.000000e+00 : f32
    %sub3A_14 = vector.broadcast %sub3A_13 : f32 to vector<256x1xf32>
    %sub3A_15 = arith.subf %sub3A_14, %slice3A : vector<256x1xf32>
    %mul3A = vector.broadcast %sub3A_15 : vector<256x1xf32> to vector<256x512xf32>
    %mul3A_16 = arith.mulf %mul3A, %get3A_1 : vector<256x512xf32>
    %mul3A_17 = vector.broadcast %slice3A : vector<256x1xf32> to vector<256x512xf32>
    %mul3A_18 = arith.mulf %mul3A_17, %get3A_12 : vector<256x512xf32>
    %add3A = arith.addf %mul3A_16, %mul3A_18 : vector<256x512xf32>
    %tanh3A = math.tanh %add3A : vector<256x512xf32>
    %reduce_sum3A_19 = arith.constant dense<0.000000e+00> : vector<256xf32>
    %reduce_sum3A_20 = vector.multi_reduction <add>, %get3A_12, %reduce_sum3A_19 [1] : vector<256x512xf32> to vector<256xf32>
    %broadcast_in_dim3A_21 = vector.shape_cast %reduce_sum3A_20 : vector<256xf32> to vector<256x1xf32>
    %reduce_sum3A_22 = arith.constant dense<0.000000e+00> : vector<256xf32>
    %reduce_sum3A_23 = vector.multi_reduction <add>, %tanh3A, %reduce_sum3A_22 [1] : vector<256x512xf32> to vector<256xf32>
    %broadcast_in_dim3A_24 = vector.shape_cast %reduce_sum3A_23 : vector<256xf32> to vector<256x1xf32>
    %mul3A_25 = arith.mulf %broadcast_in_dim3A_21, %broadcast_in_dim3A_24 : vector<256x1xf32>
    %get3A_26 = arith.constant 0 : index
    %get3A_27 = arith.constant 0 : index
    %get3A_28 = vector.load %arg3[%get3A_26, %get3A_27] : memref<256x512xf32, #tpu.memory_space<vmem>>, vector<256x512xf32>
    %slice3A_29 = vector.extract_strided_slice %div3A_9 {offsets = [0, 1], sizes = [256, 1], strides = [1, 1]} : vector<256x8xf32> to vector<256x1xf32>
    %sub3A_30 = arith.constant 2.000000e+00 : f32
    %sub3A_31 = vector.broadcast %sub3A_30 : f32 to vector<256x1xf32>
    %sub3A_32 = arith.subf %sub3A_31, %slice3A_29 : vector<256x1xf32>
    %mul3A_33 = vector.broadcast %sub3A_32 : vector<256x1xf32> to vector<256x512xf32>
    %mul3A_34 = arith.mulf %mul3A_33, %get3A_1 : vector<256x512xf32>
    %mul3A_35 = vector.broadcast %slice3A_29 : vector<256x1xf32> to vector<256x512xf32>
    %mul3A_36 = arith.mulf %mul3A_35, %get3A_28 : vector<256x512xf32>
    %add3A_37 = arith.addf %mul3A_34, %mul3A_36 : vector<256x512xf32>
    %tanh3A_38 = math.tanh %add3A_37 : vector<256x512xf32>
    %reduce_sum3A_39 = arith.constant dense<0.000000e+00> : vector<256xf32>
    %reduce_sum3A_40 = vector.multi_reduction <add>, %get3A_28, %reduce_sum3A_39 [1] : vector<256x512xf32> to vector<256xf32>
    %broadcast_in_dim3A_41 = vector.shape_cast %reduce_sum3A_40 : vector<256xf32> to vector<256x1xf32>
    %reduce_sum3A_42 = arith.constant dense<0.000000e+00> : vector<256xf32>
    %reduce_sum3A_43 = vector.multi_reduction <add>, %tanh3A_38, %reduce_sum3A_42 [1] : vector<256x512xf32> to vector<256xf32>
    %broadcast_in_dim3A_44 = vector.shape_cast %reduce_sum3A_43 : vector<256xf32> to vector<256x1xf32>
    %mul3A_45 = arith.mulf %broadcast_in_dim3A_41, %broadcast_in_dim3A_44 : vector<256x1xf32>
    %get3A_46 = arith.constant 0 : index
    %get3A_47 = arith.constant 0 : index
    %get3A_48 = vector.load %arg4[%get3A_46, %get3A_47] : memref<256x512xf32, #tpu.memory_space<vmem>>, vector<256x512xf32>
    %slice3A_49 = vector.extract_strided_slice %div3A_9 {offsets = [0, 2], sizes = [256, 1], strides = [1, 1]} : vector<256x8xf32> to vector<256x1xf32>
    %sub3A_50 = arith.constant 2.000000e+00 : f32
    %sub3A_51 = vector.broadcast %sub3A_50 : f32 to vector<256x1xf32>
    %sub3A_52 = arith.subf %sub3A_51, %slice3A_49 : vector<256x1xf32>
    %mul3A_53 = vector.broadcast %sub3A_52 : vector<256x1xf32> to vector<256x512xf32>
    %mul3A_54 = arith.mulf %mul3A_53, %get3A_1 : vector<256x512xf32>
    %mul3A_55 = vector.broadcast %slice3A_49 : vector<256x1xf32> to vector<256x512xf32>
    %mul3A_56 = arith.mulf %mul3A_55, %get3A_48 : vector<256x512xf32>
    %add3A_57 = arith.addf %mul3A_54, %mul3A_56 : vector<256x512xf32>
    %tanh3A_58 = math.tanh %add3A_57 : vector<256x512xf32>
    %reduce_sum3A_59 = arith.constant dense<0.000000e+00> : vector<256xf32>
    %reduce_sum3A_60 = vector.multi_reduction <add>, %get3A_48, %reduce_sum3A_59 [1] : vector<256x512xf32> to vector<256xf32>
    %broadcast_in_dim3A_61 = vector.shape_cast %reduce_sum3A_60 : vector<256xf32> to vector<256x1xf32>
    %reduce_sum3A_62 = arith.constant dense<0.000000e+00> : vector<256xf32>
    %reduce_sum3A_63 = vector.multi_reduction <add>, %tanh3A_58, %reduce_sum3A_62 [1] : vector<256x512xf32> to vector<256xf32>
    %broadcast_in_dim3A_64 = vector.shape_cast %reduce_sum3A_63 : vector<256xf32> to vector<256x1xf32>
    %mul3A_65 = arith.mulf %broadcast_in_dim3A_61, %broadcast_in_dim3A_64 : vector<256x1xf32>
    %get3A_66 = arith.constant 0 : index
    %get3A_67 = arith.constant 0 : index
    %get3A_68 = vector.load %arg5[%get3A_66, %get3A_67] : memref<256x512xf32, #tpu.memory_space<vmem>>, vector<256x512xf32>
    %slice3A_69 = vector.extract_strided_slice %div3A_9 {offsets = [0, 3], sizes = [256, 1], strides = [1, 1]} : vector<256x8xf32> to vector<256x1xf32>
    %sub3A_70 = arith.constant 2.000000e+00 : f32
    %sub3A_71 = vector.broadcast %sub3A_70 : f32 to vector<256x1xf32>
    %sub3A_72 = arith.subf %sub3A_71, %slice3A_69 : vector<256x1xf32>
    %mul3A_73 = vector.broadcast %sub3A_72 : vector<256x1xf32> to vector<256x512xf32>
    %mul3A_74 = arith.mulf %mul3A_73, %get3A_1 : vector<256x512xf32>
    %mul3A_75 = vector.broadcast %slice3A_69 : vector<256x1xf32> to vector<256x512xf32>
    %mul3A_76 = arith.mulf %mul3A_75, %get3A_68 : vector<256x512xf32>
    %add3A_77 = arith.addf %mul3A_74, %mul3A_76 : vector<256x512xf32>
    %tanh3A_78 = math.tanh %add3A_77 : vector<256x512xf32>
    %reduce_sum3A_79 = arith.constant dense<0.000000e+00> : vector<256xf32>
    %reduce_sum3A_80 = vector.multi_reduction <add>, %get3A_68, %reduce_sum3A_79 [1] : vector<256x512xf32> to vector<256xf32>
    %broadcast_in_dim3A_81 = vector.shape_cast %reduce_sum3A_80 : vector<256xf32> to vector<256x1xf32>
    %reduce_sum3A_82 = arith.constant dense<0.000000e+00> : vector<256xf32>
    %reduce_sum3A_83 = vector.multi_reduction <add>, %tanh3A_78, %reduce_sum3A_82 [1] : vector<256x512xf32> to vector<256xf32>
    %broadcast_in_dim3A_84 = vector.shape_cast %reduce_sum3A_83 : vector<256xf32> to vector<256x1xf32>
    %mul3A_85 = arith.mulf %broadcast_in_dim3A_81, %broadcast_in_dim3A_84 : vector<256x1xf32>
    %get3A_86 = arith.constant 0 : index
    %get3A_87 = arith.constant 0 : index
    %get3A_88 = vector.load %arg6[%get3A_86, %get3A_87] : memref<256x512xf32, #tpu.memory_space<vmem>>, vector<256x512xf32>
    %slice3A_89 = vector.extract_strided_slice %div3A_9 {offsets = [0, 4], sizes = [256, 1], strides = [1, 1]} : vector<256x8xf32> to vector<256x1xf32>
    %sub3A_90 = arith.constant 2.000000e+00 : f32
    %sub3A_91 = vector.broadcast %sub3A_90 : f32 to vector<256x1xf32>
    %sub3A_92 = arith.subf %sub3A_91, %slice3A_89 : vector<256x1xf32>
    %mul3A_93 = vector.broadcast %sub3A_92 : vector<256x1xf32> to vector<256x512xf32>
    %mul3A_94 = arith.mulf %mul3A_93, %get3A_1 : vector<256x512xf32>
    %mul3A_95 = vector.broadcast %slice3A_89 : vector<256x1xf32> to vector<256x512xf32>
    %mul3A_96 = arith.mulf %mul3A_95, %get3A_88 : vector<256x512xf32>
    %add3A_97 = arith.addf %mul3A_94, %mul3A_96 : vector<256x512xf32>
    %tanh3A_98 = math.tanh %add3A_97 : vector<256x512xf32>
    %reduce_sum3A_99 = arith.constant dense<0.000000e+00> : vector<256xf32>
    %reduce_sum3A_100 = vector.multi_reduction <add>, %get3A_88, %reduce_sum3A_99 [1] : vector<256x512xf32> to vector<256xf32>
    %broadcast_in_dim3A_101 = vector.shape_cast %reduce_sum3A_100 : vector<256xf32> to vector<256x1xf32>
    %reduce_sum3A_102 = arith.constant dense<0.000000e+00> : vector<256xf32>
    %reduce_sum3A_103 = vector.multi_reduction <add>, %tanh3A_98, %reduce_sum3A_102 [1] : vector<256x512xf32> to vector<256xf32>
    %broadcast_in_dim3A_104 = vector.shape_cast %reduce_sum3A_103 : vector<256xf32> to vector<256x1xf32>
    %mul3A_105 = arith.mulf %broadcast_in_dim3A_101, %broadcast_in_dim3A_104 : vector<256x1xf32>
    %get3A_106 = arith.constant 0 : index
    %get3A_107 = arith.constant 0 : index
    %get3A_108 = vector.load %arg7[%get3A_106, %get3A_107] : memref<256x512xf32, #tpu.memory_space<vmem>>, vector<256x512xf32>
    %slice3A_109 = vector.extract_strided_slice %div3A_9 {offsets = [0, 5], sizes = [256, 1], strides = [1, 1]} : vector<256x8xf32> to vector<256x1xf32>
    %sub3A_110 = arith.constant 2.000000e+00 : f32
    %sub3A_111 = vector.broadcast %sub3A_110 : f32 to vector<256x1xf32>
    %sub3A_112 = arith.subf %sub3A_111, %slice3A_109 : vector<256x1xf32>
    %mul3A_113 = vector.broadcast %sub3A_112 : vector<256x1xf32> to vector<256x512xf32>
    %mul3A_114 = arith.mulf %mul3A_113, %get3A_1 : vector<256x512xf32>
    %mul3A_115 = vector.broadcast %slice3A_109 : vector<256x1xf32> to vector<256x512xf32>
    %mul3A_116 = arith.mulf %mul3A_115, %get3A_108 : vector<256x512xf32>
    %add3A_117 = arith.addf %mul3A_114, %mul3A_116 : vector<256x512xf32>
    %tanh3A_118 = math.tanh %add3A_117 : vector<256x512xf32>
    %reduce_sum3A_119 = arith.constant dense<0.000000e+00> : vector<256xf32>
    %reduce_sum3A_120 = vector.multi_reduction <add>, %get3A_108, %reduce_sum3A_119 [1] : vector<256x512xf32> to vector<256xf32>
    %broadcast_in_dim3A_121 = vector.shape_cast %reduce_sum3A_120 : vector<256xf32> to vector<256x1xf32>
    %reduce_sum3A_122 = arith.constant dense<0.000000e+00> : vector<256xf32>
    %reduce_sum3A_123 = vector.multi_reduction <add>, %tanh3A_118, %reduce_sum3A_122 [1] : vector<256x512xf32> to vector<256xf32>
    %broadcast_in_dim3A_124 = vector.shape_cast %reduce_sum3A_123 : vector<256xf32> to vector<256x1xf32>
    %mul3A_125 = arith.mulf %broadcast_in_dim3A_121, %broadcast_in_dim3A_124 : vector<256x1xf32>
    %concatenate3A = tpu.concatenate %mul3A_25, %mul3A_45, %mul3A_65, %mul3A_85, %mul3A_105, %mul3A_125 in 1 : vector<256x1xf32>, vector<256x1xf32>, vector<256x1xf32>, vector<256x1xf32>, vector<256x1xf32>, vector<256x1xf32> -> vector<256x6xf32>
    %reduce_max3A_126 = arith.constant dense<0xFF800000> : vector<256xf32>
    %reduce_max3A_127 = vector.multi_reduction <maximumf>, %concatenate3A, %reduce_max3A_126 [1] : vector<256x6xf32> to vector<256xf32>
    %broadcast_in_dim3A_128 = vector.shape_cast %reduce_max3A_127 : vector<256xf32> to vector<256x1xf32>
    %sub3A_129 = vector.broadcast %broadcast_in_dim3A_128 : vector<256x1xf32> to vector<256x6xf32>
    %sub3A_130 = arith.subf %concatenate3A, %sub3A_129 : vector<256x6xf32>
    %exp3A_131 = math.exp %sub3A_130 : vector<256x6xf32>
    %reduce_sum3A_132 = arith.constant dense<0.000000e+00> : vector<256xf32>
    %reduce_sum3A_133 = vector.multi_reduction <add>, %exp3A_131, %reduce_sum3A_132 [1] : vector<256x6xf32> to vector<256xf32>
    %broadcast_in_dim3A_134 = vector.shape_cast %reduce_sum3A_133 : vector<256xf32> to vector<256x1xf32>
    %div3A_135 = vector.broadcast %broadcast_in_dim3A_134 : vector<256x1xf32> to vector<256x6xf32>
    %div3A_136 = arith.divf %exp3A_131, %div3A_135 : vector<256x6xf32>
    %slice3A_137 = vector.extract_strided_slice %div3A_136 {offsets = [0, 0], sizes = [256, 1], strides = [1, 1]} : vector<256x6xf32> to vector<256x1xf32>
    %mul3A_138 = vector.broadcast %slice3A_137 : vector<256x1xf32> to vector<256x512xf32>
    %mul3A_139 = arith.mulf %mul3A_138, %get3A_12 : vector<256x512xf32>
    %slice3A_140 = vector.extract_strided_slice %div3A_136 {offsets = [0, 1], sizes = [256, 1], strides = [1, 1]} : vector<256x6xf32> to vector<256x1xf32>
    %mul3A_141 = vector.broadcast %slice3A_140 : vector<256x1xf32> to vector<256x512xf32>
    %mul3A_142 = arith.mulf %mul3A_141, %get3A_28 : vector<256x512xf32>
    %add3A_143 = arith.addf %mul3A_139, %mul3A_142 : vector<256x512xf32>
    %slice3A_144 = vector.extract_strided_slice %div3A_136 {offsets = [0, 2], sizes = [256, 1], strides = [1, 1]} : vector<256x6xf32> to vector<256x1xf32>
    %mul3A_145 = vector.broadcast %slice3A_144 : vector<256x1xf32> to vector<256x512xf32>
    %mul3A_146 = arith.mulf %mul3A_145, %get3A_48 : vector<256x512xf32>
    %add3A_147 = arith.addf %add3A_143, %mul3A_146 : vector<256x512xf32>
    %slice3A_148 = vector.extract_strided_slice %div3A_136 {offsets = [0, 3], sizes = [256, 1], strides = [1, 1]} : vector<256x6xf32> to vector<256x1xf32>
    %mul3A_149 = vector.broadcast %slice3A_148 : vector<256x1xf32> to vector<256x512xf32>
    %mul3A_150 = arith.mulf %mul3A_149, %get3A_68 : vector<256x512xf32>
    %add3A_151 = arith.addf %add3A_147, %mul3A_150 : vector<256x512xf32>
    %slice3A_152 = vector.extract_strided_slice %div3A_136 {offsets = [0, 4], sizes = [256, 1], strides = [1, 1]} : vector<256x6xf32> to vector<256x1xf32>
    %mul3A_153 = vector.broadcast %slice3A_152 : vector<256x1xf32> to vector<256x512xf32>
    %mul3A_154 = arith.mulf %mul3A_153, %get3A_88 : vector<256x512xf32>
    %add3A_155 = arith.addf %add3A_151, %mul3A_154 : vector<256x512xf32>
    %slice3A_156 = vector.extract_strided_slice %div3A_136 {offsets = [0, 5], sizes = [256, 1], strides = [1, 1]} : vector<256x6xf32> to vector<256x1xf32>
    %mul3A_157 = vector.broadcast %slice3A_156 : vector<256x1xf32> to vector<256x512xf32>
    %mul3A_158 = arith.mulf %mul3A_157, %get3A_108 : vector<256x512xf32>
    %add3A_159 = arith.addf %add3A_155, %mul3A_158 : vector<256x512xf32>
    %add3A_160 = arith.addf %get3A_1, %add3A_159 : vector<256x512xf32>
    %get3A_161 = arith.constant 0 : index
    %get3A_162 = arith.constant 0 : index
    %get3A_163 = vector.load %arg9[%get3A_161, %get3A_162] : memref<512x512xf32, #tpu.memory_space<vmem>>, vector<512x512xf32>
    %dot_general3A = arith.constant dense<0.000000e+00> : vector<256x512xf32>
    %dot_general3A_164 = tpu.matmul %add3A_160, %get3A_163, %dot_general3A {dimension_numbers = #tpu.dot_dimension_numbers<[1], [0], [0], [1], [0, 0, 1, 1], [], []>, transpose_lhs_hint = false} : vector<256x512xf32>, vector<512x512xf32>, vector<256x512xf32> -> vector<256x512xf32>
    %get3A_165 = arith.constant 0 : index
    %get3A_166 = arith.constant 0 : index
    %get3A_167 = vector.load %arg10[%get3A_165, %get3A_166] : memref<1x512xf32, #tpu.memory_space<vmem>>, vector<1x512xf32>
    %add3A_168 = vector.broadcast %get3A_167 : vector<1x512xf32> to vector<256x512xf32>
    %add3A_169 = arith.addf %dot_general3A_164, %add3A_168 : vector<256x512xf32>
    %jit3A = arith.constant 0.00999999977 : f32
    %ge3A = arith.constant 0.000000e+00 : f32
    %ge3A_170 = vector.broadcast %ge3A : f32 to vector<256x512xf32>
    %ge3A_171 = arith.cmpf oge, %add3A_169, %ge3A_170 : vector<256x512xf32>
    %mul3A_172 = vector.broadcast %jit3A : f32 to vector<256x512xf32>
    %mul3A_173 = arith.mulf %mul3A_172, %add3A_169 : vector<256x512xf32>
    %select_n3A = arith.select %ge3A_171, %add3A_169, %mul3A_173 : vector<256x512xi1>, vector<256x512xf32>
    %mul3A_174 = arith.mulf %get3A_1, %add3A_159 : vector<256x512xf32>
    %get3A_175 = arith.constant 0 : index
    %get3A_176 = arith.constant 0 : index
    %get3A_177 = vector.load %arg11[%get3A_175, %get3A_176] : memref<512x512xf32, #tpu.memory_space<vmem>>, vector<512x512xf32>
    %dot_general3A_178 = arith.constant dense<0.000000e+00> : vector<256x512xf32>
    %dot_general3A_179 = tpu.matmul %mul3A_174, %get3A_177, %dot_general3A_178 {dimension_numbers = #tpu.dot_dimension_numbers<[1], [0], [0], [1], [0, 0, 1, 1], [], []>, transpose_lhs_hint = false} : vector<256x512xf32>, vector<512x512xf32>, vector<256x512xf32> -> vector<256x512xf32>
    %get3A_180 = arith.constant 0 : index
    %get3A_181 = arith.constant 0 : index
    %get3A_182 = vector.load %arg12[%get3A_180, %get3A_181] : memref<1x512xf32, #tpu.memory_space<vmem>>, vector<1x512xf32>
    %add3A_183 = vector.broadcast %get3A_182 : vector<1x512xf32> to vector<256x512xf32>
    %add3A_184 = arith.addf %dot_general3A_179, %add3A_183 : vector<256x512xf32>
    %jit3A_185 = arith.constant 0.00999999977 : f32
    %ge3A_186 = arith.constant 0.000000e+00 : f32
    %ge3A_187 = vector.broadcast %ge3A_186 : f32 to vector<256x512xf32>
    %ge3A_188 = arith.cmpf oge, %add3A_184, %ge3A_187 : vector<256x512xf32>
    %mul3A_189 = vector.broadcast %jit3A_185 : f32 to vector<256x512xf32>
    %mul3A_190 = arith.mulf %mul3A_189, %add3A_184 : vector<256x512xf32>
    %select_n3A_191 = arith.select %ge3A_188, %add3A_184, %mul3A_190 : vector<256x512xi1>, vector<256x512xf32>
    %add3A_192 = arith.addf %select_n3A, %select_n3A_191 : vector<256x512xf32>
    %get3A_193 = arith.constant 0 : index
    %get3A_194 = arith.constant 0 : index
    %get3A_195 = vector.load %arg13[%get3A_193, %get3A_194] : memref<512x256xf32, #tpu.memory_space<vmem>>, vector<512x256xf32>
    %dot_general3A_196 = arith.constant dense<0.000000e+00> : vector<256x256xf32>
    %dot_general3A_197 = tpu.matmul %add3A_192, %get3A_195, %dot_general3A_196 {dimension_numbers = #tpu.dot_dimension_numbers<[1], [0], [0], [1], [0, 0, 1, 1], [], []>, transpose_lhs_hint = false} : vector<256x512xf32>, vector<512x256xf32>, vector<256x256xf32> -> vector<256x256xf32>
    %get3A_198 = arith.constant 0 : index
    %get3A_199 = arith.constant 0 : index
    %get3A_200 = vector.load %arg14[%get3A_198, %get3A_199] : memref<1x256xf32, #tpu.memory_space<vmem>>, vector<1x256xf32>
    %add3A_201 = vector.broadcast %get3A_200 : vector<1x256xf32> to vector<256x256xf32>
    %add3A_202 = arith.addf %dot_general3A_197, %add3A_201 : vector<256x256xf32>
    %jit3A_203 = arith.constant 0.00999999977 : f32
    %ge3A_204 = arith.constant 0.000000e+00 : f32
    %ge3A_205 = vector.broadcast %ge3A_204 : f32 to vector<256x256xf32>
    %ge3A_206 = arith.cmpf oge, %add3A_202, %ge3A_205 : vector<256x256xf32>
    %mul3A_207 = vector.broadcast %jit3A_203 : f32 to vector<256x256xf32>
    %mul3A_208 = arith.mulf %mul3A_207, %add3A_202 : vector<256x256xf32>
    %select_n3A_209 = arith.select %ge3A_206, %add3A_202, %mul3A_208 : vector<256x256xi1>, vector<256x256xf32>
    %get3A_210 = arith.constant 0 : index
    %get3A_211 = arith.constant 0 : index
    %get3A_212 = vector.load %arg15[%get3A_210, %get3A_211] : memref<1x256xf32, #tpu.memory_space<vmem>>, vector<1x256xf32>
    %mul3A_213 = vector.broadcast %get3A_212 : vector<1x256xf32> to vector<256x256xf32>
    %mul3A_214 = arith.mulf %select_n3A_209, %mul3A_213 : vector<256x256xf32>
    %reduce_sum3A_215 = arith.constant dense<0.000000e+00> : vector<256xf32>
    %reduce_sum3A_216 = vector.multi_reduction <add>, %mul3A_214, %reduce_sum3A_215 [1] : vector<256x256xf32> to vector<256xf32>
    %broadcast_in_dim3A_217 = vector.shape_cast %reduce_sum3A_216 : vector<256xf32> to vector<256x1xf32>
    %eq3A = arith.constant 0 : i32
    %eq3A_218 = arith.cmpi eq, %arg0, %eq3A : i32
    %convert_element_type3A = arith.extui %eq3A_218 : i1 to i32
    %cond3A = arith.constant 0 : i32
    %cond3A_219 = arith.cmpi ne, %convert_element_type3A, %cond3A : i32
    scf.if %cond3A_219 {
      %get3A_269 = arith.constant 0 : index
      %get3A_270 = arith.constant 0 : index
      %get3A_271 = vector.load %arg16[%get3A_269, %get3A_270] : memref<1x1xf32, #tpu.memory_space<vmem>>, vector<1x1xf32>
      %swap3A_272 = arith.constant 0 : index
      %swap3A_273 = arith.constant 0 : index
      %swap3A_274 = vector.load %arg26[%swap3A_272, %swap3A_273] : memref<1x1xf32, #tpu.memory_space<vmem>>, vector<1x1xf32>
      tpu.vector_store %arg26[%swap3A_272, %swap3A_273], %get3A_271 {strides = array<i32>} : memref<1x1xf32, #tpu.memory_space<vmem>>, vector<1x1xf32>,
      %get3A_275 = arith.constant 0 : index
      %get3A_276 = arith.constant 0 : index
      %get3A_277 = vector.load %arg17[%get3A_275, %get3A_276] : memref<1x1xf32, #tpu.memory_space<vmem>>, vector<1x1xf32>
      %swap3A_278 = arith.constant 0 : index
      %swap3A_279 = arith.constant 0 : index
      %swap3A_280 = vector.load %arg27[%swap3A_278, %swap3A_279] : memref<1x1xf32, #tpu.memory_space<vmem>>, vector<1x1xf32>
      tpu.vector_store %arg27[%swap3A_278, %swap3A_279], %get3A_277 {strides = array<i32>} : memref<1x1xf32, #tpu.memory_space<vmem>>, vector<1x1xf32>,
      %get3A_281 = arith.constant 0 : index
      %get3A_282 = arith.constant 0 : index
      %get3A_283 = vector.load %arg18[%get3A_281, %get3A_282] : memref<1x512xf32, #tpu.memory_space<vmem>>, vector<1x512xf32>
      %swap3A_284 = arith.constant 0 : index
      %swap3A_285 = arith.constant 0 : index
      %swap3A_286 = vector.load %arg28[%swap3A_284, %swap3A_285] : memref<1x512xf32, #tpu.memory_space<vmem>>, vector<1x512xf32>
      tpu.vector_store %arg28[%swap3A_284, %swap3A_285], %get3A_283 {strides = array<i32>} : memref<1x512xf32, #tpu.memory_space<vmem>>, vector<1x512xf32>,
    } else {
    }
    %get3A_220 = arith.constant 0 : index
    %get3A_221 = arith.constant 0 : index
    %get3A_222 = vector.load %arg26[%get3A_220, %get3A_221] : memref<1x1xf32, #tpu.memory_space<vmem>>, vector<1x1xf32>
    %reduce_max3A_223 = vector.shape_cast %broadcast_in_dim3A_217 : vector<256x1xf32> to vector<1x256x1xf32>
    %reduce_max3A_224 = arith.constant dense<0xFF800000> : vector<1xf32>
    %reduce_max3A_225 = vector.multi_reduction <maximumf>, %reduce_max3A_223, %reduce_max3A_224 [1, 2] : vector<1x256x1xf32> to vector<1xf32>
    %reduce_max3A_226 = vector.shape_cast %reduce_max3A_225 : vector<1xf32> to vector<1x1x1xf32>
    %reduce_max3A_227 = vector.extract %reduce_max3A_226[0, 0, 0] : f32 from vector<1x1x1xf32>
    %broadcast_in_dim3A_228 = vector.broadcast %reduce_max3A_227 : f32 to vector<1x1xf32>
    %max3A = arith.maximumf %get3A_222, %broadcast_in_dim3A_228 : vector<1x1xf32>
    %sub3A_229 = arith.subf %get3A_222, %max3A : vector<1x1xf32>
    %exp3A_230 = math.exp %sub3A_229 : vector<1x1xf32>
    %sub3A_231 = vector.broadcast %max3A : vector<1x1xf32> to vector<256x1xf32>
    %sub3A_232 = arith.subf %broadcast_in_dim3A_217, %sub3A_231 : vector<256x1xf32>
    %exp3A_233 = math.exp %sub3A_232 : vector<256x1xf32>
    %get3A_234 = arith.constant 0 : index
    %get3A_235 = arith.constant 0 : index
    %get3A_236 = vector.load %arg27[%get3A_234, %get3A_235] : memref<1x1xf32, #tpu.memory_space<vmem>>, vector<1x1xf32>
    %mul3A_237 = arith.mulf %get3A_236, %exp3A_230 : vector<1x1xf32>
    %reduce_sum3A_238 = vector.shape_cast %exp3A_233 : vector<256x1xf32> to vector<1x256x1xf32>
    %reduce_sum3A_239 = arith.constant dense<0.000000e+00> : vector<1xf32>
    %reduce_sum3A_240 = vector.multi_reduction <add>, %reduce_sum3A_238, %reduce_sum3A_239 [1, 2] : vector<1x256x1xf32> to vector<1xf32>
    %reduce_sum3A_241 = vector.shape_cast %reduce_sum3A_240 : vector<1xf32> to vector<1x1x1xf32>
    %reduce_sum3A_242 = vector.extract %reduce_sum3A_241[0, 0, 0] : f32 from vector<1x1x1xf32>
    %broadcast_in_dim3A_243 = vector.broadcast %reduce_sum3A_242 : f32 to vector<1x1xf32>
    %add3A_244 = arith.addf %mul3A_237, %broadcast_in_dim3A_243 : vector<1x1xf32>
    %swap3A = arith.constant 0 : index
    %swap3A_245 = arith.constant 0 : index
    %swap3A_246 = vector.load %arg27[%swap3A, %swap3A_245] : memref<1x1xf32, #tpu.memory_space<vmem>>, vector<1x1xf32>
    tpu.vector_store %arg27[%swap3A, %swap3A_245], %add3A_244 {strides = array<i32>} : memref<1x1xf32, #tpu.memory_space<vmem>>, vector<1x1xf32>,
    %get3A_247 = arith.constant 0 : index
    %get3A_248 = arith.constant 0 : index
    %get3A_249 = vector.load %arg28[%get3A_247, %get3A_248] : memref<1x512xf32, #tpu.memory_space<vmem>>, vector<1x512xf32>
    %mul3A_250 = vector.broadcast %exp3A_230 : vector<1x1xf32> to vector<1x512xf32>
    %mul3A_251 = arith.mulf %get3A_249, %mul3A_250 : vector<1x512xf32>
    %mul3A_252 = vector.broadcast %exp3A_233 : vector<256x1xf32> to vector<256x512xf32>
    %mul3A_253 = arith.mulf %mul3A_252, %add3A_192 : vector<256x512xf32>
    %reduce_sum3A_254 = arith.constant dense<0.000000e+00> : vector<512xf32>
    %reduce_sum3A_255 = vector.multi_reduction <add>, %mul3A_253, %reduce_sum3A_254 [0] : vector<256x512xf32> to vector<512xf32>
    %broadcast_in_dim3A_256 = vector.shape_cast %reduce_sum3A_255 : vector<512xf32> to vector<1x512xf32>
    %add3A_257 = arith.addf %mul3A_251, %broadcast_in_dim3A_256 : vector<1x512xf32>
    %swap3A_258 = arith.constant 0 : index
    %swap3A_259 = arith.constant 0 : index
    %swap3A_260 = vector.load %arg28[%swap3A_258, %swap3A_259] : memref<1x512xf32, #tpu.memory_space<vmem>>, vector<1x512xf32>
    tpu.vector_store %arg28[%swap3A_258, %swap3A_259], %add3A_257 {strides = array<i32>} : memref<1x512xf32, #tpu.memory_space<vmem>>, vector<1x512xf32>,
    %swap3A_261 = arith.constant 0 : index
    %swap3A_262 = arith.constant 0 : index
    %swap3A_263 = vector.load %arg26[%swap3A_261, %swap3A_262] : memref<1x1xf32, #tpu.memory_space<vmem>>, vector<1x1xf32>
    tpu.vector_store %arg26[%swap3A_261, %swap3A_262], %max3A {strides = array<i32>} : memref<1x1xf32, #tpu.memory_space<vmem>>, vector<1x1xf32>,
    %eq3A_264 = arith.constant 3 : i32
    %eq3A_265 = arith.cmpi eq, %arg0, %eq3A_264 : i32
    %convert_element_type3A_266 = arith.extui %eq3A_265 : i1 to i32
    %cond3A_267 = arith.constant 0 : i32
    %cond3A_268 = arith.cmpi ne, %convert_element_type3A_266, %cond3A_267 : i32
    scf.if %cond3A_268 {
      %get3A_269 = arith.constant 0 : index
      %get3A_270 = arith.constant 0 : index
      %get3A_271 = vector.load %arg26[%get3A_269, %get3A_270] : memref<1x1xf32, #tpu.memory_space<vmem>>, vector<1x1xf32>
      %swap3A_272 = arith.constant 0 : index
      %swap3A_273 = arith.constant 0 : index
      %swap3A_274 = vector.load %arg23[%swap3A_272, %swap3A_273] : memref<1x1xf32, #tpu.memory_space<vmem>>, vector<1x1xf32>
      tpu.vector_store %arg23[%swap3A_272, %swap3A_273], %get3A_271 {strides = array<i32>} : memref<1x1xf32, #tpu.memory_space<vmem>>, vector<1x1xf32>,
      %get3A_275 = arith.constant 0 : index
      %get3A_276 = arith.constant 0 : index
      %get3A_277 = vector.load %arg27[%get3A_275, %get3A_276] : memref<1x1xf32, #tpu.memory_space<vmem>>, vector<1x1xf32>
      %swap3A_278 = arith.constant 0 : index
      %swap3A_279 = arith.constant 0 : index
      %swap3A_280 = vector.load %arg24[%swap3A_278, %swap3A_279] : memref<1x1xf32, #tpu.memory_space<vmem>>, vector<1x1xf32>
      tpu.vector_store %arg24[%swap3A_278, %swap3A_279], %get3A_277 {strides = array<i32>} : memref<1x1xf32, #tpu.memory_space<vmem>>, vector<1x1xf32>,
      %get3A_281 = arith.constant 0 : index
      %get3A_282 = arith.constant 0 : index
      %get3A_283 = vector.load %arg28[%get3A_281, %get3A_282] : memref<1x512xf32, #tpu.memory_space<vmem>>, vector<1x512xf32>
      %swap3A_284 = arith.constant 0 : index
      %swap3A_285 = arith.constant 0 : index
      %swap3A_286 = vector.load %arg25[%swap3A_284, %swap3A_285] : memref<1x512xf32, #tpu.memory_space<vmem>>, vector<1x512xf32>
      tpu.vector_store %arg25[%swap3A_284, %swap3A_285], %get3A_283 {strides = array<i32>} : memref<1x512xf32, #tpu.memory_space<vmem>>, vector<1x512xf32>,
    } else {
    }
    return
  }
  func.func @transform_0(%arg0: i32) -> (i32, i32) {
    %add3A = arith.constant 2 : i32
    %add3A_0 = arith.addi %arg0, %add3A : i32
    %c0_i32 = arith.constant 0 : i32
    %c0_i32_1 = arith.constant 0 : i32
    return %add3A_0, %c0_i32 : i32, i32
  }
  func.func @transform_1(%arg0: i32) -> (i32, i32) {
    %add3A = arith.constant 0 : i32
    %add3A_0 = arith.addi %add3A, %arg0 : i32
    %c0_i32 = arith.constant 0 : i32
    %c0_i32_1 = arith.constant 0 : i32
    return %add3A_0, %c0_i32 : i32, i32
  }
  func.func @transform_2(%arg0: i32) -> (i32, i32) {
    %add3A = arith.constant 4 : i32
    %add3A_0 = arith.addi %add3A, %arg0 : i32
    %c0_i32 = arith.constant 0 : i32
    %c0_i32_1 = arith.constant 0 : i32
    return %add3A_0, %c0_i32 : i32, i32
  }
  func.func @transform_3(%arg0: i32) -> (i32, i32) {
    %add3A = arith.constant 8 : i32
    %add3A_0 = arith.addi %add3A, %arg0 : i32
    %c0_i32 = arith.constant 0 : i32
    %c0_i32_1 = arith.constant 0 : i32
    return %add3A_0, %c0_i32 : i32, i32
  }
  func.func @transform_4(%arg0: i32) -> (i32, i32) {
    %add3A = arith.constant 12 : i32
    %add3A_0 = arith.addi %add3A, %arg0 : i32
    %c0_i32 = arith.constant 0 : i32
    %c0_i32_1 = arith.constant 0 : i32
    return %add3A_0, %c0_i32 : i32, i32
  }
  func.func @transform_5(%arg0: i32) -> (i32, i32) {
    %add3A = arith.constant 16 : i32
    %add3A_0 = arith.addi %add3A, %arg0 : i32
    %c0_i32 = arith.constant 0 : i32
    %c0_i32_1 = arith.constant 0 : i32
    return %add3A_0, %c0_i32 : i32, i32
  }
  func.func @transform_6(%arg0: i32) -> (i32, i32) {
    %add3A = arith.constant 20 : i32
    %add3A_0 = arith.addi %add3A, %arg0 : i32
    %c0_i32 = arith.constant 0 : i32
    %c0_i32_1 = arith.constant 0 : i32
    return %add3A_0, %c0_i32 : i32, i32
  }
  func.func @transform_7(%arg0: i32) -> (i32, i32) {
    %c0_i32 = arith.constant 0 : i32
    %c0_i32_0 = arith.constant 0 : i32
    return %arg0, %c0_i32 : i32, i32
  }
  func.func @transform_8(%arg0: i32) -> (i32, i32) {
    %c0_i32 = arith.constant 0 : i32
    %c0_i32_0 = arith.constant 0 : i32
    %c0_i32_1 = arith.constant 0 : i32
    return %c0_i32, %c0_i32_0 : i32, i32
  }
  func.func @transform_9(%arg0: i32) -> (i32, i32) {
    %c0_i32 = arith.constant 0 : i32
    %c0_i32_0 = arith.constant 0 : i32
    %c0_i32_1 = arith.constant 0 : i32
    return %c0_i32, %c0_i32_0 : i32, i32
  }
  func.func @transform_10(%arg0: i32) -> (i32, i32) {
    %c0_i32 = arith.constant 0 : i32
    %c0_i32_0 = arith.constant 0 : i32
    %c0_i32_1 = arith.constant 0 : i32
    return %c0_i32, %c0_i32_0 : i32, i32
  }
  func.func @transform_11(%arg0: i32) -> (i32, i32) {
    %c0_i32 = arith.constant 0 : i32
    %c0_i32_0 = arith.constant 0 : i32
    %c0_i32_1 = arith.constant 0 : i32
    return %c0_i32, %c0_i32_0 : i32, i32
  }
  func.func @transform_12(%arg0: i32) -> (i32, i32) {
    %c0_i32 = arith.constant 0 : i32
    %c0_i32_0 = arith.constant 0 : i32
    %c0_i32_1 = arith.constant 0 : i32
    return %c0_i32, %c0_i32_0 : i32, i32
  }
  func.func @transform_13(%arg0: i32) -> (i32, i32) {
    %c0_i32 = arith.constant 0 : i32
    %c0_i32_0 = arith.constant 0 : i32
    %c0_i32_1 = arith.constant 0 : i32
    return %c0_i32, %c0_i32_0 : i32, i32
  }
  func.func @transform_14(%arg0: i32) -> (i32, i32) {
    %c0_i32 = arith.constant 0 : i32
    %c0_i32_0 = arith.constant 0 : i32
    %c0_i32_1 = arith.constant 0 : i32
    return %c0_i32, %c0_i32_0 : i32, i32
  }
  func.func @transform_15(%arg0: i32) -> (i32, i32) {
    %c0_i32 = arith.constant 0 : i32
    %c0_i32_0 = arith.constant 0 : i32
    %c0_i32_1 = arith.constant 0 : i32
    return %c0_i32, %c0_i32_0 : i32, i32
  }
  func.func @transform_16(%arg0: i32) -> (i32, i32) {
    %c0_i32 = arith.constant 0 : i32
    %c0_i32_0 = arith.constant 0 : i32
    %c0_i32_1 = arith.constant 0 : i32
    return %c0_i32, %c0_i32_0 : i32, i32
  }
  func.func @transform_17(%arg0: i32) -> (i32, i32) {
    %c0_i32 = arith.constant 0 : i32
    %c0_i32_0 = arith.constant 0 : i32
    %c0_i32_1 = arith.constant 0 : i32
    return %c0_i32, %c0_i32_0 : i32, i32
  }
  func.func @transform_18(%arg0: i32) -> (i32, i32) {
    %c0_i32 = arith.constant 0 : i32
    %c0_i32_0 = arith.constant 0 : i32
    %c0_i32_1 = arith.constant 0 : i32
    return %c0_i32, %c0_i32_0 : i32, i32
  }
  func.func @transform_19(%arg0: i32) -> (i32, i32) {
    %c0_i32 = arith.constant 0 : i32
    %c0_i32_0 = arith.constant 0 : i32
    %c0_i32_1 = arith.constant 0 : i32
    return %c0_i32, %c0_i32_0 : i32, i32
  }
  func.func @transform_20(%arg0: i32) -> (i32, i32) {
    %c0_i32 = arith.constant 0 : i32
    %c0_i32_0 = arith.constant 0 : i32
    %c0_i32_1 = arith.constant 0 : i32
    return %c0_i32, %c0_i32_0 : i32, i32
  }
  func.func @transform_21(%arg0: i32) -> (i32, i32) {
    %c0_i32 = arith.constant 0 : i32
    %c0_i32_0 = arith.constant 0 : i32
    %c0_i32_1 = arith.constant 0 : i32
    return %c0_i32, %c0_i32_0 : i32, i32
  }
  func.func @transform_22(%arg0: i32) -> (i32, i32) {
    %c0_i32 = arith.constant 0 : i32
    %c0_i32_0 = arith.constant 0 : i32
    %c0_i32_1 = arith.constant 0 : i32
    return %c0_i32, %c0_i32_0 : i32, i32
  }
  func.func @transform_23(%arg0: i32) -> (i32, i32) {
    %c0_i32 = arith.constant 0 : i32
    %c0_i32_0 = arith.constant 0 : i32
    %c0_i32_1 = arith.constant 0 : i32
    return %c0_i32, %c0_i32_0 : i32, i32
  }
  func.func @transform_24(%arg0: i32) -> (i32, i32) {
    %c0_i32 = arith.constant 0 : i32
    %c0_i32_0 = arith.constant 0 : i32
    %c0_i32_1 = arith.constant 0 : i32
    return %c0_i32, %c0_i32_0 : i32, i32
  }
}

module attributes {stable_mosaic.version = 14 : i64} {
  func.func @_agg_body(%arg0: i32, %arg1: memref<256x512xf32, #tpu.memory_space<vmem>>, %arg2: memref<256x512xf32, #tpu.memory_space<vmem>>, %arg3: memref<256x512xf32, #tpu.memory_space<vmem>>, %arg4: memref<256x512xf32, #tpu.memory_space<vmem>>, %arg5: memref<256x512xf32, #tpu.memory_space<vmem>>, %arg6: memref<256x512xf32, #tpu.memory_space<vmem>>, %arg7: memref<256x512xf32, #tpu.memory_space<vmem>>, %arg8: memref<256x8xf32, #tpu.memory_space<vmem>>, %arg9: memref<512x512xf32, #tpu.memory_space<vmem>>, %arg10: memref<1x512xf32, #tpu.memory_space<vmem>>, %arg11: memref<512x512xf32, #tpu.memory_space<vmem>>, %arg12: memref<1x512xf32, #tpu.memory_space<vmem>>, %arg13: memref<512x256xf32, #tpu.memory_space<vmem>>, %arg14: memref<1x256xf32, #tpu.memory_space<vmem>>, %arg15: memref<1x256xf32, #tpu.memory_space<vmem>>, %arg16: memref<1x1xf32, #tpu.memory_space<vmem>>, %arg17: memref<1x1xf32, #tpu.memory_space<vmem>>, %arg18: memref<1x512xf32, #tpu.memory_space<vmem>>, %arg19: memref<1x512xf32, #tpu.memory_space<vmem>>, %arg20: memref<1x512xf32, #tpu.memory_space<vmem>>, %arg21: memref<512x128xf32, #tpu.memory_space<vmem>>, %arg22: memref<1x128xf32, #tpu.memory_space<vmem>>, %arg23: memref<1x1xf32, #tpu.memory_space<vmem>>, %arg24: memref<1x1xf32, #tpu.memory_space<vmem>>, %arg25: memref<1x512xf32, #tpu.memory_space<vmem>>, %arg26: memref<1x1xf32, #tpu.memory_space<vmem>>, %arg27: memref<1x1xf32, #tpu.memory_space<vmem>>, %arg28: memref<1x512xf32, #tpu.memory_space<vmem>>) attributes {dimension_semantics = [#tpu.dimension_semantics<arbitrary>], iteration_bounds = array<i64: 6>, scalar_prefetch = 0 : i64, scratch_operands = 3 : i64, tpu.core_type = #tpu.core_type<tc>, window_params = [{transform_indices = @transform_0, window_bounds = array<i64: 256, 512>}, {transform_indices = @transform_1, window_bounds = array<i64: 256, 512>}, {transform_indices = @transform_2, window_bounds = array<i64: 256, 512>}, {transform_indices = @transform_3, window_bounds = array<i64: 256, 512>}, {transform_indices = @transform_4, window_bounds = array<i64: 256, 512>}, {transform_indices = @transform_5, window_bounds = array<i64: 256, 512>}, {transform_indices = @transform_6, window_bounds = array<i64: 256, 512>}, {transform_indices = @transform_7, window_bounds = array<i64: 256, 8>}, {pipeline_mode = #tpu.pipeline_mode<synchronous>, transform_indices = @transform_8, window_bounds = array<i64: 512, 512>}, {pipeline_mode = #tpu.pipeline_mode<synchronous>, transform_indices = @transform_9, window_bounds = array<i64: 1, 512>}, {pipeline_mode = #tpu.pipeline_mode<synchronous>, transform_indices = @transform_10, window_bounds = array<i64: 512, 512>}, {pipeline_mode = #tpu.pipeline_mode<synchronous>, transform_indices = @transform_11, window_bounds = array<i64: 1, 512>}, {pipeline_mode = #tpu.pipeline_mode<synchronous>, transform_indices = @transform_12, window_bounds = array<i64: 512, 256>}, {pipeline_mode = #tpu.pipeline_mode<synchronous>, transform_indices = @transform_13, window_bounds = array<i64: 1, 256>}, {pipeline_mode = #tpu.pipeline_mode<synchronous>, transform_indices = @transform_14, window_bounds = array<i64: 1, 256>}, {pipeline_mode = #tpu.pipeline_mode<synchronous>, transform_indices = @transform_15, window_bounds = array<i64: 1, 1>}, {pipeline_mode = #tpu.pipeline_mode<synchronous>, transform_indices = @transform_16, window_bounds = array<i64: 1, 1>}, {pipeline_mode = #tpu.pipeline_mode<synchronous>, transform_indices = @transform_17, window_bounds = array<i64: 1, 512>}, {pipeline_mode = #tpu.pipeline_mode<synchronous>, transform_indices = @transform_18, window_bounds = array<i64: 1, 512>}, {pipeline_mode = #tpu.pipeline_mode<synchronous>, transform_indices = @transform_19, window_bounds = array<i64: 1, 512>}, {pipeline_mode = #tpu.pipeline_mode<synchronous>, transform_indices = @transform_20, window_bounds = array<i64: 512, 128>}, {pipeline_mode = #tpu.pipeline_mode<synchronous>, transform_indices = @transform_21, window_bounds = array<i64: 1, 128>}, {pipeline_mode = #tpu.pipeline_mode<synchronous>, transform_indices = @transform_22, window_bounds = array<i64: 1, 1>}, {pipeline_mode = #tpu.pipeline_mode<synchronous>, transform_indices = @transform_23, window_bounds = array<i64: 1, 1>}, {pipeline_mode = #tpu.pipeline_mode<synchronous>, transform_indices = @transform_24, window_bounds = array<i64: 1, 512>}]} {
    %get3A = arith.constant 0 : index
    %get3A_0 = arith.constant 0 : index
    %get3A_1 = vector.load %arg1[%get3A, %get3A_0] : memref<256x512xf32, #tpu.memory_space<vmem>>, vector<256x512xf32>
    %get3A_2 = arith.constant 0 : index
    %get3A_3 = arith.constant 0 : index
    %get3A_4 = vector.load %arg8[%get3A_2, %get3A_3] : memref<256x8xf32, #tpu.memory_space<vmem>>, vector<256x8xf32>
    %reduce_max3A = arith.constant dense<0xFF800000> : vector<256xf32>
    %reduce_max3A_5 = vector.multi_reduction <maximumf>, %get3A_4, %reduce_max3A [1] : vector<256x8xf32> to vector<256xf32>
    %broadcast_in_dim3A = vector.shape_cast %reduce_max3A_5 : vector<256xf32> to vector<256x1xf32>
    %sub3A = vector.broadcast %broadcast_in_dim3A : vector<256x1xf32> to vector<256x8xf32>
    %sub3A_6 = arith.subf %get3A_4, %sub3A : vector<256x8xf32>
    %exp3A = math.exp %sub3A_6 : vector<256x8xf32>
    %reduce_sum3A = arith.constant dense<0.000000e+00> : vector<256xf32>
    %reduce_sum3A_7 = vector.multi_reduction <add>, %exp3A, %reduce_sum3A [1] : vector<256x8xf32> to vector<256xf32>
    %broadcast_in_dim3A_8 = vector.shape_cast %reduce_sum3A_7 : vector<256xf32> to vector<256x1xf32>
    %div3A = vector.broadcast %broadcast_in_dim3A_8 : vector<256x1xf32> to vector<256x8xf32>
    %div3A_9 = arith.divf %exp3A, %div3A : vector<256x8xf32>
    %get3A_10 = arith.constant 0 : index
    %get3A_11 = arith.constant 0 : index
    %get3A_12 = vector.load %arg2[%get3A_10, %get3A_11] : memref<256x512xf32, #tpu.memory_space<vmem>>, vector<256x512xf32>
    %slice3A = vector.extract_strided_slice %div3A_9 {offsets = [0, 0], sizes = [256, 1], strides = [1, 1]} : vector<256x8xf32> to vector<256x1xf32>
    %sub3A_13 = arith.constant 2.000000e+00 : f32
    %sub3A_14 = vector.broadcast %sub3A_13 : f32 to vector<256x1xf32>
    %sub3A_15 = arith.subf %sub3A_14, %slice3A : vector<256x1xf32>
    %mul3A = vector.broadcast %sub3A_15 : vector<256x1xf32> to vector<256x512xf32>
    %mul3A_16 = arith.mulf %mul3A, %get3A_1 : vector<256x512xf32>
    %mul3A_17 = vector.broadcast %slice3A : vector<256x1xf32> to vector<256x512xf32>
    %mul3A_18 = arith.mulf %mul3A_17, %get3A_12 : vector<256x512xf32>
    %add3A = arith.addf %mul3A_16, %mul3A_18 : vector<256x512xf32>
    %tanh3A = math.tanh %add3A : vector<256x512xf32>
    %reduce_sum3A_19 = arith.constant dense<0.000000e+00> : vector<256xf32>
    %reduce_sum3A_20 = vector.multi_reduction <add>, %get3A_12, %reduce_sum3A_19 [1] : vector<256x512xf32> to vector<256xf32>
    %broadcast_in_dim3A_21 = vector.shape_cast %reduce_sum3A_20 : vector<256xf32> to vector<256x1xf32>
    %reduce_sum3A_22 = arith.constant dense<0.000000e+00> : vector<256xf32>
    %reduce_sum3A_23 = vector.multi_reduction <add>, %tanh3A, %reduce_sum3A_22 [1] : vector<256x512xf32> to vector<256xf32>
    %broadcast_in_dim3A_24 = vector.shape_cast %reduce_sum3A_23 : vector<256xf32> to vector<256x1xf32>
    %mul3A_25 = arith.mulf %broadcast_in_dim3A_21, %broadcast_in_dim3A_24 : vector<256x1xf32>
    %get3A_26 = arith.constant 0 : index
    %get3A_27 = arith.constant 0 : index
    %get3A_28 = vector.load %arg3[%get3A_26, %get3A_27] : memref<256x512xf32, #tpu.memory_space<vmem>>, vector<256x512xf32>
    %slice3A_29 = vector.extract_strided_slice %div3A_9 {offsets = [0, 1], sizes = [256, 1], strides = [1, 1]} : vector<256x8xf32> to vector<256x1xf32>
    %sub3A_30 = arith.constant 2.000000e+00 : f32
    %sub3A_31 = vector.broadcast %sub3A_30 : f32 to vector<256x1xf32>
    %sub3A_32 = arith.subf %sub3A_31, %slice3A_29 : vector<256x1xf32>
    %mul3A_33 = vector.broadcast %sub3A_32 : vector<256x1xf32> to vector<256x512xf32>
    %mul3A_34 = arith.mulf %mul3A_33, %get3A_1 : vector<256x512xf32>
    %mul3A_35 = vector.broadcast %slice3A_29 : vector<256x1xf32> to vector<256x512xf32>
    %mul3A_36 = arith.mulf %mul3A_35, %get3A_28 : vector<256x512xf32>
    %add3A_37 = arith.addf %mul3A_34, %mul3A_36 : vector<256x512xf32>
    %tanh3A_38 = math.tanh %add3A_37 : vector<256x512xf32>
    %reduce_sum3A_39 = arith.constant dense<0.000000e+00> : vector<256xf32>
    %reduce_sum3A_40 = vector.multi_reduction <add>, %get3A_28, %reduce_sum3A_39 [1] : vector<256x512xf32> to vector<256xf32>
    %broadcast_in_dim3A_41 = vector.shape_cast %reduce_sum3A_40 : vector<256xf32> to vector<256x1xf32>
    %reduce_sum3A_42 = arith.constant dense<0.000000e+00> : vector<256xf32>
    %reduce_sum3A_43 = vector.multi_reduction <add>, %tanh3A_38, %reduce_sum3A_42 [1] : vector<256x512xf32> to vector<256xf32>
    %broadcast_in_dim3A_44 = vector.shape_cast %reduce_sum3A_43 : vector<256xf32> to vector<256x1xf32>
    %mul3A_45 = arith.mulf %broadcast_in_dim3A_41, %broadcast_in_dim3A_44 : vector<256x1xf32>
    %get3A_46 = arith.constant 0 : index
    %get3A_47 = arith.constant 0 : index
    %get3A_48 = vector.load %arg4[%get3A_46, %get3A_47] : memref<256x512xf32, #tpu.memory_space<vmem>>, vector<256x512xf32>
    %slice3A_49 = vector.extract_strided_slice %div3A_9 {offsets = [0, 2], sizes = [256, 1], strides = [1, 1]} : vector<256x8xf32> to vector<256x1xf32>
    %sub3A_50 = arith.constant 2.000000e+00 : f32
    %sub3A_51 = vector.broadcast %sub3A_50 : f32 to vector<256x1xf32>
    %sub3A_52 = arith.subf %sub3A_51, %slice3A_49 : vector<256x1xf32>
    %mul3A_53 = vector.broadcast %sub3A_52 : vector<256x1xf32> to vector<256x512xf32>
    %mul3A_54 = arith.mulf %mul3A_53, %get3A_1 : vector<256x512xf32>
    %mul3A_55 = vector.broadcast %slice3A_49 : vector<256x1xf32> to vector<256x512xf32>
    %mul3A_56 = arith.mulf %mul3A_55, %get3A_48 : vector<256x512xf32>
    %add3A_57 = arith.addf %mul3A_54, %mul3A_56 : vector<256x512xf32>
    %tanh3A_58 = math.tanh %add3A_57 : vector<256x512xf32>
    %reduce_sum3A_59 = arith.constant dense<0.000000e+00> : vector<256xf32>
    %reduce_sum3A_60 = vector.multi_reduction <add>, %get3A_48, %reduce_sum3A_59 [1] : vector<256x512xf32> to vector<256xf32>
    %broadcast_in_dim3A_61 = vector.shape_cast %reduce_sum3A_60 : vector<256xf32> to vector<256x1xf32>
    %reduce_sum3A_62 = arith.constant dense<0.000000e+00> : vector<256xf32>
    %reduce_sum3A_63 = vector.multi_reduction <add>, %tanh3A_58, %reduce_sum3A_62 [1] : vector<256x512xf32> to vector<256xf32>
    %broadcast_in_dim3A_64 = vector.shape_cast %reduce_sum3A_63 : vector<256xf32> to vector<256x1xf32>
    %mul3A_65 = arith.mulf %broadcast_in_dim3A_61, %broadcast_in_dim3A_64 : vector<256x1xf32>
    %get3A_66 = arith.constant 0 : index
    %get3A_67 = arith.constant 0 : index
    %get3A_68 = vector.load %arg5[%get3A_66, %get3A_67] : memref<256x512xf32, #tpu.memory_space<vmem>>, vector<256x512xf32>
    %slice3A_69 = vector.extract_strided_slice %div3A_9 {offsets = [0, 3], sizes = [256, 1], strides = [1, 1]} : vector<256x8xf32> to vector<256x1xf32>
    %sub3A_70 = arith.constant 2.000000e+00 : f32
    %sub3A_71 = vector.broadcast %sub3A_70 : f32 to vector<256x1xf32>
    %sub3A_72 = arith.subf %sub3A_71, %slice3A_69 : vector<256x1xf32>
    %mul3A_73 = vector.broadcast %sub3A_72 : vector<256x1xf32> to vector<256x512xf32>
    %mul3A_74 = arith.mulf %mul3A_73, %get3A_1 : vector<256x512xf32>
    %mul3A_75 = vector.broadcast %slice3A_69 : vector<256x1xf32> to vector<256x512xf32>
    %mul3A_76 = arith.mulf %mul3A_75, %get3A_68 : vector<256x512xf32>
    %add3A_77 = arith.addf %mul3A_74, %mul3A_76 : vector<256x512xf32>
    %tanh3A_78 = math.tanh %add3A_77 : vector<256x512xf32>
    %reduce_sum3A_79 = arith.constant dense<0.000000e+00> : vector<256xf32>
    %reduce_sum3A_80 = vector.multi_reduction <add>, %get3A_68, %reduce_sum3A_79 [1] : vector<256x512xf32> to vector<256xf32>
    %broadcast_in_dim3A_81 = vector.shape_cast %reduce_sum3A_80 : vector<256xf32> to vector<256x1xf32>
    %reduce_sum3A_82 = arith.constant dense<0.000000e+00> : vector<256xf32>
    %reduce_sum3A_83 = vector.multi_reduction <add>, %tanh3A_78, %reduce_sum3A_82 [1] : vector<256x512xf32> to vector<256xf32>
    %broadcast_in_dim3A_84 = vector.shape_cast %reduce_sum3A_83 : vector<256xf32> to vector<256x1xf32>
    %mul3A_85 = arith.mulf %broadcast_in_dim3A_81, %broadcast_in_dim3A_84 : vector<256x1xf32>
    %get3A_86 = arith.constant 0 : index
    %get3A_87 = arith.constant 0 : index
    %get3A_88 = vector.load %arg6[%get3A_86, %get3A_87] : memref<256x512xf32, #tpu.memory_space<vmem>>, vector<256x512xf32>
    %slice3A_89 = vector.extract_strided_slice %div3A_9 {offsets = [0, 4], sizes = [256, 1], strides = [1, 1]} : vector<256x8xf32> to vector<256x1xf32>
    %sub3A_90 = arith.constant 2.000000e+00 : f32
    %sub3A_91 = vector.broadcast %sub3A_90 : f32 to vector<256x1xf32>
    %sub3A_92 = arith.subf %sub3A_91, %slice3A_89 : vector<256x1xf32>
    %mul3A_93 = vector.broadcast %sub3A_92 : vector<256x1xf32> to vector<256x512xf32>
    %mul3A_94 = arith.mulf %mul3A_93, %get3A_1 : vector<256x512xf32>
    %mul3A_95 = vector.broadcast %slice3A_89 : vector<256x1xf32> to vector<256x512xf32>
    %mul3A_96 = arith.mulf %mul3A_95, %get3A_88 : vector<256x512xf32>
    %add3A_97 = arith.addf %mul3A_94, %mul3A_96 : vector<256x512xf32>
    %tanh3A_98 = math.tanh %add3A_97 : vector<256x512xf32>
    %reduce_sum3A_99 = arith.constant dense<0.000000e+00> : vector<256xf32>
    %reduce_sum3A_100 = vector.multi_reduction <add>, %get3A_88, %reduce_sum3A_99 [1] : vector<256x512xf32> to vector<256xf32>
    %broadcast_in_dim3A_101 = vector.shape_cast %reduce_sum3A_100 : vector<256xf32> to vector<256x1xf32>
    %reduce_sum3A_102 = arith.constant dense<0.000000e+00> : vector<256xf32>
    %reduce_sum3A_103 = vector.multi_reduction <add>, %tanh3A_98, %reduce_sum3A_102 [1] : vector<256x512xf32> to vector<256xf32>
    %broadcast_in_dim3A_104 = vector.shape_cast %reduce_sum3A_103 : vector<256xf32> to vector<256x1xf32>
    %mul3A_105 = arith.mulf %broadcast_in_dim3A_101, %broadcast_in_dim3A_104 : vector<256x1xf32>
    %get3A_106 = arith.constant 0 : index
    %get3A_107 = arith.constant 0 : index
    %get3A_108 = vector.load %arg7[%get3A_106, %get3A_107] : memref<256x512xf32, #tpu.memory_space<vmem>>, vector<256x512xf32>
    %slice3A_109 = vector.extract_strided_slice %div3A_9 {offsets = [0, 5], sizes = [256, 1], strides = [1, 1]} : vector<256x8xf32> to vector<256x1xf32>
    %sub3A_110 = arith.constant 2.000000e+00 : f32
    %sub3A_111 = vector.broadcast %sub3A_110 : f32 to vector<256x1xf32>
    %sub3A_112 = arith.subf %sub3A_111, %slice3A_109 : vector<256x1xf32>
    %mul3A_113 = vector.broadcast %sub3A_112 : vector<256x1xf32> to vector<256x512xf32>
    %mul3A_114 = arith.mulf %mul3A_113, %get3A_1 : vector<256x512xf32>
    %mul3A_115 = vector.broadcast %slice3A_109 : vector<256x1xf32> to vector<256x512xf32>
    %mul3A_116 = arith.mulf %mul3A_115, %get3A_108 : vector<256x512xf32>
    %add3A_117 = arith.addf %mul3A_114, %mul3A_116 : vector<256x512xf32>
    %tanh3A_118 = math.tanh %add3A_117 : vector<256x512xf32>
    %reduce_sum3A_119 = arith.constant dense<0.000000e+00> : vector<256xf32>
    %reduce_sum3A_120 = vector.multi_reduction <add>, %get3A_108, %reduce_sum3A_119 [1] : vector<256x512xf32> to vector<256xf32>
    %broadcast_in_dim3A_121 = vector.shape_cast %reduce_sum3A_120 : vector<256xf32> to vector<256x1xf32>
    %reduce_sum3A_122 = arith.constant dense<0.000000e+00> : vector<256xf32>
    %reduce_sum3A_123 = vector.multi_reduction <add>, %tanh3A_118, %reduce_sum3A_122 [1] : vector<256x512xf32> to vector<256xf32>
    %broadcast_in_dim3A_124 = vector.shape_cast %reduce_sum3A_123 : vector<256xf32> to vector<256x1xf32>
    %mul3A_125 = arith.mulf %broadcast_in_dim3A_121, %broadcast_in_dim3A_124 : vector<256x1xf32>
    %concatenate3A = tpu.concatenate %mul3A_25, %mul3A_45, %mul3A_65, %mul3A_85, %mul3A_105, %mul3A_125 in 1 : vector<256x1xf32>, vector<256x1xf32>, vector<256x1xf32>, vector<256x1xf32>, vector<256x1xf32>, vector<256x1xf32> -> vector<256x6xf32>
    %reduce_max3A_126 = arith.constant dense<0xFF800000> : vector<256xf32>
    %reduce_max3A_127 = vector.multi_reduction <maximumf>, %concatenate3A, %reduce_max3A_126 [1] : vector<256x6xf32> to vector<256xf32>
    %broadcast_in_dim3A_128 = vector.shape_cast %reduce_max3A_127 : vector<256xf32> to vector<256x1xf32>
    %sub3A_129 = vector.broadcast %broadcast_in_dim3A_128 : vector<256x1xf32> to vector<256x6xf32>
    %sub3A_130 = arith.subf %concatenate3A, %sub3A_129 : vector<256x6xf32>
    %exp3A_131 = math.exp %sub3A_130 : vector<256x6xf32>
    %reduce_sum3A_132 = arith.constant dense<0.000000e+00> : vector<256xf32>
    %reduce_sum3A_133 = vector.multi_reduction <add>, %exp3A_131, %reduce_sum3A_132 [1] : vector<256x6xf32> to vector<256xf32>
    %broadcast_in_dim3A_134 = vector.shape_cast %reduce_sum3A_133 : vector<256xf32> to vector<256x1xf32>
    %div3A_135 = vector.broadcast %broadcast_in_dim3A_134 : vector<256x1xf32> to vector<256x6xf32>
    %div3A_136 = arith.divf %exp3A_131, %div3A_135 : vector<256x6xf32>
    %slice3A_137 = vector.extract_strided_slice %div3A_136 {offsets = [0, 0], sizes = [256, 1], strides = [1, 1]} : vector<256x6xf32> to vector<256x1xf32>
    %mul3A_138 = vector.broadcast %slice3A_137 : vector<256x1xf32> to vector<256x512xf32>
    %mul3A_139 = arith.mulf %mul3A_138, %get3A_12 : vector<256x512xf32>
    %slice3A_140 = vector.extract_strided_slice %div3A_136 {offsets = [0, 1], sizes = [256, 1], strides = [1, 1]} : vector<256x6xf32> to vector<256x1xf32>
    %mul3A_141 = vector.broadcast %slice3A_140 : vector<256x1xf32> to vector<256x512xf32>
    %mul3A_142 = arith.mulf %mul3A_141, %get3A_28 : vector<256x512xf32>
    %add3A_143 = arith.addf %mul3A_139, %mul3A_142 : vector<256x512xf32>
    %slice3A_144 = vector.extract_strided_slice %div3A_136 {offsets = [0, 2], sizes = [256, 1], strides = [1, 1]} : vector<256x6xf32> to vector<256x1xf32>
    %mul3A_145 = vector.broadcast %slice3A_144 : vector<256x1xf32> to vector<256x512xf32>
    %mul3A_146 = arith.mulf %mul3A_145, %get3A_48 : vector<256x512xf32>
    %add3A_147 = arith.addf %add3A_143, %mul3A_146 : vector<256x512xf32>
    %slice3A_148 = vector.extract_strided_slice %div3A_136 {offsets = [0, 3], sizes = [256, 1], strides = [1, 1]} : vector<256x6xf32> to vector<256x1xf32>
    %mul3A_149 = vector.broadcast %slice3A_148 : vector<256x1xf32> to vector<256x512xf32>
    %mul3A_150 = arith.mulf %mul3A_149, %get3A_68 : vector<256x512xf32>
    %add3A_151 = arith.addf %add3A_147, %mul3A_150 : vector<256x512xf32>
    %slice3A_152 = vector.extract_strided_slice %div3A_136 {offsets = [0, 4], sizes = [256, 1], strides = [1, 1]} : vector<256x6xf32> to vector<256x1xf32>
    %mul3A_153 = vector.broadcast %slice3A_152 : vector<256x1xf32> to vector<256x512xf32>
    %mul3A_154 = arith.mulf %mul3A_153, %get3A_88 : vector<256x512xf32>
    %add3A_155 = arith.addf %add3A_151, %mul3A_154 : vector<256x512xf32>
    %slice3A_156 = vector.extract_strided_slice %div3A_136 {offsets = [0, 5], sizes = [256, 1], strides = [1, 1]} : vector<256x6xf32> to vector<256x1xf32>
    %mul3A_157 = vector.broadcast %slice3A_156 : vector<256x1xf32> to vector<256x512xf32>
    %mul3A_158 = arith.mulf %mul3A_157, %get3A_108 : vector<256x512xf32>
    %add3A_159 = arith.addf %add3A_155, %mul3A_158 : vector<256x512xf32>
    %add3A_160 = arith.addf %get3A_1, %add3A_159 : vector<256x512xf32>
    %get3A_161 = arith.constant 0 : index
    %get3A_162 = arith.constant 0 : index
    %get3A_163 = vector.load %arg9[%get3A_161, %get3A_162] : memref<512x512xf32, #tpu.memory_space<vmem>>, vector<512x512xf32>
    %dot_general3A = arith.constant dense<0.000000e+00> : vector<256x512xf32>
    %dot_general3A_164 = tpu.matmul %add3A_160, %get3A_163, %dot_general3A {dimension_numbers = #tpu.dot_dimension_numbers<[1], [0], [0], [1], [0, 0, 1, 1], [], []>, transpose_lhs_hint = false} : vector<256x512xf32>, vector<512x512xf32>, vector<256x512xf32> -> vector<256x512xf32>
    %get3A_165 = arith.constant 0 : index
    %get3A_166 = arith.constant 0 : index
    %get3A_167 = vector.load %arg10[%get3A_165, %get3A_166] : memref<1x512xf32, #tpu.memory_space<vmem>>, vector<1x512xf32>
    %add3A_168 = vector.broadcast %get3A_167 : vector<1x512xf32> to vector<256x512xf32>
    %add3A_169 = arith.addf %dot_general3A_164, %add3A_168 : vector<256x512xf32>
    %jit3A = arith.constant 0.00999999977 : f32
    %ge3A = arith.constant 0.000000e+00 : f32
    %ge3A_170 = vector.broadcast %ge3A : f32 to vector<256x512xf32>
    %ge3A_171 = arith.cmpf oge, %add3A_169, %ge3A_170 : vector<256x512xf32>
    %mul3A_172 = vector.broadcast %jit3A : f32 to vector<256x512xf32>
    %mul3A_173 = arith.mulf %mul3A_172, %add3A_169 : vector<256x512xf32>
    %select_n3A = arith.select %ge3A_171, %add3A_169, %mul3A_173 : vector<256x512xi1>, vector<256x512xf32>
    %mul3A_174 = arith.mulf %get3A_1, %add3A_159 : vector<256x512xf32>
    %get3A_175 = arith.constant 0 : index
    %get3A_176 = arith.constant 0 : index
    %get3A_177 = vector.load %arg11[%get3A_175, %get3A_176] : memref<512x512xf32, #tpu.memory_space<vmem>>, vector<512x512xf32>
    %dot_general3A_178 = arith.constant dense<0.000000e+00> : vector<256x512xf32>
    %dot_general3A_179 = tpu.matmul %mul3A_174, %get3A_177, %dot_general3A_178 {dimension_numbers = #tpu.dot_dimension_numbers<[1], [0], [0], [1], [0, 0, 1, 1], [], []>, transpose_lhs_hint = false} : vector<256x512xf32>, vector<512x512xf32>, vector<256x512xf32> -> vector<256x512xf32>
    %get3A_180 = arith.constant 0 : index
    %get3A_181 = arith.constant 0 : index
    %get3A_182 = vector.load %arg12[%get3A_180, %get3A_181] : memref<1x512xf32, #tpu.memory_space<vmem>>, vector<1x512xf32>
    %add3A_183 = vector.broadcast %get3A_182 : vector<1x512xf32> to vector<256x512xf32>
    %add3A_184 = arith.addf %dot_general3A_179, %add3A_183 : vector<256x512xf32>
    %jit3A_185 = arith.constant 0.00999999977 : f32
    %ge3A_186 = arith.constant 0.000000e+00 : f32
    %ge3A_187 = vector.broadcast %ge3A_186 : f32 to vector<256x512xf32>
    %ge3A_188 = arith.cmpf oge, %add3A_184, %ge3A_187 : vector<256x512xf32>
    %mul3A_189 = vector.broadcast %jit3A_185 : f32 to vector<256x512xf32>
    %mul3A_190 = arith.mulf %mul3A_189, %add3A_184 : vector<256x512xf32>
    %select_n3A_191 = arith.select %ge3A_188, %add3A_184, %mul3A_190 : vector<256x512xi1>, vector<256x512xf32>
    %add3A_192 = arith.addf %select_n3A, %select_n3A_191 : vector<256x512xf32>
    %get3A_193 = arith.constant 0 : index
    %get3A_194 = arith.constant 0 : index
    %get3A_195 = vector.load %arg13[%get3A_193, %get3A_194] : memref<512x256xf32, #tpu.memory_space<vmem>>, vector<512x256xf32>
    %dot_general3A_196 = arith.constant dense<0.000000e+00> : vector<256x256xf32>
    %dot_general3A_197 = tpu.matmul %add3A_192, %get3A_195, %dot_general3A_196 {dimension_numbers = #tpu.dot_dimension_numbers<[1], [0], [0], [1], [0, 0, 1, 1], [], []>, transpose_lhs_hint = false} : vector<256x512xf32>, vector<512x256xf32>, vector<256x256xf32> -> vector<256x256xf32>
    %get3A_198 = arith.constant 0 : index
    %get3A_199 = arith.constant 0 : index
    %get3A_200 = vector.load %arg14[%get3A_198, %get3A_199] : memref<1x256xf32, #tpu.memory_space<vmem>>, vector<1x256xf32>
    %add3A_201 = vector.broadcast %get3A_200 : vector<1x256xf32> to vector<256x256xf32>
    %add3A_202 = arith.addf %dot_general3A_197, %add3A_201 : vector<256x256xf32>
    %jit3A_203 = arith.constant 0.00999999977 : f32
    %ge3A_204 = arith.constant 0.000000e+00 : f32
    %ge3A_205 = vector.broadcast %ge3A_204 : f32 to vector<256x256xf32>
    %ge3A_206 = arith.cmpf oge, %add3A_202, %ge3A_205 : vector<256x256xf32>
    %mul3A_207 = vector.broadcast %jit3A_203 : f32 to vector<256x256xf32>
    %mul3A_208 = arith.mulf %mul3A_207, %add3A_202 : vector<256x256xf32>
    %select_n3A_209 = arith.select %ge3A_206, %add3A_202, %mul3A_208 : vector<256x256xi1>, vector<256x256xf32>
    %get3A_210 = arith.constant 0 : index
    %get3A_211 = arith.constant 0 : index
    %get3A_212 = vector.load %arg15[%get3A_210, %get3A_211] : memref<1x256xf32, #tpu.memory_space<vmem>>, vector<1x256xf32>
    %mul3A_213 = vector.broadcast %get3A_212 : vector<1x256xf32> to vector<256x256xf32>
    %mul3A_214 = arith.mulf %select_n3A_209, %mul3A_213 : vector<256x256xf32>
    %reduce_sum3A_215 = arith.constant dense<0.000000e+00> : vector<256xf32>
    %reduce_sum3A_216 = vector.multi_reduction <add>, %mul3A_214, %reduce_sum3A_215 [1] : vector<256x256xf32> to vector<256xf32>
    %broadcast_in_dim3A_217 = vector.shape_cast %reduce_sum3A_216 : vector<256xf32> to vector<256x1xf32>
    %eq3A = arith.constant 0 : i32
    %eq3A_218 = arith.cmpi eq, %arg0, %eq3A : i32
    %convert_element_type3A = arith.extui %eq3A_218 : i1 to i32
    %cond3A = arith.constant 0 : i32
    %cond3A_219 = arith.cmpi ne, %convert_element_type3A, %cond3A : i32
    scf.if %cond3A_219 {
      %get3A_269 = arith.constant 0 : index
      %get3A_270 = arith.constant 0 : index
      %get3A_271 = vector.load %arg16[%get3A_269, %get3A_270] : memref<1x1xf32, #tpu.memory_space<vmem>>, vector<1x1xf32>
      %swap3A_272 = arith.constant 0 : index
      %swap3A_273 = arith.constant 0 : index
      %swap3A_274 = vector.load %arg26[%swap3A_272, %swap3A_273] : memref<1x1xf32, #tpu.memory_space<vmem>>, vector<1x1xf32>
      tpu.vector_store %arg26[%swap3A_272, %swap3A_273], %get3A_271 {strides = array<i32>} : memref<1x1xf32, #tpu.memory_space<vmem>>, vector<1x1xf32>,
      %get3A_275 = arith.constant 0 : index
      %get3A_276 = arith.constant 0 : index
      %get3A_277 = vector.load %arg17[%get3A_275, %get3A_276] : memref<1x1xf32, #tpu.memory_space<vmem>>, vector<1x1xf32>
      %swap3A_278 = arith.constant 0 : index
      %swap3A_279 = arith.constant 0 : index
      %swap3A_280 = vector.load %arg27[%swap3A_278, %swap3A_279] : memref<1x1xf32, #tpu.memory_space<vmem>>, vector<1x1xf32>
      tpu.vector_store %arg27[%swap3A_278, %swap3A_279], %get3A_277 {strides = array<i32>} : memref<1x1xf32, #tpu.memory_space<vmem>>, vector<1x1xf32>,
      %get3A_281 = arith.constant 0 : index
      %get3A_282 = arith.constant 0 : index
      %get3A_283 = vector.load %arg18[%get3A_281, %get3A_282] : memref<1x512xf32, #tpu.memory_space<vmem>>, vector<1x512xf32>
      %swap3A_284 = arith.constant 0 : index
      %swap3A_285 = arith.constant 0 : index
      %swap3A_286 = vector.load %arg28[%swap3A_284, %swap3A_285] : memref<1x512xf32, #tpu.memory_space<vmem>>, vector<1x512xf32>
      tpu.vector_store %arg28[%swap3A_284, %swap3A_285], %get3A_283 {strides = array<i32>} : memref<1x512xf32, #tpu.memory_space<vmem>>, vector<1x512xf32>,
    } else {
    }
    %get3A_220 = arith.constant 0 : index
    %get3A_221 = arith.constant 0 : index
    %get3A_222 = vector.load %arg26[%get3A_220, %get3A_221] : memref<1x1xf32, #tpu.memory_space<vmem>>, vector<1x1xf32>
    %reduce_max3A_223 = vector.shape_cast %broadcast_in_dim3A_217 : vector<256x1xf32> to vector<1x256x1xf32>
    %reduce_max3A_224 = arith.constant dense<0xFF800000> : vector<1xf32>
    %reduce_max3A_225 = vector.multi_reduction <maximumf>, %reduce_max3A_223, %reduce_max3A_224 [1, 2] : vector<1x256x1xf32> to vector<1xf32>
    %reduce_max3A_226 = vector.shape_cast %reduce_max3A_225 : vector<1xf32> to vector<1x1x1xf32>
    %reduce_max3A_227 = vector.extract %reduce_max3A_226[0, 0, 0] : f32 from vector<1x1x1xf32>
    %broadcast_in_dim3A_228 = vector.broadcast %reduce_max3A_227 : f32 to vector<1x1xf32>
    %max3A = arith.maximumf %get3A_222, %broadcast_in_dim3A_228 : vector<1x1xf32>
    %sub3A_229 = arith.subf %get3A_222, %max3A : vector<1x1xf32>
    %exp3A_230 = math.exp %sub3A_229 : vector<1x1xf32>
    %sub3A_231 = vector.broadcast %max3A : vector<1x1xf32> to vector<256x1xf32>
    %sub3A_232 = arith.subf %broadcast_in_dim3A_217, %sub3A_231 : vector<256x1xf32>
    %exp3A_233 = math.exp %sub3A_232 : vector<256x1xf32>
    %get3A_234 = arith.constant 0 : index
    %get3A_235 = arith.constant 0 : index
    %get3A_236 = vector.load %arg27[%get3A_234, %get3A_235] : memref<1x1xf32, #tpu.memory_space<vmem>>, vector<1x1xf32>
    %mul3A_237 = arith.mulf %get3A_236, %exp3A_230 : vector<1x1xf32>
    %reduce_sum3A_238 = vector.shape_cast %exp3A_233 : vector<256x1xf32> to vector<1x256x1xf32>
    %reduce_sum3A_239 = arith.constant dense<0.000000e+00> : vector<1xf32>
    %reduce_sum3A_240 = vector.multi_reduction <add>, %reduce_sum3A_238, %reduce_sum3A_239 [1, 2] : vector<1x256x1xf32> to vector<1xf32>
    %reduce_sum3A_241 = vector.shape_cast %reduce_sum3A_240 : vector<1xf32> to vector<1x1x1xf32>
    %reduce_sum3A_242 = vector.extract %reduce_sum3A_241[0, 0, 0] : f32 from vector<1x1x1xf32>
    %broadcast_in_dim3A_243 = vector.broadcast %reduce_sum3A_242 : f32 to vector<1x1xf32>
    %add3A_244 = arith.addf %mul3A_237, %broadcast_in_dim3A_243 : vector<1x1xf32>
    %swap3A = arith.constant 0 : index
    %swap3A_245 = arith.constant 0 : index
    %swap3A_246 = vector.load %arg27[%swap3A, %swap3A_245] : memref<1x1xf32, #tpu.memory_space<vmem>>, vector<1x1xf32>
    tpu.vector_store %arg27[%swap3A, %swap3A_245], %add3A_244 {strides = array<i32>} : memref<1x1xf32, #tpu.memory_space<vmem>>, vector<1x1xf32>,
    %get3A_247 = arith.constant 0 : index
    %get3A_248 = arith.constant 0 : index
    %get3A_249 = vector.load %arg28[%get3A_247, %get3A_248] : memref<1x512xf32, #tpu.memory_space<vmem>>, vector<1x512xf32>
    %mul3A_250 = vector.broadcast %exp3A_230 : vector<1x1xf32> to vector<1x512xf32>
    %mul3A_251 = arith.mulf %get3A_249, %mul3A_250 : vector<1x512xf32>
    %mul3A_252 = vector.broadcast %exp3A_233 : vector<256x1xf32> to vector<256x512xf32>
    %mul3A_253 = arith.mulf %mul3A_252, %add3A_192 : vector<256x512xf32>
    %reduce_sum3A_254 = arith.constant dense<0.000000e+00> : vector<512xf32>
    %reduce_sum3A_255 = vector.multi_reduction <add>, %mul3A_253, %reduce_sum3A_254 [0] : vector<256x512xf32> to vector<512xf32>
    %broadcast_in_dim3A_256 = vector.shape_cast %reduce_sum3A_255 : vector<512xf32> to vector<1x512xf32>
    %add3A_257 = arith.addf %mul3A_251, %broadcast_in_dim3A_256 : vector<1x512xf32>
    %swap3A_258 = arith.constant 0 : index
    %swap3A_259 = arith.constant 0 : index
    %swap3A_260 = vector.load %arg28[%swap3A_258, %swap3A_259] : memref<1x512xf32, #tpu.memory_space<vmem>>, vector<1x512xf32>
    tpu.vector_store %arg28[%swap3A_258, %swap3A_259], %add3A_257 {strides = array<i32>} : memref<1x512xf32, #tpu.memory_space<vmem>>, vector<1x512xf32>,
    %swap3A_261 = arith.constant 0 : index
    %swap3A_262 = arith.constant 0 : index
    %swap3A_263 = vector.load %arg26[%swap3A_261, %swap3A_262] : memref<1x1xf32, #tpu.memory_space<vmem>>, vector<1x1xf32>
    tpu.vector_store %arg26[%swap3A_261, %swap3A_262], %max3A {strides = array<i32>} : memref<1x1xf32, #tpu.memory_space<vmem>>, vector<1x1xf32>,
    %eq3A_264 = arith.constant 5 : i32
    %eq3A_265 = arith.cmpi eq, %arg0, %eq3A_264 : i32
    %convert_element_type3A_266 = arith.extui %eq3A_265 : i1 to i32
    %cond3A_267 = arith.constant 0 : i32
    %cond3A_268 = arith.cmpi ne, %convert_element_type3A_266, %cond3A_267 : i32
    scf.if %cond3A_268 {
      %get3A_269 = arith.constant 0 : index
      %get3A_270 = arith.constant 0 : index
      %get3A_271 = vector.load %arg26[%get3A_269, %get3A_270] : memref<1x1xf32, #tpu.memory_space<vmem>>, vector<1x1xf32>
      %swap3A_272 = arith.constant 0 : index
      %swap3A_273 = arith.constant 0 : index
      %swap3A_274 = vector.load %arg23[%swap3A_272, %swap3A_273] : memref<1x1xf32, #tpu.memory_space<vmem>>, vector<1x1xf32>
      tpu.vector_store %arg23[%swap3A_272, %swap3A_273], %get3A_271 {strides = array<i32>} : memref<1x1xf32, #tpu.memory_space<vmem>>, vector<1x1xf32>,
      %get3A_275 = arith.constant 0 : index
      %get3A_276 = arith.constant 0 : index
      %get3A_277 = vector.load %arg27[%get3A_275, %get3A_276] : memref<1x1xf32, #tpu.memory_space<vmem>>, vector<1x1xf32>
      %swap3A_278 = arith.constant 0 : index
      %swap3A_279 = arith.constant 0 : index
      %swap3A_280 = vector.load %arg24[%swap3A_278, %swap3A_279] : memref<1x1xf32, #tpu.memory_space<vmem>>, vector<1x1xf32>
      tpu.vector_store %arg24[%swap3A_278, %swap3A_279], %get3A_277 {strides = array<i32>} : memref<1x1xf32, #tpu.memory_space<vmem>>, vector<1x1xf32>,
      %get3A_281 = arith.constant 0 : index
      %get3A_282 = arith.constant 0 : index
      %get3A_283 = vector.load %arg28[%get3A_281, %get3A_282] : memref<1x512xf32, #tpu.memory_space<vmem>>, vector<1x512xf32>
      %swap3A_284 = arith.constant 0 : index
      %swap3A_285 = arith.constant 0 : index
      %swap3A_286 = vector.load %arg25[%swap3A_284, %swap3A_285] : memref<1x512xf32, #tpu.memory_space<vmem>>, vector<1x512xf32>
      tpu.vector_store %arg25[%swap3A_284, %swap3A_285], %get3A_283 {strides = array<i32>} : memref<1x512xf32, #tpu.memory_space<vmem>>, vector<1x512xf32>,
    } else {
    }
    return
  }
  func.func @transform_0(%arg0: i32) -> (i32, i32) {
    %add3A = arith.constant 6 : i32
    %add3A_0 = arith.addi %arg0, %add3A : i32
    %c0_i32 = arith.constant 0 : i32
    %c0_i32_1 = arith.constant 0 : i32
    return %add3A_0, %c0_i32 : i32, i32
  }
  func.func @transform_1(%arg0: i32) -> (i32, i32) {
    %add3A = arith.constant 0 : i32
    %add3A_0 = arith.addi %add3A, %arg0 : i32
    %c0_i32 = arith.constant 0 : i32
    %c0_i32_1 = arith.constant 0 : i32
    return %add3A_0, %c0_i32 : i32, i32
  }
  func.func @transform_2(%arg0: i32) -> (i32, i32) {
    %add3A = arith.constant 6 : i32
    %add3A_0 = arith.addi %add3A, %arg0 : i32
    %c0_i32 = arith.constant 0 : i32
    %c0_i32_1 = arith.constant 0 : i32
    return %add3A_0, %c0_i32 : i32, i32
  }
  func.func @transform_3(%arg0: i32) -> (i32, i32) {
    %add3A = arith.constant 12 : i32
    %add3A_0 = arith.addi %add3A, %arg0 : i32
    %c0_i32 = arith.constant 0 : i32
    %c0_i32_1 = arith.constant 0 : i32
    return %add3A_0, %c0_i32 : i32, i32
  }
  func.func @transform_4(%arg0: i32) -> (i32, i32) {
    %add3A = arith.constant 18 : i32
    %add3A_0 = arith.addi %add3A, %arg0 : i32
    %c0_i32 = arith.constant 0 : i32
    %c0_i32_1 = arith.constant 0 : i32
    return %add3A_0, %c0_i32 : i32, i32
  }
  func.func @transform_5(%arg0: i32) -> (i32, i32) {
    %add3A = arith.constant 24 : i32
    %add3A_0 = arith.addi %add3A, %arg0 : i32
    %c0_i32 = arith.constant 0 : i32
    %c0_i32_1 = arith.constant 0 : i32
    return %add3A_0, %c0_i32 : i32, i32
  }
  func.func @transform_6(%arg0: i32) -> (i32, i32) {
    %add3A = arith.constant 30 : i32
    %add3A_0 = arith.addi %add3A, %arg0 : i32
    %c0_i32 = arith.constant 0 : i32
    %c0_i32_1 = arith.constant 0 : i32
    return %add3A_0, %c0_i32 : i32, i32
  }
  func.func @transform_7(%arg0: i32) -> (i32, i32) {
    %c0_i32 = arith.constant 0 : i32
    %c0_i32_0 = arith.constant 0 : i32
    return %arg0, %c0_i32 : i32, i32
  }
  func.func @transform_8(%arg0: i32) -> (i32, i32) {
    %c0_i32 = arith.constant 0 : i32
    %c0_i32_0 = arith.constant 0 : i32
    %c0_i32_1 = arith.constant 0 : i32
    return %c0_i32, %c0_i32_0 : i32, i32
  }
  func.func @transform_9(%arg0: i32) -> (i32, i32) {
    %c0_i32 = arith.constant 0 : i32
    %c0_i32_0 = arith.constant 0 : i32
    %c0_i32_1 = arith.constant 0 : i32
    return %c0_i32, %c0_i32_0 : i32, i32
  }
  func.func @transform_10(%arg0: i32) -> (i32, i32) {
    %c0_i32 = arith.constant 0 : i32
    %c0_i32_0 = arith.constant 0 : i32
    %c0_i32_1 = arith.constant 0 : i32
    return %c0_i32, %c0_i32_0 : i32, i32
  }
  func.func @transform_11(%arg0: i32) -> (i32, i32) {
    %c0_i32 = arith.constant 0 : i32
    %c0_i32_0 = arith.constant 0 : i32
    %c0_i32_1 = arith.constant 0 : i32
    return %c0_i32, %c0_i32_0 : i32, i32
  }
  func.func @transform_12(%arg0: i32) -> (i32, i32) {
    %c0_i32 = arith.constant 0 : i32
    %c0_i32_0 = arith.constant 0 : i32
    %c0_i32_1 = arith.constant 0 : i32
    return %c0_i32, %c0_i32_0 : i32, i32
  }
  func.func @transform_13(%arg0: i32) -> (i32, i32) {
    %c0_i32 = arith.constant 0 : i32
    %c0_i32_0 = arith.constant 0 : i32
    %c0_i32_1 = arith.constant 0 : i32
    return %c0_i32, %c0_i32_0 : i32, i32
  }
  func.func @transform_14(%arg0: i32) -> (i32, i32) {
    %c0_i32 = arith.constant 0 : i32
    %c0_i32_0 = arith.constant 0 : i32
    %c0_i32_1 = arith.constant 0 : i32
    return %c0_i32, %c0_i32_0 : i32, i32
  }
  func.func @transform_15(%arg0: i32) -> (i32, i32) {
    %c0_i32 = arith.constant 0 : i32
    %c0_i32_0 = arith.constant 0 : i32
    %c0_i32_1 = arith.constant 0 : i32
    return %c0_i32, %c0_i32_0 : i32, i32
  }
  func.func @transform_16(%arg0: i32) -> (i32, i32) {
    %c0_i32 = arith.constant 0 : i32
    %c0_i32_0 = arith.constant 0 : i32
    %c0_i32_1 = arith.constant 0 : i32
    return %c0_i32, %c0_i32_0 : i32, i32
  }
  func.func @transform_17(%arg0: i32) -> (i32, i32) {
    %c0_i32 = arith.constant 0 : i32
    %c0_i32_0 = arith.constant 0 : i32
    %c0_i32_1 = arith.constant 0 : i32
    return %c0_i32, %c0_i32_0 : i32, i32
  }
  func.func @transform_18(%arg0: i32) -> (i32, i32) {
    %c0_i32 = arith.constant 0 : i32
    %c0_i32_0 = arith.constant 0 : i32
    %c0_i32_1 = arith.constant 0 : i32
    return %c0_i32, %c0_i32_0 : i32, i32
  }
  func.func @transform_19(%arg0: i32) -> (i32, i32) {
    %c0_i32 = arith.constant 0 : i32
    %c0_i32_0 = arith.constant 0 : i32
    %c0_i32_1 = arith.constant 0 : i32
    return %c0_i32, %c0_i32_0 : i32, i32
  }
  func.func @transform_20(%arg0: i32) -> (i32, i32) {
    %c0_i32 = arith.constant 0 : i32
    %c0_i32_0 = arith.constant 0 : i32
    %c0_i32_1 = arith.constant 0 : i32
    return %c0_i32, %c0_i32_0 : i32, i32
  }
  func.func @transform_21(%arg0: i32) -> (i32, i32) {
    %c0_i32 = arith.constant 0 : i32
    %c0_i32_0 = arith.constant 0 : i32
    %c0_i32_1 = arith.constant 0 : i32
    return %c0_i32, %c0_i32_0 : i32, i32
  }
  func.func @transform_22(%arg0: i32) -> (i32, i32) {
    %c0_i32 = arith.constant 0 : i32
    %c0_i32_0 = arith.constant 0 : i32
    %c0_i32_1 = arith.constant 0 : i32
    return %c0_i32, %c0_i32_0 : i32, i32
  }
  func.func @transform_23(%arg0: i32) -> (i32, i32) {
    %c0_i32 = arith.constant 0 : i32
    %c0_i32_0 = arith.constant 0 : i32
    %c0_i32_1 = arith.constant 0 : i32
    return %c0_i32, %c0_i32_0 : i32, i32
  }
  func.func @transform_24(%arg0: i32) -> (i32, i32) {
    %c0_i32 = arith.constant 0 : i32
    %c0_i32_0 = arith.constant 0 : i32
    %c0_i32_1 = arith.constant 0 : i32
    return %c0_i32, %c0_i32_0 : i32, i32
  }
}

module attributes {stable_mosaic.version = 14 : i64} {
  func.func @_agg_body(%arg0: i32, %arg1: memref<256x512xf32, #tpu.memory_space<vmem>>, %arg2: memref<256x512xf32, #tpu.memory_space<vmem>>, %arg3: memref<256x512xf32, #tpu.memory_space<vmem>>, %arg4: memref<256x512xf32, #tpu.memory_space<vmem>>, %arg5: memref<256x512xf32, #tpu.memory_space<vmem>>, %arg6: memref<256x512xf32, #tpu.memory_space<vmem>>, %arg7: memref<256x512xf32, #tpu.memory_space<vmem>>, %arg8: memref<256x8xf32, #tpu.memory_space<vmem>>, %arg9: memref<512x512xf32, #tpu.memory_space<vmem>>, %arg10: memref<1x512xf32, #tpu.memory_space<vmem>>, %arg11: memref<512x512xf32, #tpu.memory_space<vmem>>, %arg12: memref<1x512xf32, #tpu.memory_space<vmem>>, %arg13: memref<512x256xf32, #tpu.memory_space<vmem>>, %arg14: memref<1x256xf32, #tpu.memory_space<vmem>>, %arg15: memref<1x256xf32, #tpu.memory_space<vmem>>, %arg16: memref<1x1xf32, #tpu.memory_space<vmem>>, %arg17: memref<1x1xf32, #tpu.memory_space<vmem>>, %arg18: memref<1x512xf32, #tpu.memory_space<vmem>>, %arg19: memref<1x512xf32, #tpu.memory_space<vmem>>, %arg20: memref<1x512xf32, #tpu.memory_space<vmem>>, %arg21: memref<512x128xf32, #tpu.memory_space<vmem>>, %arg22: memref<1x128xf32, #tpu.memory_space<vmem>>, %arg23: memref<1x128xf32, #tpu.memory_space<vmem>>, %arg24: memref<1x128xf32, #tpu.memory_space<vmem>>, %arg25: memref<1x128xf32, #tpu.memory_space<vmem>>, %arg26: memref<1x1xf32, #tpu.memory_space<vmem>>, %arg27: memref<1x1xf32, #tpu.memory_space<vmem>>, %arg28: memref<1x512xf32, #tpu.memory_space<vmem>>) attributes {dimension_semantics = [#tpu.dimension_semantics<arbitrary>], iteration_bounds = array<i64: 4>, scalar_prefetch = 0 : i64, scratch_operands = 3 : i64, tpu.core_type = #tpu.core_type<tc>, window_params = [{transform_indices = @transform_0, window_bounds = array<i64: 256, 512>}, {transform_indices = @transform_1, window_bounds = array<i64: 256, 512>}, {transform_indices = @transform_2, window_bounds = array<i64: 256, 512>}, {transform_indices = @transform_3, window_bounds = array<i64: 256, 512>}, {transform_indices = @transform_4, window_bounds = array<i64: 256, 512>}, {transform_indices = @transform_5, window_bounds = array<i64: 256, 512>}, {transform_indices = @transform_6, window_bounds = array<i64: 256, 512>}, {transform_indices = @transform_7, window_bounds = array<i64: 256, 8>}, {pipeline_mode = #tpu.pipeline_mode<synchronous>, transform_indices = @transform_8, window_bounds = array<i64: 512, 512>}, {pipeline_mode = #tpu.pipeline_mode<synchronous>, transform_indices = @transform_9, window_bounds = array<i64: 1, 512>}, {pipeline_mode = #tpu.pipeline_mode<synchronous>, transform_indices = @transform_10, window_bounds = array<i64: 512, 512>}, {pipeline_mode = #tpu.pipeline_mode<synchronous>, transform_indices = @transform_11, window_bounds = array<i64: 1, 512>}, {pipeline_mode = #tpu.pipeline_mode<synchronous>, transform_indices = @transform_12, window_bounds = array<i64: 512, 256>}, {pipeline_mode = #tpu.pipeline_mode<synchronous>, transform_indices = @transform_13, window_bounds = array<i64: 1, 256>}, {pipeline_mode = #tpu.pipeline_mode<synchronous>, transform_indices = @transform_14, window_bounds = array<i64: 1, 256>}, {pipeline_mode = #tpu.pipeline_mode<synchronous>, transform_indices = @transform_15, window_bounds = array<i64: 1, 1>}, {pipeline_mode = #tpu.pipeline_mode<synchronous>, transform_indices = @transform_16, window_bounds = array<i64: 1, 1>}, {pipeline_mode = #tpu.pipeline_mode<synchronous>, transform_indices = @transform_17, window_bounds = array<i64: 1, 512>}, {pipeline_mode = #tpu.pipeline_mode<synchronous>, transform_indices = @transform_18, window_bounds = array<i64: 1, 512>}, {pipeline_mode = #tpu.pipeline_mode<synchronous>, transform_indices = @transform_19, window_bounds = array<i64: 1, 512>}, {pipeline_mode = #tpu.pipeline_mode<synchronous>, transform_indices = @transform_20, window_bounds = array<i64: 512, 128>}, {pipeline_mode = #tpu.pipeline_mode<synchronous>, transform_indices = @transform_21, window_bounds = array<i64: 1, 128>}, {pipeline_mode = #tpu.pipeline_mode<synchronous>, transform_indices = @transform_22, window_bounds = array<i64: 1, 128>}, {pipeline_mode = #tpu.pipeline_mode<synchronous>, transform_indices = @transform_23, window_bounds = array<i64: 1, 128>}, {pipeline_mode = #tpu.pipeline_mode<synchronous>, transform_indices = @transform_24, window_bounds = array<i64: 1, 128>}]} {
    %get3A = arith.constant 0 : index
    %get3A_0 = arith.constant 0 : index
    %get3A_1 = vector.load %arg1[%get3A, %get3A_0] : memref<256x512xf32, #tpu.memory_space<vmem>>, vector<256x512xf32>
    %get3A_2 = arith.constant 0 : index
    %get3A_3 = arith.constant 0 : index
    %get3A_4 = vector.load %arg8[%get3A_2, %get3A_3] : memref<256x8xf32, #tpu.memory_space<vmem>>, vector<256x8xf32>
    %reduce_max3A = arith.constant dense<0xFF800000> : vector<256xf32>
    %reduce_max3A_5 = vector.multi_reduction <maximumf>, %get3A_4, %reduce_max3A [1] : vector<256x8xf32> to vector<256xf32>
    %broadcast_in_dim3A = vector.shape_cast %reduce_max3A_5 : vector<256xf32> to vector<256x1xf32>
    %sub3A = vector.broadcast %broadcast_in_dim3A : vector<256x1xf32> to vector<256x8xf32>
    %sub3A_6 = arith.subf %get3A_4, %sub3A : vector<256x8xf32>
    %exp3A = math.exp %sub3A_6 : vector<256x8xf32>
    %reduce_sum3A = arith.constant dense<0.000000e+00> : vector<256xf32>
    %reduce_sum3A_7 = vector.multi_reduction <add>, %exp3A, %reduce_sum3A [1] : vector<256x8xf32> to vector<256xf32>
    %broadcast_in_dim3A_8 = vector.shape_cast %reduce_sum3A_7 : vector<256xf32> to vector<256x1xf32>
    %div3A = vector.broadcast %broadcast_in_dim3A_8 : vector<256x1xf32> to vector<256x8xf32>
    %div3A_9 = arith.divf %exp3A, %div3A : vector<256x8xf32>
    %get3A_10 = arith.constant 0 : index
    %get3A_11 = arith.constant 0 : index
    %get3A_12 = vector.load %arg2[%get3A_10, %get3A_11] : memref<256x512xf32, #tpu.memory_space<vmem>>, vector<256x512xf32>
    %slice3A = vector.extract_strided_slice %div3A_9 {offsets = [0, 0], sizes = [256, 1], strides = [1, 1]} : vector<256x8xf32> to vector<256x1xf32>
    %sub3A_13 = arith.constant 2.000000e+00 : f32
    %sub3A_14 = vector.broadcast %sub3A_13 : f32 to vector<256x1xf32>
    %sub3A_15 = arith.subf %sub3A_14, %slice3A : vector<256x1xf32>
    %mul3A = vector.broadcast %sub3A_15 : vector<256x1xf32> to vector<256x512xf32>
    %mul3A_16 = arith.mulf %mul3A, %get3A_1 : vector<256x512xf32>
    %mul3A_17 = vector.broadcast %slice3A : vector<256x1xf32> to vector<256x512xf32>
    %mul3A_18 = arith.mulf %mul3A_17, %get3A_12 : vector<256x512xf32>
    %add3A = arith.addf %mul3A_16, %mul3A_18 : vector<256x512xf32>
    %tanh3A = math.tanh %add3A : vector<256x512xf32>
    %reduce_sum3A_19 = arith.constant dense<0.000000e+00> : vector<256xf32>
    %reduce_sum3A_20 = vector.multi_reduction <add>, %get3A_12, %reduce_sum3A_19 [1] : vector<256x512xf32> to vector<256xf32>
    %broadcast_in_dim3A_21 = vector.shape_cast %reduce_sum3A_20 : vector<256xf32> to vector<256x1xf32>
    %reduce_sum3A_22 = arith.constant dense<0.000000e+00> : vector<256xf32>
    %reduce_sum3A_23 = vector.multi_reduction <add>, %tanh3A, %reduce_sum3A_22 [1] : vector<256x512xf32> to vector<256xf32>
    %broadcast_in_dim3A_24 = vector.shape_cast %reduce_sum3A_23 : vector<256xf32> to vector<256x1xf32>
    %mul3A_25 = arith.mulf %broadcast_in_dim3A_21, %broadcast_in_dim3A_24 : vector<256x1xf32>
    %get3A_26 = arith.constant 0 : index
    %get3A_27 = arith.constant 0 : index
    %get3A_28 = vector.load %arg3[%get3A_26, %get3A_27] : memref<256x512xf32, #tpu.memory_space<vmem>>, vector<256x512xf32>
    %slice3A_29 = vector.extract_strided_slice %div3A_9 {offsets = [0, 1], sizes = [256, 1], strides = [1, 1]} : vector<256x8xf32> to vector<256x1xf32>
    %sub3A_30 = arith.constant 2.000000e+00 : f32
    %sub3A_31 = vector.broadcast %sub3A_30 : f32 to vector<256x1xf32>
    %sub3A_32 = arith.subf %sub3A_31, %slice3A_29 : vector<256x1xf32>
    %mul3A_33 = vector.broadcast %sub3A_32 : vector<256x1xf32> to vector<256x512xf32>
    %mul3A_34 = arith.mulf %mul3A_33, %get3A_1 : vector<256x512xf32>
    %mul3A_35 = vector.broadcast %slice3A_29 : vector<256x1xf32> to vector<256x512xf32>
    %mul3A_36 = arith.mulf %mul3A_35, %get3A_28 : vector<256x512xf32>
    %add3A_37 = arith.addf %mul3A_34, %mul3A_36 : vector<256x512xf32>
    %tanh3A_38 = math.tanh %add3A_37 : vector<256x512xf32>
    %reduce_sum3A_39 = arith.constant dense<0.000000e+00> : vector<256xf32>
    %reduce_sum3A_40 = vector.multi_reduction <add>, %get3A_28, %reduce_sum3A_39 [1] : vector<256x512xf32> to vector<256xf32>
    %broadcast_in_dim3A_41 = vector.shape_cast %reduce_sum3A_40 : vector<256xf32> to vector<256x1xf32>
    %reduce_sum3A_42 = arith.constant dense<0.000000e+00> : vector<256xf32>
    %reduce_sum3A_43 = vector.multi_reduction <add>, %tanh3A_38, %reduce_sum3A_42 [1] : vector<256x512xf32> to vector<256xf32>
    %broadcast_in_dim3A_44 = vector.shape_cast %reduce_sum3A_43 : vector<256xf32> to vector<256x1xf32>
    %mul3A_45 = arith.mulf %broadcast_in_dim3A_41, %broadcast_in_dim3A_44 : vector<256x1xf32>
    %get3A_46 = arith.constant 0 : index
    %get3A_47 = arith.constant 0 : index
    %get3A_48 = vector.load %arg4[%get3A_46, %get3A_47] : memref<256x512xf32, #tpu.memory_space<vmem>>, vector<256x512xf32>
    %slice3A_49 = vector.extract_strided_slice %div3A_9 {offsets = [0, 2], sizes = [256, 1], strides = [1, 1]} : vector<256x8xf32> to vector<256x1xf32>
    %sub3A_50 = arith.constant 2.000000e+00 : f32
    %sub3A_51 = vector.broadcast %sub3A_50 : f32 to vector<256x1xf32>
    %sub3A_52 = arith.subf %sub3A_51, %slice3A_49 : vector<256x1xf32>
    %mul3A_53 = vector.broadcast %sub3A_52 : vector<256x1xf32> to vector<256x512xf32>
    %mul3A_54 = arith.mulf %mul3A_53, %get3A_1 : vector<256x512xf32>
    %mul3A_55 = vector.broadcast %slice3A_49 : vector<256x1xf32> to vector<256x512xf32>
    %mul3A_56 = arith.mulf %mul3A_55, %get3A_48 : vector<256x512xf32>
    %add3A_57 = arith.addf %mul3A_54, %mul3A_56 : vector<256x512xf32>
    %tanh3A_58 = math.tanh %add3A_57 : vector<256x512xf32>
    %reduce_sum3A_59 = arith.constant dense<0.000000e+00> : vector<256xf32>
    %reduce_sum3A_60 = vector.multi_reduction <add>, %get3A_48, %reduce_sum3A_59 [1] : vector<256x512xf32> to vector<256xf32>
    %broadcast_in_dim3A_61 = vector.shape_cast %reduce_sum3A_60 : vector<256xf32> to vector<256x1xf32>
    %reduce_sum3A_62 = arith.constant dense<0.000000e+00> : vector<256xf32>
    %reduce_sum3A_63 = vector.multi_reduction <add>, %tanh3A_58, %reduce_sum3A_62 [1] : vector<256x512xf32> to vector<256xf32>
    %broadcast_in_dim3A_64 = vector.shape_cast %reduce_sum3A_63 : vector<256xf32> to vector<256x1xf32>
    %mul3A_65 = arith.mulf %broadcast_in_dim3A_61, %broadcast_in_dim3A_64 : vector<256x1xf32>
    %get3A_66 = arith.constant 0 : index
    %get3A_67 = arith.constant 0 : index
    %get3A_68 = vector.load %arg5[%get3A_66, %get3A_67] : memref<256x512xf32, #tpu.memory_space<vmem>>, vector<256x512xf32>
    %slice3A_69 = vector.extract_strided_slice %div3A_9 {offsets = [0, 3], sizes = [256, 1], strides = [1, 1]} : vector<256x8xf32> to vector<256x1xf32>
    %sub3A_70 = arith.constant 2.000000e+00 : f32
    %sub3A_71 = vector.broadcast %sub3A_70 : f32 to vector<256x1xf32>
    %sub3A_72 = arith.subf %sub3A_71, %slice3A_69 : vector<256x1xf32>
    %mul3A_73 = vector.broadcast %sub3A_72 : vector<256x1xf32> to vector<256x512xf32>
    %mul3A_74 = arith.mulf %mul3A_73, %get3A_1 : vector<256x512xf32>
    %mul3A_75 = vector.broadcast %slice3A_69 : vector<256x1xf32> to vector<256x512xf32>
    %mul3A_76 = arith.mulf %mul3A_75, %get3A_68 : vector<256x512xf32>
    %add3A_77 = arith.addf %mul3A_74, %mul3A_76 : vector<256x512xf32>
    %tanh3A_78 = math.tanh %add3A_77 : vector<256x512xf32>
    %reduce_sum3A_79 = arith.constant dense<0.000000e+00> : vector<256xf32>
    %reduce_sum3A_80 = vector.multi_reduction <add>, %get3A_68, %reduce_sum3A_79 [1] : vector<256x512xf32> to vector<256xf32>
    %broadcast_in_dim3A_81 = vector.shape_cast %reduce_sum3A_80 : vector<256xf32> to vector<256x1xf32>
    %reduce_sum3A_82 = arith.constant dense<0.000000e+00> : vector<256xf32>
    %reduce_sum3A_83 = vector.multi_reduction <add>, %tanh3A_78, %reduce_sum3A_82 [1] : vector<256x512xf32> to vector<256xf32>
    %broadcast_in_dim3A_84 = vector.shape_cast %reduce_sum3A_83 : vector<256xf32> to vector<256x1xf32>
    %mul3A_85 = arith.mulf %broadcast_in_dim3A_81, %broadcast_in_dim3A_84 : vector<256x1xf32>
    %get3A_86 = arith.constant 0 : index
    %get3A_87 = arith.constant 0 : index
    %get3A_88 = vector.load %arg6[%get3A_86, %get3A_87] : memref<256x512xf32, #tpu.memory_space<vmem>>, vector<256x512xf32>
    %slice3A_89 = vector.extract_strided_slice %div3A_9 {offsets = [0, 4], sizes = [256, 1], strides = [1, 1]} : vector<256x8xf32> to vector<256x1xf32>
    %sub3A_90 = arith.constant 2.000000e+00 : f32
    %sub3A_91 = vector.broadcast %sub3A_90 : f32 to vector<256x1xf32>
    %sub3A_92 = arith.subf %sub3A_91, %slice3A_89 : vector<256x1xf32>
    %mul3A_93 = vector.broadcast %sub3A_92 : vector<256x1xf32> to vector<256x512xf32>
    %mul3A_94 = arith.mulf %mul3A_93, %get3A_1 : vector<256x512xf32>
    %mul3A_95 = vector.broadcast %slice3A_89 : vector<256x1xf32> to vector<256x512xf32>
    %mul3A_96 = arith.mulf %mul3A_95, %get3A_88 : vector<256x512xf32>
    %add3A_97 = arith.addf %mul3A_94, %mul3A_96 : vector<256x512xf32>
    %tanh3A_98 = math.tanh %add3A_97 : vector<256x512xf32>
    %reduce_sum3A_99 = arith.constant dense<0.000000e+00> : vector<256xf32>
    %reduce_sum3A_100 = vector.multi_reduction <add>, %get3A_88, %reduce_sum3A_99 [1] : vector<256x512xf32> to vector<256xf32>
    %broadcast_in_dim3A_101 = vector.shape_cast %reduce_sum3A_100 : vector<256xf32> to vector<256x1xf32>
    %reduce_sum3A_102 = arith.constant dense<0.000000e+00> : vector<256xf32>
    %reduce_sum3A_103 = vector.multi_reduction <add>, %tanh3A_98, %reduce_sum3A_102 [1] : vector<256x512xf32> to vector<256xf32>
    %broadcast_in_dim3A_104 = vector.shape_cast %reduce_sum3A_103 : vector<256xf32> to vector<256x1xf32>
    %mul3A_105 = arith.mulf %broadcast_in_dim3A_101, %broadcast_in_dim3A_104 : vector<256x1xf32>
    %get3A_106 = arith.constant 0 : index
    %get3A_107 = arith.constant 0 : index
    %get3A_108 = vector.load %arg7[%get3A_106, %get3A_107] : memref<256x512xf32, #tpu.memory_space<vmem>>, vector<256x512xf32>
    %slice3A_109 = vector.extract_strided_slice %div3A_9 {offsets = [0, 5], sizes = [256, 1], strides = [1, 1]} : vector<256x8xf32> to vector<256x1xf32>
    %sub3A_110 = arith.constant 2.000000e+00 : f32
    %sub3A_111 = vector.broadcast %sub3A_110 : f32 to vector<256x1xf32>
    %sub3A_112 = arith.subf %sub3A_111, %slice3A_109 : vector<256x1xf32>
    %mul3A_113 = vector.broadcast %sub3A_112 : vector<256x1xf32> to vector<256x512xf32>
    %mul3A_114 = arith.mulf %mul3A_113, %get3A_1 : vector<256x512xf32>
    %mul3A_115 = vector.broadcast %slice3A_109 : vector<256x1xf32> to vector<256x512xf32>
    %mul3A_116 = arith.mulf %mul3A_115, %get3A_108 : vector<256x512xf32>
    %add3A_117 = arith.addf %mul3A_114, %mul3A_116 : vector<256x512xf32>
    %tanh3A_118 = math.tanh %add3A_117 : vector<256x512xf32>
    %reduce_sum3A_119 = arith.constant dense<0.000000e+00> : vector<256xf32>
    %reduce_sum3A_120 = vector.multi_reduction <add>, %get3A_108, %reduce_sum3A_119 [1] : vector<256x512xf32> to vector<256xf32>
    %broadcast_in_dim3A_121 = vector.shape_cast %reduce_sum3A_120 : vector<256xf32> to vector<256x1xf32>
    %reduce_sum3A_122 = arith.constant dense<0.000000e+00> : vector<256xf32>
    %reduce_sum3A_123 = vector.multi_reduction <add>, %tanh3A_118, %reduce_sum3A_122 [1] : vector<256x512xf32> to vector<256xf32>
    %broadcast_in_dim3A_124 = vector.shape_cast %reduce_sum3A_123 : vector<256xf32> to vector<256x1xf32>
    %mul3A_125 = arith.mulf %broadcast_in_dim3A_121, %broadcast_in_dim3A_124 : vector<256x1xf32>
    %concatenate3A = tpu.concatenate %mul3A_25, %mul3A_45, %mul3A_65, %mul3A_85, %mul3A_105, %mul3A_125 in 1 : vector<256x1xf32>, vector<256x1xf32>, vector<256x1xf32>, vector<256x1xf32>, vector<256x1xf32>, vector<256x1xf32> -> vector<256x6xf32>
    %reduce_max3A_126 = arith.constant dense<0xFF800000> : vector<256xf32>
    %reduce_max3A_127 = vector.multi_reduction <maximumf>, %concatenate3A, %reduce_max3A_126 [1] : vector<256x6xf32> to vector<256xf32>
    %broadcast_in_dim3A_128 = vector.shape_cast %reduce_max3A_127 : vector<256xf32> to vector<256x1xf32>
    %sub3A_129 = vector.broadcast %broadcast_in_dim3A_128 : vector<256x1xf32> to vector<256x6xf32>
    %sub3A_130 = arith.subf %concatenate3A, %sub3A_129 : vector<256x6xf32>
    %exp3A_131 = math.exp %sub3A_130 : vector<256x6xf32>
    %reduce_sum3A_132 = arith.constant dense<0.000000e+00> : vector<256xf32>
    %reduce_sum3A_133 = vector.multi_reduction <add>, %exp3A_131, %reduce_sum3A_132 [1] : vector<256x6xf32> to vector<256xf32>
    %broadcast_in_dim3A_134 = vector.shape_cast %reduce_sum3A_133 : vector<256xf32> to vector<256x1xf32>
    %div3A_135 = vector.broadcast %broadcast_in_dim3A_134 : vector<256x1xf32> to vector<256x6xf32>
    %div3A_136 = arith.divf %exp3A_131, %div3A_135 : vector<256x6xf32>
    %slice3A_137 = vector.extract_strided_slice %div3A_136 {offsets = [0, 0], sizes = [256, 1], strides = [1, 1]} : vector<256x6xf32> to vector<256x1xf32>
    %mul3A_138 = vector.broadcast %slice3A_137 : vector<256x1xf32> to vector<256x512xf32>
    %mul3A_139 = arith.mulf %mul3A_138, %get3A_12 : vector<256x512xf32>
    %slice3A_140 = vector.extract_strided_slice %div3A_136 {offsets = [0, 1], sizes = [256, 1], strides = [1, 1]} : vector<256x6xf32> to vector<256x1xf32>
    %mul3A_141 = vector.broadcast %slice3A_140 : vector<256x1xf32> to vector<256x512xf32>
    %mul3A_142 = arith.mulf %mul3A_141, %get3A_28 : vector<256x512xf32>
    %add3A_143 = arith.addf %mul3A_139, %mul3A_142 : vector<256x512xf32>
    %slice3A_144 = vector.extract_strided_slice %div3A_136 {offsets = [0, 2], sizes = [256, 1], strides = [1, 1]} : vector<256x6xf32> to vector<256x1xf32>
    %mul3A_145 = vector.broadcast %slice3A_144 : vector<256x1xf32> to vector<256x512xf32>
    %mul3A_146 = arith.mulf %mul3A_145, %get3A_48 : vector<256x512xf32>
    %add3A_147 = arith.addf %add3A_143, %mul3A_146 : vector<256x512xf32>
    %slice3A_148 = vector.extract_strided_slice %div3A_136 {offsets = [0, 3], sizes = [256, 1], strides = [1, 1]} : vector<256x6xf32> to vector<256x1xf32>
    %mul3A_149 = vector.broadcast %slice3A_148 : vector<256x1xf32> to vector<256x512xf32>
    %mul3A_150 = arith.mulf %mul3A_149, %get3A_68 : vector<256x512xf32>
    %add3A_151 = arith.addf %add3A_147, %mul3A_150 : vector<256x512xf32>
    %slice3A_152 = vector.extract_strided_slice %div3A_136 {offsets = [0, 4], sizes = [256, 1], strides = [1, 1]} : vector<256x6xf32> to vector<256x1xf32>
    %mul3A_153 = vector.broadcast %slice3A_152 : vector<256x1xf32> to vector<256x512xf32>
    %mul3A_154 = arith.mulf %mul3A_153, %get3A_88 : vector<256x512xf32>
    %add3A_155 = arith.addf %add3A_151, %mul3A_154 : vector<256x512xf32>
    %slice3A_156 = vector.extract_strided_slice %div3A_136 {offsets = [0, 5], sizes = [256, 1], strides = [1, 1]} : vector<256x6xf32> to vector<256x1xf32>
    %mul3A_157 = vector.broadcast %slice3A_156 : vector<256x1xf32> to vector<256x512xf32>
    %mul3A_158 = arith.mulf %mul3A_157, %get3A_108 : vector<256x512xf32>
    %add3A_159 = arith.addf %add3A_155, %mul3A_158 : vector<256x512xf32>
    %add3A_160 = arith.addf %get3A_1, %add3A_159 : vector<256x512xf32>
    %get3A_161 = arith.constant 0 : index
    %get3A_162 = arith.constant 0 : index
    %get3A_163 = vector.load %arg9[%get3A_161, %get3A_162] : memref<512x512xf32, #tpu.memory_space<vmem>>, vector<512x512xf32>
    %dot_general3A = arith.constant dense<0.000000e+00> : vector<256x512xf32>
    %dot_general3A_164 = tpu.matmul %add3A_160, %get3A_163, %dot_general3A {dimension_numbers = #tpu.dot_dimension_numbers<[1], [0], [0], [1], [0, 0, 1, 1], [], []>, transpose_lhs_hint = false} : vector<256x512xf32>, vector<512x512xf32>, vector<256x512xf32> -> vector<256x512xf32>
    %get3A_165 = arith.constant 0 : index
    %get3A_166 = arith.constant 0 : index
    %get3A_167 = vector.load %arg10[%get3A_165, %get3A_166] : memref<1x512xf32, #tpu.memory_space<vmem>>, vector<1x512xf32>
    %add3A_168 = vector.broadcast %get3A_167 : vector<1x512xf32> to vector<256x512xf32>
    %add3A_169 = arith.addf %dot_general3A_164, %add3A_168 : vector<256x512xf32>
    %jit3A = arith.constant 0.00999999977 : f32
    %ge3A = arith.constant 0.000000e+00 : f32
    %ge3A_170 = vector.broadcast %ge3A : f32 to vector<256x512xf32>
    %ge3A_171 = arith.cmpf oge, %add3A_169, %ge3A_170 : vector<256x512xf32>
    %mul3A_172 = vector.broadcast %jit3A : f32 to vector<256x512xf32>
    %mul3A_173 = arith.mulf %mul3A_172, %add3A_169 : vector<256x512xf32>
    %select_n3A = arith.select %ge3A_171, %add3A_169, %mul3A_173 : vector<256x512xi1>, vector<256x512xf32>
    %mul3A_174 = arith.mulf %get3A_1, %add3A_159 : vector<256x512xf32>
    %get3A_175 = arith.constant 0 : index
    %get3A_176 = arith.constant 0 : index
    %get3A_177 = vector.load %arg11[%get3A_175, %get3A_176] : memref<512x512xf32, #tpu.memory_space<vmem>>, vector<512x512xf32>
    %dot_general3A_178 = arith.constant dense<0.000000e+00> : vector<256x512xf32>
    %dot_general3A_179 = tpu.matmul %mul3A_174, %get3A_177, %dot_general3A_178 {dimension_numbers = #tpu.dot_dimension_numbers<[1], [0], [0], [1], [0, 0, 1, 1], [], []>, transpose_lhs_hint = false} : vector<256x512xf32>, vector<512x512xf32>, vector<256x512xf32> -> vector<256x512xf32>
    %get3A_180 = arith.constant 0 : index
    %get3A_181 = arith.constant 0 : index
    %get3A_182 = vector.load %arg12[%get3A_180, %get3A_181] : memref<1x512xf32, #tpu.memory_space<vmem>>, vector<1x512xf32>
    %add3A_183 = vector.broadcast %get3A_182 : vector<1x512xf32> to vector<256x512xf32>
    %add3A_184 = arith.addf %dot_general3A_179, %add3A_183 : vector<256x512xf32>
    %jit3A_185 = arith.constant 0.00999999977 : f32
    %ge3A_186 = arith.constant 0.000000e+00 : f32
    %ge3A_187 = vector.broadcast %ge3A_186 : f32 to vector<256x512xf32>
    %ge3A_188 = arith.cmpf oge, %add3A_184, %ge3A_187 : vector<256x512xf32>
    %mul3A_189 = vector.broadcast %jit3A_185 : f32 to vector<256x512xf32>
    %mul3A_190 = arith.mulf %mul3A_189, %add3A_184 : vector<256x512xf32>
    %select_n3A_191 = arith.select %ge3A_188, %add3A_184, %mul3A_190 : vector<256x512xi1>, vector<256x512xf32>
    %add3A_192 = arith.addf %select_n3A, %select_n3A_191 : vector<256x512xf32>
    %get3A_193 = arith.constant 0 : index
    %get3A_194 = arith.constant 0 : index
    %get3A_195 = vector.load %arg13[%get3A_193, %get3A_194] : memref<512x256xf32, #tpu.memory_space<vmem>>, vector<512x256xf32>
    %dot_general3A_196 = arith.constant dense<0.000000e+00> : vector<256x256xf32>
    %dot_general3A_197 = tpu.matmul %add3A_192, %get3A_195, %dot_general3A_196 {dimension_numbers = #tpu.dot_dimension_numbers<[1], [0], [0], [1], [0, 0, 1, 1], [], []>, transpose_lhs_hint = false} : vector<256x512xf32>, vector<512x256xf32>, vector<256x256xf32> -> vector<256x256xf32>
    %get3A_198 = arith.constant 0 : index
    %get3A_199 = arith.constant 0 : index
    %get3A_200 = vector.load %arg14[%get3A_198, %get3A_199] : memref<1x256xf32, #tpu.memory_space<vmem>>, vector<1x256xf32>
    %add3A_201 = vector.broadcast %get3A_200 : vector<1x256xf32> to vector<256x256xf32>
    %add3A_202 = arith.addf %dot_general3A_197, %add3A_201 : vector<256x256xf32>
    %jit3A_203 = arith.constant 0.00999999977 : f32
    %ge3A_204 = arith.constant 0.000000e+00 : f32
    %ge3A_205 = vector.broadcast %ge3A_204 : f32 to vector<256x256xf32>
    %ge3A_206 = arith.cmpf oge, %add3A_202, %ge3A_205 : vector<256x256xf32>
    %mul3A_207 = vector.broadcast %jit3A_203 : f32 to vector<256x256xf32>
    %mul3A_208 = arith.mulf %mul3A_207, %add3A_202 : vector<256x256xf32>
    %select_n3A_209 = arith.select %ge3A_206, %add3A_202, %mul3A_208 : vector<256x256xi1>, vector<256x256xf32>
    %get3A_210 = arith.constant 0 : index
    %get3A_211 = arith.constant 0 : index
    %get3A_212 = vector.load %arg15[%get3A_210, %get3A_211] : memref<1x256xf32, #tpu.memory_space<vmem>>, vector<1x256xf32>
    %mul3A_213 = vector.broadcast %get3A_212 : vector<1x256xf32> to vector<256x256xf32>
    %mul3A_214 = arith.mulf %select_n3A_209, %mul3A_213 : vector<256x256xf32>
    %reduce_sum3A_215 = arith.constant dense<0.000000e+00> : vector<256xf32>
    %reduce_sum3A_216 = vector.multi_reduction <add>, %mul3A_214, %reduce_sum3A_215 [1] : vector<256x256xf32> to vector<256xf32>
    %broadcast_in_dim3A_217 = vector.shape_cast %reduce_sum3A_216 : vector<256xf32> to vector<256x1xf32>
    %eq3A = arith.constant 0 : i32
    %eq3A_218 = arith.cmpi eq, %arg0, %eq3A : i32
    %convert_element_type3A = arith.extui %eq3A_218 : i1 to i32
    %cond3A = arith.constant 0 : i32
    %cond3A_219 = arith.cmpi ne, %convert_element_type3A, %cond3A : i32
    scf.if %cond3A_219 {
      %get3A_269 = arith.constant 0 : index
      %get3A_270 = arith.constant 0 : index
      %get3A_271 = vector.load %arg16[%get3A_269, %get3A_270] : memref<1x1xf32, #tpu.memory_space<vmem>>, vector<1x1xf32>
      %swap3A_272 = arith.constant 0 : index
      %swap3A_273 = arith.constant 0 : index
      %swap3A_274 = vector.load %arg26[%swap3A_272, %swap3A_273] : memref<1x1xf32, #tpu.memory_space<vmem>>, vector<1x1xf32>
      tpu.vector_store %arg26[%swap3A_272, %swap3A_273], %get3A_271 {strides = array<i32>} : memref<1x1xf32, #tpu.memory_space<vmem>>, vector<1x1xf32>,
      %get3A_275 = arith.constant 0 : index
      %get3A_276 = arith.constant 0 : index
      %get3A_277 = vector.load %arg17[%get3A_275, %get3A_276] : memref<1x1xf32, #tpu.memory_space<vmem>>, vector<1x1xf32>
      %swap3A_278 = arith.constant 0 : index
      %swap3A_279 = arith.constant 0 : index
      %swap3A_280 = vector.load %arg27[%swap3A_278, %swap3A_279] : memref<1x1xf32, #tpu.memory_space<vmem>>, vector<1x1xf32>
      tpu.vector_store %arg27[%swap3A_278, %swap3A_279], %get3A_277 {strides = array<i32>} : memref<1x1xf32, #tpu.memory_space<vmem>>, vector<1x1xf32>,
      %get3A_281 = arith.constant 0 : index
      %get3A_282 = arith.constant 0 : index
      %get3A_283 = vector.load %arg18[%get3A_281, %get3A_282] : memref<1x512xf32, #tpu.memory_space<vmem>>, vector<1x512xf32>
      %swap3A_284 = arith.constant 0 : index
      %swap3A_285 = arith.constant 0 : index
      %swap3A_286 = vector.load %arg28[%swap3A_284, %swap3A_285] : memref<1x512xf32, #tpu.memory_space<vmem>>, vector<1x512xf32>
      tpu.vector_store %arg28[%swap3A_284, %swap3A_285], %get3A_283 {strides = array<i32>} : memref<1x512xf32, #tpu.memory_space<vmem>>, vector<1x512xf32>,
    } else {
    }
    %get3A_220 = arith.constant 0 : index
    %get3A_221 = arith.constant 0 : index
    %get3A_222 = vector.load %arg26[%get3A_220, %get3A_221] : memref<1x1xf32, #tpu.memory_space<vmem>>, vector<1x1xf32>
    %reduce_max3A_223 = vector.shape_cast %broadcast_in_dim3A_217 : vector<256x1xf32> to vector<1x256x1xf32>
    %reduce_max3A_224 = arith.constant dense<0xFF800000> : vector<1xf32>
    %reduce_max3A_225 = vector.multi_reduction <maximumf>, %reduce_max3A_223, %reduce_max3A_224 [1, 2] : vector<1x256x1xf32> to vector<1xf32>
    %reduce_max3A_226 = vector.shape_cast %reduce_max3A_225 : vector<1xf32> to vector<1x1x1xf32>
    %reduce_max3A_227 = vector.extract %reduce_max3A_226[0, 0, 0] : f32 from vector<1x1x1xf32>
    %broadcast_in_dim3A_228 = vector.broadcast %reduce_max3A_227 : f32 to vector<1x1xf32>
    %max3A = arith.maximumf %get3A_222, %broadcast_in_dim3A_228 : vector<1x1xf32>
    %sub3A_229 = arith.subf %get3A_222, %max3A : vector<1x1xf32>
    %exp3A_230 = math.exp %sub3A_229 : vector<1x1xf32>
    %sub3A_231 = vector.broadcast %max3A : vector<1x1xf32> to vector<256x1xf32>
    %sub3A_232 = arith.subf %broadcast_in_dim3A_217, %sub3A_231 : vector<256x1xf32>
    %exp3A_233 = math.exp %sub3A_232 : vector<256x1xf32>
    %get3A_234 = arith.constant 0 : index
    %get3A_235 = arith.constant 0 : index
    %get3A_236 = vector.load %arg27[%get3A_234, %get3A_235] : memref<1x1xf32, #tpu.memory_space<vmem>>, vector<1x1xf32>
    %mul3A_237 = arith.mulf %get3A_236, %exp3A_230 : vector<1x1xf32>
    %reduce_sum3A_238 = vector.shape_cast %exp3A_233 : vector<256x1xf32> to vector<1x256x1xf32>
    %reduce_sum3A_239 = arith.constant dense<0.000000e+00> : vector<1xf32>
    %reduce_sum3A_240 = vector.multi_reduction <add>, %reduce_sum3A_238, %reduce_sum3A_239 [1, 2] : vector<1x256x1xf32> to vector<1xf32>
    %reduce_sum3A_241 = vector.shape_cast %reduce_sum3A_240 : vector<1xf32> to vector<1x1x1xf32>
    %reduce_sum3A_242 = vector.extract %reduce_sum3A_241[0, 0, 0] : f32 from vector<1x1x1xf32>
    %broadcast_in_dim3A_243 = vector.broadcast %reduce_sum3A_242 : f32 to vector<1x1xf32>
    %add3A_244 = arith.addf %mul3A_237, %broadcast_in_dim3A_243 : vector<1x1xf32>
    %swap3A = arith.constant 0 : index
    %swap3A_245 = arith.constant 0 : index
    %swap3A_246 = vector.load %arg27[%swap3A, %swap3A_245] : memref<1x1xf32, #tpu.memory_space<vmem>>, vector<1x1xf32>
    tpu.vector_store %arg27[%swap3A, %swap3A_245], %add3A_244 {strides = array<i32>} : memref<1x1xf32, #tpu.memory_space<vmem>>, vector<1x1xf32>,
    %get3A_247 = arith.constant 0 : index
    %get3A_248 = arith.constant 0 : index
    %get3A_249 = vector.load %arg28[%get3A_247, %get3A_248] : memref<1x512xf32, #tpu.memory_space<vmem>>, vector<1x512xf32>
    %mul3A_250 = vector.broadcast %exp3A_230 : vector<1x1xf32> to vector<1x512xf32>
    %mul3A_251 = arith.mulf %get3A_249, %mul3A_250 : vector<1x512xf32>
    %mul3A_252 = vector.broadcast %exp3A_233 : vector<256x1xf32> to vector<256x512xf32>
    %mul3A_253 = arith.mulf %mul3A_252, %add3A_192 : vector<256x512xf32>
    %reduce_sum3A_254 = arith.constant dense<0.000000e+00> : vector<512xf32>
    %reduce_sum3A_255 = vector.multi_reduction <add>, %mul3A_253, %reduce_sum3A_254 [0] : vector<256x512xf32> to vector<512xf32>
    %broadcast_in_dim3A_256 = vector.shape_cast %reduce_sum3A_255 : vector<512xf32> to vector<1x512xf32>
    %add3A_257 = arith.addf %mul3A_251, %broadcast_in_dim3A_256 : vector<1x512xf32>
    %swap3A_258 = arith.constant 0 : index
    %swap3A_259 = arith.constant 0 : index
    %swap3A_260 = vector.load %arg28[%swap3A_258, %swap3A_259] : memref<1x512xf32, #tpu.memory_space<vmem>>, vector<1x512xf32>
    tpu.vector_store %arg28[%swap3A_258, %swap3A_259], %add3A_257 {strides = array<i32>} : memref<1x512xf32, #tpu.memory_space<vmem>>, vector<1x512xf32>,
    %swap3A_261 = arith.constant 0 : index
    %swap3A_262 = arith.constant 0 : index
    %swap3A_263 = vector.load %arg26[%swap3A_261, %swap3A_262] : memref<1x1xf32, #tpu.memory_space<vmem>>, vector<1x1xf32>
    tpu.vector_store %arg26[%swap3A_261, %swap3A_262], %max3A {strides = array<i32>} : memref<1x1xf32, #tpu.memory_space<vmem>>, vector<1x1xf32>,
    %eq3A_264 = arith.constant 3 : i32
    %eq3A_265 = arith.cmpi eq, %arg0, %eq3A_264 : i32
    %convert_element_type3A_266 = arith.extui %eq3A_265 : i1 to i32
    %cond3A_267 = arith.constant 0 : i32
    %cond3A_268 = arith.cmpi ne, %convert_element_type3A_266, %cond3A_267 : i32
    scf.if %cond3A_268 {
      %get3A_269 = arith.constant 0 : index
      %get3A_270 = arith.constant 0 : index
      %get3A_271 = vector.load %arg28[%get3A_269, %get3A_270] : memref<1x512xf32, #tpu.memory_space<vmem>>, vector<1x512xf32>
      %get3A_272 = arith.constant 0 : index
      %get3A_273 = arith.constant 0 : index
      %get3A_274 = vector.load %arg27[%get3A_272, %get3A_273] : memref<1x1xf32, #tpu.memory_space<vmem>>, vector<1x1xf32>
      %div3A_275 = vector.broadcast %get3A_274 : vector<1x1xf32> to vector<1x512xf32>
      %div3A_276 = arith.divf %get3A_271, %div3A_275 : vector<1x512xf32>
      %reduce_sum3A_277 = arith.constant dense<0.000000e+00> : vector<1xf32>
      %reduce_sum3A_278 = vector.multi_reduction <add>, %div3A_276, %reduce_sum3A_277 [1] : vector<1x512xf32> to vector<1xf32>
      %broadcast_in_dim3A_279 = vector.shape_cast %reduce_sum3A_278 : vector<1xf32> to vector<1x1xf32>
      %div3A_280 = arith.constant 5.120000e+02 : f32
      %div3A_281 = vector.broadcast %div3A_280 : f32 to vector<1x1xf32>
      %div3A_282 = arith.divf %broadcast_in_dim3A_279, %div3A_281 : vector<1x1xf32>
      %sub3A_283 = vector.broadcast %div3A_282 : vector<1x1xf32> to vector<1x512xf32>
      %sub3A_284 = arith.subf %div3A_276, %sub3A_283 : vector<1x512xf32>
      %integer_pow3A = arith.mulf %sub3A_284, %sub3A_284 : vector<1x512xf32>
      %reduce_sum3A_285 = arith.constant dense<0.000000e+00> : vector<1xf32>
      %reduce_sum3A_286 = vector.multi_reduction <add>, %integer_pow3A, %reduce_sum3A_285 [1] : vector<1x512xf32> to vector<1xf32>
      %broadcast_in_dim3A_287 = vector.shape_cast %reduce_sum3A_286 : vector<1xf32> to vector<1x1xf32>
      %div3A_288 = arith.constant 5.120000e+02 : f32
      %div3A_289 = vector.broadcast %div3A_288 : f32 to vector<1x1xf32>
      %div3A_290 = arith.divf %broadcast_in_dim3A_287, %div3A_289 : vector<1x1xf32>
      %sub3A_291 = vector.broadcast %div3A_282 : vector<1x1xf32> to vector<1x512xf32>
      %sub3A_292 = arith.subf %div3A_276, %sub3A_291 : vector<1x512xf32>
      %add3A_293 = arith.constant 9.99999974E-6 : f32
      %add3A_294 = vector.broadcast %add3A_293 : f32 to vector<1x1xf32>
      %add3A_295 = arith.addf %div3A_290, %add3A_294 : vector<1x1xf32>
      %rsqrt3A = math.rsqrt %add3A_295 : vector<1x1xf32>
      %mul3A_296 = vector.broadcast %rsqrt3A : vector<1x1xf32> to vector<1x512xf32>
      %mul3A_297 = arith.mulf %sub3A_292, %mul3A_296 : vector<1x512xf32>
      %get3A_298 = arith.constant 0 : index
      %get3A_299 = arith.constant 0 : index
      %get3A_300 = vector.load %arg19[%get3A_298, %get3A_299] : memref<1x512xf32, #tpu.memory_space<vmem>>, vector<1x512xf32>
      %mul3A_301 = arith.mulf %mul3A_297, %get3A_300 : vector<1x512xf32>
      %get3A_302 = arith.constant 0 : index
      %get3A_303 = arith.constant 0 : index
      %get3A_304 = vector.load %arg20[%get3A_302, %get3A_303] : memref<1x512xf32, #tpu.memory_space<vmem>>, vector<1x512xf32>
      %add3A_305 = arith.addf %mul3A_301, %get3A_304 : vector<1x512xf32>
      %get3A_306 = arith.constant 0 : index
      %get3A_307 = arith.constant 0 : index
      %get3A_308 = vector.load %arg21[%get3A_306, %get3A_307] : memref<512x128xf32, #tpu.memory_space<vmem>>, vector<512x128xf32>
      %dot_general3A_309 = arith.constant dense<0.000000e+00> : vector<1x128xf32>
      %dot_general3A_310 = tpu.matmul %add3A_305, %get3A_308, %dot_general3A_309 {dimension_numbers = #tpu.dot_dimension_numbers<[1], [0], [0], [1], [0, 0, 1, 1], [], []>, transpose_lhs_hint = false} : vector<1x512xf32>, vector<512x128xf32>, vector<1x128xf32> -> vector<1x128xf32>
      %get3A_311 = arith.constant 0 : index
      %get3A_312 = arith.constant 0 : index
      %get3A_313 = vector.load %arg22[%get3A_311, %get3A_312] : memref<1x128xf32, #tpu.memory_space<vmem>>, vector<1x128xf32>
      %add3A_314 = arith.addf %dot_general3A_310, %get3A_313 : vector<1x128xf32>
      %swap3A_315 = arith.constant 0 : index
      %swap3A_316 = arith.constant 0 : index
      %swap3A_317 = vector.load %arg23[%swap3A_315, %swap3A_316] : memref<1x128xf32, #tpu.memory_space<vmem>>, vector<1x128xf32>
      tpu.vector_store %arg23[%swap3A_315, %swap3A_316], %add3A_314 {strides = array<i32>} : memref<1x128xf32, #tpu.memory_space<vmem>>, vector<1x128xf32>,
    } else {
    }
    return
  }
  func.func @transform_0(%arg0: i32) -> (i32, i32) {
    %add3A = arith.constant 12 : i32
    %add3A_0 = arith.addi %arg0, %add3A : i32
    %c0_i32 = arith.constant 0 : i32
    %c0_i32_1 = arith.constant 0 : i32
    return %add3A_0, %c0_i32 : i32, i32
  }
  func.func @transform_1(%arg0: i32) -> (i32, i32) {
    %add3A = arith.constant 0 : i32
    %add3A_0 = arith.addi %add3A, %arg0 : i32
    %c0_i32 = arith.constant 0 : i32
    %c0_i32_1 = arith.constant 0 : i32
    return %add3A_0, %c0_i32 : i32, i32
  }
  func.func @transform_2(%arg0: i32) -> (i32, i32) {
    %add3A = arith.constant 4 : i32
    %add3A_0 = arith.addi %add3A, %arg0 : i32
    %c0_i32 = arith.constant 0 : i32
    %c0_i32_1 = arith.constant 0 : i32
    return %add3A_0, %c0_i32 : i32, i32
  }
  func.func @transform_3(%arg0: i32) -> (i32, i32) {
    %add3A = arith.constant 8 : i32
    %add3A_0 = arith.addi %add3A, %arg0 : i32
    %c0_i32 = arith.constant 0 : i32
    %c0_i32_1 = arith.constant 0 : i32
    return %add3A_0, %c0_i32 : i32, i32
  }
  func.func @transform_4(%arg0: i32) -> (i32, i32) {
    %add3A = arith.constant 12 : i32
    %add3A_0 = arith.addi %add3A, %arg0 : i32
    %c0_i32 = arith.constant 0 : i32
    %c0_i32_1 = arith.constant 0 : i32
    return %add3A_0, %c0_i32 : i32, i32
  }
  func.func @transform_5(%arg0: i32) -> (i32, i32) {
    %add3A = arith.constant 16 : i32
    %add3A_0 = arith.addi %add3A, %arg0 : i32
    %c0_i32 = arith.constant 0 : i32
    %c0_i32_1 = arith.constant 0 : i32
    return %add3A_0, %c0_i32 : i32, i32
  }
  func.func @transform_6(%arg0: i32) -> (i32, i32) {
    %add3A = arith.constant 20 : i32
    %add3A_0 = arith.addi %add3A, %arg0 : i32
    %c0_i32 = arith.constant 0 : i32
    %c0_i32_1 = arith.constant 0 : i32
    return %add3A_0, %c0_i32 : i32, i32
  }
  func.func @transform_7(%arg0: i32) -> (i32, i32) {
    %c0_i32 = arith.constant 0 : i32
    %c0_i32_0 = arith.constant 0 : i32
    return %arg0, %c0_i32 : i32, i32
  }
  func.func @transform_8(%arg0: i32) -> (i32, i32) {
    %c0_i32 = arith.constant 0 : i32
    %c0_i32_0 = arith.constant 0 : i32
    %c0_i32_1 = arith.constant 0 : i32
    return %c0_i32, %c0_i32_0 : i32, i32
  }
  func.func @transform_9(%arg0: i32) -> (i32, i32) {
    %c0_i32 = arith.constant 0 : i32
    %c0_i32_0 = arith.constant 0 : i32
    %c0_i32_1 = arith.constant 0 : i32
    return %c0_i32, %c0_i32_0 : i32, i32
  }
  func.func @transform_10(%arg0: i32) -> (i32, i32) {
    %c0_i32 = arith.constant 0 : i32
    %c0_i32_0 = arith.constant 0 : i32
    %c0_i32_1 = arith.constant 0 : i32
    return %c0_i32, %c0_i32_0 : i32, i32
  }
  func.func @transform_11(%arg0: i32) -> (i32, i32) {
    %c0_i32 = arith.constant 0 : i32
    %c0_i32_0 = arith.constant 0 : i32
    %c0_i32_1 = arith.constant 0 : i32
    return %c0_i32, %c0_i32_0 : i32, i32
  }
  func.func @transform_12(%arg0: i32) -> (i32, i32) {
    %c0_i32 = arith.constant 0 : i32
    %c0_i32_0 = arith.constant 0 : i32
    %c0_i32_1 = arith.constant 0 : i32
    return %c0_i32, %c0_i32_0 : i32, i32
  }
  func.func @transform_13(%arg0: i32) -> (i32, i32) {
    %c0_i32 = arith.constant 0 : i32
    %c0_i32_0 = arith.constant 0 : i32
    %c0_i32_1 = arith.constant 0 : i32
    return %c0_i32, %c0_i32_0 : i32, i32
  }
  func.func @transform_14(%arg0: i32) -> (i32, i32) {
    %c0_i32 = arith.constant 0 : i32
    %c0_i32_0 = arith.constant 0 : i32
    %c0_i32_1 = arith.constant 0 : i32
    return %c0_i32, %c0_i32_0 : i32, i32
  }
  func.func @transform_15(%arg0: i32) -> (i32, i32) {
    %c0_i32 = arith.constant 0 : i32
    %c0_i32_0 = arith.constant 0 : i32
    %c0_i32_1 = arith.constant 0 : i32
    return %c0_i32, %c0_i32_0 : i32, i32
  }
  func.func @transform_16(%arg0: i32) -> (i32, i32) {
    %c0_i32 = arith.constant 0 : i32
    %c0_i32_0 = arith.constant 0 : i32
    %c0_i32_1 = arith.constant 0 : i32
    return %c0_i32, %c0_i32_0 : i32, i32
  }
  func.func @transform_17(%arg0: i32) -> (i32, i32) {
    %c0_i32 = arith.constant 0 : i32
    %c0_i32_0 = arith.constant 0 : i32
    %c0_i32_1 = arith.constant 0 : i32
    return %c0_i32, %c0_i32_0 : i32, i32
  }
  func.func @transform_18(%arg0: i32) -> (i32, i32) {
    %c0_i32 = arith.constant 0 : i32
    %c0_i32_0 = arith.constant 0 : i32
    %c0_i32_1 = arith.constant 0 : i32
    return %c0_i32, %c0_i32_0 : i32, i32
  }
  func.func @transform_19(%arg0: i32) -> (i32, i32) {
    %c0_i32 = arith.constant 0 : i32
    %c0_i32_0 = arith.constant 0 : i32
    %c0_i32_1 = arith.constant 0 : i32
    return %c0_i32, %c0_i32_0 : i32, i32
  }
  func.func @transform_20(%arg0: i32) -> (i32, i32) {
    %c0_i32 = arith.constant 0 : i32
    %c0_i32_0 = arith.constant 0 : i32
    %c0_i32_1 = arith.constant 0 : i32
    return %c0_i32, %c0_i32_0 : i32, i32
  }
  func.func @transform_21(%arg0: i32) -> (i32, i32) {
    %c0_i32 = arith.constant 0 : i32
    %c0_i32_0 = arith.constant 0 : i32
    %c0_i32_1 = arith.constant 0 : i32
    return %c0_i32, %c0_i32_0 : i32, i32
  }
  func.func @transform_22(%arg0: i32) -> (i32, i32) {
    %c0_i32 = arith.constant 0 : i32
    %c0_i32_0 = arith.constant 0 : i32
    %c0_i32_1 = arith.constant 0 : i32
    return %c0_i32, %c0_i32_0 : i32, i32
  }
  func.func @transform_23(%arg0: i32) -> (i32, i32) {
    %c0_i32 = arith.constant 0 : i32
    %c0_i32_0 = arith.constant 0 : i32
    %c0_i32_1 = arith.constant 0 : i32
    return %c0_i32, %c0_i32_0 : i32, i32
  }
  func.func @transform_24(%arg0: i32) -> (i32, i32) {
    %c0_i32 = arith.constant 0 : i32
    %c0_i32_0 = arith.constant 0 : i32
    %c0_i32_1 = arith.constant 0 : i32
    return %c0_i32, %c0_i32_0 : i32, i32
  }
}

</mosaic_0001>

<sc_bundles>
// kernel: kernel.16.cloned.1.call-start
scs
__scs_entry_jumppad:
0x0: {  	(pc) =	sbr.rel $0x88, $3  }
0x1: {  	(tag) =	ssettag $0x0;
	lr =	simm.s32 $0x1  }
0x2: {  	[smem:$0x3F8F] =	sst lr;
	_ =	strace $0xD0000000  }
0x3: {  	_ = 	snop  }
0x4: {  	_ = 	snop  }
0x5: {  	_ = 	snop  }
0x6: {  	_ = 	snop  }
0x7: {  	_ = 	snop  }
__scs_overlays_trampoline_lowered:
0x8: {  	[smem:$0x3F9E] =	sst s0  }
0x9: {  	[smem:$0x3F9F] =	sst s1  }
0xa: {  	[smem:$0x3FA0] =	sst s2  }
0xb: {  	[smem:$0x3FA1] =	sst s3  }
0xc: {  	[smem:$0x3FA2] =	sst s4  }
0xd: {  	[smem:$0x3FA3] =	sst s5  }
0xe: {  	[smem:$0x3FA4] =	sst s6  }
0xf: {  	[smem:$0x3FA5] =	sst s7  }
0x10: {  	[smem:$0x3FA6] =	sst s8  }
0x11: {  	[smem:$0x3FA7] =	sst s9;
	s0 =	simm.s32 @!p0 $0x0  }
0x12: {  	s1 =	sld [smem:$0x3F8D];
	s0 =	simm.s32 @p0 $0x1  }
0x13: {  	[smem:$0x3FA8] =	sst s0;
	s0 =	simm.s32 @!p1 $0x0  }
0x14: {  	s2 =	sld [smem:$0x3F8C];
	s0 =	simm.s32 @p1 $0x1  }
0x15: {  	[smem:$0x3FA9] =	sst s0;
	s0 =	simm.s32 @!p2 $0x0  }
0x16: {  	s3 =	sld [smem:$0x3FDB];
	s0 =	simm.s32 @p2 $0x1  }
0x17: {  	s4 =	simm.s32 $0x1BF5;
	[smem:$0x3FAB] =	sst s0  }
0x18: {  	s0 =	sld [smem:$0x3F8E];
	_ =	swait.ge [sflag:s4], $0x0  }
0x19: {  	s7 =	sld [smem:$0x3F8F]  }
0x1a: {  	s8 =	sadd.s32 $0xFFFFE003, lr  }
0x1b: {  	s9 =	sadd.s32 $0xFFFFFEF7, lr;
	s5 =	simm.s32 $0xFFFFFFFF;
	p2 =	slt.u32 s8, $0xFFFFF086  }
0x1c: {  	p1 =	slt.u32 s9, $0xF7A;
	s5 =	simm.s32 @!p2 $0x0  }
0x1d: {  	s5 =	simm.s32 @p1 $0x1;
	p0 =	seq.s32 s7, s2  }
0x1e: {  	s7 =	smul.u32 @!p0 $0xF7A, s2;
	p2 =	seq.s32 @!p0 s5, $0x0  }
0x1f: {  	s9 =	smul.u32 $0xF7A, s1;
	s8 =	simm.s32 @!p0 $0x1BF5;
	p2 =	por !p2, p0  }
0x20: {  	[sflag:s8] =	ssyncset.s32 @!p0 $0xFFFFF086;
	s6 =	sadd.s32 @!p0 s3, s7;
	s7 =	simm.s32 @!p0 $0x108  }
0x21: {  	s3 =	sadd.s32 s3, s9;
	s6 =	sadd.s32 @!p0 $0x88, s6;
	s7 =	simm.s32 @p2 $0x1082  }
0x22: {  	[simem:s7], [sflag:s8] =	dma.local @!p0 [hbm:s6], $0xF7A  }
0x23: {  	s9 =	sor.u32 $0xD0000000, s2;
	s6 =	simm.s32 $0x108;
	_ =	swait.ge @!p0 [sflag:s8], $0x0  }
0x24: {  	s3 =	sadd.s32 $0x88, s3;
	s6 =	simm.s32 @!p1 $0x1082;
	[sflag:s4] =	ssyncset.s32 $0xFFFFF086  }
0x25: {  	[simem:s6], [sflag:s4] =	dma.local [hbm:s3], $0xF7A  }
0x26: {  	[smem:$0x3F8F] =	sst s1;
	(tag) =	ssettag s2;
	_ =	strace s9  }
0x27: {  	s1 =	sld [smem:$0x3F9F]  }
0x28: {  	s2 =	sld [smem:$0x3FA0]  }
0x29: {  	s4 =	sld [smem:$0x3FA2]  }
0x2a: {  	p0 =	seq.s32 s5, $0x0;
	s5 =	sld [smem:$0x3FA3]  }
0x2b: {  	s6 =	sld [smem:$0x3FA4]  }
0x2c: {  	s7 =	sld [smem:$0x3FA5]  }
0x2d: {  	s3 =	simm.s32 $0x108;
	s8 =	sld [smem:$0x3FA6]  }
0x2e: {  	s3 =	simm.s32 @!p0 $0x1082;
	s9 =	sld [smem:$0x3FA7]  }
0x2f: {  	lr =	sadd.s32 s0, s3;
	s0 =	sld [smem:$0x3F9E]  }
0x30: {  	s3 =	sld [smem:$0x3FA1]  }
0x31: {  	[smem:$0x3FAA] =	sst s10  }
0x32: {  	s10 =	sld [smem:$0x3FA8];
	_ =	sdelay $0x3  }
0x33: {  	p0 =	seq.s32 s10, $0x1;
	s10 =	sld [smem:$0x3FAA];
	_ =	sdelay $0x3  }
0x34: {  	[smem:$0x3FAA] =	sst s10  }
0x35: {  	s10 =	sld [smem:$0x3FA9];
	_ =	sdelay $0x3  }
0x36: {  	p1 =	seq.s32 s10, $0x1;
	s10 =	sld [smem:$0x3FAA];
	_ =	sdelay $0x3  }
0x37: {  	[smem:$0x3FAA] =	sst s10  }
0x38: {  	s10 =	sld [smem:$0x3FAB]  }
0x39: {  	_ = 	snop;
	(pc) =	sbr.ind lr, $3  }
0x3a: {  	_ = 	snop  }
0x3b: {  	_ = 	snop  }
0x3c: {  	p2 =	seq.s32 s10, $0x1;
	s10 =	sld [smem:$0x3FAA]  }
0x3d: {  	_ =	shalt  }
0x3e: {  	_ =	shalt  }
0x3f: {  	_ =	shalt  }
0x40: {  	_ =	shalt  }
0x41: {  	_ =	shalt  }
0x42: {  	_ =	shalt  }
0x43: {  	_ =	shalt  }
0x44: {  	_ =	shalt  }
0x45: {  	_ =	shalt  }
0x46: {  	_ =	shalt  }
0x47: {  	_ =	shalt  }
0x48: {  	_ =	shalt  }
0x49: {  	_ =	shalt  }
0x4a: {  	_ =	shalt  }
0x4b: {  	_ =	shalt  }
0x4c: {  	_ =	shalt  }
0x4d: {  	_ =	shalt  }
0x4e: {  	_ =	shalt  }
0x4f: {  	_ =	shalt  }
0x50: {  	_ =	shalt  }
0x51: {  	_ =	shalt  }
0x52: {  	_ =	shalt  }
0x53: {  	_ =	shalt  }
0x54: {  	_ =	shalt  }
0x55: {  	_ =	shalt  }
0x56: {  	_ =	shalt  }
0x57: {  	_ =	shalt  }
0x58: {  	_ =	shalt  }
0x59: {  	_ =	shalt  }
0x5a: {  	_ =	shalt  }
0x5b: {  	_ =	shalt  }
0x5c: {  	_ =	shalt  }
0x5d: {  	_ =	shalt  }
0x5e: {  	_ =	shalt  }
0x5f: {  	_ =	shalt  }
0x60: {  	_ =	shalt  }
0x61: {  	_ =	shalt  }
0x62: {  	_ =	shalt  }
0x63: {  	_ =	shalt  }
0x64: {  	_ =	shalt  }
0x65: {  	_ =	shalt  }
0x66: {  	_ =	shalt  }
0x67: {  	_ =	shalt  }
0x68: {  	_ =	shalt  }
0x69: {  	_ =	shalt  }
0x6a: {  	_ =	shalt  }
0x6b: {  	_ =	shalt  }
0x6c: {  	_ =	shalt  }
0x6d: {  	_ =	shalt  }
0x6e: {  	_ =	shalt  }
0x6f: {  	_ =	shalt  }
0x70: {  	_ =	shalt  }
0x71: {  	_ =	shalt  }
0x72: {  	_ =	shalt  }
0x73: {  	_ =	shalt  }
0x74: {  	_ =	shalt  }
0x75: {  	_ =	shalt  }
0x76: {  	_ =	shalt  }
0x77: {  	_ =	shalt  }
0x78: {  	_ =	shalt  }
0x79: {  	_ =	shalt  }
0x7a: {  	_ =	shalt  }
0x7b: {  	_ =	shalt  }
0x7c: {  	_ =	shalt  }
0x7d: {  	_ =	shalt  }
0x7e: {  	_ =	shalt  }
0x7f: {  	_ =	shalt  }
0x80: {  	_ =	shalt  }
0x81: {  	_ =	shalt  }
0x82: {  	_ =	shalt  }
0x83: {  	_ =	shalt  }
0x84: {  	_ =	shalt  }
0x85: {  	_ =	shalt  }
0x86: {  	_ =	shalt  }
0x87: {  	_ =	shalt  }
.Lfunc_end0:
.L_simem_size_0:
called_computation_lowered:
.L_overlay_start_0:
0x88: {  	s2 =	sld [smem:$0x3FD9]  }
0x89: {  	s3 =	sld [smem:$0x3FFE];
	_ =	sdelay $0x1  }
0x8a: {  	s1 =	srdreg.scid  }
0x8b: {  	s0 =	sand.u32 $0x1, s1  }
0x8c: {  	s16 =	sshll.u32 s0, $0xA;
	s2 =	sadd.s32 s3, s2  }
0x8d: {  	s2 =	sadd.s32 s2, s16  }
0x8e: {  	[smem:$0x3FB6] =	sst s2  }
0x8f: {  	_ = 	snop  }
0x90: {  	(tm) =	ssettm $0x1  }
0x91: {  	s17 =	sld [smem:$0x3FFB];
	_ =	sdelay $0x3  }
0x92: {  	_ =	strace s17  }
0x93: {  	s2 =	sld [smem:$0x3FFC];
	_ =	sdelay $0x3  }
0x94: {  	_ =	strace s2  }
0x95: {  	s2 =	sld [smem:$0x3FFD];
	_ =	sdelay $0x3  }
0x96: {  	_ =	strace s2  }
0x97: {  	_ =	strace $0x8FFFFFFF  }
0x98: {  	s18 =	sld [smem:$0x3FDB];
	_ =	sdelay $0x1  }
0x99: {  	s19 =	simm.s32 $_scs_section_size  }
0x9a: {  	s4 =	simm.s32 $_size__tile_overlayer_lowered;
	s5 =	simm.s32 $_tile_overlayer_lowered  }
0x9b: {  	s22 =	simm.s32 $0x1BFF;
	s21 =	sshll.u32 s5, $0x1;
	s2 =	sadd.s32 s19, s18  }
0x9c: {  	s6 =	simm.s32 $0x0;
	s20 =	sshll.u32 s4, $0x1;
	s4 =	sadd.s32 s21, s2  }
0x9d: {  	[timem:s6], [sflag:s22] =	dma.local [hbm:s4], s20  }
0x9e: {  	_ =	swait.ge [sflag:s22], s20  }
0x9f: {  	s3 =	ssub.s32 $0x0, s20;
	[sflag:s22] =	ssyncset.done $0x0  }
0xa0: {  	[sflag:s22] =	ssyncadd.s32 s3;
	_ =	sdelay $0x1  }
0xa1: {  	s23 =	simm.s32 $0x1B8B  }
0xa2: {  	_ =	swait.ge [sflag:s23], $0x1  }
0xa3: {  	[sflag:s23] =	ssyncset.done $0x0  }
0xa4: {  	s25 =	simm.s32 $0x1B8E;
	s24 =	sld [smem:$0x3FFE];
	[sflag:s23] =	ssyncadd.s32 $0xFFFFFFFF  }
0xa5: {  	s26 =	simm.s32 $execute0_lowered;
	[smem:$0x3FD2] =	sst s25  }
0xa6: {  	s4 =	sshll.u32 s26, $0x1;
	_ =	strace $0x80000046;
	[dreg:$0x1] =	wrdreg $0xFFFFFFFF  }
0xa7: {  	s28 =	simm.s32 $_size_execute0_lowered;
	s2 =	sadd.s32 s2, s4;
	[dreg:$0x0] =	wrdreg $0x0  }
0xa8: {  	s4 =	sshll.u32 s28, $0x1;
	[dreg:$0x2] =	wrdreg s2  }
0xa9: {  	[dreg:$0x3] =	wrdreg s4  }
0xaa: {  	[dreg:$0x4] =	wrdreg $0xC0  }
0xab: {  	_ =	task [dreg:s6], $0x5FFFF  }
0xac: {  	[dreg:$0x1] =	wrdreg $0xFFFFFFFF  }
0xad: {  	[dreg:$0x0] =	wrdreg $0x60  }
0xae: {  	[dreg:$0x2] =	wrdreg s24  }
0xaf: {  	[dreg:$0x3] =	wrdreg $0x9  }
0xb0: {  	_ =	task.clear_ibuf [dreg:s6], $0x4FFFF;
	_ =	strace $0x90000046  }
0xb1: {  	s29 =	simm.s32 $0x9;
	_ =	strace $0x80000048  }
0xb2: {  	_ =	swait.ge [sflag:s29], $0x1  }
0xb3: {  	[sflag:s29] =	ssyncadd.s32 $0xFFFFFFFF  }
0xb4: {  	_ =	strace $0x90000048  }
0xb5: {  	_ =	sfence  }
0xb6: {  	s30 =	sld [smem:$0x0];
	_ =	sdelay $0x2  }
0xb7: {  	s31 =	sshll.u32 s1, $0xD;
	s1 =	sshrl.u32 s1, $0x2  }
0xb8: {  	s3 =	sand.u32 $0x4000, s31;
	s1 =	sadd.s32 s1, s30  }
0xb9: {  	s0 =	sor.u32 s3, s0;
	s1 =	sshll.u32 s1, $0x11  }
0xba: {  	s0 =	sor.u32 s1, s0  }
0xbb: {  	s0 =	sadd.s32 $0x8F2B, s0  }
0xbc: {  	[sflag:s0] =	ssyncadd.remote.s32 $0x1  }
0xbd: {  	_ =	sfence.sel $0xFFFF  }
0xbe: {  	[dreg:$0x0] =	wrdreg $0xFFFFFFFF;
	(pc) =	sbr.abs _section_cstart, $3  }
0xbf: {  	[dreg:$0x1] =	wrdreg $0xFFFFFFFF  }
0xc0: {  	_ =	task.clear_ibuf [dreg:s6], $0x2FFFF;
	_ =	strace $0x9FFFFFFF  }
0xc1: {  	(tm) =	ssettm $0x7FFFFFFF  }
tec
execute0_lowered:
.L_overlay_start_1:
0x0: {  	(tag) =	ssettag $0x1  }
0x1: {  	s1 =	srdreg.scid;
	s0 =	stileid.u32  }
0x2: {  	s4 =	rddreg [dreg:$0x0];
	s2 =	simm.s32 $0x0;
	s24 =	simm.s32 $0x880  }
0x3: {  	s25 =	simm.s32 $0x1080;
	s26 =	simm.s32 $0x1880;
	s9 =	simm.s32 $0x2880  }
0x4: {  	s10 =	simm.s32 $0x3080;
	s11 =	simm.s32 $0x3880;
	s12 =	simm.s32 $0x4080  }
0x5: {  	s13 =	simm.s32 $0x4880;
	s14 =	simm.s32 $0x5080;
	s15 =	simm.s32 $0x5880  }
0x6: {  	s16 =	simm.s32 $0x6080;
	s17 =	simm.s32 $0x6880;
	s18 =	simm.s32 $0x7080  }
0x7: {  	s19 =	simm.s32 $0x7880;
	s20 =	simm.s32 $0x8080;
	s28 =	simm.s32 $0xB880  }
0x8: {  	s29 =	simm.s32 $0x1;
	s30 =	simm.s32 $0x2;
	s31 =	simm.s32 $0x3  }
0x9: {  	s1 =	sand.u32 $0x1, s1;
	s3 =	sshll.u32 s0, $0x1;
	[smem:$0x7FF] =	sst s2  }
0xa: {  	s8 =	sadd.s32 $0x87200, s4;
	_ =	strace $0x80000047;
	[dreg:$0x5] =	wrdreg s24  }
0xb: {  	s5 =	sor.u32 s1, s3;
	s3 =	sadd.s32 $0x7000, s4;
	[dreg:$0x6] =	wrdreg s25  }
0xc: {  	s1 =	ssub.s32 $0x2, s1;
	[dreg:$0x7] =	wrdreg s26;
	s6 =	smul.u32 $0xC, s5  }
0xd: {  	s24 =	simm.s32 $0xA080;
	s25 =	simm.s32 $0xA880;
	s7 =	smul.u32 $0xC000, s5  }
0xe: {  	s26 =	simm.s32 $0xB080;
	s5 =	smul.u32 $0x1800, s5;
	s22 =	sshrl.u32 s1, $0x1  }
0xf: {  	s1 =	ssub.s32 s1, s22;
	s22 =	simm.s32 $0x9080;
	s6 =	sadd.s32 s6, s4  }
0x10: {  	s7 =	sshrl.u32 s7, $0x3;
	s5 =	sadd.s32 s8, s5;
	s4 =	sadd.s32 $0x7100, s4  }
0x11: {  	s6 =	sadd.s32 $0x87000, s6;
	s21 =	sadd.s32 s8, s7;
	[dreg:$0x3] =	wrdreg s5  }
0x12: {  	v2 =	vlaneseq.u32;
	s5 =	smax.u32 s1, $0x1;
	s7 =	simm.s32 $0x80;
	s1 =	simm.s32 $0x4  }
0x13: {  	vm0 =	vmmov $0xffff;
	v1 =	vshrl.u32 v2, $0x3;
	[dreg:$0x2] =	wrdreg s6;
	s23 =	sadd.s32 $0xC00, s21;
	s6 =	simm.s32 $0x5  }
0x14: {  	v0 =	vand.u32 $0x7, v2;
	v2 =	vor.u32 $0x8, v2;
	v1 =	vmul.u32 $0x8, v1;
	s21 =	simm.s32 $0x8880;
	[dreg:$0x4] =	wrdreg s23;
	s23 =	simm.s32 $0x9880  }
.LBB2_1:
0x15: {  	s0 =	rddreg [dreg:$0x2]  }
0x16: {  	[tilespmem:s2], [sflag:$0x5] =	stream.linear.gather [hbm4b:s0+s2], $0x60, $0x38;
	[tilespmem:$0xC080] =	vst v63  }
0x17: {  	_ =	swait.ge [sflag:s6], $0x60  }
0x18: {  	[sflag:s6] =	ssyncset.done $0x0  }
0x19: {  	[sflag:s6] =	ssyncadd.s32 $0xFFFFFFA0  }
0x1a: {  	v3 =	vld [tilespmem:$0x0];
	_ =	sdelay $0x4  }
0x1b: {  	v4 =	vshll.u32 v3, $0x2  }
0x1c: {  	v3 =	vand.u32 $0x7, v3;
	v4 =	vand.u32 $0xFFFFFFE0, v4  }
0x1d: {  	v3 =	vor.u32 v3, v4  }
0x1e: {  	v4 =	vperm.xlane v3, v0;
	_ =	sdelay $0x1  }
0x1f: {  	v4 =	vadd.s32 v1, v4;
	_ =	sdelay $0x1  }
0x20: {  	v3 =	vperm.xlane v3, v2;
	_ =	sdelay $0x1  }
0x21: {  	v3 =	vadd.s32 v1, v3  }
0x22: {  	[tilespmem:s7], [sflag:$0x1] =	stream.indirect_vreg.gather [hbm4b:s3+s2], $0x80, v4, vm0, $0xb8;
	[tilespmem:$0xC080] =	vst v63  }
0x23: {  	s0 =	rddreg [dreg:$0x5]  }
0x24: {  	[tilespmem:s0], [sflag:$0x1] =	stream.indirect_vreg.gather [hbm4b:s4+s2], $0x80, v4, vm0, $0xb8;
	[tilespmem:$0xC080] =	vst v63  }
0x25: {  	s8 =	rddreg [dreg:$0x6]  }
0x26: {  	[tilespmem:s8], [sflag:$0x1] =	stream.indirect_vreg.gather [hbm4b:s3+s2], $0x80, v3, vm0, $0xb8;
	[tilespmem:$0xC080] =	vst v63  }
0x27: {  	s0 =	rddreg [dreg:$0x7]  }
0x28: {  	[tilespmem:s0], [sflag:$0x1] =	stream.indirect_vreg.gather [hbm4b:s4+s2], $0x80, v3, vm0, $0xb8;
	[tilespmem:$0xC080] =	vst v63  }
0x29: {  	v3 =	vld [tilespmem:$0x10];
	_ =	sdelay $0x4  }
0x2a: {  	v59 =	vshll.u32 v3, $0x2  }
0x2b: {  	v3 =	vand.u32 $0x7, v3;
	v4 =	vand.u32 $0xFFFFFFE0, v59  }
0x2c: {  	v3 =	vor.u32 v3, v4  }
0x2d: {  	v4 =	vperm.xlane v3, v0;
	_ =	sdelay $0x1  }
0x2e: {  	v4 =	vadd.s32 v1, v4;
	_ =	sdelay $0x1  }
0x2f: {  	v3 =	vperm.xlane v3, v2;
	_ =	sdelay $0x1  }
0x30: {  	s8 =	simm.s32 $0x2080;
	v3 =	vadd.s32 v1, v3  }
0x31: {  	[tilespmem:s8], [sflag:$0x1] =	stream.indirect_vreg.gather [hbm4b:s3+s2], $0x80, v4, vm0, $0xb8;
	[tilespmem:$0xC080] =	vst v63  }
0x32: {  	_ = 	snop  }
0x33: {  	[tilespmem:s9], [sflag:$0x1] =	stream.indirect_vreg.gather [hbm4b:s4+s2], $0x80, v4, vm0, $0xb8;
	[tilespmem:$0xC080] =	vst v63  }
0x34: {  	_ = 	snop  }
0x35: {  	[tilespmem:s10], [sflag:$0x1] =	stream.indirect_vreg.gather [hbm4b:s3+s2], $0x80, v3, vm0, $0xb8;
	[tilespmem:$0xC080] =	vst v63  }
0x36: {  	_ = 	snop  }
0x37: {  	[tilespmem:s11], [sflag:$0x1] =	stream.indirect_vreg.gather [hbm4b:s4+s2], $0x80, v3, vm0, $0xb8;
	[tilespmem:$0xC080] =	vst v63  }
0x38: {  	v3 =	vld [tilespmem:$0x20];
	_ =	sdelay $0x4  }
0x39: {  	v60 =	vshll.u32 v3, $0x2  }
0x3a: {  	v3 =	vand.u32 $0x7, v3;
	v4 =	vand.u32 $0xFFFFFFE0, v60  }
0x3b: {  	v3 =	vor.u32 v3, v4  }
0x3c: {  	v4 =	vperm.xlane v3, v0;
	_ =	sdelay $0x1  }
0x3d: {  	v4 =	vadd.s32 v1, v4;
	_ =	sdelay $0x1  }
0x3e: {  	v3 =	vperm.xlane v3, v2;
	_ =	sdelay $0x1  }
0x3f: {  	v3 =	vadd.s32 v1, v3  }
0x40: {  	[tilespmem:s12], [sflag:$0x1] =	stream.indirect_vreg.gather [hbm4b:s3+s2], $0x80, v4, vm0, $0xb8;
	[tilespmem:$0xC080] =	vst v63  }
0x41: {  	_ = 	snop  }
0x42: {  	[tilespmem:s13], [sflag:$0x1] =	stream.indirect_vreg.gather [hbm4b:s4+s2], $0x80, v4, vm0, $0xb8;
	[tilespmem:$0xC080] =	vst v63  }
0x43: {  	_ = 	snop  }
0x44: {  	[tilespmem:s14], [sflag:$0x1] =	stream.indirect_vreg.gather [hbm4b:s3+s2], $0x80, v3, vm0, $0xb8;
	[tilespmem:$0xC080] =	vst v63  }
0x45: {  	_ = 	snop  }
0x46: {  	[tilespmem:s15], [sflag:$0x1] =	stream.indirect_vreg.gather [hbm4b:s4+s2], $0x80, v3, vm0, $0xb8;
	[tilespmem:$0xC080] =	vst v63  }
0x47: {  	v3 =	vld [tilespmem:$0x30];
	_ =	sdelay $0x4  }
0x48: {  	v61 =	vshll.u32 v3, $0x2  }
0x49: {  	v3 =	vand.u32 $0x7, v3;
	v4 =	vand.u32 $0xFFFFFFE0, v61  }
0x4a: {  	v3 =	vor.u32 v3, v4  }
0x4b: {  	v4 =	vperm.xlane v3, v0;
	_ =	sdelay $0x1  }
0x4c: {  	v4 =	vadd.s32 v1, v4;
	_ =	sdelay $0x1  }
0x4d: {  	v3 =	vperm.xlane v3, v2;
	_ =	sdelay $0x1  }
0x4e: {  	v3 =	vadd.s32 v1, v3  }
0x4f: {  	[tilespmem:s16], [sflag:$0x2] =	stream.indirect_vreg.gather [hbm4b:s3+s2], $0x80, v4, vm0, $0xb8;
	[tilespmem:$0xC080] =	vst v63  }
0x50: {  	_ = 	snop  }
0x51: {  	[tilespmem:s17], [sflag:$0x2] =	stream.indirect_vreg.gather [hbm4b:s4+s2], $0x80, v4, vm0, $0xb8;
	[tilespmem:$0xC080] =	vst v63  }
0x52: {  	_ = 	snop  }
0x53: {  	[tilespmem:s18], [sflag:$0x2] =	stream.indirect_vreg.gather [hbm4b:s3+s2], $0x80, v3, vm0, $0xb8;
	[tilespmem:$0xC080] =	vst v63  }
0x54: {  	_ = 	snop  }
0x55: {  	[tilespmem:s19], [sflag:$0x2] =	stream.indirect_vreg.gather [hbm4b:s4+s2], $0x80, v3, vm0, $0xb8;
	[tilespmem:$0xC080] =	vst v63  }
0x56: {  	v3 =	vld [tilespmem:$0x40];
	_ =	sdelay $0x4  }
0x57: {  	v62 =	vshll.u32 v3, $0x2  }
0x58: {  	v3 =	vand.u32 $0x7, v3;
	v4 =	vand.u32 $0xFFFFFFE0, v62  }
0x59: {  	v3 =	vor.u32 v3, v4  }
0x5a: {  	v4 =	vperm.xlane v3, v0;
	_ =	sdelay $0x1  }
0x5b: {  	v4 =	vadd.s32 v1, v4;
	_ =	sdelay $0x1  }
0x5c: {  	v3 =	vperm.xlane v3, v2;
	_ =	sdelay $0x1  }
0x5d: {  	v3 =	vadd.s32 v1, v3  }
0x5e: {  	[tilespmem:s20], [sflag:$0x2] =	stream.indirect_vreg.gather [hbm4b:s3+s2], $0x80, v4, vm0, $0xb8;
	[tilespmem:$0xC080] =	vst v63  }
0x5f: {  	_ = 	snop  }
0x60: {  	[tilespmem:s21], [sflag:$0x2] =	stream.indirect_vreg.gather [hbm4b:s4+s2], $0x80, v4, vm0, $0xb8;
	[tilespmem:$0xC080] =	vst v63  }
0x61: {  	_ = 	snop  }
0x62: {  	[tilespmem:s22], [sflag:$0x2] =	stream.indirect_vreg.gather [hbm4b:s3+s2], $0x80, v3, vm0, $0xb8;
	[tilespmem:$0xC080] =	vst v63  }
0x63: {  	_ = 	snop  }
0x64: {  	[tilespmem:s23], [sflag:$0x2] =	stream.indirect_vreg.gather [hbm4b:s4+s2], $0x80, v3, vm0, $0xb8;
	[tilespmem:$0xC080] =	vst v63  }
0x65: {  	v3 =	vld [tilespmem:$0x50];
	_ =	sdelay $0x4  }
0x66: {  	v63 =	vshll.u32 v3, $0x2  }
0x67: {  	v3 =	vand.u32 $0x7, v3;
	v4 =	vand.u32 $0xFFFFFFE0, v63  }
0x68: {  	v3 =	vor.u32 v3, v4  }
0x69: {  	v4 =	vperm.xlane v3, v0;
	_ =	sdelay $0x1  }
0x6a: {  	v4 =	vadd.s32 v1, v4;
	_ =	sdelay $0x1  }
0x6b: {  	v3 =	vperm.xlane v3, v2;
	_ =	sdelay $0x1  }
0x6c: {  	v3 =	vadd.s32 v1, v3  }
0x6d: {  	[tilespmem:s24], [sflag:$0x2] =	stream.indirect_vreg.gather [hbm4b:s3+s2], $0x80, v4, vm0, $0xb8;
	[tilespmem:$0xC080] =	vst v63  }
0x6e: {  	_ = 	snop  }
0x6f: {  	[tilespmem:s25], [sflag:$0x2] =	stream.indirect_vreg.gather [hbm4b:s4+s2], $0x80, v4, vm0, $0xb8;
	[tilespmem:$0xC080] =	vst v63  }
0x70: {  	_ = 	snop  }
0x71: {  	[tilespmem:s26], [sflag:$0x2] =	stream.indirect_vreg.gather [hbm4b:s3+s2], $0x80, v3, vm0, $0xb8;
	[tilespmem:$0xC080] =	vst v63  }
0x72: {  	_ = 	snop  }
0x73: {  	[tilespmem:s28], [sflag:$0x2] =	stream.indirect_vreg.gather [hbm4b:s4+s2], $0x80, v3, vm0, $0xb8;
	[tilespmem:$0xC080] =	vst v63  }
0x74: {  	_ =	swait.ge [sflag:s29], $0x6000  }
0x75: {  	[sflag:s29] =	ssyncset.done $0x0  }
0x76: {  	s8 =	rddreg [dreg:$0x3];
	[sflag:s29] =	ssyncadd.s32 $0xFFFFA000  }
0x77: {  	[hbm4b:s8+s2] =	stream.linear.scatter [tilespmem:s7], [sflag:$0x3], $0x6000, $0x38;
	[tilespmem:$0xC080] =	vst v63  }
0x78: {  	_ =	swait.ge [sflag:s30], $0x6000  }
0x79: {  	[sflag:s30] =	ssyncset.done $0x0  }
0x7a: {  	s8 =	rddreg [dreg:$0x4];
	[sflag:s30] =	ssyncadd.s32 $0xFFFFA000  }
0x7b: {  	[hbm4b:s8+s2] =	stream.linear.scatter [tilespmem:s16], [sflag:$0x4], $0x6000, $0x38;
	[tilespmem:$0xC080] =	vst v63  }
0x7c: {  	p0 =	sne.s32 s5, $0x1;
	_ =	swait.ge [sflag:s31], $0x6000  }
.Ltmp0:
0x7d: {  	[sflag:s31] =	ssyncset.done $0x0;
	(pc) =	sbr.rel @p0 .LBB2_1-.Ltmp0, $4  }
0x7e: {  	[sflag:s31] =	ssyncadd.s32 $0xFFFFA000  }
0x7f: {  	_ =	swait.ge [sflag:s1], $0x6000  }
0x80: {  	[sflag:s1] =	ssyncset.done $0x0  }
0x81: {  	s5 =	sadd.s32 $0xFFFFFFFF, s5;
	[sflag:s1] =	ssyncadd.s32 $0xFFFFA000  }
0x82: {  	_ =	sfence.sel $0x180000  }
0x83: {  	[bflag:$0x0] =	sbarrier.arrive $0xFFFF  }
0x84: {  	_ =	strace $0x90000047  }
0x85: {  	s0 =	stileid.u32;
	[bflag:$0x2] =	sbarrier.arrive $0xFFFF  }
0x86: {  	p0 =	sne.s32 s0, $0x0;
	s0 =	rddreg [dreg:$0x1]  }
0x87: {  	s0 =	sadd.s32 @!p0 $0x100000, s0  }
0x88: {  	[sflag:s0] =	ssyncadd.tile.s32 @!p0 $0x1;
	_ =	shalt  }
.Lfunc_end2:
_tile_overlayer_lowered:
.L_overlay_start_2:
0x89: {  	(tag) =	ssettag $0x2  }
0x8a: {  	s0 =	rddreg [dreg:$0x0];
	s2 =	stileid.u32  }
0x8b: {  	s1 =	rddreg [dreg:$0x1];
	p0 =	sne.s32 s2, $0x0  }
0x8c: {  	s3 =	rddreg [dreg:$0x2];
	[bflag:$0x3] =	sbarrier.arrive $0xFFFF;
	s2 =	simm.s32 @!p0 $0x1C05  }
0x8d: {  	[timem:s3], [sflag:s2] =	dma.local @!p0 [hbm:s0], s1  }
0x8e: {  	s0 =	simm.s32 @!p0 $0x5  }
0x8f: {  	_ =	swait.ge @!p0 [sflag:s0], s1  }
0x90: {  	s1 =	ssub.s32 @!p0 $0x0, s1;
	[sflag:s0] =	ssyncset.done @!p0 $0x0  }
0x91: {  	[sflag:s0] =	ssyncadd.s32 @!p0 s1  }
0x92: {  	[bflag:$0x3] =	sbarrier.arrive $0xFFFF  }
0x93: {  	_ =	shalt  }

// kernel: kernel.19.cloned.1.call-start
scs
__scs_entry_jumppad:
0x0: {  	(pc) =	sbr.rel $0x88, $3  }
0x1: {  	(tag) =	ssettag $0x0;
	lr =	simm.s32 $0x1  }
0x2: {  	[smem:$0x3F8F] =	sst lr;
	_ =	strace $0xD0000000  }
0x3: {  	_ = 	snop  }
0x4: {  	_ = 	snop  }
0x5: {  	_ = 	snop  }
0x6: {  	_ = 	snop  }
0x7: {  	_ = 	snop  }
__scs_overlays_trampoline_lowered:
0x8: {  	[smem:$0x3F9E] =	sst s0  }
0x9: {  	[smem:$0x3F9F] =	sst s1  }
0xa: {  	[smem:$0x3FA0] =	sst s2  }
0xb: {  	[smem:$0x3FA1] =	sst s3  }
0xc: {  	[smem:$0x3FA2] =	sst s4  }
0xd: {  	[smem:$0x3FA3] =	sst s5  }
0xe: {  	[smem:$0x3FA4] =	sst s6  }
0xf: {  	[smem:$0x3FA5] =	sst s7  }
0x10: {  	[smem:$0x3FA6] =	sst s8  }
0x11: {  	[smem:$0x3FA7] =	sst s9;
	s0 =	simm.s32 @!p0 $0x0  }
0x12: {  	s1 =	sld [smem:$0x3F8D];
	s0 =	simm.s32 @p0 $0x1  }
0x13: {  	[smem:$0x3FA8] =	sst s0;
	s0 =	simm.s32 @!p1 $0x0  }
0x14: {  	s2 =	sld [smem:$0x3F8C];
	s0 =	simm.s32 @p1 $0x1  }
0x15: {  	[smem:$0x3FA9] =	sst s0;
	s0 =	simm.s32 @!p2 $0x0  }
0x16: {  	s3 =	sld [smem:$0x3FDB];
	s0 =	simm.s32 @p2 $0x1  }
0x17: {  	s4 =	simm.s32 $0x1BF5;
	[smem:$0x3FAB] =	sst s0  }
0x18: {  	s0 =	sld [smem:$0x3F8E];
	_ =	swait.ge [sflag:s4], $0x0  }
0x19: {  	s7 =	sld [smem:$0x3F8F]  }
0x1a: {  	s8 =	sadd.s32 $0xFFFFE003, lr  }
0x1b: {  	s9 =	sadd.s32 $0xFFFFFEF7, lr;
	s5 =	simm.s32 $0xFFFFFFFF;
	p2 =	slt.u32 s8, $0xFFFFF086  }
0x1c: {  	p1 =	slt.u32 s9, $0xF7A;
	s5 =	simm.s32 @!p2 $0x0  }
0x1d: {  	s5 =	simm.s32 @p1 $0x1;
	p0 =	seq.s32 s7, s2  }
0x1e: {  	s7 =	smul.u32 @!p0 $0xF7A, s2;
	p2 =	seq.s32 @!p0 s5, $0x0  }
0x1f: {  	s9 =	smul.u32 $0xF7A, s1;
	s8 =	simm.s32 @!p0 $0x1BF5;
	p2 =	por !p2, p0  }
0x20: {  	[sflag:s8] =	ssyncset.s32 @!p0 $0xFFFFF086;
	s6 =	sadd.s32 @!p0 s3, s7;
	s7 =	simm.s32 @!p0 $0x108  }
0x21: {  	s3 =	sadd.s32 s3, s9;
	s6 =	sadd.s32 @!p0 $0x88, s6;
	s7 =	simm.s32 @p2 $0x1082  }
0x22: {  	[simem:s7], [sflag:s8] =	dma.local @!p0 [hbm:s6], $0xF7A  }
0x23: {  	s9 =	sor.u32 $0xD0000000, s2;
	s6 =	simm.s32 $0x108;
	_ =	swait.ge @!p0 [sflag:s8], $0x0  }
0x24: {  	s3 =	sadd.s32 $0x88, s3;
	s6 =	simm.s32 @!p1 $0x1082;
	[sflag:s4] =	ssyncset.s32 $0xFFFFF086  }
0x25: {  	[simem:s6], [sflag:s4] =	dma.local [hbm:s3], $0xF7A  }
0x26: {  	[smem:$0x3F8F] =	sst s1;
	(tag) =	ssettag s2;
	_ =	strace s9  }
0x27: {  	s1 =	sld [smem:$0x3F9F]  }
0x28: {  	s2 =	sld [smem:$0x3FA0]  }
0x29: {  	s4 =	sld [smem:$0x3FA2]  }
0x2a: {  	p0 =	seq.s32 s5, $0x0;
	s5 =	sld [smem:$0x3FA3]  }
0x2b: {  	s6 =	sld [smem:$0x3FA4]  }
0x2c: {  	s7 =	sld [smem:$0x3FA5]  }
0x2d: {  	s3 =	simm.s32 $0x108;
	s8 =	sld [smem:$0x3FA6]  }
0x2e: {  	s3 =	simm.s32 @!p0 $0x1082;
	s9 =	sld [smem:$0x3FA7]  }
0x2f: {  	lr =	sadd.s32 s0, s3;
	s0 =	sld [smem:$0x3F9E]  }
0x30: {  	s3 =	sld [smem:$0x3FA1]  }
0x31: {  	[smem:$0x3FAA] =	sst s10  }
0x32: {  	s10 =	sld [smem:$0x3FA8];
	_ =	sdelay $0x3  }
0x33: {  	p0 =	seq.s32 s10, $0x1;
	s10 =	sld [smem:$0x3FAA];
	_ =	sdelay $0x3  }
0x34: {  	[smem:$0x3FAA] =	sst s10  }
0x35: {  	s10 =	sld [smem:$0x3FA9];
	_ =	sdelay $0x3  }
0x36: {  	p1 =	seq.s32 s10, $0x1;
	s10 =	sld [smem:$0x3FAA];
	_ =	sdelay $0x3  }
0x37: {  	[smem:$0x3FAA] =	sst s10  }
0x38: {  	s10 =	sld [smem:$0x3FAB]  }
0x39: {  	_ = 	snop;
	(pc) =	sbr.ind lr, $3  }
0x3a: {  	_ = 	snop  }
0x3b: {  	_ = 	snop  }
0x3c: {  	p2 =	seq.s32 s10, $0x1;
	s10 =	sld [smem:$0x3FAA]  }
0x3d: {  	_ =	shalt  }
0x3e: {  	_ =	shalt  }
0x3f: {  	_ =	shalt  }
0x40: {  	_ =	shalt  }
0x41: {  	_ =	shalt  }
0x42: {  	_ =	shalt  }
0x43: {  	_ =	shalt  }
0x44: {  	_ =	shalt  }
0x45: {  	_ =	shalt  }
0x46: {  	_ =	shalt  }
0x47: {  	_ =	shalt  }
0x48: {  	_ =	shalt  }
0x49: {  	_ =	shalt  }
0x4a: {  	_ =	shalt  }
0x4b: {  	_ =	shalt  }
0x4c: {  	_ =	shalt  }
0x4d: {  	_ =	shalt  }
0x4e: {  	_ =	shalt  }
0x4f: {  	_ =	shalt  }
0x50: {  	_ =	shalt  }
0x51: {  	_ =	shalt  }
0x52: {  	_ =	shalt  }
0x53: {  	_ =	shalt  }
0x54: {  	_ =	shalt  }
0x55: {  	_ =	shalt  }
0x56: {  	_ =	shalt  }
0x57: {  	_ =	shalt  }
0x58: {  	_ =	shalt  }
0x59: {  	_ =	shalt  }
0x5a: {  	_ =	shalt  }
0x5b: {  	_ =	shalt  }
0x5c: {  	_ =	shalt  }
0x5d: {  	_ =	shalt  }
0x5e: {  	_ =	shalt  }
0x5f: {  	_ =	shalt  }
0x60: {  	_ =	shalt  }
0x61: {  	_ =	shalt  }
0x62: {  	_ =	shalt  }
0x63: {  	_ =	shalt  }
0x64: {  	_ =	shalt  }
0x65: {  	_ =	shalt  }
0x66: {  	_ =	shalt  }
0x67: {  	_ =	shalt  }
0x68: {  	_ =	shalt  }
0x69: {  	_ =	shalt  }
0x6a: {  	_ =	shalt  }
0x6b: {  	_ =	shalt  }
0x6c: {  	_ =	shalt  }
0x6d: {  	_ =	shalt  }
0x6e: {  	_ =	shalt  }
0x6f: {  	_ =	shalt  }
0x70: {  	_ =	shalt  }
0x71: {  	_ =	shalt  }
0x72: {  	_ =	shalt  }
0x73: {  	_ =	shalt  }
0x74: {  	_ =	shalt  }
0x75: {  	_ =	shalt  }
0x76: {  	_ =	shalt  }
0x77: {  	_ =	shalt  }
0x78: {  	_ =	shalt  }
0x79: {  	_ =	shalt  }
0x7a: {  	_ =	shalt  }
0x7b: {  	_ =	shalt  }
0x7c: {  	_ =	shalt  }
0x7d: {  	_ =	shalt  }
0x7e: {  	_ =	shalt  }
0x7f: {  	_ =	shalt  }
0x80: {  	_ =	shalt  }
0x81: {  	_ =	shalt  }
0x82: {  	_ =	shalt  }
0x83: {  	_ =	shalt  }
0x84: {  	_ =	shalt  }
0x85: {  	_ =	shalt  }
0x86: {  	_ =	shalt  }
0x87: {  	_ =	shalt  }
.Lfunc_end0:
.L_simem_size_0:
called_computation.1_lowered:
.L_overlay_start_0:
0x88: {  	s2 =	sld [smem:$0x3FD9]  }
0x89: {  	s3 =	sld [smem:$0x3FFE];
	_ =	sdelay $0x1  }
0x8a: {  	s1 =	srdreg.scid  }
0x8b: {  	s0 =	sand.u32 $0x1, s1  }
0x8c: {  	s17 =	sshll.u32 s0, $0xA;
	s2 =	sadd.s32 s3, s2  }
0x8d: {  	s2 =	sadd.s32 s2, s17  }
0x8e: {  	[smem:$0x3FB6] =	sst s2  }
0x8f: {  	_ = 	snop  }
0x90: {  	(tm) =	ssettm $0x1  }
0x91: {  	s18 =	sld [smem:$0x3FFB];
	_ =	sdelay $0x3  }
0x92: {  	_ =	strace s18  }
0x93: {  	s2 =	sld [smem:$0x3FFC];
	_ =	sdelay $0x3  }
0x94: {  	_ =	strace s2  }
0x95: {  	s2 =	sld [smem:$0x3FFD];
	_ =	sdelay $0x3  }
0x96: {  	_ =	strace s2  }
0x97: {  	_ =	strace $0x8FFFFFFF  }
0x98: {  	s19 =	sld [smem:$0x3FDB];
	_ =	sdelay $0x1  }
0x99: {  	s20 =	simm.s32 $_scs_section_size  }
0x9a: {  	s4 =	simm.s32 $_size__tile_overlayer_lowered;
	s5 =	simm.s32 $_tile_overlayer_lowered  }
0x9b: {  	s6 =	simm.s32 $0x1BFF;
	s21 =	sshll.u32 s5, $0x1;
	s3 =	sadd.s32 s20, s19  }
0x9c: {  	s22 =	simm.s32 $0x0;
	s4 =	sshll.u32 s4, $0x1;
	s5 =	sadd.s32 s21, s3  }
0x9d: {  	[timem:s22], [sflag:s6] =	dma.local [hbm:s5], s4  }
0x9e: {  	_ =	swait.ge [sflag:s6], s4  }
0x9f: {  	s4 =	ssub.s32 $0x0, s4;
	[sflag:s6] =	ssyncset.done $0x0  }
0xa0: {  	[sflag:s6] =	ssyncadd.s32 s4;
	_ =	sdelay $0x1  }
0xa1: {  	s23 =	simm.s32 $0x1B8B  }
0xa2: {  	_ =	swait.ge [sflag:s23], $0x1  }
0xa3: {  	[sflag:s23] =	ssyncset.done $0x0  }
0xa4: {  	[sflag:s23] =	ssyncadd.s32 $0xFFFFFFFF  }
0xa5: {  	s4 =	sld [smem:$0x0]  }
0xa6: {  	s5 =	sand.u32 $0xFFFFFFFE, s1  }
0xa7: {  	p0 =	sne.s32 s1, s5  }
0xa8: {  	s5 =	sshll.u32 @p0 s5, $0xE  }
0xa9: {  	s5 =	sadd.s32 @p0 $0x11B8D, s5;
	s6 =	sshll.u32 @p0 s4, $0x11  }
0xaa: {  	s5 =	sor.u32 @p0 s6, s5  }
0xab: {  	[sflag:s5] =	ssyncadd.remote.s32 @p0 $0x1;
	_ =	sdelay $0x1  }
0xac: {  	s5 =	simm.s32 @p0 $0x1B8D  }
0xad: {  	_ =	swait.eq @p0 [sflag:s5], $0x1  }
0xae: {  	[sflag:s5] =	ssyncadd.s32 @p0 $0xFFFFFFFF  }
0xaf: {  	s6 =	sshll.u32 @!p0 s1, $0xE  }
0xb0: {  	s6 =	sor.u32 @!p0 $0x4000, s6;
	s5 =	simm.s32 @!p0 $0x1B8D  }
0xb1: {  	s4 =	sshll.u32 @!p0 s4, $0x11;
	s6 =	sadd.s32 @!p0 $0x11B8D, s6;
	_ =	swait.eq @!p0 [sflag:s5], $0x1  }
0xb2: {  	s4 =	sor.u32 @!p0 s4, s6;
	[sflag:s5] =	ssyncadd.s32 @!p0 $0xFFFFFFFF  }
0xb3: {  	s25 =	simm.s32 $0x1B8E;
	s24 =	sld [smem:$0x3FFE];
	[sflag:s4] =	ssyncadd.remote.s32 @!p0 $0x1  }
0xb4: {  	s26 =	simm.s32 $execute0_lowered;
	[smem:$0x3FD2] =	sst s25  }
0xb5: {  	s5 =	sshll.u32 s26, $0x1;
	_ =	strace $0x80000049;
	[dreg:$0x1] =	wrdreg $0xFFFFFFFF  }
0xb6: {  	s28 =	simm.s32 $_size_execute0_lowered;
	s3 =	sadd.s32 s3, s5;
	[dreg:$0x0] =	wrdreg $0x0  }
0xb7: {  	s5 =	sshll.u32 s28, $0x1;
	[dreg:$0x2] =	wrdreg s3  }
0xb8: {  	[dreg:$0x3] =	wrdreg s5  }
0xb9: {  	[dreg:$0x4] =	wrdreg $0xC0  }
0xba: {  	_ =	task [dreg:s22], $0x5FFFF  }
0xbb: {  	[dreg:$0x1] =	wrdreg $0xFFFFFFFF  }
0xbc: {  	[dreg:$0x0] =	wrdreg $0x60  }
0xbd: {  	[dreg:$0x2] =	wrdreg s24  }
0xbe: {  	[dreg:$0x3] =	wrdreg $0xA  }
0xbf: {  	_ =	task.clear_ibuf [dreg:s22], $0x4FFFF;
	_ =	strace $0x90000049  }
0xc0: {  	s29 =	simm.s32 $0xA;
	_ =	strace $0x8000004B  }
0xc1: {  	_ =	swait.ge [sflag:s29], $0x1  }
0xc2: {  	[sflag:s29] =	ssyncadd.s32 $0xFFFFFFFF  }
0xc3: {  	_ =	strace $0x9000004B  }
0xc4: {  	_ =	sfence  }
0xc5: {  	s30 =	sld [smem:$0x0];
	_ =	sdelay $0x2  }
0xc6: {  	s31 =	sshll.u32 s1, $0xD;
	s1 =	sshrl.u32 s1, $0x2  }
0xc7: {  	s4 =	sand.u32 $0x4000, s31;
	s1 =	sadd.s32 s1, s30  }
0xc8: {  	s0 =	sor.u32 s4, s0;
	s1 =	sshll.u32 s1, $0x11  }
0xc9: {  	s0 =	sor.u32 s1, s0  }
0xca: {  	s0 =	sadd.s32 $0x8F2B, s0  }
0xcb: {  	[sflag:s0] =	ssyncadd.remote.s32 $0x1  }
0xcc: {  	_ =	sfence.sel $0xFFFF  }
0xcd: {  	[dreg:$0x0] =	wrdreg $0xFFFFFFFF;
	(pc) =	sbr.abs _section_cstart, $3  }
0xce: {  	[dreg:$0x1] =	wrdreg $0xFFFFFFFF  }
0xcf: {  	_ =	task.clear_ibuf [dreg:s22], $0x2FFFF;
	_ =	strace $0x9FFFFFFF  }
0xd0: {  	(tm) =	ssettm $0x7FFFFFFF  }
0xd1: {  	_ =	shalt  }
tec
execute0_lowered:
.L_overlay_start_1:
0x0: {  	(tag) =	ssettag $0x1  }
0x1: {  	s1 =	srdreg.scid;
	s0 =	stileid.u32  }
0x2: {  	s4 =	sand.u32 $0x1, s1;
	s2 =	sshll.u32 s0, $0x1  }
0x3: {  	s1 =	rddreg [dreg:$0x0];
	s3 =	sor.u32 s4, s2;
	s2 =	simm.s32 $0x0  }
0x4: {  	s20 =	simm.s32 $0x900;
	[smem:$0x7FF] =	sst s2  }
0x5: {  	s21 =	simm.s32 $0x1100;
	_ =	strace $0x8000004A;
	[dreg:$0x6] =	wrdreg s20  }
0x6: {  	s22 =	simm.s32 $0x1900;
	[dreg:$0x7] =	wrdreg s21  }
0x7: {  	s23 =	simm.s32 $0x2100;
	[dreg:$0x8] =	wrdreg s22  }
0x8: {  	s24 =	simm.s32 $0x2900;
	[dreg:$0x9] =	wrdreg s23  }
0x9: {  	s25 =	simm.s32 $0x3100;
	[dreg:$0xa] =	wrdreg s24  }
0xa: {  	s26 =	simm.s32 $0x3900;
	[dreg:$0xb] =	wrdreg s25  }
0xb: {  	s0 =	simm.s32 $0x4100;
	[dreg:$0xc] =	wrdreg s26  }
0xc: {  	s8 =	simm.s32 $0x6100;
	[dreg:$0xd] =	wrdreg s0  }
0xd: {  	s9 =	simm.s32 $0x6900;
	s10 =	simm.s32 $0x7100;
	[dreg:$0x11] =	wrdreg s8  }
0xe: {  	s11 =	simm.s32 $0x7900;
	s12 =	simm.s32 $0x8900;
	[dreg:$0x12] =	wrdreg s9  }
0xf: {  	s13 =	simm.s32 $0x9100;
	s14 =	simm.s32 $0x9900;
	[dreg:$0x13] =	wrdreg s10  }
0x10: {  	s15 =	simm.s32 $0xA100;
	s16 =	simm.s32 $0xA900;
	[dreg:$0x14] =	wrdreg s11  }
0x11: {  	s28 =	simm.s32 $0x2;
	s29 =	simm.s32 $0x3;
	[dreg:$0x15] =	wrdreg s12  }
0x12: {  	s30 =	simm.s32 $0x4;
	s31 =	simm.s32 $0x5;
	[dreg:$0x16] =	wrdreg s13  }
0x13: {  	s7 =	sadd.s32 $0xB7600, s1;
	s5 =	smul.u32 $0x18, s3;
	[dreg:$0x17] =	wrdreg s14  }
0x14: {  	s4 =	ssub.s32 $0x2, s4;
	s6 =	smul.u32 $0x18000, s3;
	[dreg:$0x18] =	wrdreg s15  }
0x15: {  	s3 =	smul.u32 $0x3000, s3;
	[dreg:$0x19] =	wrdreg s16;
	s20 =	simm.s32 $0xC100  }
0x16: {  	s21 =	simm.s32 $0xC900;
	s22 =	simm.s32 $0xD100;
	s23 =	simm.s32 $0xD900  }
0x17: {  	s24 =	simm.s32 $0xE100;
	s25 =	simm.s32 $0xE900;
	[dreg:$0x1c] =	wrdreg s20  }
0x18: {  	s8 =	simm.s32 $0x8100;
	s26 =	simm.s32 $0xF100;
	[dreg:$0x1d] =	wrdreg s21  }
0x19: {  	s10 =	simm.s32 $0x1;
	s11 =	simm.s32 $0x10100;
	[dreg:$0x1e] =	wrdreg s22  }
0x1a: {  	s12 =	simm.s32 $0x10900;
	s13 =	simm.s32 $0x11100;
	[dreg:$0x1f] =	wrdreg s23  }
0x1b: {  	s14 =	simm.s32 $0x11900;
	s15 =	simm.s32 $0x12100;
	[smem:$0x7FB] =	sst s24  }
0x1c: {  	s16 =	simm.s32 $0x12900;
	s5 =	sadd.s32 s5, s1;
	[smem:$0x7FC] =	sst s25  }
0x1d: {  	s6 =	sshrl.u32 s6, $0x3;
	s3 =	sadd.s32 s7, s3;
	[smem:$0x7FD] =	sst s26  }
0x1e: {  	s20 =	simm.s32 $0x14900;
	s21 =	simm.s32 $0x15100;
	s22 =	simm.s32 $0x15900  }
0x1f: {  	s23 =	simm.s32 $0x16100;
	s5 =	sadd.s32 $0xB7200, s5;
	[dreg:$0x3] =	wrdreg s3  }
0x20: {  	s17 =	sadd.s32 s7, s6;
	s6 =	simm.s32 $0x5100;
	[dreg:$0x2] =	wrdreg s5  }
0x21: {  	s24 =	simm.s32 $0x16900;
	s7 =	simm.s32 $0x5900;
	[dreg:$0xf] =	wrdreg s6  }
0x22: {  	s25 =	simm.s32 $0x17100;
	s18 =	sadd.s32 $0x1000, s17;
	[dreg:$0x10] =	wrdreg s7  }
0x23: {  	s26 =	simm.s32 $0x17900;
	s19 =	sadd.s32 $0x2000, s17;
	[dreg:$0x4] =	wrdreg s18  }
0x24: {  	s3 =	sadd.s32 $0x7000, s1;
	s5 =	simm.s32 $0x4900;
	[dreg:$0x5] =	wrdreg s19  }
0x25: {  	s17 =	simm.s32 $0xB100;
	s7 =	simm.s32 $0x100;
	[dreg:$0xe] =	wrdreg s5  }
0x26: {  	[dreg:$0x1a] =	wrdreg s17;
	s18 =	simm.s32 $0xB900;
	s19 =	sshrl.u32 s4, $0x1  }
0x27: {  	v2 =	vlaneseq.u32;
	s17 =	simm.s32 $0x13100;
	[dreg:$0x1b] =	wrdreg s18;
	s6 =	ssub.s32 s4, s19  }
0x28: {  	vm0 =	vmmov $0xffff;
	v1 =	vshrl.u32 v2, $0x3;
	s4 =	sadd.s32 $0x7100, s1;
	s18 =	simm.s32 $0x13900;
	s19 =	simm.s32 $0x14100  }
0x29: {  	v0 =	vand.u32 $0x7, v2;
	v2 =	vor.u32 $0x8, v2;
	v1 =	vmul.u32 $0x8, v1;
	s1 =	simm.s32 $0x6;
	s5 =	smax.u32 s6, $0x1;
	s6 =	simm.s32 $0x7  }
.LBB2_1:
0x2a: {  	s0 =	rddreg [dreg:$0x2]  }
0x2b: {  	[tilespmem:s2], [sflag:$0x7] =	stream.linear.gather [hbm4b:s0+s2], $0xC0, $0x38;
	[tilespmem:$0x18100] =	vst v63  }
0x2c: {  	_ =	swait.ge [sflag:s6], $0xC0  }
0x2d: {  	[sflag:s6] =	ssyncset.done $0x0  }
0x2e: {  	[sflag:s6] =	ssyncadd.s32 $0xFFFFFF40  }
0x2f: {  	v3 =	vld [tilespmem:$0x0];
	_ =	sdelay $0x4  }
0x30: {  	v4 =	vshll.u32 v3, $0x2  }
0x31: {  	v3 =	vand.u32 $0x7, v3;
	v4 =	vand.u32 $0xFFFFFFE0, v4  }
0x32: {  	v3 =	vor.u32 v3, v4  }
0x33: {  	v4 =	vperm.xlane v3, v0;
	_ =	sdelay $0x1  }
0x34: {  	v4 =	vadd.s32 v1, v4;
	_ =	sdelay $0x1  }
0x35: {  	v3 =	vperm.xlane v3, v2;
	_ =	sdelay $0x1  }
0x36: {  	v3 =	vadd.s32 v1, v3  }
0x37: {  	[tilespmem:s7], [sflag:$0x1] =	stream.indirect_vreg.gather [hbm4b:s3+s2], $0x80, v4, vm0, $0xb8;
	[tilespmem:$0x18100] =	vst v63  }
0x38: {  	s0 =	rddreg [dreg:$0x6]  }
0x39: {  	[tilespmem:s0], [sflag:$0x1] =	stream.indirect_vreg.gather [hbm4b:s4+s2], $0x80, v4, vm0, $0xb8;
	[tilespmem:$0x18100] =	vst v63  }
0x3a: {  	s9 =	rddreg [dreg:$0x7]  }
0x3b: {  	[tilespmem:s9], [sflag:$0x1] =	stream.indirect_vreg.gather [hbm4b:s3+s2], $0x80, v3, vm0, $0xb8;
	[tilespmem:$0x18100] =	vst v63  }
0x3c: {  	s0 =	rddreg [dreg:$0x8]  }
0x3d: {  	[tilespmem:s0], [sflag:$0x1] =	stream.indirect_vreg.gather [hbm4b:s4+s2], $0x80, v3, vm0, $0xb8;
	[tilespmem:$0x18100] =	vst v63  }
0x3e: {  	v3 =	vld [tilespmem:$0x10];
	_ =	sdelay $0x4  }
0x3f: {  	v53 =	vshll.u32 v3, $0x2  }
0x40: {  	v3 =	vand.u32 $0x7, v3;
	v4 =	vand.u32 $0xFFFFFFE0, v53  }
0x41: {  	v3 =	vor.u32 v3, v4  }
0x42: {  	v4 =	vperm.xlane v3, v0;
	_ =	sdelay $0x1  }
0x43: {  	v4 =	vadd.s32 v1, v4;
	_ =	sdelay $0x1  }
0x44: {  	v3 =	vperm.xlane v3, v2;
	_ =	sdelay $0x1  }
0x45: {  	s0 =	rddreg [dreg:$0x9];
	v3 =	vadd.s32 v1, v3  }
0x46: {  	[tilespmem:s0], [sflag:$0x1] =	stream.indirect_vreg.gather [hbm4b:s3+s2], $0x80, v4, vm0, $0xb8;
	[tilespmem:$0x18100] =	vst v63  }
0x47: {  	s9 =	rddreg [dreg:$0xa]  }
0x48: {  	[tilespmem:s9], [sflag:$0x1] =	stream.indirect_vreg.gather [hbm4b:s4+s2], $0x80, v4, vm0, $0xb8;
	[tilespmem:$0x18100] =	vst v63  }
0x49: {  	s0 =	rddreg [dreg:$0xb]  }
0x4a: {  	[tilespmem:s0], [sflag:$0x1] =	stream.indirect_vreg.gather [hbm4b:s3+s2], $0x80, v3, vm0, $0xb8;
	[tilespmem:$0x18100] =	vst v63  }
0x4b: {  	s9 =	rddreg [dreg:$0xc]  }
0x4c: {  	[tilespmem:s9], [sflag:$0x1] =	stream.indirect_vreg.gather [hbm4b:s4+s2], $0x80, v3, vm0, $0xb8;
	[tilespmem:$0x18100] =	vst v63  }
0x4d: {  	v3 =	vld [tilespmem:$0x20];
	_ =	sdelay $0x4  }
0x4e: {  	v54 =	vshll.u32 v3, $0x2  }
0x4f: {  	v3 =	vand.u32 $0x7, v3;
	v4 =	vand.u32 $0xFFFFFFE0, v54  }
0x50: {  	v3 =	vor.u32 v3, v4  }
0x51: {  	v4 =	vperm.xlane v3, v0;
	_ =	sdelay $0x1  }
0x52: {  	v4 =	vadd.s32 v1, v4;
	_ =	sdelay $0x1  }
0x53: {  	v3 =	vperm.xlane v3, v2;
	_ =	sdelay $0x1  }
0x54: {  	s0 =	rddreg [dreg:$0xd];
	v3 =	vadd.s32 v1, v3  }
0x55: {  	[tilespmem:s0], [sflag:$0x1] =	stream.indirect_vreg.gather [hbm4b:s3+s2], $0x80, v4, vm0, $0xb8;
	[tilespmem:$0x18100] =	vst v63  }
0x56: {  	s9 =	rddreg [dreg:$0xe]  }
0x57: {  	[tilespmem:s9], [sflag:$0x1] =	stream.indirect_vreg.gather [hbm4b:s4+s2], $0x80, v4, vm0, $0xb8;
	[tilespmem:$0x18100] =	vst v63  }
0x58: {  	s0 =	rddreg [dreg:$0xf]  }
0x59: {  	[tilespmem:s0], [sflag:$0x1] =	stream.indirect_vreg.gather [hbm4b:s3+s2], $0x80, v3, vm0, $0xb8;
	[tilespmem:$0x18100] =	vst v63  }
0x5a: {  	s9 =	rddreg [dreg:$0x10]  }
0x5b: {  	[tilespmem:s9], [sflag:$0x1] =	stream.indirect_vreg.gather [hbm4b:s4+s2], $0x80, v3, vm0, $0xb8;
	[tilespmem:$0x18100] =	vst v63  }
0x5c: {  	v3 =	vld [tilespmem:$0x30];
	_ =	sdelay $0x4  }
0x5d: {  	v55 =	vshll.u32 v3, $0x2  }
0x5e: {  	v3 =	vand.u32 $0x7, v3;
	v4 =	vand.u32 $0xFFFFFFE0, v55  }
0x5f: {  	v3 =	vor.u32 v3, v4  }
0x60: {  	v4 =	vperm.xlane v3, v0;
	_ =	sdelay $0x1  }
0x61: {  	v4 =	vadd.s32 v1, v4;
	_ =	sdelay $0x1  }
0x62: {  	v3 =	vperm.xlane v3, v2;
	_ =	sdelay $0x1  }
0x63: {  	s0 =	rddreg [dreg:$0x11];
	v3 =	vadd.s32 v1, v3  }
0x64: {  	[tilespmem:s0], [sflag:$0x1] =	stream.indirect_vreg.gather [hbm4b:s3+s2], $0x80, v4, vm0, $0xb8;
	[tilespmem:$0x18100] =	vst v63  }
0x65: {  	s9 =	rddreg [dreg:$0x12]  }
0x66: {  	[tilespmem:s9], [sflag:$0x1] =	stream.indirect_vreg.gather [hbm4b:s4+s2], $0x80, v4, vm0, $0xb8;
	[tilespmem:$0x18100] =	vst v63  }
0x67: {  	s0 =	rddreg [dreg:$0x13]  }
0x68: {  	[tilespmem:s0], [sflag:$0x1] =	stream.indirect_vreg.gather [hbm4b:s3+s2], $0x80, v3, vm0, $0xb8;
	[tilespmem:$0x18100] =	vst v63  }
0x69: {  	s9 =	rddreg [dreg:$0x14]  }
0x6a: {  	[tilespmem:s9], [sflag:$0x1] =	stream.indirect_vreg.gather [hbm4b:s4+s2], $0x80, v3, vm0, $0xb8;
	[tilespmem:$0x18100] =	vst v63  }
0x6b: {  	v3 =	vld [tilespmem:$0x40];
	_ =	sdelay $0x4  }
0x6c: {  	v56 =	vshll.u32 v3, $0x2  }
0x6d: {  	v3 =	vand.u32 $0x7, v3;
	v4 =	vand.u32 $0xFFFFFFE0, v56  }
0x6e: {  	v3 =	vor.u32 v3, v4  }
0x6f: {  	v4 =	vperm.xlane v3, v0;
	_ =	sdelay $0x1  }
0x70: {  	v4 =	vadd.s32 v1, v4;
	_ =	sdelay $0x1  }
0x71: {  	v3 =	vperm.xlane v3, v2;
	_ =	sdelay $0x1  }
0x72: {  	v3 =	vadd.s32 v1, v3  }
0x73: {  	[tilespmem:s8], [sflag:$0x2] =	stream.indirect_vreg.gather [hbm4b:s3+s2], $0x80, v4, vm0, $0xb8;
	[tilespmem:$0x18100] =	vst v63  }
0x74: {  	s0 =	rddreg [dreg:$0x15]  }
0x75: {  	[tilespmem:s0], [sflag:$0x2] =	stream.indirect_vreg.gather [hbm4b:s4+s2], $0x80, v4, vm0, $0xb8;
	[tilespmem:$0x18100] =	vst v63  }
0x76: {  	s9 =	rddreg [dreg:$0x16]  }
0x77: {  	[tilespmem:s9], [sflag:$0x2] =	stream.indirect_vreg.gather [hbm4b:s3+s2], $0x80, v3, vm0, $0xb8;
	[tilespmem:$0x18100] =	vst v63  }
0x78: {  	s0 =	rddreg [dreg:$0x17]  }
0x79: {  	[tilespmem:s0], [sflag:$0x2] =	stream.indirect_vreg.gather [hbm4b:s4+s2], $0x80, v3, vm0, $0xb8;
	[tilespmem:$0x18100] =	vst v63  }
0x7a: {  	v3 =	vld [tilespmem:$0x50];
	_ =	sdelay $0x4  }
0x7b: {  	v57 =	vshll.u32 v3, $0x2  }
0x7c: {  	v3 =	vand.u32 $0x7, v3;
	v4 =	vand.u32 $0xFFFFFFE0, v57  }
0x7d: {  	v3 =	vor.u32 v3, v4  }
0x7e: {  	v4 =	vperm.xlane v3, v0;
	_ =	sdelay $0x1  }
0x7f: {  	v4 =	vadd.s32 v1, v4;
	_ =	sdelay $0x1  }
0x80: {  	v3 =	vperm.xlane v3, v2;
	_ =	sdelay $0x1  }
0x81: {  	s0 =	rddreg [dreg:$0x18];
	v3 =	vadd.s32 v1, v3  }
0x82: {  	[tilespmem:s0], [sflag:$0x2] =	stream.indirect_vreg.gather [hbm4b:s3+s2], $0x80, v4, vm0, $0xb8;
	[tilespmem:$0x18100] =	vst v63  }
0x83: {  	s9 =	rddreg [dreg:$0x19]  }
0x84: {  	[tilespmem:s9], [sflag:$0x2] =	stream.indirect_vreg.gather [hbm4b:s4+s2], $0x80, v4, vm0, $0xb8;
	[tilespmem:$0x18100] =	vst v63  }
0x85: {  	s0 =	rddreg [dreg:$0x1a]  }
0x86: {  	[tilespmem:s0], [sflag:$0x2] =	stream.indirect_vreg.gather [hbm4b:s3+s2], $0x80, v3, vm0, $0xb8;
	[tilespmem:$0x18100] =	vst v63  }
0x87: {  	s9 =	rddreg [dreg:$0x1b]  }
0x88: {  	[tilespmem:s9], [sflag:$0x2] =	stream.indirect_vreg.gather [hbm4b:s4+s2], $0x80, v3, vm0, $0xb8;
	[tilespmem:$0x18100] =	vst v63  }
0x89: {  	v3 =	vld [tilespmem:$0x60];
	_ =	sdelay $0x4  }
0x8a: {  	v58 =	vshll.u32 v3, $0x2  }
0x8b: {  	v3 =	vand.u32 $0x7, v3;
	v4 =	vand.u32 $0xFFFFFFE0, v58  }
0x8c: {  	v3 =	vor.u32 v3, v4  }
0x8d: {  	v4 =	vperm.xlane v3, v0;
	_ =	sdelay $0x1  }
0x8e: {  	v4 =	vadd.s32 v1, v4;
	_ =	sdelay $0x1  }
0x8f: {  	v3 =	vperm.xlane v3, v2;
	_ =	sdelay $0x1  }
0x90: {  	s0 =	rddreg [dreg:$0x1c];
	v3 =	vadd.s32 v1, v3  }
0x91: {  	[tilespmem:s0], [sflag:$0x2] =	stream.indirect_vreg.gather [hbm4b:s3+s2], $0x80, v4, vm0, $0xb8;
	[tilespmem:$0x18100] =	vst v63  }
0x92: {  	s9 =	rddreg [dreg:$0x1d]  }
0x93: {  	[tilespmem:s9], [sflag:$0x2] =	stream.indirect_vreg.gather [hbm4b:s4+s2], $0x80, v4, vm0, $0xb8;
	[tilespmem:$0x18100] =	vst v63  }
0x94: {  	s0 =	rddreg [dreg:$0x1e]  }
0x95: {  	[tilespmem:s0], [sflag:$0x2] =	stream.indirect_vreg.gather [hbm4b:s3+s2], $0x80, v3, vm0, $0xb8;
	[tilespmem:$0x18100] =	vst v63  }
0x96: {  	s9 =	rddreg [dreg:$0x1f]  }
0x97: {  	[tilespmem:s9], [sflag:$0x2] =	stream.indirect_vreg.gather [hbm4b:s4+s2], $0x80, v3, vm0, $0xb8;
	[tilespmem:$0x18100] =	vst v63  }
0x98: {  	v3 =	vld [tilespmem:$0x70];
	_ =	sdelay $0x4  }
0x99: {  	v59 =	vshll.u32 v3, $0x2  }
0x9a: {  	v3 =	vand.u32 $0x7, v3;
	v4 =	vand.u32 $0xFFFFFFE0, v59  }
0x9b: {  	v3 =	vor.u32 v3, v4  }
0x9c: {  	v4 =	vperm.xlane v3, v0;
	_ =	sdelay $0x1  }
0x9d: {  	v4 =	vadd.s32 v1, v4;
	_ =	sdelay $0x1  }
0x9e: {  	s0 =	sld [smem:$0x7FB];
	v3 =	vperm.xlane v3, v2;
	_ =	sdelay $0x1  }
0x9f: {  	s9 =	sld [smem:$0x7FC];
	v3 =	vadd.s32 v1, v3  }
0xa0: {  	[tilespmem:s0], [sflag:$0x2] =	stream.indirect_vreg.gather [hbm4b:s3+s2], $0x80, v4, vm0, $0xb8;
	[tilespmem:$0x18100] =	vst v63  }
0xa1: {  	s0 =	sld [smem:$0x7FD]  }
0xa2: {  	[tilespmem:s9], [sflag:$0x2] =	stream.indirect_vreg.gather [hbm4b:s4+s2], $0x80, v4, vm0, $0xb8;
	[tilespmem:$0x18100] =	vst v63  }
0xa3: {  	_ = 	snop  }
0xa4: {  	[tilespmem:s0], [sflag:$0x2] =	stream.indirect_vreg.gather [hbm4b:s3+s2], $0x80, v3, vm0, $0xb8;
	[tilespmem:$0x18100] =	vst v63  }
0xa5: {  	s9 =	simm.s32 $0xF900  }
0xa6: {  	[tilespmem:s9], [sflag:$0x2] =	stream.indirect_vreg.gather [hbm4b:s4+s2], $0x80, v3, vm0, $0xb8;
	[tilespmem:$0x18100] =	vst v63  }
0xa7: {  	_ =	swait.ge [sflag:s10], $0x8000  }
0xa8: {  	[sflag:s10] =	ssyncset.done $0x0  }
0xa9: {  	s9 =	rddreg [dreg:$0x3];
	[sflag:s10] =	ssyncadd.s32 $0xFFFF8000  }
0xaa: {  	[hbm4b:s9+s2] =	stream.linear.scatter [tilespmem:s7], [sflag:$0x4], $0x8000, $0x38;
	[tilespmem:$0x18100] =	vst v63  }
0xab: {  	v3 =	vld [tilespmem:$0x80];
	_ =	sdelay $0x4  }
0xac: {  	v60 =	vshll.u32 v3, $0x2  }
0xad: {  	v3 =	vand.u32 $0x7, v3;
	v4 =	vand.u32 $0xFFFFFFE0, v60  }
0xae: {  	v3 =	vor.u32 v3, v4  }
0xaf: {  	v4 =	vperm.xlane v3, v0;
	_ =	sdelay $0x1  }
0xb0: {  	v4 =	vadd.s32 v1, v4;
	_ =	sdelay $0x1  }
0xb1: {  	v3 =	vperm.xlane v3, v2;
	_ =	sdelay $0x1  }
0xb2: {  	v3 =	vadd.s32 v1, v3  }
0xb3: {  	[tilespmem:s11], [sflag:$0x3] =	stream.indirect_vreg.gather [hbm4b:s3+s2], $0x80, v4, vm0, $0xb8;
	[tilespmem:$0x18100] =	vst v63  }
0xb4: {  	_ = 	snop  }
0xb5: {  	[tilespmem:s12], [sflag:$0x3] =	stream.indirect_vreg.gather [hbm4b:s4+s2], $0x80, v4, vm0, $0xb8;
	[tilespmem:$0x18100] =	vst v63  }
0xb6: {  	_ = 	snop  }
0xb7: {  	[tilespmem:s13], [sflag:$0x3] =	stream.indirect_vreg.gather [hbm4b:s3+s2], $0x80, v3, vm0, $0xb8;
	[tilespmem:$0x18100] =	vst v63  }
0xb8: {  	_ = 	snop  }
0xb9: {  	[tilespmem:s14], [sflag:$0x3] =	stream.indirect_vreg.gather [hbm4b:s4+s2], $0x80, v3, vm0, $0xb8;
	[tilespmem:$0x18100] =	vst v63  }
0xba: {  	v3 =	vld [tilespmem:$0x90];
	_ =	sdelay $0x4  }
0xbb: {  	v61 =	vshll.u32 v3, $0x2  }
0xbc: {  	v3 =	vand.u32 $0x7, v3;
	v4 =	vand.u32 $0xFFFFFFE0, v61  }
0xbd: {  	v3 =	vor.u32 v3, v4  }
0xbe: {  	v4 =	vperm.xlane v3, v0;
	_ =	sdelay $0x1  }
0xbf: {  	v4 =	vadd.s32 v1, v4;
	_ =	sdelay $0x1  }
0xc0: {  	v3 =	vperm.xlane v3, v2;
	_ =	sdelay $0x1  }
0xc1: {  	v3 =	vadd.s32 v1, v3  }
0xc2: {  	[tilespmem:s15], [sflag:$0x3] =	stream.indirect_vreg.gather [hbm4b:s3+s2], $0x80, v4, vm0, $0xb8;
	[tilespmem:$0x18100] =	vst v63  }
0xc3: {  	_ = 	snop  }
0xc4: {  	[tilespmem:s16], [sflag:$0x3] =	stream.indirect_vreg.gather [hbm4b:s4+s2], $0x80, v4, vm0, $0xb8;
	[tilespmem:$0x18100] =	vst v63  }
0xc5: {  	_ = 	snop  }
0xc6: {  	[tilespmem:s17], [sflag:$0x3] =	stream.indirect_vreg.gather [hbm4b:s3+s2], $0x80, v3, vm0, $0xb8;
	[tilespmem:$0x18100] =	vst v63  }
0xc7: {  	_ = 	snop  }
0xc8: {  	[tilespmem:s18], [sflag:$0x3] =	stream.indirect_vreg.gather [hbm4b:s4+s2], $0x80, v3, vm0, $0xb8;
	[tilespmem:$0x18100] =	vst v63  }
0xc9: {  	v3 =	vld [tilespmem:$0xA0];
	_ =	sdelay $0x4  }
0xca: {  	v62 =	vshll.u32 v3, $0x2  }
0xcb: {  	v3 =	vand.u32 $0x7, v3;
	v4 =	vand.u32 $0xFFFFFFE0, v62  }
0xcc: {  	v3 =	vor.u32 v3, v4  }
0xcd: {  	v4 =	vperm.xlane v3, v0;
	_ =	sdelay $0x1  }
0xce: {  	v4 =	vadd.s32 v1, v4;
	_ =	sdelay $0x1  }
0xcf: {  	v3 =	vperm.xlane v3, v2;
	_ =	sdelay $0x1  }
0xd0: {  	v3 =	vadd.s32 v1, v3  }
0xd1: {  	[tilespmem:s19], [sflag:$0x3] =	stream.indirect_vreg.gather [hbm4b:s3+s2], $0x80, v4, vm0, $0xb8;
	[tilespmem:$0x18100] =	vst v63  }
0xd2: {  	_ = 	snop  }
0xd3: {  	[tilespmem:s20], [sflag:$0x3] =	stream.indirect_vreg.gather [hbm4b:s4+s2], $0x80, v4, vm0, $0xb8;
	[tilespmem:$0x18100] =	vst v63  }
0xd4: {  	_ = 	snop  }
0xd5: {  	[tilespmem:s21], [sflag:$0x3] =	stream.indirect_vreg.gather [hbm4b:s3+s2], $0x80, v3, vm0, $0xb8;
	[tilespmem:$0x18100] =	vst v63  }
0xd6: {  	_ = 	snop  }
0xd7: {  	[tilespmem:s22], [sflag:$0x3] =	stream.indirect_vreg.gather [hbm4b:s4+s2], $0x80, v3, vm0, $0xb8;
	[tilespmem:$0x18100] =	vst v63  }
0xd8: {  	v3 =	vld [tilespmem:$0xB0];
	_ =	sdelay $0x4  }
0xd9: {  	v63 =	vshll.u32 v3, $0x2  }
0xda: {  	v3 =	vand.u32 $0x7, v3;
	v4 =	vand.u32 $0xFFFFFFE0, v63  }
0xdb: {  	v3 =	vor.u32 v3, v4  }
0xdc: {  	v4 =	vperm.xlane v3, v0;
	_ =	sdelay $0x1  }
0xdd: {  	v4 =	vadd.s32 v1, v4;
	_ =	sdelay $0x1  }
0xde: {  	v3 =	vperm.xlane v3, v2;
	_ =	sdelay $0x1  }
0xdf: {  	v3 =	vadd.s32 v1, v3  }
0xe0: {  	[tilespmem:s23], [sflag:$0x3] =	stream.indirect_vreg.gather [hbm4b:s3+s2], $0x80, v4, vm0, $0xb8;
	[tilespmem:$0x18100] =	vst v63  }
0xe1: {  	_ = 	snop  }
0xe2: {  	[tilespmem:s24], [sflag:$0x3] =	stream.indirect_vreg.gather [hbm4b:s4+s2], $0x80, v4, vm0, $0xb8;
	[tilespmem:$0x18100] =	vst v63  }
0xe3: {  	_ = 	snop  }
0xe4: {  	[tilespmem:s25], [sflag:$0x3] =	stream.indirect_vreg.gather [hbm4b:s3+s2], $0x80, v3, vm0, $0xb8;
	[tilespmem:$0x18100] =	vst v63  }
0xe5: {  	_ = 	snop  }
0xe6: {  	[tilespmem:s26], [sflag:$0x3] =	stream.indirect_vreg.gather [hbm4b:s4+s2], $0x80, v3, vm0, $0xb8;
	[tilespmem:$0x18100] =	vst v63  }
0xe7: {  	_ =	swait.ge [sflag:s28], $0x8000  }
0xe8: {  	[sflag:s28] =	ssyncset.done $0x0  }
0xe9: {  	s9 =	rddreg [dreg:$0x4];
	[sflag:s28] =	ssyncadd.s32 $0xFFFF8000  }
0xea: {  	[hbm4b:s9+s2] =	stream.linear.scatter [tilespmem:s8], [sflag:$0x5], $0x8000, $0x38;
	[tilespmem:$0x18100] =	vst v63  }
0xeb: {  	_ =	swait.ge [sflag:s29], $0x8000  }
0xec: {  	[sflag:s29] =	ssyncset.done $0x0  }
0xed: {  	s9 =	rddreg [dreg:$0x5];
	[sflag:s29] =	ssyncadd.s32 $0xFFFF8000  }
0xee: {  	[hbm4b:s9+s2] =	stream.linear.scatter [tilespmem:s11], [sflag:$0x6], $0x8000, $0x38;
	[tilespmem:$0x18100] =	vst v63  }
0xef: {  	_ =	swait.ge [sflag:s30], $0x8000  }
0xf0: {  	[sflag:s30] =	ssyncset.done $0x0  }
0xf1: {  	[sflag:s30] =	ssyncadd.s32 $0xFFFF8000  }
0xf2: {  	p0 =	sne.s32 s5, $0x1;
	_ =	swait.ge [sflag:s31], $0x8000  }
.Ltmp0:
0xf3: {  	[sflag:s31] =	ssyncset.done $0x0;
	(pc) =	sbr.rel @p0 .LBB2_1-.Ltmp0, $4  }
0xf4: {  	[sflag:s31] =	ssyncadd.s32 $0xFFFF8000  }
0xf5: {  	_ =	swait.ge [sflag:s1], $0x8000  }
0xf6: {  	[sflag:s1] =	ssyncset.done $0x0  }
0xf7: {  	s5 =	sadd.s32 $0xFFFFFFFF, s5;
	[sflag:s1] =	ssyncadd.s32 $0xFFFF8000  }
0xf8: {  	_ =	sfence.sel $0x180000  }
0xf9: {  	[bflag:$0x0] =	sbarrier.arrive $0xFFFF  }
0xfa: {  	_ =	strace $0x9000004A  }
0xfb: {  	s0 =	stileid.u32;
	[bflag:$0x2] =	sbarrier.arrive $0xFFFF  }
0xfc: {  	p0 =	sne.s32 s0, $0x0;
	s0 =	rddreg [dreg:$0x1]  }
0xfd: {  	s0 =	sadd.s32 @!p0 $0x100000, s0  }
0xfe: {  	[sflag:s0] =	ssyncadd.tile.s32 @!p0 $0x1;
	_ =	shalt  }
.Lfunc_end2:
_tile_overlayer_lowered:
.L_overlay_start_2:
0xff: {  	(tag) =	ssettag $0x2  }
0x100: {  	s0 =	rddreg [dreg:$0x0];
	s2 =	stileid.u32  }
0x101: {  	s1 =	rddreg [dreg:$0x1];
	p0 =	sne.s32 s2, $0x0  }
0x102: {  	s3 =	rddreg [dreg:$0x2];
	[bflag:$0x3] =	sbarrier.arrive $0xFFFF;
	s2 =	simm.s32 @!p0 $0x1C07  }
0x103: {  	[timem:s3], [sflag:s2] =	dma.local @!p0 [hbm:s0], s1  }
0x104: {  	s0 =	simm.s32 @!p0 $0x7  }
0x105: {  	_ =	swait.ge @!p0 [sflag:s0], s1  }
0x106: {  	s1 =	ssub.s32 @!p0 $0x0, s1;
	[sflag:s0] =	ssyncset.done @!p0 $0x0  }
0x107: {  	[sflag:s0] =	ssyncadd.s32 @!p0 s1  }
0x108: {  	[bflag:$0x3] =	sbarrier.arrive $0xFFFF  }
0x109: {  	_ =	shalt  }

// kernel: kernel.22.cloned.1.call-start
scs
__scs_entry_jumppad:
0x0: {  	(pc) =	sbr.rel $0x88, $3  }
0x1: {  	(tag) =	ssettag $0x0;
	lr =	simm.s32 $0x1  }
0x2: {  	[smem:$0x3F8F] =	sst lr;
	_ =	strace $0xD0000000  }
0x3: {  	_ = 	snop  }
0x4: {  	_ = 	snop  }
0x5: {  	_ = 	snop  }
0x6: {  	_ = 	snop  }
0x7: {  	_ = 	snop  }
__scs_overlays_trampoline_lowered:
0x8: {  	[smem:$0x3F9E] =	sst s0  }
0x9: {  	[smem:$0x3F9F] =	sst s1  }
0xa: {  	[smem:$0x3FA0] =	sst s2  }
0xb: {  	[smem:$0x3FA1] =	sst s3  }
0xc: {  	[smem:$0x3FA2] =	sst s4  }
0xd: {  	[smem:$0x3FA3] =	sst s5  }
0xe: {  	[smem:$0x3FA4] =	sst s6  }
0xf: {  	[smem:$0x3FA5] =	sst s7  }
0x10: {  	[smem:$0x3FA6] =	sst s8  }
0x11: {  	[smem:$0x3FA7] =	sst s9;
	s0 =	simm.s32 @!p0 $0x0  }
0x12: {  	s1 =	sld [smem:$0x3F8D];
	s0 =	simm.s32 @p0 $0x1  }
0x13: {  	[smem:$0x3FA8] =	sst s0;
	s0 =	simm.s32 @!p1 $0x0  }
0x14: {  	s2 =	sld [smem:$0x3F8C];
	s0 =	simm.s32 @p1 $0x1  }
0x15: {  	[smem:$0x3FA9] =	sst s0;
	s0 =	simm.s32 @!p2 $0x0  }
0x16: {  	s3 =	sld [smem:$0x3FDB];
	s0 =	simm.s32 @p2 $0x1  }
0x17: {  	s4 =	simm.s32 $0x1BF5;
	[smem:$0x3FAB] =	sst s0  }
0x18: {  	s0 =	sld [smem:$0x3F8E];
	_ =	swait.ge [sflag:s4], $0x0  }
0x19: {  	s7 =	sld [smem:$0x3F8F]  }
0x1a: {  	s8 =	sadd.s32 $0xFFFFE003, lr  }
0x1b: {  	s9 =	sadd.s32 $0xFFFFFEF7, lr;
	s5 =	simm.s32 $0xFFFFFFFF;
	p2 =	slt.u32 s8, $0xFFFFF086  }
0x1c: {  	p1 =	slt.u32 s9, $0xF7A;
	s5 =	simm.s32 @!p2 $0x0  }
0x1d: {  	s5 =	simm.s32 @p1 $0x1;
	p0 =	seq.s32 s7, s2  }
0x1e: {  	s7 =	smul.u32 @!p0 $0xF7A, s2;
	p2 =	seq.s32 @!p0 s5, $0x0  }
0x1f: {  	s9 =	smul.u32 $0xF7A, s1;
	s8 =	simm.s32 @!p0 $0x1BF5;
	p2 =	por !p2, p0  }
0x20: {  	[sflag:s8] =	ssyncset.s32 @!p0 $0xFFFFF086;
	s6 =	sadd.s32 @!p0 s3, s7;
	s7 =	simm.s32 @!p0 $0x108  }
0x21: {  	s3 =	sadd.s32 s3, s9;
	s6 =	sadd.s32 @!p0 $0x88, s6;
	s7 =	simm.s32 @p2 $0x1082  }
0x22: {  	[simem:s7], [sflag:s8] =	dma.local @!p0 [hbm:s6], $0xF7A  }
0x23: {  	s9 =	sor.u32 $0xD0000000, s2;
	s6 =	simm.s32 $0x108;
	_ =	swait.ge @!p0 [sflag:s8], $0x0  }
0x24: {  	s3 =	sadd.s32 $0x88, s3;
	s6 =	simm.s32 @!p1 $0x1082;
	[sflag:s4] =	ssyncset.s32 $0xFFFFF086  }
0x25: {  	[simem:s6], [sflag:s4] =	dma.local [hbm:s3], $0xF7A  }
0x26: {  	[smem:$0x3F8F] =	sst s1;
	(tag) =	ssettag s2;
	_ =	strace s9  }
0x27: {  	s1 =	sld [smem:$0x3F9F]  }
0x28: {  	s2 =	sld [smem:$0x3FA0]  }
0x29: {  	s4 =	sld [smem:$0x3FA2]  }
0x2a: {  	p0 =	seq.s32 s5, $0x0;
	s5 =	sld [smem:$0x3FA3]  }
0x2b: {  	s6 =	sld [smem:$0x3FA4]  }
0x2c: {  	s7 =	sld [smem:$0x3FA5]  }
0x2d: {  	s3 =	simm.s32 $0x108;
	s8 =	sld [smem:$0x3FA6]  }
0x2e: {  	s3 =	simm.s32 @!p0 $0x1082;
	s9 =	sld [smem:$0x3FA7]  }
0x2f: {  	lr =	sadd.s32 s0, s3;
	s0 =	sld [smem:$0x3F9E]  }
0x30: {  	s3 =	sld [smem:$0x3FA1]  }
0x31: {  	[smem:$0x3FAA] =	sst s10  }
0x32: {  	s10 =	sld [smem:$0x3FA8];
	_ =	sdelay $0x3  }
0x33: {  	p0 =	seq.s32 s10, $0x1;
	s10 =	sld [smem:$0x3FAA];
	_ =	sdelay $0x3  }
0x34: {  	[smem:$0x3FAA] =	sst s10  }
0x35: {  	s10 =	sld [smem:$0x3FA9];
	_ =	sdelay $0x3  }
0x36: {  	p1 =	seq.s32 s10, $0x1;
	s10 =	sld [smem:$0x3FAA];
	_ =	sdelay $0x3  }
0x37: {  	[smem:$0x3FAA] =	sst s10  }
0x38: {  	s10 =	sld [smem:$0x3FAB]  }
0x39: {  	_ = 	snop;
	(pc) =	sbr.ind lr, $3  }
0x3a: {  	_ = 	snop  }
0x3b: {  	_ = 	snop  }
0x3c: {  	p2 =	seq.s32 s10, $0x1;
	s10 =	sld [smem:$0x3FAA]  }
0x3d: {  	_ =	shalt  }
0x3e: {  	_ =	shalt  }
0x3f: {  	_ =	shalt  }
0x40: {  	_ =	shalt  }
0x41: {  	_ =	shalt  }
0x42: {  	_ =	shalt  }
0x43: {  	_ =	shalt  }
0x44: {  	_ =	shalt  }
0x45: {  	_ =	shalt  }
0x46: {  	_ =	shalt  }
0x47: {  	_ =	shalt  }
0x48: {  	_ =	shalt  }
0x49: {  	_ =	shalt  }
0x4a: {  	_ =	shalt  }
0x4b: {  	_ =	shalt  }
0x4c: {  	_ =	shalt  }
0x4d: {  	_ =	shalt  }
0x4e: {  	_ =	shalt  }
0x4f: {  	_ =	shalt  }
0x50: {  	_ =	shalt  }
0x51: {  	_ =	shalt  }
0x52: {  	_ =	shalt  }
0x53: {  	_ =	shalt  }
0x54: {  	_ =	shalt  }
0x55: {  	_ =	shalt  }
0x56: {  	_ =	shalt  }
0x57: {  	_ =	shalt  }
0x58: {  	_ =	shalt  }
0x59: {  	_ =	shalt  }
0x5a: {  	_ =	shalt  }
0x5b: {  	_ =	shalt  }
0x5c: {  	_ =	shalt  }
0x5d: {  	_ =	shalt  }
0x5e: {  	_ =	shalt  }
0x5f: {  	_ =	shalt  }
0x60: {  	_ =	shalt  }
0x61: {  	_ =	shalt  }
0x62: {  	_ =	shalt  }
0x63: {  	_ =	shalt  }
0x64: {  	_ =	shalt  }
0x65: {  	_ =	shalt  }
0x66: {  	_ =	shalt  }
0x67: {  	_ =	shalt  }
0x68: {  	_ =	shalt  }
0x69: {  	_ =	shalt  }
0x6a: {  	_ =	shalt  }
0x6b: {  	_ =	shalt  }
0x6c: {  	_ =	shalt  }
0x6d: {  	_ =	shalt  }
0x6e: {  	_ =	shalt  }
0x6f: {  	_ =	shalt  }
0x70: {  	_ =	shalt  }
0x71: {  	_ =	shalt  }
0x72: {  	_ =	shalt  }
0x73: {  	_ =	shalt  }
0x74: {  	_ =	shalt  }
0x75: {  	_ =	shalt  }
0x76: {  	_ =	shalt  }
0x77: {  	_ =	shalt  }
0x78: {  	_ =	shalt  }
0x79: {  	_ =	shalt  }
0x7a: {  	_ =	shalt  }
0x7b: {  	_ =	shalt  }
0x7c: {  	_ =	shalt  }
0x7d: {  	_ =	shalt  }
0x7e: {  	_ =	shalt  }
0x7f: {  	_ =	shalt  }
0x80: {  	_ =	shalt  }
0x81: {  	_ =	shalt  }
0x82: {  	_ =	shalt  }
0x83: {  	_ =	shalt  }
0x84: {  	_ =	shalt  }
0x85: {  	_ =	shalt  }
0x86: {  	_ =	shalt  }
0x87: {  	_ =	shalt  }
.Lfunc_end0:
.L_simem_size_0:
called_computation.2_lowered:
.L_overlay_start_0:
0x88: {  	s2 =	sld [smem:$0x3FD9]  }
0x89: {  	s3 =	sld [smem:$0x3FFE];
	_ =	sdelay $0x1  }
0x8a: {  	s1 =	srdreg.scid  }
0x8b: {  	s0 =	sand.u32 $0x1, s1  }
0x8c: {  	s17 =	sshll.u32 s0, $0xA;
	s2 =	sadd.s32 s3, s2  }
0x8d: {  	s2 =	sadd.s32 s2, s17  }
0x8e: {  	[smem:$0x3FB6] =	sst s2  }
0x8f: {  	_ = 	snop  }
0x90: {  	(tm) =	ssettm $0x1  }
0x91: {  	s18 =	sld [smem:$0x3FFB];
	_ =	sdelay $0x3  }
0x92: {  	_ =	strace s18  }
0x93: {  	s2 =	sld [smem:$0x3FFC];
	_ =	sdelay $0x3  }
0x94: {  	_ =	strace s2  }
0x95: {  	s2 =	sld [smem:$0x3FFD];
	_ =	sdelay $0x3  }
0x96: {  	_ =	strace s2  }
0x97: {  	_ =	strace $0x8FFFFFFF  }
0x98: {  	s19 =	sld [smem:$0x3FDB];
	_ =	sdelay $0x1  }
0x99: {  	s20 =	simm.s32 $_scs_section_size  }
0x9a: {  	s4 =	simm.s32 $_size__tile_overlayer_lowered;
	s5 =	simm.s32 $_tile_overlayer_lowered  }
0x9b: {  	s6 =	simm.s32 $0x1BFF;
	s21 =	sshll.u32 s5, $0x1;
	s3 =	sadd.s32 s20, s19  }
0x9c: {  	s22 =	simm.s32 $0x0;
	s4 =	sshll.u32 s4, $0x1;
	s5 =	sadd.s32 s21, s3  }
0x9d: {  	[timem:s22], [sflag:s6] =	dma.local [hbm:s5], s4  }
0x9e: {  	_ =	swait.ge [sflag:s6], s4  }
0x9f: {  	s4 =	ssub.s32 $0x0, s4;
	[sflag:s6] =	ssyncset.done $0x0  }
0xa0: {  	[sflag:s6] =	ssyncadd.s32 s4;
	_ =	sdelay $0x1  }
0xa1: {  	s23 =	simm.s32 $0x1B8B  }
0xa2: {  	_ =	swait.ge [sflag:s23], $0x1  }
0xa3: {  	[sflag:s23] =	ssyncset.done $0x0  }
0xa4: {  	[sflag:s23] =	ssyncadd.s32 $0xFFFFFFFF  }
0xa5: {  	s4 =	sld [smem:$0x0]  }
0xa6: {  	s5 =	sand.u32 $0xFFFFFFFE, s1  }
0xa7: {  	p0 =	sne.s32 s1, s5  }
0xa8: {  	s5 =	sshll.u32 @p0 s5, $0xE  }
0xa9: {  	s5 =	sadd.s32 @p0 $0x11B8D, s5;
	s6 =	sshll.u32 @p0 s4, $0x11  }
0xaa: {  	s5 =	sor.u32 @p0 s6, s5  }
0xab: {  	[sflag:s5] =	ssyncadd.remote.s32 @p0 $0x1;
	_ =	sdelay $0x1  }
0xac: {  	s5 =	simm.s32 @p0 $0x1B8D  }
0xad: {  	_ =	swait.eq @p0 [sflag:s5], $0x1  }
0xae: {  	[sflag:s5] =	ssyncadd.s32 @p0 $0xFFFFFFFF  }
0xaf: {  	s6 =	sshll.u32 @!p0 s1, $0xE  }
0xb0: {  	s6 =	sor.u32 @!p0 $0x4000, s6;
	s5 =	simm.s32 @!p0 $0x1B8D  }
0xb1: {  	s4 =	sshll.u32 @!p0 s4, $0x11;
	s6 =	sadd.s32 @!p0 $0x11B8D, s6;
	_ =	swait.eq @!p0 [sflag:s5], $0x1  }
0xb2: {  	s4 =	sor.u32 @!p0 s4, s6;
	[sflag:s5] =	ssyncadd.s32 @!p0 $0xFFFFFFFF  }
0xb3: {  	s25 =	simm.s32 $0x1B8E;
	s24 =	sld [smem:$0x3FFE];
	[sflag:s4] =	ssyncadd.remote.s32 @!p0 $0x1  }
0xb4: {  	s26 =	simm.s32 $execute0_lowered;
	[smem:$0x3FD2] =	sst s25  }
0xb5: {  	s5 =	sshll.u32 s26, $0x1;
	_ =	strace $0x8000004C;
	[dreg:$0x1] =	wrdreg $0xFFFFFFFF  }
0xb6: {  	s28 =	simm.s32 $_size_execute0_lowered;
	s3 =	sadd.s32 s3, s5;
	[dreg:$0x0] =	wrdreg $0x0  }
0xb7: {  	s5 =	sshll.u32 s28, $0x1;
	[dreg:$0x2] =	wrdreg s3  }
0xb8: {  	[dreg:$0x3] =	wrdreg s5  }
0xb9: {  	[dreg:$0x4] =	wrdreg $0xC0  }
0xba: {  	_ =	task [dreg:s22], $0x5FFFF  }
0xbb: {  	[dreg:$0x1] =	wrdreg $0xFFFFFFFF  }
0xbc: {  	[dreg:$0x0] =	wrdreg $0x60  }
0xbd: {  	[dreg:$0x2] =	wrdreg s24  }
0xbe: {  	[dreg:$0x3] =	wrdreg $0xB  }
0xbf: {  	_ =	task.clear_ibuf [dreg:s22], $0x4FFFF;
	_ =	strace $0x9000004C  }
0xc0: {  	s29 =	simm.s32 $0xB;
	_ =	strace $0x8000004E  }
0xc1: {  	_ =	swait.ge [sflag:s29], $0x1  }
0xc2: {  	[sflag:s29] =	ssyncadd.s32 $0xFFFFFFFF  }
0xc3: {  	_ =	strace $0x9000004E  }
0xc4: {  	_ =	sfence  }
0xc5: {  	s30 =	sld [smem:$0x0];
	_ =	sdelay $0x2  }
0xc6: {  	s31 =	sshll.u32 s1, $0xD;
	s1 =	sshrl.u32 s1, $0x2  }
0xc7: {  	s4 =	sand.u32 $0x4000, s31;
	s1 =	sadd.s32 s1, s30  }
0xc8: {  	s0 =	sor.u32 s4, s0;
	s1 =	sshll.u32 s1, $0x11  }
0xc9: {  	s0 =	sor.u32 s1, s0  }
0xca: {  	s0 =	sadd.s32 $0x8F2B, s0  }
0xcb: {  	[sflag:s0] =	ssyncadd.remote.s32 $0x1  }
0xcc: {  	_ =	sfence.sel $0xFFFF  }
0xcd: {  	[dreg:$0x0] =	wrdreg $0xFFFFFFFF;
	(pc) =	sbr.abs _section_cstart, $3  }
0xce: {  	[dreg:$0x1] =	wrdreg $0xFFFFFFFF  }
0xcf: {  	_ =	task.clear_ibuf [dreg:s22], $0x2FFFF;
	_ =	strace $0x9FFFFFFF  }
0xd0: {  	(tm) =	ssettm $0x7FFFFFFF  }
0xd1: {  	_ =	shalt  }
tec
execute0_lowered:
.L_overlay_start_1:
0x0: {  	(tag) =	ssettag $0x1  }
0x1: {  	s0 =	srdreg.scid  }
0x2: {  	s1 =	stileid.u32;
	s4 =	rddreg [dreg:$0x0]  }
0x3: {  	s2 =	simm.s32 $0x0;
	s7 =	simm.s32 $0x2;
	s19 =	simm.s32 $0x180  }
0x4: {  	s28 =	simm.s32 $0x1180;
	s29 =	simm.s32 $0x1980;
	s30 =	simm.s32 $0x2180  }
0x5: {  	s31 =	simm.s32 $0x2980;
	s8 =	simm.s32 $0x3180;
	s9 =	simm.s32 $0x3980  }
0x6: {  	s10 =	simm.s32 $0x4180;
	s11 =	simm.s32 $0x4980;
	s12 =	simm.s32 $0x5180  }
0x7: {  	s13 =	simm.s32 $0x5980;
	s0 =	sand.u32 $0x1, s0;
	s1 =	sshll.u32 s1, $0x1  }
0x8: {  	s14 =	simm.s32 $0x6980;
	s15 =	simm.s32 $0x7180;
	s1 =	sor.u32 s0, s1  }
0x9: {  	s16 =	simm.s32 $0x7980;
	s17 =	simm.s32 $0x8180;
	s3 =	smul.u32 $0x24, s1  }
0xa: {  	s18 =	simm.s32 $0x8980;
	s20 =	simm.s32 $0x1;
	s5 =	smul.u32 $0x24000, s1  }
0xb: {  	[smem:$0x7FF] =	sst s2;
	s0 =	ssub.s32 $0x2, s0;
	s1 =	smul.u32 $0x4800, s1  }
0xc: {  	s6 =	sadd.s32 $0x117C00, s4;
	_ =	strace $0x8000004D;
	s23 =	sshrl.u32 s0, $0x1  }
0xd: {  	s3 =	sadd.s32 s3, s4;
	s5 =	sshrl.u32 s5, $0x3;
	s1 =	sadd.s32 s6, s1  }
0xe: {  	s3 =	sadd.s32 $0x117600, s3;
	s5 =	sadd.s32 s6, s5;
	[dreg:$0x3] =	wrdreg s1  }
0xf: {  	s0 =	ssub.s32 s0, s23;
	[dreg:$0x2] =	wrdreg s3;
	s21 =	sadd.s32 $0xC00, s5  }
0x10: {  	s23 =	simm.s32 $0x5;
	s22 =	sadd.s32 $0x1800, s5;
	[dreg:$0x4] =	wrdreg s21  }
0x11: {  	s3 =	sadd.s32 $0x7000, s4;
	s24 =	sadd.s32 $0x2400, s5;
	[dreg:$0x5] =	wrdreg s22  }
0x12: {  	s25 =	sadd.s32 $0x3000, s5;
	s4 =	sadd.s32 $0x7100, s4;
	[dreg:$0x6] =	wrdreg s24  }
0x13: {  	v2 =	vlaneseq.u32;
	s26 =	sadd.s32 $0x3C00, s5;
	s5 =	smax.u32 s0, $0x1;
	[dreg:$0x7] =	wrdreg s25  }
0x14: {  	vm0 =	vmmov $0xffff;
	v1 =	vshrl.u32 v2, $0x3;
	s0 =	simm.s32 $0x6180;
	[dreg:$0x8] =	wrdreg s26;
	s21 =	simm.s32 $0x4  }
0x15: {  	v0 =	vand.u32 $0x7, v2;
	v2 =	vor.u32 $0x8, v2;
	v1 =	vmul.u32 $0x8, v1;
	s22 =	simm.s32 $0x3;
	s24 =	simm.s32 $0x6;
	s26 =	simm.s32 $0x980  }
.LBB2_1:
0x16: {  	s25 =	rddreg [dreg:$0x2];
	s6 =	simm.s32 $0x7  }
0x17: {  	[tilespmem:s2], [sflag:$0x7] =	stream.linear.gather [hbm4b:s25+s2], $0x120, $0x38;
	[tilespmem:$0x12180] =	vst v63  }
0x18: {  	_ =	swait.ge [sflag:s6], $0x120  }
0x19: {  	[sflag:s6] =	ssyncset.done $0x0  }
0x1a: {  	[sflag:s6] =	ssyncadd.s32 $0xFFFFFEE0  }
0x1b: {  	v3 =	vld [tilespmem:$0x0];
	_ =	sdelay $0x4  }
0x1c: {  	v4 =	vshll.u32 v3, $0x2  }
0x1d: {  	v3 =	vand.u32 $0x7, v3;
	v4 =	vand.u32 $0xFFFFFFE0, v4  }
0x1e: {  	v3 =	vor.u32 v3, v4  }
0x1f: {  	v4 =	vperm.xlane v3, v0;
	_ =	sdelay $0x1  }
0x20: {  	v4 =	vadd.s32 v1, v4;
	_ =	sdelay $0x1  }
0x21: {  	v3 =	vperm.xlane v3, v2;
	_ =	sdelay $0x1  }
0x22: {  	v3 =	vadd.s32 v1, v3  }
0x23: {  	[tilespmem:s19], [sflag:$0x1] =	stream.indirect_vreg.gather [hbm4b:s3+s2], $0x80, v4, vm0, $0xb8;
	[tilespmem:$0x12180] =	vst v63  }
0x24: {  	_ = 	snop  }
0x25: {  	[tilespmem:s26], [sflag:$0x1] =	stream.indirect_vreg.gather [hbm4b:s4+s2], $0x80, v4, vm0, $0xb8;
	[tilespmem:$0x12180] =	vst v63  }
0x26: {  	_ = 	snop  }
0x27: {  	[tilespmem:s28], [sflag:$0x1] =	stream.indirect_vreg.gather [hbm4b:s3+s2], $0x80, v3, vm0, $0xb8;
	[tilespmem:$0x12180] =	vst v63  }
0x28: {  	_ = 	snop  }
0x29: {  	[tilespmem:s29], [sflag:$0x1] =	stream.indirect_vreg.gather [hbm4b:s4+s2], $0x80, v3, vm0, $0xb8;
	[tilespmem:$0x12180] =	vst v63  }
0x2a: {  	v3 =	vld [tilespmem:$0x10];
	_ =	sdelay $0x4  }
0x2b: {  	v47 =	vshll.u32 v3, $0x2  }
0x2c: {  	v3 =	vand.u32 $0x7, v3;
	v4 =	vand.u32 $0xFFFFFFE0, v47  }
0x2d: {  	v3 =	vor.u32 v3, v4  }
0x2e: {  	v4 =	vperm.xlane v3, v0;
	_ =	sdelay $0x1  }
0x2f: {  	v4 =	vadd.s32 v1, v4;
	_ =	sdelay $0x1  }
0x30: {  	v3 =	vperm.xlane v3, v2;
	_ =	sdelay $0x1  }
0x31: {  	v3 =	vadd.s32 v1, v3  }
0x32: {  	[tilespmem:s30], [sflag:$0x1] =	stream.indirect_vreg.gather [hbm4b:s3+s2], $0x80, v4, vm0, $0xb8;
	[tilespmem:$0x12180] =	vst v63  }
0x33: {  	_ = 	snop  }
0x34: {  	[tilespmem:s31], [sflag:$0x1] =	stream.indirect_vreg.gather [hbm4b:s4+s2], $0x80, v4, vm0, $0xb8;
	[tilespmem:$0x12180] =	vst v63  }
0x35: {  	_ = 	snop  }
0x36: {  	[tilespmem:s8], [sflag:$0x1] =	stream.indirect_vreg.gather [hbm4b:s3+s2], $0x80, v3, vm0, $0xb8;
	[tilespmem:$0x12180] =	vst v63  }
0x37: {  	_ = 	snop  }
0x38: {  	[tilespmem:s9], [sflag:$0x1] =	stream.indirect_vreg.gather [hbm4b:s4+s2], $0x80, v3, vm0, $0xb8;
	[tilespmem:$0x12180] =	vst v63  }
0x39: {  	v3 =	vld [tilespmem:$0x20];
	_ =	sdelay $0x4  }
0x3a: {  	v48 =	vshll.u32 v3, $0x2  }
0x3b: {  	v3 =	vand.u32 $0x7, v3;
	v4 =	vand.u32 $0xFFFFFFE0, v48  }
0x3c: {  	v3 =	vor.u32 v3, v4  }
0x3d: {  	v4 =	vperm.xlane v3, v0;
	_ =	sdelay $0x1  }
0x3e: {  	v4 =	vadd.s32 v1, v4;
	_ =	sdelay $0x1  }
0x3f: {  	v3 =	vperm.xlane v3, v2;
	_ =	sdelay $0x1  }
0x40: {  	v3 =	vadd.s32 v1, v3  }
0x41: {  	[tilespmem:s10], [sflag:$0x1] =	stream.indirect_vreg.gather [hbm4b:s3+s2], $0x80, v4, vm0, $0xb8;
	[tilespmem:$0x12180] =	vst v63  }
0x42: {  	_ = 	snop  }
0x43: {  	[tilespmem:s11], [sflag:$0x1] =	stream.indirect_vreg.gather [hbm4b:s4+s2], $0x80, v4, vm0, $0xb8;
	[tilespmem:$0x12180] =	vst v63  }
0x44: {  	_ = 	snop  }
0x45: {  	[tilespmem:s12], [sflag:$0x1] =	stream.indirect_vreg.gather [hbm4b:s3+s2], $0x80, v3, vm0, $0xb8;
	[tilespmem:$0x12180] =	vst v63  }
0x46: {  	_ = 	snop  }
0x47: {  	[tilespmem:s13], [sflag:$0x1] =	stream.indirect_vreg.gather [hbm4b:s4+s2], $0x80, v3, vm0, $0xb8;
	[tilespmem:$0x12180] =	vst v63  }
0x48: {  	v3 =	vld [tilespmem:$0x30];
	_ =	sdelay $0x4  }
0x49: {  	v49 =	vshll.u32 v3, $0x2  }
0x4a: {  	v3 =	vand.u32 $0x7, v3;
	v4 =	vand.u32 $0xFFFFFFE0, v49  }
0x4b: {  	v3 =	vor.u32 v3, v4  }
0x4c: {  	v4 =	vperm.xlane v3, v0;
	_ =	sdelay $0x1  }
0x4d: {  	v4 =	vadd.s32 v1, v4;
	_ =	sdelay $0x1  }
0x4e: {  	v3 =	vperm.xlane v3, v2;
	_ =	sdelay $0x1  }
0x4f: {  	v3 =	vadd.s32 v1, v3  }
0x50: {  	[tilespmem:s0], [sflag:$0x2] =	stream.indirect_vreg.gather [hbm4b:s3+s2], $0x80, v4, vm0, $0xb8;
	[tilespmem:$0x12180] =	vst v63  }
0x51: {  	_ = 	snop  }
0x52: {  	[tilespmem:s14], [sflag:$0x2] =	stream.indirect_vreg.gather [hbm4b:s4+s2], $0x80, v4, vm0, $0xb8;
	[tilespmem:$0x12180] =	vst v63  }
0x53: {  	_ = 	snop  }
0x54: {  	[tilespmem:s15], [sflag:$0x2] =	stream.indirect_vreg.gather [hbm4b:s3+s2], $0x80, v3, vm0, $0xb8;
	[tilespmem:$0x12180] =	vst v63  }
0x55: {  	_ = 	snop  }
0x56: {  	[tilespmem:s16], [sflag:$0x2] =	stream.indirect_vreg.gather [hbm4b:s4+s2], $0x80, v3, vm0, $0xb8;
	[tilespmem:$0x12180] =	vst v63  }
0x57: {  	v3 =	vld [tilespmem:$0x40];
	_ =	sdelay $0x4  }
0x58: {  	v50 =	vshll.u32 v3, $0x2  }
0x59: {  	v3 =	vand.u32 $0x7, v3;
	v4 =	vand.u32 $0xFFFFFFE0, v50  }
0x5a: {  	v3 =	vor.u32 v3, v4  }
0x5b: {  	v4 =	vperm.xlane v3, v0;
	_ =	sdelay $0x1  }
0x5c: {  	v4 =	vadd.s32 v1, v4;
	_ =	sdelay $0x1  }
0x5d: {  	v3 =	vperm.xlane v3, v2;
	_ =	sdelay $0x1  }
0x5e: {  	v3 =	vadd.s32 v1, v3  }
0x5f: {  	[tilespmem:s17], [sflag:$0x2] =	stream.indirect_vreg.gather [hbm4b:s3+s2], $0x80, v4, vm0, $0xb8;
	[tilespmem:$0x12180] =	vst v63  }
0x60: {  	_ = 	snop  }
0x61: {  	[tilespmem:s18], [sflag:$0x2] =	stream.indirect_vreg.gather [hbm4b:s4+s2], $0x80, v4, vm0, $0xb8;
	[tilespmem:$0x12180] =	vst v63  }
0x62: {  	s6 =	simm.s32 $0x9180  }
0x63: {  	[tilespmem:s6], [sflag:$0x2] =	stream.indirect_vreg.gather [hbm4b:s3+s2], $0x80, v3, vm0, $0xb8;
	[tilespmem:$0x12180] =	vst v63  }
0x64: {  	s1 =	simm.s32 $0x9980  }
0x65: {  	[tilespmem:s1], [sflag:$0x2] =	stream.indirect_vreg.gather [hbm4b:s4+s2], $0x80, v3, vm0, $0xb8;
	[tilespmem:$0x12180] =	vst v63  }
0x66: {  	v3 =	vld [tilespmem:$0x50];
	_ =	sdelay $0x4  }
0x67: {  	v51 =	vshll.u32 v3, $0x2  }
0x68: {  	v3 =	vand.u32 $0x7, v3;
	v4 =	vand.u32 $0xFFFFFFE0, v51  }
0x69: {  	v3 =	vor.u32 v3, v4  }
0x6a: {  	v4 =	vperm.xlane v3, v0;
	_ =	sdelay $0x1  }
0x6b: {  	v4 =	vadd.s32 v1, v4;
	_ =	sdelay $0x1  }
0x6c: {  	v3 =	vperm.xlane v3, v2;
	_ =	sdelay $0x1  }
0x6d: {  	s25 =	simm.s32 $0xA180;
	v3 =	vadd.s32 v1, v3  }
0x6e: {  	[tilespmem:s25], [sflag:$0x2] =	stream.indirect_vreg.gather [hbm4b:s3+s2], $0x80, v4, vm0, $0xb8;
	[tilespmem:$0x12180] =	vst v63  }
0x6f: {  	s25 =	simm.s32 $0xA980  }
0x70: {  	[tilespmem:s25], [sflag:$0x2] =	stream.indirect_vreg.gather [hbm4b:s4+s2], $0x80, v4, vm0, $0xb8;
	[tilespmem:$0x12180] =	vst v63  }
0x71: {  	s25 =	simm.s32 $0xB180  }
0x72: {  	[tilespmem:s25], [sflag:$0x2] =	stream.indirect_vreg.gather [hbm4b:s3+s2], $0x80, v3, vm0, $0xb8;
	[tilespmem:$0x12180] =	vst v63  }
0x73: {  	s25 =	simm.s32 $0xB980  }
0x74: {  	[tilespmem:s25], [sflag:$0x2] =	stream.indirect_vreg.gather [hbm4b:s4+s2], $0x80, v3, vm0, $0xb8;
	[tilespmem:$0x12180] =	vst v63  }
0x75: {  	_ =	swait.ge [sflag:s20], $0x6000  }
0x76: {  	[sflag:s20] =	ssyncset.done $0x0  }
0x77: {  	s1 =	rddreg [dreg:$0x3];
	[sflag:s20] =	ssyncadd.s32 $0xFFFFA000  }
0x78: {  	[hbm4b:s1+s2] =	stream.linear.scatter [tilespmem:s19], [sflag:$0x4], $0x6000, $0x38;
	[tilespmem:$0x12180] =	vst v63  }
0x79: {  	v3 =	vld [tilespmem:$0x60];
	_ =	sdelay $0x4  }
0x7a: {  	v52 =	vshll.u32 v3, $0x2  }
0x7b: {  	v3 =	vand.u32 $0x7, v3;
	v4 =	vand.u32 $0xFFFFFFE0, v52  }
0x7c: {  	v3 =	vor.u32 v3, v4  }
0x7d: {  	v4 =	vperm.xlane v3, v0;
	_ =	sdelay $0x1  }
0x7e: {  	v4 =	vadd.s32 v1, v4;
	_ =	sdelay $0x1  }
0x7f: {  	v3 =	vperm.xlane v3, v2;
	_ =	sdelay $0x1  }
0x80: {  	s1 =	simm.s32 $0xC180;
	v3 =	vadd.s32 v1, v3  }
0x81: {  	[tilespmem:s1], [sflag:$0x3] =	stream.indirect_vreg.gather [hbm4b:s3+s2], $0x80, v4, vm0, $0xb8;
	[tilespmem:$0x12180] =	vst v63  }
0x82: {  	s25 =	simm.s32 $0xC980  }
0x83: {  	[tilespmem:s25], [sflag:$0x3] =	stream.indirect_vreg.gather [hbm4b:s4+s2], $0x80, v4, vm0, $0xb8;
	[tilespmem:$0x12180] =	vst v63  }
0x84: {  	s25 =	simm.s32 $0xD180  }
0x85: {  	[tilespmem:s25], [sflag:$0x3] =	stream.indirect_vreg.gather [hbm4b:s3+s2], $0x80, v3, vm0, $0xb8;
	[tilespmem:$0x12180] =	vst v63  }
0x86: {  	s25 =	simm.s32 $0xD980  }
0x87: {  	[tilespmem:s25], [sflag:$0x3] =	stream.indirect_vreg.gather [hbm4b:s4+s2], $0x80, v3, vm0, $0xb8;
	[tilespmem:$0x12180] =	vst v63  }
0x88: {  	v3 =	vld [tilespmem:$0x70];
	_ =	sdelay $0x4  }
0x89: {  	v53 =	vshll.u32 v3, $0x2  }
0x8a: {  	v3 =	vand.u32 $0x7, v3;
	v4 =	vand.u32 $0xFFFFFFE0, v53  }
0x8b: {  	v3 =	vor.u32 v3, v4  }
0x8c: {  	v4 =	vperm.xlane v3, v0;
	_ =	sdelay $0x1  }
0x8d: {  	v4 =	vadd.s32 v1, v4;
	_ =	sdelay $0x1  }
0x8e: {  	v3 =	vperm.xlane v3, v2;
	_ =	sdelay $0x1  }
0x8f: {  	s25 =	simm.s32 $0xE180;
	v3 =	vadd.s32 v1, v3  }
0x90: {  	[tilespmem:s25], [sflag:$0x3] =	stream.indirect_vreg.gather [hbm4b:s3+s2], $0x80, v4, vm0, $0xb8;
	[tilespmem:$0x12180] =	vst v63  }
0x91: {  	s25 =	simm.s32 $0xE980  }
0x92: {  	[tilespmem:s25], [sflag:$0x3] =	stream.indirect_vreg.gather [hbm4b:s4+s2], $0x80, v4, vm0, $0xb8;
	[tilespmem:$0x12180] =	vst v63  }
0x93: {  	s25 =	simm.s32 $0xF180  }
0x94: {  	[tilespmem:s25], [sflag:$0x3] =	stream.indirect_vreg.gather [hbm4b:s3+s2], $0x80, v3, vm0, $0xb8;
	[tilespmem:$0x12180] =	vst v63  }
0x95: {  	s25 =	simm.s32 $0xF980  }
0x96: {  	[tilespmem:s25], [sflag:$0x3] =	stream.indirect_vreg.gather [hbm4b:s4+s2], $0x80, v3, vm0, $0xb8;
	[tilespmem:$0x12180] =	vst v63  }
0x97: {  	v3 =	vld [tilespmem:$0x80];
	_ =	sdelay $0x4  }
0x98: {  	v54 =	vshll.u32 v3, $0x2  }
0x99: {  	v3 =	vand.u32 $0x7, v3;
	v4 =	vand.u32 $0xFFFFFFE0, v54  }
0x9a: {  	v3 =	vor.u32 v3, v4  }
0x9b: {  	v4 =	vperm.xlane v3, v0;
	_ =	sdelay $0x1  }
0x9c: {  	v4 =	vadd.s32 v1, v4;
	_ =	sdelay $0x1  }
0x9d: {  	v3 =	vperm.xlane v3, v2;
	_ =	sdelay $0x1  }
0x9e: {  	s25 =	simm.s32 $0x10180;
	v3 =	vadd.s32 v1, v3  }
0x9f: {  	[tilespmem:s25], [sflag:$0x3] =	stream.indirect_vreg.gather [hbm4b:s3+s2], $0x80, v4, vm0, $0xb8;
	[tilespmem:$0x12180] =	vst v63  }
0xa0: {  	s25 =	simm.s32 $0x10980  }
0xa1: {  	[tilespmem:s25], [sflag:$0x3] =	stream.indirect_vreg.gather [hbm4b:s4+s2], $0x80, v4, vm0, $0xb8;
	[tilespmem:$0x12180] =	vst v63  }
0xa2: {  	s25 =	simm.s32 $0x11180  }
0xa3: {  	[tilespmem:s25], [sflag:$0x3] =	stream.indirect_vreg.gather [hbm4b:s3+s2], $0x80, v3, vm0, $0xb8;
	[tilespmem:$0x12180] =	vst v63  }
0xa4: {  	s25 =	simm.s32 $0x11980  }
0xa5: {  	[tilespmem:s25], [sflag:$0x3] =	stream.indirect_vreg.gather [hbm4b:s4+s2], $0x80, v3, vm0, $0xb8;
	[tilespmem:$0x12180] =	vst v63  }
0xa6: {  	_ =	swait.ge [sflag:s7], $0x6000  }
0xa7: {  	[sflag:s7] =	ssyncset.done $0x0  }
0xa8: {  	s25 =	rddreg [dreg:$0x4];
	[sflag:s7] =	ssyncadd.s32 $0xFFFFA000  }
0xa9: {  	[hbm4b:s25+s2] =	stream.linear.scatter [tilespmem:s0], [sflag:$0x5], $0x6000, $0x38;
	[tilespmem:$0x12180] =	vst v63  }
0xaa: {  	_ =	swait.ge [sflag:s21], $0x6000  }
0xab: {  	[sflag:s21] =	ssyncset.done $0x0  }
0xac: {  	[sflag:s21] =	ssyncadd.s32 $0xFFFFA000  }
0xad: {  	v3 =	vld [tilespmem:$0x90];
	_ =	sdelay $0x4  }
0xae: {  	v55 =	vshll.u32 v3, $0x2  }
0xaf: {  	v3 =	vand.u32 $0x7, v3;
	v4 =	vand.u32 $0xFFFFFFE0, v55  }
0xb0: {  	v3 =	vor.u32 v3, v4  }
0xb1: {  	v4 =	vperm.xlane v3, v0;
	_ =	sdelay $0x1  }
0xb2: {  	v4 =	vadd.s32 v1, v4;
	_ =	sdelay $0x1  }
0xb3: {  	v3 =	vperm.xlane v3, v2;
	_ =	sdelay $0x1  }
0xb4: {  	v3 =	vadd.s32 v1, v3  }
0xb5: {  	[tilespmem:s19], [sflag:$0x1] =	stream.indirect_vreg.gather [hbm4b:s3+s2], $0x80, v4, vm0, $0xb8;
	[tilespmem:$0x12180] =	vst v63  }
0xb6: {  	_ = 	snop  }
0xb7: {  	[tilespmem:s26], [sflag:$0x1] =	stream.indirect_vreg.gather [hbm4b:s4+s2], $0x80, v4, vm0, $0xb8;
	[tilespmem:$0x12180] =	vst v63  }
0xb8: {  	_ = 	snop  }
0xb9: {  	[tilespmem:s28], [sflag:$0x1] =	stream.indirect_vreg.gather [hbm4b:s3+s2], $0x80, v3, vm0, $0xb8;
	[tilespmem:$0x12180] =	vst v63  }
0xba: {  	_ = 	snop  }
0xbb: {  	[tilespmem:s29], [sflag:$0x1] =	stream.indirect_vreg.gather [hbm4b:s4+s2], $0x80, v3, vm0, $0xb8;
	[tilespmem:$0x12180] =	vst v63  }
0xbc: {  	v3 =	vld [tilespmem:$0xA0];
	_ =	sdelay $0x4  }
0xbd: {  	v56 =	vshll.u32 v3, $0x2  }
0xbe: {  	v3 =	vand.u32 $0x7, v3;
	v4 =	vand.u32 $0xFFFFFFE0, v56  }
0xbf: {  	v3 =	vor.u32 v3, v4  }
0xc0: {  	v4 =	vperm.xlane v3, v0;
	_ =	sdelay $0x1  }
0xc1: {  	v4 =	vadd.s32 v1, v4;
	_ =	sdelay $0x1  }
0xc2: {  	v3 =	vperm.xlane v3, v2;
	_ =	sdelay $0x1  }
0xc3: {  	v3 =	vadd.s32 v1, v3  }
0xc4: {  	[tilespmem:s30], [sflag:$0x1] =	stream.indirect_vreg.gather [hbm4b:s3+s2], $0x80, v4, vm0, $0xb8;
	[tilespmem:$0x12180] =	vst v63  }
0xc5: {  	_ = 	snop  }
0xc6: {  	[tilespmem:s31], [sflag:$0x1] =	stream.indirect_vreg.gather [hbm4b:s4+s2], $0x80, v4, vm0, $0xb8;
	[tilespmem:$0x12180] =	vst v63  }
0xc7: {  	_ = 	snop  }
0xc8: {  	[tilespmem:s8], [sflag:$0x1] =	stream.indirect_vreg.gather [hbm4b:s3+s2], $0x80, v3, vm0, $0xb8;
	[tilespmem:$0x12180] =	vst v63  }
0xc9: {  	_ = 	snop  }
0xca: {  	[tilespmem:s9], [sflag:$0x1] =	stream.indirect_vreg.gather [hbm4b:s4+s2], $0x80, v3, vm0, $0xb8;
	[tilespmem:$0x12180] =	vst v63  }
0xcb: {  	v3 =	vld [tilespmem:$0xB0];
	_ =	sdelay $0x4  }
0xcc: {  	v57 =	vshll.u32 v3, $0x2  }
0xcd: {  	v3 =	vand.u32 $0x7, v3;
	v4 =	vand.u32 $0xFFFFFFE0, v57  }
0xce: {  	v3 =	vor.u32 v3, v4  }
0xcf: {  	v4 =	vperm.xlane v3, v0;
	_ =	sdelay $0x1  }
0xd0: {  	v4 =	vadd.s32 v1, v4;
	_ =	sdelay $0x1  }
0xd1: {  	v3 =	vperm.xlane v3, v2;
	_ =	sdelay $0x1  }
0xd2: {  	v3 =	vadd.s32 v1, v3  }
0xd3: {  	[tilespmem:s10], [sflag:$0x1] =	stream.indirect_vreg.gather [hbm4b:s3+s2], $0x80, v4, vm0, $0xb8;
	[tilespmem:$0x12180] =	vst v63  }
0xd4: {  	_ = 	snop  }
0xd5: {  	[tilespmem:s11], [sflag:$0x1] =	stream.indirect_vreg.gather [hbm4b:s4+s2], $0x80, v4, vm0, $0xb8;
	[tilespmem:$0x12180] =	vst v63  }
0xd6: {  	_ = 	snop  }
0xd7: {  	[tilespmem:s12], [sflag:$0x1] =	stream.indirect_vreg.gather [hbm4b:s3+s2], $0x80, v3, vm0, $0xb8;
	[tilespmem:$0x12180] =	vst v63  }
0xd8: {  	_ = 	snop  }
0xd9: {  	[tilespmem:s13], [sflag:$0x1] =	stream.indirect_vreg.gather [hbm4b:s4+s2], $0x80, v3, vm0, $0xb8;
	[tilespmem:$0x12180] =	vst v63  }
0xda: {  	_ =	swait.ge [sflag:s22], $0x6000  }
0xdb: {  	[sflag:s22] =	ssyncset.done $0x0  }
0xdc: {  	s25 =	rddreg [dreg:$0x5];
	[sflag:s22] =	ssyncadd.s32 $0xFFFFA000  }
0xdd: {  	[hbm4b:s25+s2] =	stream.linear.scatter [tilespmem:s1], [sflag:$0x6], $0x6000, $0x38;
	[tilespmem:$0x12180] =	vst v63  }
0xde: {  	_ =	swait.ge [sflag:s23], $0x6000  }
0xdf: {  	[sflag:s23] =	ssyncset.done $0x0  }
0xe0: {  	[sflag:s23] =	ssyncadd.s32 $0xFFFFA000  }
0xe1: {  	v3 =	vld [tilespmem:$0xC0];
	_ =	sdelay $0x4  }
0xe2: {  	v58 =	vshll.u32 v3, $0x2  }
0xe3: {  	v3 =	vand.u32 $0x7, v3;
	v4 =	vand.u32 $0xFFFFFFE0, v58  }
0xe4: {  	v3 =	vor.u32 v3, v4  }
0xe5: {  	v4 =	vperm.xlane v3, v0;
	_ =	sdelay $0x1  }
0xe6: {  	v4 =	vadd.s32 v1, v4;
	_ =	sdelay $0x1  }
0xe7: {  	v3 =	vperm.xlane v3, v2;
	_ =	sdelay $0x1  }
0xe8: {  	v3 =	vadd.s32 v1, v3  }
0xe9: {  	[tilespmem:s0], [sflag:$0x2] =	stream.indirect_vreg.gather [hbm4b:s3+s2], $0x80, v4, vm0, $0xb8;
	[tilespmem:$0x12180] =	vst v63  }
0xea: {  	_ = 	snop  }
0xeb: {  	[tilespmem:s14], [sflag:$0x2] =	stream.indirect_vreg.gather [hbm4b:s4+s2], $0x80, v4, vm0, $0xb8;
	[tilespmem:$0x12180] =	vst v63  }
0xec: {  	_ = 	snop  }
0xed: {  	[tilespmem:s15], [sflag:$0x2] =	stream.indirect_vreg.gather [hbm4b:s3+s2], $0x80, v3, vm0, $0xb8;
	[tilespmem:$0x12180] =	vst v63  }
0xee: {  	_ = 	snop  }
0xef: {  	[tilespmem:s16], [sflag:$0x2] =	stream.indirect_vreg.gather [hbm4b:s4+s2], $0x80, v3, vm0, $0xb8;
	[tilespmem:$0x12180] =	vst v63  }
0xf0: {  	v3 =	vld [tilespmem:$0xD0];
	_ =	sdelay $0x4  }
0xf1: {  	v59 =	vshll.u32 v3, $0x2  }
0xf2: {  	v3 =	vand.u32 $0x7, v3;
	v4 =	vand.u32 $0xFFFFFFE0, v59  }
0xf3: {  	v3 =	vor.u32 v3, v4  }
0xf4: {  	v4 =	vperm.xlane v3, v0;
	_ =	sdelay $0x1  }
0xf5: {  	v4 =	vadd.s32 v1, v4;
	_ =	sdelay $0x1  }
0xf6: {  	v3 =	vperm.xlane v3, v2;
	_ =	sdelay $0x1  }
0xf7: {  	v3 =	vadd.s32 v1, v3  }
0xf8: {  	[tilespmem:s17], [sflag:$0x2] =	stream.indirect_vreg.gather [hbm4b:s3+s2], $0x80, v4, vm0, $0xb8;
	[tilespmem:$0x12180] =	vst v63  }
0xf9: {  	_ = 	snop  }
0xfa: {  	[tilespmem:s18], [sflag:$0x2] =	stream.indirect_vreg.gather [hbm4b:s4+s2], $0x80, v4, vm0, $0xb8;
	[tilespmem:$0x12180] =	vst v63  }
0xfb: {  	_ = 	snop  }
0xfc: {  	[tilespmem:s6], [sflag:$0x2] =	stream.indirect_vreg.gather [hbm4b:s3+s2], $0x80, v3, vm0, $0xb8;
	[tilespmem:$0x12180] =	vst v63  }
0xfd: {  	s25 =	simm.s32 $0x9980  }
0xfe: {  	[tilespmem:s25], [sflag:$0x2] =	stream.indirect_vreg.gather [hbm4b:s4+s2], $0x80, v3, vm0, $0xb8;
	[tilespmem:$0x12180] =	vst v63  }
0xff: {  	v3 =	vld [tilespmem:$0xE0];
	_ =	sdelay $0x4  }
0x100: {  	v60 =	vshll.u32 v3, $0x2  }
0x101: {  	v3 =	vand.u32 $0x7, v3;
	v4 =	vand.u32 $0xFFFFFFE0, v60  }
0x102: {  	v3 =	vor.u32 v3, v4  }
0x103: {  	v4 =	vperm.xlane v3, v0;
	_ =	sdelay $0x1  }
0x104: {  	v4 =	vadd.s32 v1, v4;
	_ =	sdelay $0x1  }
0x105: {  	v3 =	vperm.xlane v3, v2;
	_ =	sdelay $0x1  }
0x106: {  	s25 =	simm.s32 $0xA180;
	v3 =	vadd.s32 v1, v3  }
0x107: {  	[tilespmem:s25], [sflag:$0x2] =	stream.indirect_vreg.gather [hbm4b:s3+s2], $0x80, v4, vm0, $0xb8;
	[tilespmem:$0x12180] =	vst v63  }
0x108: {  	s25 =	simm.s32 $0xA980  }
0x109: {  	[tilespmem:s25], [sflag:$0x2] =	stream.indirect_vreg.gather [hbm4b:s4+s2], $0x80, v4, vm0, $0xb8;
	[tilespmem:$0x12180] =	vst v63  }
0x10a: {  	s25 =	simm.s32 $0xB180  }
0x10b: {  	[tilespmem:s25], [sflag:$0x2] =	stream.indirect_vreg.gather [hbm4b:s3+s2], $0x80, v3, vm0, $0xb8;
	[tilespmem:$0x12180] =	vst v63  }
0x10c: {  	s25 =	simm.s32 $0xB980  }
0x10d: {  	[tilespmem:s25], [sflag:$0x2] =	stream.indirect_vreg.gather [hbm4b:s4+s2], $0x80, v3, vm0, $0xb8;
	[tilespmem:$0x12180] =	vst v63  }
0x10e: {  	_ =	swait.ge [sflag:s20], $0x6000  }
0x10f: {  	[sflag:s20] =	ssyncset.done $0x0  }
0x110: {  	s6 =	rddreg [dreg:$0x6];
	[sflag:s20] =	ssyncadd.s32 $0xFFFFA000  }
0x111: {  	[hbm4b:s6+s2] =	stream.linear.scatter [tilespmem:s19], [sflag:$0x4], $0x6000, $0x38;
	[tilespmem:$0x12180] =	vst v63  }
0x112: {  	_ =	swait.ge [sflag:s24], $0x6000  }
0x113: {  	[sflag:s24] =	ssyncset.done $0x0  }
0x114: {  	[sflag:s24] =	ssyncadd.s32 $0xFFFFA000  }
0x115: {  	v3 =	vld [tilespmem:$0xF0];
	_ =	sdelay $0x4  }
0x116: {  	v61 =	vshll.u32 v3, $0x2  }
0x117: {  	v3 =	vand.u32 $0x7, v3;
	v4 =	vand.u32 $0xFFFFFFE0, v61  }
0x118: {  	v3 =	vor.u32 v3, v4  }
0x119: {  	v4 =	vperm.xlane v3, v0;
	_ =	sdelay $0x1  }
0x11a: {  	v4 =	vadd.s32 v1, v4;
	_ =	sdelay $0x1  }
0x11b: {  	v3 =	vperm.xlane v3, v2;
	_ =	sdelay $0x1  }
0x11c: {  	v3 =	vadd.s32 v1, v3  }
0x11d: {  	[tilespmem:s1], [sflag:$0x3] =	stream.indirect_vreg.gather [hbm4b:s3+s2], $0x80, v4, vm0, $0xb8;
	[tilespmem:$0x12180] =	vst v63  }
0x11e: {  	s25 =	simm.s32 $0xC980  }
0x11f: {  	[tilespmem:s25], [sflag:$0x3] =	stream.indirect_vreg.gather [hbm4b:s4+s2], $0x80, v4, vm0, $0xb8;
	[tilespmem:$0x12180] =	vst v63  }
0x120: {  	s25 =	simm.s32 $0xD180  }
0x121: {  	[tilespmem:s25], [sflag:$0x3] =	stream.indirect_vreg.gather [hbm4b:s3+s2], $0x80, v3, vm0, $0xb8;
	[tilespmem:$0x12180] =	vst v63  }
0x122: {  	s25 =	simm.s32 $0xD980  }
0x123: {  	[tilespmem:s25], [sflag:$0x3] =	stream.indirect_vreg.gather [hbm4b:s4+s2], $0x80, v3, vm0, $0xb8;
	[tilespmem:$0x12180] =	vst v63  }
0x124: {  	v3 =	vld [tilespmem:$0x100];
	_ =	sdelay $0x4  }
0x125: {  	v62 =	vshll.u32 v3, $0x2  }
0x126: {  	v3 =	vand.u32 $0x7, v3;
	v4 =	vand.u32 $0xFFFFFFE0, v62  }
0x127: {  	v3 =	vor.u32 v3, v4  }
0x128: {  	v4 =	vperm.xlane v3, v0;
	_ =	sdelay $0x1  }
0x129: {  	v4 =	vadd.s32 v1, v4;
	_ =	sdelay $0x1  }
0x12a: {  	v3 =	vperm.xlane v3, v2;
	_ =	sdelay $0x1  }
0x12b: {  	s25 =	simm.s32 $0xE180;
	v3 =	vadd.s32 v1, v3  }
0x12c: {  	[tilespmem:s25], [sflag:$0x3] =	stream.indirect_vreg.gather [hbm4b:s3+s2], $0x80, v4, vm0, $0xb8;
	[tilespmem:$0x12180] =	vst v63  }
0x12d: {  	s25 =	simm.s32 $0xE980  }
0x12e: {  	[tilespmem:s25], [sflag:$0x3] =	stream.indirect_vreg.gather [hbm4b:s4+s2], $0x80, v4, vm0, $0xb8;
	[tilespmem:$0x12180] =	vst v63  }
0x12f: {  	s25 =	simm.s32 $0xF180  }
0x130: {  	[tilespmem:s25], [sflag:$0x3] =	stream.indirect_vreg.gather [hbm4b:s3+s2], $0x80, v3, vm0, $0xb8;
	[tilespmem:$0x12180] =	vst v63  }
0x131: {  	s25 =	simm.s32 $0xF980  }
0x132: {  	[tilespmem:s25], [sflag:$0x3] =	stream.indirect_vreg.gather [hbm4b:s4+s2], $0x80, v3, vm0, $0xb8;
	[tilespmem:$0x12180] =	vst v63  }
0x133: {  	v3 =	vld [tilespmem:$0x110];
	_ =	sdelay $0x4  }
0x134: {  	v63 =	vshll.u32 v3, $0x2  }
0x135: {  	v3 =	vand.u32 $0x7, v3;
	v4 =	vand.u32 $0xFFFFFFE0, v63  }
0x136: {  	v3 =	vor.u32 v3, v4  }
0x137: {  	v4 =	vperm.xlane v3, v0;
	_ =	sdelay $0x1  }
0x138: {  	v4 =	vadd.s32 v1, v4;
	_ =	sdelay $0x1  }
0x139: {  	v3 =	vperm.xlane v3, v2;
	_ =	sdelay $0x1  }
0x13a: {  	s25 =	simm.s32 $0x10180;
	v3 =	vadd.s32 v1, v3  }
0x13b: {  	[tilespmem:s25], [sflag:$0x3] =	stream.indirect_vreg.gather [hbm4b:s3+s2], $0x80, v4, vm0, $0xb8;
	[tilespmem:$0x12180] =	vst v63  }
0x13c: {  	s25 =	simm.s32 $0x10980  }
0x13d: {  	[tilespmem:s25], [sflag:$0x3] =	stream.indirect_vreg.gather [hbm4b:s4+s2], $0x80, v4, vm0, $0xb8;
	[tilespmem:$0x12180] =	vst v63  }
0x13e: {  	s25 =	simm.s32 $0x11180  }
0x13f: {  	[tilespmem:s25], [sflag:$0x3] =	stream.indirect_vreg.gather [hbm4b:s3+s2], $0x80, v3, vm0, $0xb8;
	[tilespmem:$0x12180] =	vst v63  }
0x140: {  	s25 =	simm.s32 $0x11980  }
0x141: {  	[tilespmem:s25], [sflag:$0x3] =	stream.indirect_vreg.gather [hbm4b:s4+s2], $0x80, v3, vm0, $0xb8;
	[tilespmem:$0x12180] =	vst v63  }
0x142: {  	_ =	swait.ge [sflag:s7], $0x6000  }
0x143: {  	[sflag:s7] =	ssyncset.done $0x0  }
0x144: {  	s6 =	rddreg [dreg:$0x7];
	[sflag:s7] =	ssyncadd.s32 $0xFFFFA000  }
0x145: {  	[hbm4b:s6+s2] =	stream.linear.scatter [tilespmem:s0], [sflag:$0x5], $0x6000, $0x38;
	[tilespmem:$0x12180] =	vst v63  }
0x146: {  	_ =	swait.ge [sflag:s22], $0x6000  }
0x147: {  	[sflag:s22] =	ssyncset.done $0x0  }
0x148: {  	s6 =	rddreg [dreg:$0x8];
	[sflag:s22] =	ssyncadd.s32 $0xFFFFA000  }
0x149: {  	[hbm4b:s6+s2] =	stream.linear.scatter [tilespmem:s1], [sflag:$0x6], $0x6000, $0x38;
	[tilespmem:$0x12180] =	vst v63  }
0x14a: {  	_ =	swait.ge [sflag:s21], $0x6000  }
0x14b: {  	[sflag:s21] =	ssyncset.done $0x0  }
0x14c: {  	[sflag:s21] =	ssyncadd.s32 $0xFFFFA000  }
0x14d: {  	p0 =	sne.s32 s5, $0x1;
	_ =	swait.ge [sflag:s23], $0x6000  }
.Ltmp0:
0x14e: {  	[sflag:s23] =	ssyncset.done $0x0;
	(pc) =	sbr.rel @p0 .LBB2_1-.Ltmp0, $4  }
0x14f: {  	[sflag:s23] =	ssyncadd.s32 $0xFFFFA000  }
0x150: {  	_ =	swait.ge [sflag:s24], $0x6000  }
0x151: {  	[sflag:s24] =	ssyncset.done $0x0  }
0x152: {  	s5 =	sadd.s32 $0xFFFFFFFF, s5;
	[sflag:s24] =	ssyncadd.s32 $0xFFFFA000  }
0x153: {  	_ =	sfence.sel $0x180000  }
0x154: {  	[bflag:$0x0] =	sbarrier.arrive $0xFFFF  }
0x155: {  	_ =	strace $0x9000004D  }
0x156: {  	s0 =	stileid.u32;
	[bflag:$0x2] =	sbarrier.arrive $0xFFFF  }
0x157: {  	p0 =	sne.s32 s0, $0x0;
	s0 =	rddreg [dreg:$0x1]  }
0x158: {  	s0 =	sadd.s32 @!p0 $0x100000, s0  }
0x159: {  	[sflag:s0] =	ssyncadd.tile.s32 @!p0 $0x1;
	_ =	shalt  }
.Lfunc_end2:
_tile_overlayer_lowered:
.L_overlay_start_2:
0x15a: {  	(tag) =	ssettag $0x2  }
0x15b: {  	s0 =	rddreg [dreg:$0x0];
	s2 =	stileid.u32  }
0x15c: {  	s1 =	rddreg [dreg:$0x1];
	p0 =	sne.s32 s2, $0x0  }
0x15d: {  	s3 =	rddreg [dreg:$0x2];
	[bflag:$0x3] =	sbarrier.arrive $0xFFFF;
	s2 =	simm.s32 @!p0 $0x1C07  }
0x15e: {  	[timem:s3], [sflag:s2] =	dma.local @!p0 [hbm:s0], s1  }
0x15f: {  	s0 =	simm.s32 @!p0 $0x7  }
0x160: {  	_ =	swait.ge @!p0 [sflag:s0], s1  }
0x161: {  	s1 =	ssub.s32 @!p0 $0x0, s1;
	[sflag:s0] =	ssyncset.done @!p0 $0x0  }
0x162: {  	[sflag:s0] =	ssyncadd.s32 @!p0 s1  }
0x163: {  	[bflag:$0x3] =	sbarrier.arrive $0xFFFF  }
0x164: {  	_ =	shalt  }

// kernel: kernel.25.cloned.1.call-start
scs
__scs_entry_jumppad:
0x0: {  	(pc) =	sbr.rel $0x88, $3  }
0x1: {  	(tag) =	ssettag $0x0;
	lr =	simm.s32 $0x1  }
0x2: {  	[smem:$0x3F8F] =	sst lr;
	_ =	strace $0xD0000000  }
0x3: {  	_ = 	snop  }
0x4: {  	_ = 	snop  }
0x5: {  	_ = 	snop  }
0x6: {  	_ = 	snop  }
0x7: {  	_ = 	snop  }
__scs_overlays_trampoline_lowered:
0x8: {  	[smem:$0x3F9E] =	sst s0  }
0x9: {  	[smem:$0x3F9F] =	sst s1  }
0xa: {  	[smem:$0x3FA0] =	sst s2  }
0xb: {  	[smem:$0x3FA1] =	sst s3  }
0xc: {  	[smem:$0x3FA2] =	sst s4  }
0xd: {  	[smem:$0x3FA3] =	sst s5  }
0xe: {  	[smem:$0x3FA4] =	sst s6  }
0xf: {  	[smem:$0x3FA5] =	sst s7  }
0x10: {  	[smem:$0x3FA6] =	sst s8  }
0x11: {  	[smem:$0x3FA7] =	sst s9;
	s0 =	simm.s32 @!p0 $0x0  }
0x12: {  	s1 =	sld [smem:$0x3F8D];
	s0 =	simm.s32 @p0 $0x1  }
0x13: {  	[smem:$0x3FA8] =	sst s0;
	s0 =	simm.s32 @!p1 $0x0  }
0x14: {  	s2 =	sld [smem:$0x3F8C];
	s0 =	simm.s32 @p1 $0x1  }
0x15: {  	[smem:$0x3FA9] =	sst s0;
	s0 =	simm.s32 @!p2 $0x0  }
0x16: {  	s3 =	sld [smem:$0x3FDB];
	s0 =	simm.s32 @p2 $0x1  }
0x17: {  	s4 =	simm.s32 $0x1BF5;
	[smem:$0x3FAB] =	sst s0  }
0x18: {  	s0 =	sld [smem:$0x3F8E];
	_ =	swait.ge [sflag:s4], $0x0  }
0x19: {  	s7 =	sld [smem:$0x3F8F]  }
0x1a: {  	s8 =	sadd.s32 $0xFFFFE003, lr  }
0x1b: {  	s9 =	sadd.s32 $0xFFFFFEF7, lr;
	s5 =	simm.s32 $0xFFFFFFFF;
	p2 =	slt.u32 s8, $0xFFFFF086  }
0x1c: {  	p1 =	slt.u32 s9, $0xF7A;
	s5 =	simm.s32 @!p2 $0x0  }
0x1d: {  	s5 =	simm.s32 @p1 $0x1;
	p0 =	seq.s32 s7, s2  }
0x1e: {  	s7 =	smul.u32 @!p0 $0xF7A, s2;
	p2 =	seq.s32 @!p0 s5, $0x0  }
0x1f: {  	s9 =	smul.u32 $0xF7A, s1;
	s8 =	simm.s32 @!p0 $0x1BF5;
	p2 =	por !p2, p0  }
0x20: {  	[sflag:s8] =	ssyncset.s32 @!p0 $0xFFFFF086;
	s6 =	sadd.s32 @!p0 s3, s7;
	s7 =	simm.s32 @!p0 $0x108  }
0x21: {  	s3 =	sadd.s32 s3, s9;
	s6 =	sadd.s32 @!p0 $0x88, s6;
	s7 =	simm.s32 @p2 $0x1082  }
0x22: {  	[simem:s7], [sflag:s8] =	dma.local @!p0 [hbm:s6], $0xF7A  }
0x23: {  	s9 =	sor.u32 $0xD0000000, s2;
	s6 =	simm.s32 $0x108;
	_ =	swait.ge @!p0 [sflag:s8], $0x0  }
0x24: {  	s3 =	sadd.s32 $0x88, s3;
	s6 =	simm.s32 @!p1 $0x1082;
	[sflag:s4] =	ssyncset.s32 $0xFFFFF086  }
0x25: {  	[simem:s6], [sflag:s4] =	dma.local [hbm:s3], $0xF7A  }
0x26: {  	[smem:$0x3F8F] =	sst s1;
	(tag) =	ssettag s2;
	_ =	strace s9  }
0x27: {  	s1 =	sld [smem:$0x3F9F]  }
0x28: {  	s2 =	sld [smem:$0x3FA0]  }
0x29: {  	s4 =	sld [smem:$0x3FA2]  }
0x2a: {  	p0 =	seq.s32 s5, $0x0;
	s5 =	sld [smem:$0x3FA3]  }
0x2b: {  	s6 =	sld [smem:$0x3FA4]  }
0x2c: {  	s7 =	sld [smem:$0x3FA5]  }
0x2d: {  	s3 =	simm.s32 $0x108;
	s8 =	sld [smem:$0x3FA6]  }
0x2e: {  	s3 =	simm.s32 @!p0 $0x1082;
	s9 =	sld [smem:$0x3FA7]  }
0x2f: {  	lr =	sadd.s32 s0, s3;
	s0 =	sld [smem:$0x3F9E]  }
0x30: {  	s3 =	sld [smem:$0x3FA1]  }
0x31: {  	[smem:$0x3FAA] =	sst s10  }
0x32: {  	s10 =	sld [smem:$0x3FA8];
	_ =	sdelay $0x3  }
0x33: {  	p0 =	seq.s32 s10, $0x1;
	s10 =	sld [smem:$0x3FAA];
	_ =	sdelay $0x3  }
0x34: {  	[smem:$0x3FAA] =	sst s10  }
0x35: {  	s10 =	sld [smem:$0x3FA9];
	_ =	sdelay $0x3  }
0x36: {  	p1 =	seq.s32 s10, $0x1;
	s10 =	sld [smem:$0x3FAA];
	_ =	sdelay $0x3  }
0x37: {  	[smem:$0x3FAA] =	sst s10  }
0x38: {  	s10 =	sld [smem:$0x3FAB]  }
0x39: {  	_ = 	snop;
	(pc) =	sbr.ind lr, $3  }
0x3a: {  	_ = 	snop  }
0x3b: {  	_ = 	snop  }
0x3c: {  	p2 =	seq.s32 s10, $0x1;
	s10 =	sld [smem:$0x3FAA]  }
0x3d: {  	_ =	shalt  }
0x3e: {  	_ =	shalt  }
0x3f: {  	_ =	shalt  }
0x40: {  	_ =	shalt  }
0x41: {  	_ =	shalt  }
0x42: {  	_ =	shalt  }
0x43: {  	_ =	shalt  }
0x44: {  	_ =	shalt  }
0x45: {  	_ =	shalt  }
0x46: {  	_ =	shalt  }
0x47: {  	_ =	shalt  }
0x48: {  	_ =	shalt  }
0x49: {  	_ =	shalt  }
0x4a: {  	_ =	shalt  }
0x4b: {  	_ =	shalt  }
0x4c: {  	_ =	shalt  }
0x4d: {  	_ =	shalt  }
0x4e: {  	_ =	shalt  }
0x4f: {  	_ =	shalt  }
0x50: {  	_ =	shalt  }
0x51: {  	_ =	shalt  }
0x52: {  	_ =	shalt  }
0x53: {  	_ =	shalt  }
0x54: {  	_ =	shalt  }
0x55: {  	_ =	shalt  }
0x56: {  	_ =	shalt  }
0x57: {  	_ =	shalt  }
0x58: {  	_ =	shalt  }
0x59: {  	_ =	shalt  }
0x5a: {  	_ =	shalt  }
0x5b: {  	_ =	shalt  }
0x5c: {  	_ =	shalt  }
0x5d: {  	_ =	shalt  }
0x5e: {  	_ =	shalt  }
0x5f: {  	_ =	shalt  }
0x60: {  	_ =	shalt  }
0x61: {  	_ =	shalt  }
0x62: {  	_ =	shalt  }
0x63: {  	_ =	shalt  }
0x64: {  	_ =	shalt  }
0x65: {  	_ =	shalt  }
0x66: {  	_ =	shalt  }
0x67: {  	_ =	shalt  }
0x68: {  	_ =	shalt  }
0x69: {  	_ =	shalt  }
0x6a: {  	_ =	shalt  }
0x6b: {  	_ =	shalt  }
0x6c: {  	_ =	shalt  }
0x6d: {  	_ =	shalt  }
0x6e: {  	_ =	shalt  }
0x6f: {  	_ =	shalt  }
0x70: {  	_ =	shalt  }
0x71: {  	_ =	shalt  }
0x72: {  	_ =	shalt  }
0x73: {  	_ =	shalt  }
0x74: {  	_ =	shalt  }
0x75: {  	_ =	shalt  }
0x76: {  	_ =	shalt  }
0x77: {  	_ =	shalt  }
0x78: {  	_ =	shalt  }
0x79: {  	_ =	shalt  }
0x7a: {  	_ =	shalt  }
0x7b: {  	_ =	shalt  }
0x7c: {  	_ =	shalt  }
0x7d: {  	_ =	shalt  }
0x7e: {  	_ =	shalt  }
0x7f: {  	_ =	shalt  }
0x80: {  	_ =	shalt  }
0x81: {  	_ =	shalt  }
0x82: {  	_ =	shalt  }
0x83: {  	_ =	shalt  }
0x84: {  	_ =	shalt  }
0x85: {  	_ =	shalt  }
0x86: {  	_ =	shalt  }
0x87: {  	_ =	shalt  }
.Lfunc_end0:
.L_simem_size_0:
called_computation.3_lowered:
.L_overlay_start_0:
0x88: {  	s2 =	sld [smem:$0x3FD9]  }
0x89: {  	s3 =	sld [smem:$0x3FFE];
	_ =	sdelay $0x1  }
0x8a: {  	s1 =	srdreg.scid  }
0x8b: {  	s0 =	sand.u32 $0x1, s1  }
0x8c: {  	s17 =	sshll.u32 s0, $0xA;
	s2 =	sadd.s32 s3, s2  }
0x8d: {  	s2 =	sadd.s32 s2, s17  }
0x8e: {  	[smem:$0x3FB6] =	sst s2  }
0x8f: {  	_ = 	snop  }
0x90: {  	(tm) =	ssettm $0x1  }
0x91: {  	s18 =	sld [smem:$0x3FFB];
	_ =	sdelay $0x3  }
0x92: {  	_ =	strace s18  }
0x93: {  	s2 =	sld [smem:$0x3FFC];
	_ =	sdelay $0x3  }
0x94: {  	_ =	strace s2  }
0x95: {  	s2 =	sld [smem:$0x3FFD];
	_ =	sdelay $0x3  }
0x96: {  	_ =	strace s2  }
0x97: {  	_ =	strace $0x8FFFFFFF  }
0x98: {  	s19 =	sld [smem:$0x3FDB];
	_ =	sdelay $0x1  }
0x99: {  	s20 =	simm.s32 $_scs_section_size  }
0x9a: {  	s4 =	simm.s32 $_size__tile_overlayer_lowered;
	s5 =	simm.s32 $_tile_overlayer_lowered  }
0x9b: {  	s6 =	simm.s32 $0x1BFF;
	s21 =	sshll.u32 s5, $0x1;
	s3 =	sadd.s32 s20, s19  }
0x9c: {  	s22 =	simm.s32 $0x0;
	s4 =	sshll.u32 s4, $0x1;
	s5 =	sadd.s32 s21, s3  }
0x9d: {  	[timem:s22], [sflag:s6] =	dma.local [hbm:s5], s4  }
0x9e: {  	_ =	swait.ge [sflag:s6], s4  }
0x9f: {  	s4 =	ssub.s32 $0x0, s4;
	[sflag:s6] =	ssyncset.done $0x0  }
0xa0: {  	[sflag:s6] =	ssyncadd.s32 s4;
	_ =	sdelay $0x1  }
0xa1: {  	s23 =	simm.s32 $0x1B8B  }
0xa2: {  	_ =	swait.ge [sflag:s23], $0x1  }
0xa3: {  	[sflag:s23] =	ssyncset.done $0x0  }
0xa4: {  	[sflag:s23] =	ssyncadd.s32 $0xFFFFFFFF  }
0xa5: {  	s4 =	sld [smem:$0x0]  }
0xa6: {  	s5 =	sand.u32 $0xFFFFFFFE, s1  }
0xa7: {  	p0 =	sne.s32 s1, s5  }
0xa8: {  	s5 =	sshll.u32 @p0 s5, $0xE  }
0xa9: {  	s5 =	sadd.s32 @p0 $0x11B8D, s5;
	s6 =	sshll.u32 @p0 s4, $0x11  }
0xaa: {  	s5 =	sor.u32 @p0 s6, s5  }
0xab: {  	[sflag:s5] =	ssyncadd.remote.s32 @p0 $0x1;
	_ =	sdelay $0x1  }
0xac: {  	s5 =	simm.s32 @p0 $0x1B8D  }
0xad: {  	_ =	swait.eq @p0 [sflag:s5], $0x1  }
0xae: {  	[sflag:s5] =	ssyncadd.s32 @p0 $0xFFFFFFFF  }
0xaf: {  	s6 =	sshll.u32 @!p0 s1, $0xE  }
0xb0: {  	s6 =	sor.u32 @!p0 $0x4000, s6;
	s5 =	simm.s32 @!p0 $0x1B8D  }
0xb1: {  	s4 =	sshll.u32 @!p0 s4, $0x11;
	s6 =	sadd.s32 @!p0 $0x11B8D, s6;
	_ =	swait.eq @!p0 [sflag:s5], $0x1  }
0xb2: {  	s4 =	sor.u32 @!p0 s4, s6;
	[sflag:s5] =	ssyncadd.s32 @!p0 $0xFFFFFFFF  }
0xb3: {  	s25 =	simm.s32 $0x1B8E;
	s24 =	sld [smem:$0x3FFE];
	[sflag:s4] =	ssyncadd.remote.s32 @!p0 $0x1  }
0xb4: {  	s26 =	simm.s32 $execute0_lowered;
	[smem:$0x3FD2] =	sst s25  }
0xb5: {  	s5 =	sshll.u32 s26, $0x1;
	_ =	strace $0x8000004F;
	[dreg:$0x1] =	wrdreg $0xFFFFFFFF  }
0xb6: {  	s28 =	simm.s32 $_size_execute0_lowered;
	s3 =	sadd.s32 s3, s5;
	[dreg:$0x0] =	wrdreg $0x0  }
0xb7: {  	s5 =	sshll.u32 s28, $0x1;
	[dreg:$0x2] =	wrdreg s3  }
0xb8: {  	[dreg:$0x3] =	wrdreg s5  }
0xb9: {  	[dreg:$0x4] =	wrdreg $0xC0  }
0xba: {  	_ =	task [dreg:s22], $0x5FFFF  }
0xbb: {  	[dreg:$0x1] =	wrdreg $0xFFFFFFFF  }
0xbc: {  	[dreg:$0x0] =	wrdreg $0x60  }
0xbd: {  	[dreg:$0x2] =	wrdreg s24  }
0xbe: {  	[dreg:$0x3] =	wrdreg $0xC  }
0xbf: {  	_ =	task.clear_ibuf [dreg:s22], $0x4FFFF;
	_ =	strace $0x9000004F  }
0xc0: {  	s29 =	simm.s32 $0xC;
	_ =	strace $0x80000051  }
0xc1: {  	_ =	swait.ge [sflag:s29], $0x1  }
0xc2: {  	[sflag:s29] =	ssyncadd.s32 $0xFFFFFFFF  }
0xc3: {  	_ =	strace $0x90000051  }
0xc4: {  	_ =	sfence  }
0xc5: {  	s30 =	sld [smem:$0x0];
	_ =	sdelay $0x2  }
0xc6: {  	s31 =	sshll.u32 s1, $0xD;
	s1 =	sshrl.u32 s1, $0x2  }
0xc7: {  	s4 =	sand.u32 $0x4000, s31;
	s1 =	sadd.s32 s1, s30  }
0xc8: {  	s0 =	sor.u32 s4, s0;
	s1 =	sshll.u32 s1, $0x11  }
0xc9: {  	s0 =	sor.u32 s1, s0  }
0xca: {  	s0 =	sadd.s32 $0x8F2B, s0  }
0xcb: {  	[sflag:s0] =	ssyncadd.remote.s32 $0x1  }
0xcc: {  	_ =	sfence.sel $0xFFFF  }
0xcd: {  	[dreg:$0x0] =	wrdreg $0xFFFFFFFF;
	(pc) =	sbr.abs _section_cstart, $3  }
0xce: {  	[dreg:$0x1] =	wrdreg $0xFFFFFFFF  }
0xcf: {  	_ =	task.clear_ibuf [dreg:s22], $0x2FFFF;
	_ =	strace $0x9FFFFFFF  }
0xd0: {  	(tm) =	ssettm $0x7FFFFFFF  }
0xd1: {  	_ =	shalt  }
tec
execute0_lowered:
.L_overlay_start_1:
0x0: {  	(tag) =	ssettag $0x1  }
0x1: {  	s1 =	srdreg.scid;
	s0 =	stileid.u32  }
0x2: {  	s4 =	sand.u32 $0x1, s1;
	s2 =	sshll.u32 s0, $0x1  }
0x3: {  	s1 =	rddreg [dreg:$0x0];
	s3 =	sor.u32 s4, s2;
	s2 =	simm.s32 $0x0  }
0x4: {  	s20 =	simm.s32 $0x900;
	[smem:$0x7FF] =	sst s2  }
0x5: {  	s21 =	simm.s32 $0x1100;
	_ =	strace $0x80000050;
	[dreg:$0x6] =	wrdreg s20  }
0x6: {  	s22 =	simm.s32 $0x1900;
	[dreg:$0x7] =	wrdreg s21  }
0x7: {  	s23 =	simm.s32 $0x2100;
	[dreg:$0x8] =	wrdreg s22  }
0x8: {  	s24 =	simm.s32 $0x2900;
	[dreg:$0x9] =	wrdreg s23  }
0x9: {  	s25 =	simm.s32 $0x3100;
	[dreg:$0xa] =	wrdreg s24  }
0xa: {  	s26 =	simm.s32 $0x3900;
	[dreg:$0xb] =	wrdreg s25  }
0xb: {  	s0 =	simm.s32 $0x4100;
	[dreg:$0xc] =	wrdreg s26  }
0xc: {  	s8 =	simm.s32 $0x6100;
	[dreg:$0xd] =	wrdreg s0  }
0xd: {  	s9 =	simm.s32 $0x6900;
	s10 =	simm.s32 $0x7100;
	[dreg:$0x11] =	wrdreg s8  }
0xe: {  	s11 =	simm.s32 $0x7900;
	s12 =	simm.s32 $0x8900;
	[dreg:$0x12] =	wrdreg s9  }
0xf: {  	s13 =	simm.s32 $0x9100;
	s14 =	simm.s32 $0x9900;
	[dreg:$0x13] =	wrdreg s10  }
0x10: {  	s15 =	simm.s32 $0xA100;
	s16 =	simm.s32 $0xA900;
	[dreg:$0x14] =	wrdreg s11  }
0x11: {  	s28 =	simm.s32 $0x2;
	s29 =	simm.s32 $0x3;
	[dreg:$0x15] =	wrdreg s12  }
0x12: {  	s30 =	simm.s32 $0x4;
	s31 =	simm.s32 $0x5;
	[dreg:$0x16] =	wrdreg s13  }
0x13: {  	s7 =	sadd.s32 $0x1A8000, s1;
	s5 =	smul.u32 $0x18, s3;
	[dreg:$0x17] =	wrdreg s14  }
0x14: {  	s4 =	ssub.s32 $0x2, s4;
	s6 =	smul.u32 $0x18000, s3;
	[dreg:$0x18] =	wrdreg s15  }
0x15: {  	s3 =	smul.u32 $0x3000, s3;
	[dreg:$0x19] =	wrdreg s16;
	s20 =	simm.s32 $0xC100  }
0x16: {  	s21 =	simm.s32 $0xC900;
	s22 =	simm.s32 $0xD100;
	s23 =	simm.s32 $0xD900  }
0x17: {  	s24 =	simm.s32 $0xE100;
	s25 =	simm.s32 $0xE900;
	[dreg:$0x1c] =	wrdreg s20  }
0x18: {  	s8 =	simm.s32 $0x8100;
	s26 =	simm.s32 $0xF100;
	[dreg:$0x1d] =	wrdreg s21  }
0x19: {  	s10 =	simm.s32 $0x1;
	s11 =	simm.s32 $0x10100;
	[dreg:$0x1e] =	wrdreg s22  }
0x1a: {  	s12 =	simm.s32 $0x10900;
	s13 =	simm.s32 $0x11100;
	[dreg:$0x1f] =	wrdreg s23  }
0x1b: {  	s14 =	simm.s32 $0x11900;
	s15 =	simm.s32 $0x12100;
	[smem:$0x7FB] =	sst s24  }
0x1c: {  	s16 =	simm.s32 $0x12900;
	s5 =	sadd.s32 s5, s1;
	[smem:$0x7FC] =	sst s25  }
0x1d: {  	s6 =	sshrl.u32 s6, $0x3;
	s3 =	sadd.s32 s7, s3;
	[smem:$0x7FD] =	sst s26  }
0x1e: {  	s20 =	simm.s32 $0x14900;
	s21 =	simm.s32 $0x15100;
	s22 =	simm.s32 $0x15900  }
0x1f: {  	s23 =	simm.s32 $0x16100;
	s5 =	sadd.s32 $0x1A7C00, s5;
	[dreg:$0x3] =	wrdreg s3  }
0x20: {  	s17 =	sadd.s32 s7, s6;
	s6 =	simm.s32 $0x5100;
	[dreg:$0x2] =	wrdreg s5  }
0x21: {  	s24 =	simm.s32 $0x16900;
	s7 =	simm.s32 $0x5900;
	[dreg:$0xf] =	wrdreg s6  }
0x22: {  	s25 =	simm.s32 $0x17100;
	s18 =	sadd.s32 $0x1000, s17;
	[dreg:$0x10] =	wrdreg s7  }
0x23: {  	s26 =	simm.s32 $0x17900;
	s19 =	sadd.s32 $0x2000, s17;
	[dreg:$0x4] =	wrdreg s18  }
0x24: {  	s3 =	sadd.s32 $0x7000, s1;
	s5 =	simm.s32 $0x4900;
	[dreg:$0x5] =	wrdreg s19  }
0x25: {  	s17 =	simm.s32 $0xB100;
	s7 =	simm.s32 $0x100;
	[dreg:$0xe] =	wrdreg s5  }
0x26: {  	[dreg:$0x1a] =	wrdreg s17;
	s18 =	simm.s32 $0xB900;
	s19 =	sshrl.u32 s4, $0x1  }
0x27: {  	v2 =	vlaneseq.u32;
	s17 =	simm.s32 $0x13100;
	[dreg:$0x1b] =	wrdreg s18;
	s6 =	ssub.s32 s4, s19  }
0x28: {  	vm0 =	vmmov $0xffff;
	v1 =	vshrl.u32 v2, $0x3;
	s4 =	sadd.s32 $0x7100, s1;
	s18 =	simm.s32 $0x13900;
	s19 =	simm.s32 $0x14100  }
0x29: {  	v0 =	vand.u32 $0x7, v2;
	v2 =	vor.u32 $0x8, v2;
	v1 =	vmul.u32 $0x8, v1;
	s1 =	simm.s32 $0x6;
	s5 =	smax.u32 s6, $0x1;
	s6 =	simm.s32 $0x7  }
.LBB2_1:
0x2a: {  	s0 =	rddreg [dreg:$0x2]  }
0x2b: {  	[tilespmem:s2], [sflag:$0x7] =	stream.linear.gather [hbm4b:s0+s2], $0xC0, $0x38;
	[tilespmem:$0x18100] =	vst v63  }
0x2c: {  	_ =	swait.ge [sflag:s6], $0xC0  }
0x2d: {  	[sflag:s6] =	ssyncset.done $0x0  }
0x2e: {  	[sflag:s6] =	ssyncadd.s32 $0xFFFFFF40  }
0x2f: {  	v3 =	vld [tilespmem:$0x0];
	_ =	sdelay $0x4  }
0x30: {  	v4 =	vshll.u32 v3, $0x2  }
0x31: {  	v3 =	vand.u32 $0x7, v3;
	v4 =	vand.u32 $0xFFFFFFE0, v4  }
0x32: {  	v3 =	vor.u32 v3, v4  }
0x33: {  	v4 =	vperm.xlane v3, v0;
	_ =	sdelay $0x1  }
0x34: {  	v4 =	vadd.s32 v1, v4;
	_ =	sdelay $0x1  }
0x35: {  	v3 =	vperm.xlane v3, v2;
	_ =	sdelay $0x1  }
0x36: {  	v3 =	vadd.s32 v1, v3  }
0x37: {  	[tilespmem:s7], [sflag:$0x1] =	stream.indirect_vreg.gather [hbm4b:s3+s2], $0x80, v4, vm0, $0xb8;
	[tilespmem:$0x18100] =	vst v63  }
0x38: {  	s0 =	rddreg [dreg:$0x6]  }
0x39: {  	[tilespmem:s0], [sflag:$0x1] =	stream.indirect_vreg.gather [hbm4b:s4+s2], $0x80, v4, vm0, $0xb8;
	[tilespmem:$0x18100] =	vst v63  }
0x3a: {  	s9 =	rddreg [dreg:$0x7]  }
0x3b: {  	[tilespmem:s9], [sflag:$0x1] =	stream.indirect_vreg.gather [hbm4b:s3+s2], $0x80, v3, vm0, $0xb8;
	[tilespmem:$0x18100] =	vst v63  }
0x3c: {  	s0 =	rddreg [dreg:$0x8]  }
0x3d: {  	[tilespmem:s0], [sflag:$0x1] =	stream.indirect_vreg.gather [hbm4b:s4+s2], $0x80, v3, vm0, $0xb8;
	[tilespmem:$0x18100] =	vst v63  }
0x3e: {  	v3 =	vld [tilespmem:$0x10];
	_ =	sdelay $0x4  }
0x3f: {  	v53 =	vshll.u32 v3, $0x2  }
0x40: {  	v3 =	vand.u32 $0x7, v3;
	v4 =	vand.u32 $0xFFFFFFE0, v53  }
0x41: {  	v3 =	vor.u32 v3, v4  }
0x42: {  	v4 =	vperm.xlane v3, v0;
	_ =	sdelay $0x1  }
0x43: {  	v4 =	vadd.s32 v1, v4;
	_ =	sdelay $0x1  }
0x44: {  	v3 =	vperm.xlane v3, v2;
	_ =	sdelay $0x1  }
0x45: {  	s0 =	rddreg [dreg:$0x9];
	v3 =	vadd.s32 v1, v3  }
0x46: {  	[tilespmem:s0], [sflag:$0x1] =	stream.indirect_vreg.gather [hbm4b:s3+s2], $0x80, v4, vm0, $0xb8;
	[tilespmem:$0x18100] =	vst v63  }
0x47: {  	s9 =	rddreg [dreg:$0xa]  }
0x48: {  	[tilespmem:s9], [sflag:$0x1] =	stream.indirect_vreg.gather [hbm4b:s4+s2], $0x80, v4, vm0, $0xb8;
	[tilespmem:$0x18100] =	vst v63  }
0x49: {  	s0 =	rddreg [dreg:$0xb]  }
0x4a: {  	[tilespmem:s0], [sflag:$0x1] =	stream.indirect_vreg.gather [hbm4b:s3+s2], $0x80, v3, vm0, $0xb8;
	[tilespmem:$0x18100] =	vst v63  }
0x4b: {  	s9 =	rddreg [dreg:$0xc]  }
0x4c: {  	[tilespmem:s9], [sflag:$0x1] =	stream.indirect_vreg.gather [hbm4b:s4+s2], $0x80, v3, vm0, $0xb8;
	[tilespmem:$0x18100] =	vst v63  }
0x4d: {  	v3 =	vld [tilespmem:$0x20];
	_ =	sdelay $0x4  }
0x4e: {  	v54 =	vshll.u32 v3, $0x2  }
0x4f: {  	v3 =	vand.u32 $0x7, v3;
	v4 =	vand.u32 $0xFFFFFFE0, v54  }
0x50: {  	v3 =	vor.u32 v3, v4  }
0x51: {  	v4 =	vperm.xlane v3, v0;
	_ =	sdelay $0x1  }
0x52: {  	v4 =	vadd.s32 v1, v4;
	_ =	sdelay $0x1  }
0x53: {  	v3 =	vperm.xlane v3, v2;
	_ =	sdelay $0x1  }
0x54: {  	s0 =	rddreg [dreg:$0xd];
	v3 =	vadd.s32 v1, v3  }
0x55: {  	[tilespmem:s0], [sflag:$0x1] =	stream.indirect_vreg.gather [hbm4b:s3+s2], $0x80, v4, vm0, $0xb8;
	[tilespmem:$0x18100] =	vst v63  }
0x56: {  	s9 =	rddreg [dreg:$0xe]  }
0x57: {  	[tilespmem:s9], [sflag:$0x1] =	stream.indirect_vreg.gather [hbm4b:s4+s2], $0x80, v4, vm0, $0xb8;
	[tilespmem:$0x18100] =	vst v63  }
0x58: {  	s0 =	rddreg [dreg:$0xf]  }
0x59: {  	[tilespmem:s0], [sflag:$0x1] =	stream.indirect_vreg.gather [hbm4b:s3+s2], $0x80, v3, vm0, $0xb8;
	[tilespmem:$0x18100] =	vst v63  }
0x5a: {  	s9 =	rddreg [dreg:$0x10]  }
0x5b: {  	[tilespmem:s9], [sflag:$0x1] =	stream.indirect_vreg.gather [hbm4b:s4+s2], $0x80, v3, vm0, $0xb8;
	[tilespmem:$0x18100] =	vst v63  }
0x5c: {  	v3 =	vld [tilespmem:$0x30];
	_ =	sdelay $0x4  }
0x5d: {  	v55 =	vshll.u32 v3, $0x2  }
0x5e: {  	v3 =	vand.u32 $0x7, v3;
	v4 =	vand.u32 $0xFFFFFFE0, v55  }
0x5f: {  	v3 =	vor.u32 v3, v4  }
0x60: {  	v4 =	vperm.xlane v3, v0;
	_ =	sdelay $0x1  }
0x61: {  	v4 =	vadd.s32 v1, v4;
	_ =	sdelay $0x1  }
0x62: {  	v3 =	vperm.xlane v3, v2;
	_ =	sdelay $0x1  }
0x63: {  	s0 =	rddreg [dreg:$0x11];
	v3 =	vadd.s32 v1, v3  }
0x64: {  	[tilespmem:s0], [sflag:$0x1] =	stream.indirect_vreg.gather [hbm4b:s3+s2], $0x80, v4, vm0, $0xb8;
	[tilespmem:$0x18100] =	vst v63  }
0x65: {  	s9 =	rddreg [dreg:$0x12]  }
0x66: {  	[tilespmem:s9], [sflag:$0x1] =	stream.indirect_vreg.gather [hbm4b:s4+s2], $0x80, v4, vm0, $0xb8;
	[tilespmem:$0x18100] =	vst v63  }
0x67: {  	s0 =	rddreg [dreg:$0x13]  }
0x68: {  	[tilespmem:s0], [sflag:$0x1] =	stream.indirect_vreg.gather [hbm4b:s3+s2], $0x80, v3, vm0, $0xb8;
	[tilespmem:$0x18100] =	vst v63  }
0x69: {  	s9 =	rddreg [dreg:$0x14]  }
0x6a: {  	[tilespmem:s9], [sflag:$0x1] =	stream.indirect_vreg.gather [hbm4b:s4+s2], $0x80, v3, vm0, $0xb8;
	[tilespmem:$0x18100] =	vst v63  }
0x6b: {  	v3 =	vld [tilespmem:$0x40];
	_ =	sdelay $0x4  }
0x6c: {  	v56 =	vshll.u32 v3, $0x2  }
0x6d: {  	v3 =	vand.u32 $0x7, v3;
	v4 =	vand.u32 $0xFFFFFFE0, v56  }
0x6e: {  	v3 =	vor.u32 v3, v4  }
0x6f: {  	v4 =	vperm.xlane v3, v0;
	_ =	sdelay $0x1  }
0x70: {  	v4 =	vadd.s32 v1, v4;
	_ =	sdelay $0x1  }
0x71: {  	v3 =	vperm.xlane v3, v2;
	_ =	sdelay $0x1  }
0x72: {  	v3 =	vadd.s32 v1, v3  }
0x73: {  	[tilespmem:s8], [sflag:$0x2] =	stream.indirect_vreg.gather [hbm4b:s3+s2], $0x80, v4, vm0, $0xb8;
	[tilespmem:$0x18100] =	vst v63  }
0x74: {  	s0 =	rddreg [dreg:$0x15]  }
0x75: {  	[tilespmem:s0], [sflag:$0x2] =	stream.indirect_vreg.gather [hbm4b:s4+s2], $0x80, v4, vm0, $0xb8;
	[tilespmem:$0x18100] =	vst v63  }
0x76: {  	s9 =	rddreg [dreg:$0x16]  }
0x77: {  	[tilespmem:s9], [sflag:$0x2] =	stream.indirect_vreg.gather [hbm4b:s3+s2], $0x80, v3, vm0, $0xb8;
	[tilespmem:$0x18100] =	vst v63  }
0x78: {  	s0 =	rddreg [dreg:$0x17]  }
0x79: {  	[tilespmem:s0], [sflag:$0x2] =	stream.indirect_vreg.gather [hbm4b:s4+s2], $0x80, v3, vm0, $0xb8;
	[tilespmem:$0x18100] =	vst v63  }
0x7a: {  	v3 =	vld [tilespmem:$0x50];
	_ =	sdelay $0x4  }
0x7b: {  	v57 =	vshll.u32 v3, $0x2  }
0x7c: {  	v3 =	vand.u32 $0x7, v3;
	v4 =	vand.u32 $0xFFFFFFE0, v57  }
0x7d: {  	v3 =	vor.u32 v3, v4  }
0x7e: {  	v4 =	vperm.xlane v3, v0;
	_ =	sdelay $0x1  }
0x7f: {  	v4 =	vadd.s32 v1, v4;
	_ =	sdelay $0x1  }
0x80: {  	v3 =	vperm.xlane v3, v2;
	_ =	sdelay $0x1  }
0x81: {  	s0 =	rddreg [dreg:$0x18];
	v3 =	vadd.s32 v1, v3  }
0x82: {  	[tilespmem:s0], [sflag:$0x2] =	stream.indirect_vreg.gather [hbm4b:s3+s2], $0x80, v4, vm0, $0xb8;
	[tilespmem:$0x18100] =	vst v63  }
0x83: {  	s9 =	rddreg [dreg:$0x19]  }
0x84: {  	[tilespmem:s9], [sflag:$0x2] =	stream.indirect_vreg.gather [hbm4b:s4+s2], $0x80, v4, vm0, $0xb8;
	[tilespmem:$0x18100] =	vst v63  }
0x85: {  	s0 =	rddreg [dreg:$0x1a]  }
0x86: {  	[tilespmem:s0], [sflag:$0x2] =	stream.indirect_vreg.gather [hbm4b:s3+s2], $0x80, v3, vm0, $0xb8;
	[tilespmem:$0x18100] =	vst v63  }
0x87: {  	s9 =	rddreg [dreg:$0x1b]  }
0x88: {  	[tilespmem:s9], [sflag:$0x2] =	stream.indirect_vreg.gather [hbm4b:s4+s2], $0x80, v3, vm0, $0xb8;
	[tilespmem:$0x18100] =	vst v63  }
0x89: {  	v3 =	vld [tilespmem:$0x60];
	_ =	sdelay $0x4  }
0x8a: {  	v58 =	vshll.u32 v3, $0x2  }
0x8b: {  	v3 =	vand.u32 $0x7, v3;
	v4 =	vand.u32 $0xFFFFFFE0, v58  }
0x8c: {  	v3 =	vor.u32 v3, v4  }
0x8d: {  	v4 =	vperm.xlane v3, v0;
	_ =	sdelay $0x1  }
0x8e: {  	v4 =	vadd.s32 v1, v4;
	_ =	sdelay $0x1  }
0x8f: {  	v3 =	vperm.xlane v3, v2;
	_ =	sdelay $0x1  }
0x90: {  	s0 =	rddreg [dreg:$0x1c];
	v3 =	vadd.s32 v1, v3  }
0x91: {  	[tilespmem:s0], [sflag:$0x2] =	stream.indirect_vreg.gather [hbm4b:s3+s2], $0x80, v4, vm0, $0xb8;
	[tilespmem:$0x18100] =	vst v63  }
0x92: {  	s9 =	rddreg [dreg:$0x1d]  }
0x93: {  	[tilespmem:s9], [sflag:$0x2] =	stream.indirect_vreg.gather [hbm4b:s4+s2], $0x80, v4, vm0, $0xb8;
	[tilespmem:$0x18100] =	vst v63  }
0x94: {  	s0 =	rddreg [dreg:$0x1e]  }
0x95: {  	[tilespmem:s0], [sflag:$0x2] =	stream.indirect_vreg.gather [hbm4b:s3+s2], $0x80, v3, vm0, $0xb8;
	[tilespmem:$0x18100] =	vst v63  }
0x96: {  	s9 =	rddreg [dreg:$0x1f]  }
0x97: {  	[tilespmem:s9], [sflag:$0x2] =	stream.indirect_vreg.gather [hbm4b:s4+s2], $0x80, v3, vm0, $0xb8;
	[tilespmem:$0x18100] =	vst v63  }
0x98: {  	v3 =	vld [tilespmem:$0x70];
	_ =	sdelay $0x4  }
0x99: {  	v59 =	vshll.u32 v3, $0x2  }
0x9a: {  	v3 =	vand.u32 $0x7, v3;
	v4 =	vand.u32 $0xFFFFFFE0, v59  }
0x9b: {  	v3 =	vor.u32 v3, v4  }
0x9c: {  	v4 =	vperm.xlane v3, v0;
	_ =	sdelay $0x1  }
0x9d: {  	v4 =	vadd.s32 v1, v4;
	_ =	sdelay $0x1  }
0x9e: {  	s0 =	sld [smem:$0x7FB];
	v3 =	vperm.xlane v3, v2;
	_ =	sdelay $0x1  }
0x9f: {  	s9 =	sld [smem:$0x7FC];
	v3 =	vadd.s32 v1, v3  }
0xa0: {  	[tilespmem:s0], [sflag:$0x2] =	stream.indirect_vreg.gather [hbm4b:s3+s2], $0x80, v4, vm0, $0xb8;
	[tilespmem:$0x18100] =	vst v63  }
0xa1: {  	s0 =	sld [smem:$0x7FD]  }
0xa2: {  	[tilespmem:s9], [sflag:$0x2] =	stream.indirect_vreg.gather [hbm4b:s4+s2], $0x80, v4, vm0, $0xb8;
	[tilespmem:$0x18100] =	vst v63  }
0xa3: {  	_ = 	snop  }
0xa4: {  	[tilespmem:s0], [sflag:$0x2] =	stream.indirect_vreg.gather [hbm4b:s3+s2], $0x80, v3, vm0, $0xb8;
	[tilespmem:$0x18100] =	vst v63  }
0xa5: {  	s9 =	simm.s32 $0xF900  }
0xa6: {  	[tilespmem:s9], [sflag:$0x2] =	stream.indirect_vreg.gather [hbm4b:s4+s2], $0x80, v3, vm0, $0xb8;
	[tilespmem:$0x18100] =	vst v63  }
0xa7: {  	_ =	swait.ge [sflag:s10], $0x8000  }
0xa8: {  	[sflag:s10] =	ssyncset.done $0x0  }
0xa9: {  	s9 =	rddreg [dreg:$0x3];
	[sflag:s10] =	ssyncadd.s32 $0xFFFF8000  }
0xaa: {  	[hbm4b:s9+s2] =	stream.linear.scatter [tilespmem:s7], [sflag:$0x4], $0x8000, $0x38;
	[tilespmem:$0x18100] =	vst v63  }
0xab: {  	v3 =	vld [tilespmem:$0x80];
	_ =	sdelay $0x4  }
0xac: {  	v60 =	vshll.u32 v3, $0x2  }
0xad: {  	v3 =	vand.u32 $0x7, v3;
	v4 =	vand.u32 $0xFFFFFFE0, v60  }
0xae: {  	v3 =	vor.u32 v3, v4  }
0xaf: {  	v4 =	vperm.xlane v3, v0;
	_ =	sdelay $0x1  }
0xb0: {  	v4 =	vadd.s32 v1, v4;
	_ =	sdelay $0x1  }
0xb1: {  	v3 =	vperm.xlane v3, v2;
	_ =	sdelay $0x1  }
0xb2: {  	v3 =	vadd.s32 v1, v3  }
0xb3: {  	[tilespmem:s11], [sflag:$0x3] =	stream.indirect_vreg.gather [hbm4b:s3+s2], $0x80, v4, vm0, $0xb8;
	[tilespmem:$0x18100] =	vst v63  }
0xb4: {  	_ = 	snop  }
0xb5: {  	[tilespmem:s12], [sflag:$0x3] =	stream.indirect_vreg.gather [hbm4b:s4+s2], $0x80, v4, vm0, $0xb8;
	[tilespmem:$0x18100] =	vst v63  }
0xb6: {  	_ = 	snop  }
0xb7: {  	[tilespmem:s13], [sflag:$0x3] =	stream.indirect_vreg.gather [hbm4b:s3+s2], $0x80, v3, vm0, $0xb8;
	[tilespmem:$0x18100] =	vst v63  }
0xb8: {  	_ = 	snop  }
0xb9: {  	[tilespmem:s14], [sflag:$0x3] =	stream.indirect_vreg.gather [hbm4b:s4+s2], $0x80, v3, vm0, $0xb8;
	[tilespmem:$0x18100] =	vst v63  }
0xba: {  	v3 =	vld [tilespmem:$0x90];
	_ =	sdelay $0x4  }
0xbb: {  	v61 =	vshll.u32 v3, $0x2  }
0xbc: {  	v3 =	vand.u32 $0x7, v3;
	v4 =	vand.u32 $0xFFFFFFE0, v61  }
0xbd: {  	v3 =	vor.u32 v3, v4  }
0xbe: {  	v4 =	vperm.xlane v3, v0;
	_ =	sdelay $0x1  }
0xbf: {  	v4 =	vadd.s32 v1, v4;
	_ =	sdelay $0x1  }
0xc0: {  	v3 =	vperm.xlane v3, v2;
	_ =	sdelay $0x1  }
0xc1: {  	v3 =	vadd.s32 v1, v3  }
0xc2: {  	[tilespmem:s15], [sflag:$0x3] =	stream.indirect_vreg.gather [hbm4b:s3+s2], $0x80, v4, vm0, $0xb8;
	[tilespmem:$0x18100] =	vst v63  }
0xc3: {  	_ = 	snop  }
0xc4: {  	[tilespmem:s16], [sflag:$0x3] =	stream.indirect_vreg.gather [hbm4b:s4+s2], $0x80, v4, vm0, $0xb8;
	[tilespmem:$0x18100] =	vst v63  }
0xc5: {  	_ = 	snop  }
0xc6: {  	[tilespmem:s17], [sflag:$0x3] =	stream.indirect_vreg.gather [hbm4b:s3+s2], $0x80, v3, vm0, $0xb8;
	[tilespmem:$0x18100] =	vst v63  }
0xc7: {  	_ = 	snop  }
0xc8: {  	[tilespmem:s18], [sflag:$0x3] =	stream.indirect_vreg.gather [hbm4b:s4+s2], $0x80, v3, vm0, $0xb8;
	[tilespmem:$0x18100] =	vst v63  }
0xc9: {  	v3 =	vld [tilespmem:$0xA0];
	_ =	sdelay $0x4  }
0xca: {  	v62 =	vshll.u32 v3, $0x2  }
0xcb: {  	v3 =	vand.u32 $0x7, v3;
	v4 =	vand.u32 $0xFFFFFFE0, v62  }
0xcc: {  	v3 =	vor.u32 v3, v4  }
0xcd: {  	v4 =	vperm.xlane v3, v0;
	_ =	sdelay $0x1  }
0xce: {  	v4 =	vadd.s32 v1, v4;
	_ =	sdelay $0x1  }
0xcf: {  	v3 =	vperm.xlane v3, v2;
	_ =	sdelay $0x1  }
0xd0: {  	v3 =	vadd.s32 v1, v3  }
0xd1: {  	[tilespmem:s19], [sflag:$0x3] =	stream.indirect_vreg.gather [hbm4b:s3+s2], $0x80, v4, vm0, $0xb8;
	[tilespmem:$0x18100] =	vst v63  }
0xd2: {  	_ = 	snop  }
0xd3: {  	[tilespmem:s20], [sflag:$0x3] =	stream.indirect_vreg.gather [hbm4b:s4+s2], $0x80, v4, vm0, $0xb8;
	[tilespmem:$0x18100] =	vst v63  }
0xd4: {  	_ = 	snop  }
0xd5: {  	[tilespmem:s21], [sflag:$0x3] =	stream.indirect_vreg.gather [hbm4b:s3+s2], $0x80, v3, vm0, $0xb8;
	[tilespmem:$0x18100] =	vst v63  }
0xd6: {  	_ = 	snop  }
0xd7: {  	[tilespmem:s22], [sflag:$0x3] =	stream.indirect_vreg.gather [hbm4b:s4+s2], $0x80, v3, vm0, $0xb8;
	[tilespmem:$0x18100] =	vst v63  }
0xd8: {  	v3 =	vld [tilespmem:$0xB0];
	_ =	sdelay $0x4  }
0xd9: {  	v63 =	vshll.u32 v3, $0x2  }
0xda: {  	v3 =	vand.u32 $0x7, v3;
	v4 =	vand.u32 $0xFFFFFFE0, v63  }
0xdb: {  	v3 =	vor.u32 v3, v4  }
0xdc: {  	v4 =	vperm.xlane v3, v0;
	_ =	sdelay $0x1  }
0xdd: {  	v4 =	vadd.s32 v1, v4;
	_ =	sdelay $0x1  }
0xde: {  	v3 =	vperm.xlane v3, v2;
	_ =	sdelay $0x1  }
0xdf: {  	v3 =	vadd.s32 v1, v3  }
0xe0: {  	[tilespmem:s23], [sflag:$0x3] =	stream.indirect_vreg.gather [hbm4b:s3+s2], $0x80, v4, vm0, $0xb8;
	[tilespmem:$0x18100] =	vst v63  }
0xe1: {  	_ = 	snop  }
0xe2: {  	[tilespmem:s24], [sflag:$0x3] =	stream.indirect_vreg.gather [hbm4b:s4+s2], $0x80, v4, vm0, $0xb8;
	[tilespmem:$0x18100] =	vst v63  }
0xe3: {  	_ = 	snop  }
0xe4: {  	[tilespmem:s25], [sflag:$0x3] =	stream.indirect_vreg.gather [hbm4b:s3+s2], $0x80, v3, vm0, $0xb8;
	[tilespmem:$0x18100] =	vst v63  }
0xe5: {  	_ = 	snop  }
0xe6: {  	[tilespmem:s26], [sflag:$0x3] =	stream.indirect_vreg.gather [hbm4b:s4+s2], $0x80, v3, vm0, $0xb8;
	[tilespmem:$0x18100] =	vst v63  }
0xe7: {  	_ =	swait.ge [sflag:s28], $0x8000  }
0xe8: {  	[sflag:s28] =	ssyncset.done $0x0  }
0xe9: {  	s9 =	rddreg [dreg:$0x4];
	[sflag:s28] =	ssyncadd.s32 $0xFFFF8000  }
0xea: {  	[hbm4b:s9+s2] =	stream.linear.scatter [tilespmem:s8], [sflag:$0x5], $0x8000, $0x38;
	[tilespmem:$0x18100] =	vst v63  }
0xeb: {  	_ =	swait.ge [sflag:s29], $0x8000  }
0xec: {  	[sflag:s29] =	ssyncset.done $0x0  }
0xed: {  	s9 =	rddreg [dreg:$0x5];
	[sflag:s29] =	ssyncadd.s32 $0xFFFF8000  }
0xee: {  	[hbm4b:s9+s2] =	stream.linear.scatter [tilespmem:s11], [sflag:$0x6], $0x8000, $0x38;
	[tilespmem:$0x18100] =	vst v63  }
0xef: {  	_ =	swait.ge [sflag:s30], $0x8000  }
0xf0: {  	[sflag:s30] =	ssyncset.done $0x0  }
0xf1: {  	[sflag:s30] =	ssyncadd.s32 $0xFFFF8000  }
0xf2: {  	p0 =	sne.s32 s5, $0x1;
	_ =	swait.ge [sflag:s31], $0x8000  }
.Ltmp0:
0xf3: {  	[sflag:s31] =	ssyncset.done $0x0;
	(pc) =	sbr.rel @p0 .LBB2_1-.Ltmp0, $4  }
0xf4: {  	[sflag:s31] =	ssyncadd.s32 $0xFFFF8000  }
0xf5: {  	_ =	swait.ge [sflag:s1], $0x8000  }
0xf6: {  	[sflag:s1] =	ssyncset.done $0x0  }
0xf7: {  	s5 =	sadd.s32 $0xFFFFFFFF, s5;
	[sflag:s1] =	ssyncadd.s32 $0xFFFF8000  }
0xf8: {  	_ =	sfence.sel $0x180000  }
0xf9: {  	[bflag:$0x0] =	sbarrier.arrive $0xFFFF  }
0xfa: {  	_ =	strace $0x90000050  }
0xfb: {  	s0 =	stileid.u32;
	[bflag:$0x2] =	sbarrier.arrive $0xFFFF  }
0xfc: {  	p0 =	sne.s32 s0, $0x0;
	s0 =	rddreg [dreg:$0x1]  }
0xfd: {  	s0 =	sadd.s32 @!p0 $0x100000, s0  }
0xfe: {  	[sflag:s0] =	ssyncadd.tile.s32 @!p0 $0x1;
	_ =	shalt  }
.Lfunc_end2:
_tile_overlayer_lowered:
.L_overlay_start_2:
0xff: {  	(tag) =	ssettag $0x2  }
0x100: {  	s0 =	rddreg [dreg:$0x0];
	s2 =	stileid.u32  }
0x101: {  	s1 =	rddreg [dreg:$0x1];
	p0 =	sne.s32 s2, $0x0  }
0x102: {  	s3 =	rddreg [dreg:$0x2];
	[bflag:$0x3] =	sbarrier.arrive $0xFFFF;
	s2 =	simm.s32 @!p0 $0x1C07  }
0x103: {  	[timem:s3], [sflag:s2] =	dma.local @!p0 [hbm:s0], s1  }
0x104: {  	s0 =	simm.s32 @!p0 $0x7  }
0x105: {  	_ =	swait.ge @!p0 [sflag:s0], s1  }
0x106: {  	s1 =	ssub.s32 @!p0 $0x0, s1;
	[sflag:s0] =	ssyncset.done @!p0 $0x0  }
0x107: {  	[sflag:s0] =	ssyncadd.s32 @!p0 s1  }
0x108: {  	[bflag:$0x3] =	sbarrier.arrive $0xFFFF  }
0x109: {  	_ =	shalt  }

</sc_bundles>
